<compile_context>
chip_gen: v7x
topology: tpu7x:2x2x1
jax: 0.10.2.dev20260603
libtpu: 0.0.44.dev20260713+nightly
codegen_flags: <defaults>
</compile_context>

<pallas_src>
import functools
import math

import jax
import jax.numpy as jnp
from jax import lax
from jax.experimental import pallas as pl
from jax.experimental.pallas import tpu as pltpu
from jax.experimental.pallas import tpu_sc as plsc

VOCAB = 100000
D = 128
ROWS = 4096 * 200
NC, NS, L = 2, 16, 16
NW = NC * NS
CHUNK = 128
GPS = 2
SUP = CHUNK * GPS
B_PER_W = ROWS // NW
N_SUP = B_PER_W // SUP
N_CHUNK = B_PER_W // CHUNK
SCALE = math.sqrt(D)


def _scale_buf(rows_v, q):

    def body(r, _):
        for c in range(D // L):
            sl = pl.ds(c * L, L)
            rows_v[q, r, sl] = rows_v[q, r, sl] * SCALE
        return 0

    lax.fori_loop(0, SUP, body, 0, unroll=4)


def _emb_body(x_hbm, table_hbm, out_hbm, idx_v, rows_v, gsem, ssem):
    wid = lax.axis_index("s") * NC + lax.axis_index("c")
    base = wid * B_PER_W

    pltpu.sync_copy(x_hbm.at[wid], idx_v)

    def start_gathers(J, q):
        for g in range(GPS):
            pltpu.async_copy(table_hbm.at[idx_v.at[GPS * J + g]],
                             rows_v.at[q, pl.ds(g * CHUNK, CHUNK)], gsem.at[q])

    def wait_gathers(J, q):
        for g in range(GPS):
            pltpu.make_async_copy(table_hbm.at[idx_v.at[GPS * J + g]],
                                  rows_v.at[q, pl.ds(g * CHUNK, CHUNK)],
                                  gsem.at[q]).wait()

    def start_store(J, q):
        pltpu.async_copy(rows_v.at[q], out_hbm.at[pl.ds(base + J * SUP, SUP)],
                         ssem.at[q])

    def wait_store(J, q):
        pltpu.make_async_copy(rows_v.at[q], out_hbm.at[pl.ds(base + J * SUP, SUP)],
                              ssem.at[q]).wait()

    def super_body(J, q, first, last):
        wait_gathers(J, q)
        if not first:
            if not last:
                wait_store(J - 1, 1 - q)
                start_gathers(J + 1, 1 - q)
        else:
            start_gathers(J + 1, 1 - q)
        _scale_buf(rows_v, q)
        start_store(J, q)

    start_gathers(0, 0)

    super_body(0, 0, True, False)
    super_body(1, 1, False, False)

    def lap(gg, _):
        J0 = gg * 2
        super_body(J0, 0, False, False)
        super_body(J0 + 1, 1, False, False)
        return 0

    lax.fori_loop(1, N_SUP // 2 - 1, lap, 0)

    super_body(N_SUP - 2, 0, False, False)
    super_body(N_SUP - 1, 1, False, True)

    wait_store(N_SUP - 2, 0)
    wait_store(N_SUP - 1, 1)


_emb_call = functools.partial(
    pl.kernel,
    out_type=jax.ShapeDtypeStruct((ROWS, D), jnp.float32),
    mesh=plsc.VectorSubcoreMesh(core_axis_name="c", subcore_axis_name="s",
                                num_cores=NC, num_subcores=NS),
    scratch_types=[
        pltpu.VMEM((N_CHUNK, CHUNK), jnp.int32),
        pltpu.VMEM((2, SUP, D), jnp.float32),
        pltpu.SemaphoreType.DMA((2,)),
        pltpu.SemaphoreType.DMA((2,)),
    ],
)(_emb_body)


@jax.jit
def kernel(x, table):
    x2 = x.reshape(NW, N_CHUNK, CHUNK).astype(jnp.int32)
    out = _emb_call(x2, table)
    return out.reshape(x.shape[0], x.shape[1], D)

# --- scband reference (transcript-rebuilt; emitter-appended) ---
"""Pipeline reference for scband-input-embeddings-8194797601422 (READ-ONLY COPY).

The authoritative reference and input builder live on the scoring server;
editing this copy changes nothing except your own understanding.
"""

import jax, jax.numpy as jnp
import numpy as np
import math

VOCAB_SIZE = 100000
D_MODEL = 128

def setup_inputs(seed: int = 0) -> dict:
    key = jax.random.key(seed)
    k1, k2 = jax.random.split(key)
    x = jax.random.randint(k1, (4096, 200), 0, VOCAB_SIZE, dtype=jnp.int64 if jax.config.jax_enable_x64 else jnp.int32)
    # nn.Embedding default init: N(0, 1)
    table = jax.random.normal(k2, (VOCAB_SIZE, D_MODEL), dtype=jnp.float32)
    return {"x": x, "table": table}

def reference(x, table):
    emb = jnp.take(table, x, axis=0)
    return emb * math.sqrt(D_MODEL)

if __name__ == "__main__":
    import jax
    _d = setup_inputs()
    print(jax.jit(kernel)(*tuple(_d.values())))

</pallas_src>

<mosaic_0001>
#map = affine_map<(d0, d1) -> (0, 0, 0)>
#map1 = affine_map<(d0, d1) -> (0, 0)>
module attributes {stable_mosaic.version = 14 : i64} {
  func.func @_emb_body(%arg0: i32, %arg1: i32, %arg2: memref<32x200x128xi32, #tpu.memory_space<hbm>>, %arg3: memref<100000x128xf32, #tpu.memory_space<hbm>>, %arg4: memref<819200x128xf32, #tpu.memory_space<hbm>>, %arg5: memref<200x128xi32, #tpu.memory_space<vmem>>, %arg6: memref<2x256x128xf32, #tpu.memory_space<vmem>>, %arg7: memref<2x!tpu.dma_semaphore, #tpu.memory_space<semaphore_mem>>, %arg8: memref<2x!tpu.dma_semaphore, #tpu.memory_space<semaphore_mem>>) attributes {dimension_semantics = [#tpu.dimension_semantics<core_parallel>, #tpu.dimension_semantics<subcore_parallel>], iteration_bounds = array<i64: 2, 16>, scalar_prefetch = 0 : i64, scratch_operands = 4 : i64, tpu.core_type = #tpu.core_type<sc_vector_subcore>, window_params = [{transform_indices = #map}, {transform_indices = #map1}, {transform_indices = #map1}]} {
    %mul3A = arith.constant 2 : i32
    %mul3A_0 = arith.muli %arg1, %mul3A : i32
    %add3A = arith.addi %mul3A_0, %arg0 : i32
    %mul3A_1 = arith.constant 25600 : i32
    %mul3A_2 = arith.muli %add3A, %mul3A_1 : i32
    "tpu.region"() ({
      %run_scoped3A = tpu.sem_alloc : memref<!tpu.dma_semaphore, #tpu.memory_space<semaphore_mem>>
      %dma_start3A_419 = arith.constant 0 : i32
      %dma_start3A_420 = arith.constant 0 : i32
      %dma_start3A_421 = tpu.memref_slice %arg2[%add3A, %dma_start3A_419, %dma_start3A_420] : memref<32x200x128xi32, #tpu.memory_space<hbm>> -> memref<1x200x128xi32, #tpu.memory_space<hbm>>
      %dma_start3A_422 = tpu.memref_squeeze %dma_start3A_421 : memref<1x200x128xi32, #tpu.memory_space<hbm>> -> memref<200x128xi32, #tpu.memory_space<hbm>>
      %dma_start3A_423 = arith.constant 0 : i32
      %dma_start3A_424 = arith.constant 0 : i32
      %dma_start3A_425 = tpu.memref_slice %arg2[%add3A, %dma_start3A_423, %dma_start3A_424] : memref<32x200x128xi32, #tpu.memory_space<hbm>> -> memref<1x200x128xi32, #tpu.memory_space<hbm>>
      %dma_start3A_426 = tpu.memref_squeeze %dma_start3A_425 : memref<1x200x128xi32, #tpu.memory_space<hbm>> -> memref<200x128xi32, #tpu.memory_space<hbm>>
      tpu.enqueue_dma source(%dma_start3A_426 : memref<200x128xi32, #tpu.memory_space<hbm>>) target(%arg5 : memref<200x128xi32, #tpu.memory_space<vmem>>) target_semaphore(%run_scoped3A : memref<!tpu.dma_semaphore, #tpu.memory_space<semaphore_mem>>)
      %dma_wait3A_427 = arith.constant 0 : i32
      %dma_wait3A_428 = arith.constant 0 : i32
      %dma_wait3A_429 = tpu.memref_slice %arg2[%add3A, %dma_wait3A_427, %dma_wait3A_428] : memref<32x200x128xi32, #tpu.memory_space<hbm>> -> memref<1x200x128xi32, #tpu.memory_space<hbm>>
      %dma_wait3A_430 = tpu.memref_squeeze %dma_wait3A_429 : memref<1x200x128xi32, #tpu.memory_space<hbm>> -> memref<200x128xi32, #tpu.memory_space<hbm>>
      %dma_wait3A_431 = arith.constant 0 : i32
      %dma_wait3A_432 = arith.constant 0 : i32
      %dma_wait3A_433 = tpu.memref_slice %arg2[%add3A, %dma_wait3A_431, %dma_wait3A_432] : memref<32x200x128xi32, #tpu.memory_space<hbm>> -> memref<1x200x128xi32, #tpu.memory_space<hbm>>
      %dma_wait3A_434 = tpu.memref_squeeze %dma_wait3A_433 : memref<1x200x128xi32, #tpu.memory_space<hbm>> -> memref<200x128xi32, #tpu.memory_space<hbm>>
      tpu.wait_dma2 semaphore(%run_scoped3A : memref<!tpu.dma_semaphore, #tpu.memory_space<semaphore_mem>>) src(%dma_wait3A_434 : memref<200x128xi32, #tpu.memory_space<hbm>>) dst(%arg5 : memref<200x128xi32, #tpu.memory_space<vmem>>)
      tpu.yield
    }) : () -> ()
    %dma_start3A = arith.constant 0 : i32
    %dma_start3A_3 = arith.constant 0 : i32
    %dma_start3A_4 = arith.constant 0 : i32
    %dma_start3A_5 = arith.constant 0 : i32
    %dma_start3A_6 = arith.constant 0 : i32
    %dma_start3A_7 = tpu.memref_slice %arg6[%dma_start3A_3, %dma_start3A_5, %dma_start3A_6] : memref<2x256x128xf32, #tpu.memory_space<vmem>> -> memref<1x128x128xf32, #tpu.memory_space<vmem>>
    %dma_start3A_8 = tpu.memref_squeeze %dma_start3A_7 : memref<1x128x128xf32, #tpu.memory_space<vmem>> -> memref<128x128xf32, #tpu.memory_space<vmem>>
    %dma_start3A_9 = arith.constant 0 : i32
    %dma_start3A_10 = tpu.memref_slice %arg5[%dma_start3A, %dma_start3A_9] : memref<200x128xi32, #tpu.memory_space<vmem>> -> memref<1x128xi32, #tpu.memory_space<vmem>>
    %dma_start3A_11 = tpu.memref_squeeze %dma_start3A_10 : memref<1x128xi32, #tpu.memory_space<vmem>> -> memref<128xi32, #tpu.memory_space<vmem>>
    %dma_start3A_12 = arith.constant 0 : i32
    %dma_start3A_13 = arith.constant 0 : i32
    %dma_start3A_14 = tpu.memref_slice %arg3[%dma_start3A_12, %dma_start3A_13] : memref<100000x128xf32, #tpu.memory_space<hbm>> -> memref<100000x128xf32, #tpu.memory_space<hbm>>
    %dma_start3A_15 = tpu.memref_slice %arg7[%dma_start3A_4] : memref<2x!tpu.dma_semaphore, #tpu.memory_space<semaphore_mem>> -> memref<1x!tpu.dma_semaphore, #tpu.memory_space<semaphore_mem>>
    %dma_start3A_16 = tpu.memref_squeeze %dma_start3A_15 : memref<1x!tpu.dma_semaphore, #tpu.memory_space<semaphore_mem>> -> memref<!tpu.dma_semaphore, #tpu.memory_space<semaphore_mem>>
    tpu.enqueue_indirect_dma source(%dma_start3A_14 : memref<100000x128xf32, #tpu.memory_space<hbm>>) target(%dma_start3A_8 : memref<128x128xf32, #tpu.memory_space<vmem>>) offsets(%dma_start3A_11 : memref<128xi32, #tpu.memory_space<vmem>>) semaphore(%dma_start3A_16 : memref<!tpu.dma_semaphore, #tpu.memory_space<semaphore_mem>>)
    %dma_start3A_17 = arith.constant 1 : i32
    %dma_start3A_18 = arith.constant 0 : i32
    %dma_start3A_19 = arith.constant 0 : i32
    %dma_start3A_20 = arith.constant 128 : i32
    %dma_start3A_21 = arith.constant 0 : i32
    %dma_start3A_22 = tpu.memref_slice %arg6[%dma_start3A_18, %dma_start3A_20, %dma_start3A_21] : memref<2x256x128xf32, #tpu.memory_space<vmem>> -> memref<1x128x128xf32, #tpu.memory_space<vmem>>
    %dma_start3A_23 = tpu.memref_squeeze %dma_start3A_22 : memref<1x128x128xf32, #tpu.memory_space<vmem>> -> memref<128x128xf32, #tpu.memory_space<vmem>>
    %dma_start3A_24 = arith.constant 0 : i32
    %dma_start3A_25 = tpu.memref_slice %arg5[%dma_start3A_17, %dma_start3A_24] : memref<200x128xi32, #tpu.memory_space<vmem>> -> memref<1x128xi32, #tpu.memory_space<vmem>>
    %dma_start3A_26 = tpu.memref_squeeze %dma_start3A_25 : memref<1x128xi32, #tpu.memory_space<vmem>> -> memref<128xi32, #tpu.memory_space<vmem>>
    %dma_start3A_27 = arith.constant 0 : i32
    %dma_start3A_28 = arith.constant 0 : i32
    %dma_start3A_29 = tpu.memref_slice %arg3[%dma_start3A_27, %dma_start3A_28] : memref<100000x128xf32, #tpu.memory_space<hbm>> -> memref<100000x128xf32, #tpu.memory_space<hbm>>
    %dma_start3A_30 = tpu.memref_slice %arg7[%dma_start3A_19] : memref<2x!tpu.dma_semaphore, #tpu.memory_space<semaphore_mem>> -> memref<1x!tpu.dma_semaphore, #tpu.memory_space<semaphore_mem>>
    %dma_start3A_31 = tpu.memref_squeeze %dma_start3A_30 : memref<1x!tpu.dma_semaphore, #tpu.memory_space<semaphore_mem>> -> memref<!tpu.dma_semaphore, #tpu.memory_space<semaphore_mem>>
    tpu.enqueue_indirect_dma source(%dma_start3A_29 : memref<100000x128xf32, #tpu.memory_space<hbm>>) target(%dma_start3A_23 : memref<128x128xf32, #tpu.memory_space<vmem>>) offsets(%dma_start3A_26 : memref<128xi32, #tpu.memory_space<vmem>>) semaphore(%dma_start3A_31 : memref<!tpu.dma_semaphore, #tpu.memory_space<semaphore_mem>>)
    %dma_wait3A = arith.constant 0 : i32
    %dma_wait3A_32 = arith.constant 0 : i32
    %dma_wait3A_33 = arith.constant 0 : i32
    %dma_wait3A_34 = arith.constant 0 : i32
    %dma_wait3A_35 = arith.constant 0 : i32
    %dma_wait3A_36 = tpu.memref_slice %arg6[%dma_wait3A_32, %dma_wait3A_34, %dma_wait3A_35] : memref<2x256x128xf32, #tpu.memory_space<vmem>> -> memref<1x128x128xf32, #tpu.memory_space<vmem>>
    %dma_wait3A_37 = tpu.memref_squeeze %dma_wait3A_36 : memref<1x128x128xf32, #tpu.memory_space<vmem>> -> memref<128x128xf32, #tpu.memory_space<vmem>>
    %dma_wait3A_38 = arith.constant 0 : i32
    %dma_wait3A_39 = tpu.memref_slice %arg5[%dma_wait3A, %dma_wait3A_38] : memref<200x128xi32, #tpu.memory_space<vmem>> -> memref<1x128xi32, #tpu.memory_space<vmem>>
    %dma_wait3A_40 = tpu.memref_squeeze %dma_wait3A_39 : memref<1x128xi32, #tpu.memory_space<vmem>> -> memref<128xi32, #tpu.memory_space<vmem>>
    %dma_wait3A_41 = arith.constant 0 : i32
    %dma_wait3A_42 = arith.constant 0 : i32
    %dma_wait3A_43 = tpu.memref_slice %arg3[%dma_wait3A_41, %dma_wait3A_42] : memref<100000x128xf32, #tpu.memory_space<hbm>> -> memref<100000x128xf32, #tpu.memory_space<hbm>>
    %dma_wait3A_44 = tpu.memref_slice %arg7[%dma_wait3A_33] : memref<2x!tpu.dma_semaphore, #tpu.memory_space<semaphore_mem>> -> memref<1x!tpu.dma_semaphore, #tpu.memory_space<semaphore_mem>>
    %dma_wait3A_45 = tpu.memref_squeeze %dma_wait3A_44 : memref<1x!tpu.dma_semaphore, #tpu.memory_space<semaphore_mem>> -> memref<!tpu.dma_semaphore, #tpu.memory_space<semaphore_mem>>
    tpu.wait_indirect_dma semaphore(%dma_wait3A_45 : memref<!tpu.dma_semaphore, #tpu.memory_space<semaphore_mem>>) src(%dma_wait3A_43 : memref<100000x128xf32, #tpu.memory_space<hbm>>) dst(%dma_wait3A_37 : memref<128x128xf32, #tpu.memory_space<vmem>>)
    %dma_wait3A_46 = arith.constant 1 : i32
    %dma_wait3A_47 = arith.constant 0 : i32
    %dma_wait3A_48 = arith.constant 0 : i32
    %dma_wait3A_49 = arith.constant 128 : i32
    %dma_wait3A_50 = arith.constant 0 : i32
    %dma_wait3A_51 = tpu.memref_slice %arg6[%dma_wait3A_47, %dma_wait3A_49, %dma_wait3A_50] : memref<2x256x128xf32, #tpu.memory_space<vmem>> -> memref<1x128x128xf32, #tpu.memory_space<vmem>>
    %dma_wait3A_52 = tpu.memref_squeeze %dma_wait3A_51 : memref<1x128x128xf32, #tpu.memory_space<vmem>> -> memref<128x128xf32, #tpu.memory_space<vmem>>
    %dma_wait3A_53 = arith.constant 0 : i32
    %dma_wait3A_54 = tpu.memref_slice %arg5[%dma_wait3A_46, %dma_wait3A_53] : memref<200x128xi32, #tpu.memory_space<vmem>> -> memref<1x128xi32, #tpu.memory_space<vmem>>
    %dma_wait3A_55 = tpu.memref_squeeze %dma_wait3A_54 : memref<1x128xi32, #tpu.memory_space<vmem>> -> memref<128xi32, #tpu.memory_space<vmem>>
    %dma_wait3A_56 = arith.constant 0 : i32
    %dma_wait3A_57 = arith.constant 0 : i32
    %dma_wait3A_58 = tpu.memref_slice %arg3[%dma_wait3A_56, %dma_wait3A_57] : memref<100000x128xf32, #tpu.memory_space<hbm>> -> memref<100000x128xf32, #tpu.memory_space<hbm>>
    %dma_wait3A_59 = tpu.memref_slice %arg7[%dma_wait3A_48] : memref<2x!tpu.dma_semaphore, #tpu.memory_space<semaphore_mem>> -> memref<1x!tpu.dma_semaphore, #tpu.memory_space<semaphore_mem>>
    %dma_wait3A_60 = tpu.memref_squeeze %dma_wait3A_59 : memref<1x!tpu.dma_semaphore, #tpu.memory_space<semaphore_mem>> -> memref<!tpu.dma_semaphore, #tpu.memory_space<semaphore_mem>>
    tpu.wait_indirect_dma semaphore(%dma_wait3A_60 : memref<!tpu.dma_semaphore, #tpu.memory_space<semaphore_mem>>) src(%dma_wait3A_58 : memref<100000x128xf32, #tpu.memory_space<hbm>>) dst(%dma_wait3A_52 : memref<128x128xf32, #tpu.memory_space<vmem>>)
    %dma_start3A_61 = arith.constant 2 : i32
    %dma_start3A_62 = arith.constant 1 : i32
    %dma_start3A_63 = arith.constant 1 : i32
    %dma_start3A_64 = arith.constant 0 : i32
    %dma_start3A_65 = arith.constant 0 : i32
    %dma_start3A_66 = tpu.memref_slice %arg6[%dma_start3A_62, %dma_start3A_64, %dma_start3A_65] : memref<2x256x128xf32, #tpu.memory_space<vmem>> -> memref<1x128x128xf32, #tpu.memory_space<vmem>>
    %dma_start3A_67 = tpu.memref_squeeze %dma_start3A_66 : memref<1x128x128xf32, #tpu.memory_space<vmem>> -> memref<128x128xf32, #tpu.memory_space<vmem>>
    %dma_start3A_68 = arith.constant 0 : i32
    %dma_start3A_69 = tpu.memref_slice %arg5[%dma_start3A_61, %dma_start3A_68] : memref<200x128xi32, #tpu.memory_space<vmem>> -> memref<1x128xi32, #tpu.memory_space<vmem>>
    %dma_start3A_70 = tpu.memref_squeeze %dma_start3A_69 : memref<1x128xi32, #tpu.memory_space<vmem>> -> memref<128xi32, #tpu.memory_space<vmem>>
    %dma_start3A_71 = arith.constant 0 : i32
    %dma_start3A_72 = arith.constant 0 : i32
    %dma_start3A_73 = tpu.memref_slice %arg3[%dma_start3A_71, %dma_start3A_72] : memref<100000x128xf32, #tpu.memory_space<hbm>> -> memref<100000x128xf32, #tpu.memory_space<hbm>>
    %dma_start3A_74 = tpu.memref_slice %arg7[%dma_start3A_63] : memref<2x!tpu.dma_semaphore, #tpu.memory_space<semaphore_mem>> -> memref<1x!tpu.dma_semaphore, #tpu.memory_space<semaphore_mem>>
    %dma_start3A_75 = tpu.memref_squeeze %dma_start3A_74 : memref<1x!tpu.dma_semaphore, #tpu.memory_space<semaphore_mem>> -> memref<!tpu.dma_semaphore, #tpu.memory_space<semaphore_mem>>
    tpu.enqueue_indirect_dma source(%dma_start3A_73 : memref<100000x128xf32, #tpu.memory_space<hbm>>) target(%dma_start3A_67 : memref<128x128xf32, #tpu.memory_space<vmem>>) offsets(%dma_start3A_70 : memref<128xi32, #tpu.memory_space<vmem>>) semaphore(%dma_start3A_75 : memref<!tpu.dma_semaphore, #tpu.memory_space<semaphore_mem>>)
    %dma_start3A_76 = arith.constant 3 : i32
    %dma_start3A_77 = arith.constant 1 : i32
    %dma_start3A_78 = arith.constant 1 : i32
    %dma_start3A_79 = arith.constant 128 : i32
    %dma_start3A_80 = arith.constant 0 : i32
    %dma_start3A_81 = tpu.memref_slice %arg6[%dma_start3A_77, %dma_start3A_79, %dma_start3A_80] : memref<2x256x128xf32, #tpu.memory_space<vmem>> -> memref<1x128x128xf32, #tpu.memory_space<vmem>>
    %dma_start3A_82 = tpu.memref_squeeze %dma_start3A_81 : memref<1x128x128xf32, #tpu.memory_space<vmem>> -> memref<128x128xf32, #tpu.memory_space<vmem>>
    %dma_start3A_83 = arith.constant 0 : i32
    %dma_start3A_84 = tpu.memref_slice %arg5[%dma_start3A_76, %dma_start3A_83] : memref<200x128xi32, #tpu.memory_space<vmem>> -> memref<1x128xi32, #tpu.memory_space<vmem>>
    %dma_start3A_85 = tpu.memref_squeeze %dma_start3A_84 : memref<1x128xi32, #tpu.memory_space<vmem>> -> memref<128xi32, #tpu.memory_space<vmem>>
    %dma_start3A_86 = arith.constant 0 : i32
    %dma_start3A_87 = arith.constant 0 : i32
    %dma_start3A_88 = tpu.memref_slice %arg3[%dma_start3A_86, %dma_start3A_87] : memref<100000x128xf32, #tpu.memory_space<hbm>> -> memref<100000x128xf32, #tpu.memory_space<hbm>>
    %dma_start3A_89 = tpu.memref_slice %arg7[%dma_start3A_78] : memref<2x!tpu.dma_semaphore, #tpu.memory_space<semaphore_mem>> -> memref<1x!tpu.dma_semaphore, #tpu.memory_space<semaphore_mem>>
    %dma_start3A_90 = tpu.memref_squeeze %dma_start3A_89 : memref<1x!tpu.dma_semaphore, #tpu.memory_space<semaphore_mem>> -> memref<!tpu.dma_semaphore, #tpu.memory_space<semaphore_mem>>
    tpu.enqueue_indirect_dma source(%dma_start3A_88 : memref<100000x128xf32, #tpu.memory_space<hbm>>) target(%dma_start3A_82 : memref<128x128xf32, #tpu.memory_space<vmem>>) offsets(%dma_start3A_85 : memref<128xi32, #tpu.memory_space<vmem>>) semaphore(%dma_start3A_90 : memref<!tpu.dma_semaphore, #tpu.memory_space<semaphore_mem>>)
    %scan3A = arith.constant 0 : i32
    %scan3A_91 = arith.constant 0 : i32
    %scan3A_92 = arith.constant 256 : i32
    %scan3A_93 = arith.addi %scan3A_91, %scan3A_92 : i32
    %scan3A_94 = arith.constant 4 : i32
    %scan3A_95 = scf.for %scan3A_419 = %scan3A_91 to %scan3A_93 step %scan3A_94 iter_args(%scan3A_420 = %scan3A) -> (i32)  : i32 {
      %get3A = arith.constant 0 : i32
      %get3A_421 = arith.index_cast %get3A : i32 to index
      %get3A_422 = arith.index_cast %scan3A_419 : i32 to index
      %get3A_423 = arith.constant 0 : index
      %get3A_424 = tpu.vector_load %arg6[%get3A_421, %get3A_422, %get3A_423] {strides = array<i32>} : memref<2x256x128xf32, #tpu.memory_space<vmem>>, vector<1x1x16xf32>,
      %get3A_425 = vector.shape_cast %get3A_424 : vector<1x1x16xf32> to vector<16xf32>
      %mul3A_426 = arith.constant 11.3137083 : f32
      %mul3A_427 = vector.broadcast %mul3A_426 : f32 to vector<16xf32>
      %mul3A_428 = arith.mulf %get3A_425, %mul3A_427 : vector<16xf32>
      %swap3A = arith.constant 0 : i32
      %swap3A_429 = arith.index_cast %swap3A : i32 to index
      %swap3A_430 = arith.index_cast %scan3A_419 : i32 to index
      %swap3A_431 = arith.constant 0 : index
      %swap3A_432 = tpu.vector_load %arg6[%swap3A_429, %swap3A_430, %swap3A_431] {strides = array<i32>} : memref<2x256x128xf32, #tpu.memory_space<vmem>>, vector<1x1x16xf32>,
      %swap3A_433 = vector.shape_cast %swap3A_432 : vector<1x1x16xf32> to vector<16xf32>
      %swap3A_434 = vector.shape_cast %mul3A_428 : vector<16xf32> to vector<1x1x16xf32>
      tpu.vector_store %arg6[%swap3A_429, %swap3A_430, %swap3A_431], %swap3A_434 {strides = array<i32>} : memref<2x256x128xf32, #tpu.memory_space<vmem>>, vector<1x1x16xf32>,
      %get3A_435 = arith.constant 0 : i32
      %get3A_436 = arith.index_cast %get3A_435 : i32 to index
      %get3A_437 = arith.index_cast %scan3A_419 : i32 to index
      %get3A_438 = arith.constant 16 : index
      %get3A_439 = tpu.vector_load %arg6[%get3A_436, %get3A_437, %get3A_438] {strides = array<i32>} : memref<2x256x128xf32, #tpu.memory_space<vmem>>, vector<1x1x16xf32>,
      %get3A_440 = vector.shape_cast %get3A_439 : vector<1x1x16xf32> to vector<16xf32>
      %mul3A_441 = arith.constant 11.3137083 : f32
      %mul3A_442 = vector.broadcast %mul3A_441 : f32 to vector<16xf32>
      %mul3A_443 = arith.mulf %get3A_440, %mul3A_442 : vector<16xf32>
      %swap3A_444 = arith.constant 0 : i32
      %swap3A_445 = arith.index_cast %swap3A_444 : i32 to index
      %swap3A_446 = arith.index_cast %scan3A_419 : i32 to index
      %swap3A_447 = arith.constant 16 : index
      %swap3A_448 = tpu.vector_load %arg6[%swap3A_445, %swap3A_446, %swap3A_447] {strides = array<i32>} : memref<2x256x128xf32, #tpu.memory_space<vmem>>, vector<1x1x16xf32>,
      %swap3A_449 = vector.shape_cast %swap3A_448 : vector<1x1x16xf32> to vector<16xf32>
      %swap3A_450 = vector.shape_cast %mul3A_443 : vector<16xf32> to vector<1x1x16xf32>
      tpu.vector_store %arg6[%swap3A_445, %swap3A_446, %swap3A_447], %swap3A_450 {strides = array<i32>} : memref<2x256x128xf32, #tpu.memory_space<vmem>>, vector<1x1x16xf32>,
      %get3A_451 = arith.constant 0 : i32
      %get3A_452 = arith.index_cast %get3A_451 : i32 to index
      %get3A_453 = arith.index_cast %scan3A_419 : i32 to index
      %get3A_454 = arith.constant 32 : index
      %get3A_455 = tpu.vector_load %arg6[%get3A_452, %get3A_453, %get3A_454] {strides = array<i32>} : memref<2x256x128xf32, #tpu.memory_space<vmem>>, vector<1x1x16xf32>,
      %get3A_456 = vector.shape_cast %get3A_455 : vector<1x1x16xf32> to vector<16xf32>
      %mul3A_457 = arith.constant 11.3137083 : f32
      %mul3A_458 = vector.broadcast %mul3A_457 : f32 to vector<16xf32>
      %mul3A_459 = arith.mulf %get3A_456, %mul3A_458 : vector<16xf32>
      %swap3A_460 = arith.constant 0 : i32
      %swap3A_461 = arith.index_cast %swap3A_460 : i32 to index
      %swap3A_462 = arith.index_cast %scan3A_419 : i32 to index
      %swap3A_463 = arith.constant 32 : index
      %swap3A_464 = tpu.vector_load %arg6[%swap3A_461, %swap3A_462, %swap3A_463] {strides = array<i32>} : memref<2x256x128xf32, #tpu.memory_space<vmem>>, vector<1x1x16xf32>,
      %swap3A_465 = vector.shape_cast %swap3A_464 : vector<1x1x16xf32> to vector<16xf32>
      %swap3A_466 = vector.shape_cast %mul3A_459 : vector<16xf32> to vector<1x1x16xf32>
      tpu.vector_store %arg6[%swap3A_461, %swap3A_462, %swap3A_463], %swap3A_466 {strides = array<i32>} : memref<2x256x128xf32, #tpu.memory_space<vmem>>, vector<1x1x16xf32>,
      %get3A_467 = arith.constant 0 : i32
      %get3A_468 = arith.index_cast %get3A_467 : i32 to index
      %get3A_469 = arith.index_cast %scan3A_419 : i32 to index
      %get3A_470 = arith.constant 48 : index
      %get3A_471 = tpu.vector_load %arg6[%get3A_468, %get3A_469, %get3A_470] {strides = array<i32>} : memref<2x256x128xf32, #tpu.memory_space<vmem>>, vector<1x1x16xf32>,
      %get3A_472 = vector.shape_cast %get3A_471 : vector<1x1x16xf32> to vector<16xf32>
      %mul3A_473 = arith.constant 11.3137083 : f32
      %mul3A_474 = vector.broadcast %mul3A_473 : f32 to vector<16xf32>
      %mul3A_475 = arith.mulf %get3A_472, %mul3A_474 : vector<16xf32>
      %swap3A_476 = arith.constant 0 : i32
      %swap3A_477 = arith.index_cast %swap3A_476 : i32 to index
      %swap3A_478 = arith.index_cast %scan3A_419 : i32 to index
      %swap3A_479 = arith.constant 48 : index
      %swap3A_480 = tpu.vector_load %arg6[%swap3A_477, %swap3A_478, %swap3A_479] {strides = array<i32>} : memref<2x256x128xf32, #tpu.memory_space<vmem>>, vector<1x1x16xf32>,
      %swap3A_481 = vector.shape_cast %swap3A_480 : vector<1x1x16xf32> to vector<16xf32>
      %swap3A_482 = vector.shape_cast %mul3A_475 : vector<16xf32> to vector<1x1x16xf32>
      tpu.vector_store %arg6[%swap3A_477, %swap3A_478, %swap3A_479], %swap3A_482 {strides = array<i32>} : memref<2x256x128xf32, #tpu.memory_space<vmem>>, vector<1x1x16xf32>,
      %get3A_483 = arith.constant 0 : i32
      %get3A_484 = arith.index_cast %get3A_483 : i32 to index
      %get3A_485 = arith.index_cast %scan3A_419 : i32 to index
      %get3A_486 = arith.constant 64 : index
      %get3A_487 = tpu.vector_load %arg6[%get3A_484, %get3A_485, %get3A_486] {strides = array<i32>} : memref<2x256x128xf32, #tpu.memory_space<vmem>>, vector<1x1x16xf32>,
      %get3A_488 = vector.shape_cast %get3A_487 : vector<1x1x16xf32> to vector<16xf32>
      %mul3A_489 = arith.constant 11.3137083 : f32
      %mul3A_490 = vector.broadcast %mul3A_489 : f32 to vector<16xf32>
      %mul3A_491 = arith.mulf %get3A_488, %mul3A_490 : vector<16xf32>
      %swap3A_492 = arith.constant 0 : i32
      %swap3A_493 = arith.index_cast %swap3A_492 : i32 to index
      %swap3A_494 = arith.index_cast %scan3A_419 : i32 to index
      %swap3A_495 = arith.constant 64 : index
      %swap3A_496 = tpu.vector_load %arg6[%swap3A_493, %swap3A_494, %swap3A_495] {strides = array<i32>} : memref<2x256x128xf32, #tpu.memory_space<vmem>>, vector<1x1x16xf32>,
      %swap3A_497 = vector.shape_cast %swap3A_496 : vector<1x1x16xf32> to vector<16xf32>
      %swap3A_498 = vector.shape_cast %mul3A_491 : vector<16xf32> to vector<1x1x16xf32>
      tpu.vector_store %arg6[%swap3A_493, %swap3A_494, %swap3A_495], %swap3A_498 {strides = array<i32>} : memref<2x256x128xf32, #tpu.memory_space<vmem>>, vector<1x1x16xf32>,
      %get3A_499 = arith.constant 0 : i32
      %get3A_500 = arith.index_cast %get3A_499 : i32 to index
      %get3A_501 = arith.index_cast %scan3A_419 : i32 to index
      %get3A_502 = arith.constant 80 : index
      %get3A_503 = tpu.vector_load %arg6[%get3A_500, %get3A_501, %get3A_502] {strides = array<i32>} : memref<2x256x128xf32, #tpu.memory_space<vmem>>, vector<1x1x16xf32>,
      %get3A_504 = vector.shape_cast %get3A_503 : vector<1x1x16xf32> to vector<16xf32>
      %mul3A_505 = arith.constant 11.3137083 : f32
      %mul3A_506 = vector.broadcast %mul3A_505 : f32 to vector<16xf32>
      %mul3A_507 = arith.mulf %get3A_504, %mul3A_506 : vector<16xf32>
      %swap3A_508 = arith.constant 0 : i32
      %swap3A_509 = arith.index_cast %swap3A_508 : i32 to index
      %swap3A_510 = arith.index_cast %scan3A_419 : i32 to index
      %swap3A_511 = arith.constant 80 : index
      %swap3A_512 = tpu.vector_load %arg6[%swap3A_509, %swap3A_510, %swap3A_511] {strides = array<i32>} : memref<2x256x128xf32, #tpu.memory_space<vmem>>, vector<1x1x16xf32>,
      %swap3A_513 = vector.shape_cast %swap3A_512 : vector<1x1x16xf32> to vector<16xf32>
      %swap3A_514 = vector.shape_cast %mul3A_507 : vector<16xf32> to vector<1x1x16xf32>
      tpu.vector_store %arg6[%swap3A_509, %swap3A_510, %swap3A_511], %swap3A_514 {strides = array<i32>} : memref<2x256x128xf32, #tpu.memory_space<vmem>>, vector<1x1x16xf32>,
      %get3A_515 = arith.constant 0 : i32
      %get3A_516 = arith.index_cast %get3A_515 : i32 to index
      %get3A_517 = arith.index_cast %scan3A_419 : i32 to index
      %get3A_518 = arith.constant 96 : index
      %get3A_519 = tpu.vector_load %arg6[%get3A_516, %get3A_517, %get3A_518] {strides = array<i32>} : memref<2x256x128xf32, #tpu.memory_space<vmem>>, vector<1x1x16xf32>,
      %get3A_520 = vector.shape_cast %get3A_519 : vector<1x1x16xf32> to vector<16xf32>
      %mul3A_521 = arith.constant 11.3137083 : f32
      %mul3A_522 = vector.broadcast %mul3A_521 : f32 to vector<16xf32>
      %mul3A_523 = arith.mulf %get3A_520, %mul3A_522 : vector<16xf32>
      %swap3A_524 = arith.constant 0 : i32
      %swap3A_525 = arith.index_cast %swap3A_524 : i32 to index
      %swap3A_526 = arith.index_cast %scan3A_419 : i32 to index
      %swap3A_527 = arith.constant 96 : index
      %swap3A_528 = tpu.vector_load %arg6[%swap3A_525, %swap3A_526, %swap3A_527] {strides = array<i32>} : memref<2x256x128xf32, #tpu.memory_space<vmem>>, vector<1x1x16xf32>,
      %swap3A_529 = vector.shape_cast %swap3A_528 : vector<1x1x16xf32> to vector<16xf32>
      %swap3A_530 = vector.shape_cast %mul3A_523 : vector<16xf32> to vector<1x1x16xf32>
      tpu.vector_store %arg6[%swap3A_525, %swap3A_526, %swap3A_527], %swap3A_530 {strides = array<i32>} : memref<2x256x128xf32, #tpu.memory_space<vmem>>, vector<1x1x16xf32>,
      %get3A_531 = arith.constant 0 : i32
      %get3A_532 = arith.index_cast %get3A_531 : i32 to index
      %get3A_533 = arith.index_cast %scan3A_419 : i32 to index
      %get3A_534 = arith.constant 112 : index
      %get3A_535 = tpu.vector_load %arg6[%get3A_532, %get3A_533, %get3A_534] {strides = array<i32>} : memref<2x256x128xf32, #tpu.memory_space<vmem>>, vector<1x1x16xf32>,
      %get3A_536 = vector.shape_cast %get3A_535 : vector<1x1x16xf32> to vector<16xf32>
      %mul3A_537 = arith.constant 11.3137083 : f32
      %mul3A_538 = vector.broadcast %mul3A_537 : f32 to vector<16xf32>
      %mul3A_539 = arith.mulf %get3A_536, %mul3A_538 : vector<16xf32>
      %swap3A_540 = arith.constant 0 : i32
      %swap3A_541 = arith.index_cast %swap3A_540 : i32 to index
      %swap3A_542 = arith.index_cast %scan3A_419 : i32 to index
      %swap3A_543 = arith.constant 112 : index
      %swap3A_544 = tpu.vector_load %arg6[%swap3A_541, %swap3A_542, %swap3A_543] {strides = array<i32>} : memref<2x256x128xf32, #tpu.memory_space<vmem>>, vector<1x1x16xf32>,
      %swap3A_545 = vector.shape_cast %swap3A_544 : vector<1x1x16xf32> to vector<16xf32>
      %swap3A_546 = vector.shape_cast %mul3A_539 : vector<16xf32> to vector<1x1x16xf32>
      tpu.vector_store %arg6[%swap3A_541, %swap3A_542, %swap3A_543], %swap3A_546 {strides = array<i32>} : memref<2x256x128xf32, #tpu.memory_space<vmem>>, vector<1x1x16xf32>,
      %scan3A_547 = arith.constant 0 : i32
      %scan3A_548 = arith.constant 1 : i32
      %scan3A_549 = arith.addi %scan3A_419, %scan3A_548 : i32
      %get3A_550 = arith.constant 0 : i32
      %get3A_551 = arith.index_cast %get3A_550 : i32 to index
      %get3A_552 = arith.index_cast %scan3A_549 : i32 to index
      %get3A_553 = arith.constant 0 : index
      %get3A_554 = tpu.vector_load %arg6[%get3A_551, %get3A_552, %get3A_553] {strides = array<i32>} : memref<2x256x128xf32, #tpu.memory_space<vmem>>, vector<1x1x16xf32>,
      %get3A_555 = vector.shape_cast %get3A_554 : vector<1x1x16xf32> to vector<16xf32>
      %mul3A_556 = arith.constant 11.3137083 : f32
      %mul3A_557 = vector.broadcast %mul3A_556 : f32 to vector<16xf32>
      %mul3A_558 = arith.mulf %get3A_555, %mul3A_557 : vector<16xf32>
      %swap3A_559 = arith.constant 0 : i32
      %swap3A_560 = arith.index_cast %swap3A_559 : i32 to index
      %swap3A_561 = arith.index_cast %scan3A_549 : i32 to index
      %swap3A_562 = arith.constant 0 : index
      %swap3A_563 = tpu.vector_load %arg6[%swap3A_560, %swap3A_561, %swap3A_562] {strides = array<i32>} : memref<2x256x128xf32, #tpu.memory_space<vmem>>, vector<1x1x16xf32>,
      %swap3A_564 = vector.shape_cast %swap3A_563 : vector<1x1x16xf32> to vector<16xf32>
      %swap3A_565 = vector.shape_cast %mul3A_558 : vector<16xf32> to vector<1x1x16xf32>
      tpu.vector_store %arg6[%swap3A_560, %swap3A_561, %swap3A_562], %swap3A_565 {strides = array<i32>} : memref<2x256x128xf32, #tpu.memory_space<vmem>>, vector<1x1x16xf32>,
      %get3A_566 = arith.constant 0 : i32
      %get3A_567 = arith.index_cast %get3A_566 : i32 to index
      %get3A_568 = arith.index_cast %scan3A_549 : i32 to index
      %get3A_569 = arith.constant 16 : index
      %get3A_570 = tpu.vector_load %arg6[%get3A_567, %get3A_568, %get3A_569] {strides = array<i32>} : memref<2x256x128xf32, #tpu.memory_space<vmem>>, vector<1x1x16xf32>,
      %get3A_571 = vector.shape_cast %get3A_570 : vector<1x1x16xf32> to vector<16xf32>
      %mul3A_572 = arith.constant 11.3137083 : f32
      %mul3A_573 = vector.broadcast %mul3A_572 : f32 to vector<16xf32>
      %mul3A_574 = arith.mulf %get3A_571, %mul3A_573 : vector<16xf32>
      %swap3A_575 = arith.constant 0 : i32
      %swap3A_576 = arith.index_cast %swap3A_575 : i32 to index
      %swap3A_577 = arith.index_cast %scan3A_549 : i32 to index
      %swap3A_578 = arith.constant 16 : index
      %swap3A_579 = tpu.vector_load %arg6[%swap3A_576, %swap3A_577, %swap3A_578] {strides = array<i32>} : memref<2x256x128xf32, #tpu.memory_space<vmem>>, vector<1x1x16xf32>,
      %swap3A_580 = vector.shape_cast %swap3A_579 : vector<1x1x16xf32> to vector<16xf32>
      %swap3A_581 = vector.shape_cast %mul3A_574 : vector<16xf32> to vector<1x1x16xf32>
      tpu.vector_store %arg6[%swap3A_576, %swap3A_577, %swap3A_578], %swap3A_581 {strides = array<i32>} : memref<2x256x128xf32, #tpu.memory_space<vmem>>, vector<1x1x16xf32>,
      %get3A_582 = arith.constant 0 : i32
      %get3A_583 = arith.index_cast %get3A_582 : i32 to index
      %get3A_584 = arith.index_cast %scan3A_549 : i32 to index
      %get3A_585 = arith.constant 32 : index
      %get3A_586 = tpu.vector_load %arg6[%get3A_583, %get3A_584, %get3A_585] {strides = array<i32>} : memref<2x256x128xf32, #tpu.memory_space<vmem>>, vector<1x1x16xf32>,
      %get3A_587 = vector.shape_cast %get3A_586 : vector<1x1x16xf32> to vector<16xf32>
      %mul3A_588 = arith.constant 11.3137083 : f32
      %mul3A_589 = vector.broadcast %mul3A_588 : f32 to vector<16xf32>
      %mul3A_590 = arith.mulf %get3A_587, %mul3A_589 : vector<16xf32>
      %swap3A_591 = arith.constant 0 : i32
      %swap3A_592 = arith.index_cast %swap3A_591 : i32 to index
      %swap3A_593 = arith.index_cast %scan3A_549 : i32 to index
      %swap3A_594 = arith.constant 32 : index
      %swap3A_595 = tpu.vector_load %arg6[%swap3A_592, %swap3A_593, %swap3A_594] {strides = array<i32>} : memref<2x256x128xf32, #tpu.memory_space<vmem>>, vector<1x1x16xf32>,
      %swap3A_596 = vector.shape_cast %swap3A_595 : vector<1x1x16xf32> to vector<16xf32>
      %swap3A_597 = vector.shape_cast %mul3A_590 : vector<16xf32> to vector<1x1x16xf32>
      tpu.vector_store %arg6[%swap3A_592, %swap3A_593, %swap3A_594], %swap3A_597 {strides = array<i32>} : memref<2x256x128xf32, #tpu.memory_space<vmem>>, vector<1x1x16xf32>,
      %get3A_598 = arith.constant 0 : i32
      %get3A_599 = arith.index_cast %get3A_598 : i32 to index
      %get3A_600 = arith.index_cast %scan3A_549 : i32 to index
      %get3A_601 = arith.constant 48 : index
      %get3A_602 = tpu.vector_load %arg6[%get3A_599, %get3A_600, %get3A_601] {strides = array<i32>} : memref<2x256x128xf32, #tpu.memory_space<vmem>>, vector<1x1x16xf32>,
      %get3A_603 = vector.shape_cast %get3A_602 : vector<1x1x16xf32> to vector<16xf32>
      %mul3A_604 = arith.constant 11.3137083 : f32
      %mul3A_605 = vector.broadcast %mul3A_604 : f32 to vector<16xf32>
      %mul3A_606 = arith.mulf %get3A_603, %mul3A_605 : vector<16xf32>
      %swap3A_607 = arith.constant 0 : i32
      %swap3A_608 = arith.index_cast %swap3A_607 : i32 to index
      %swap3A_609 = arith.index_cast %scan3A_549 : i32 to index
      %swap3A_610 = arith.constant 48 : index
      %swap3A_611 = tpu.vector_load %arg6[%swap3A_608, %swap3A_609, %swap3A_610] {strides = array<i32>} : memref<2x256x128xf32, #tpu.memory_space<vmem>>, vector<1x1x16xf32>,
      %swap3A_612 = vector.shape_cast %swap3A_611 : vector<1x1x16xf32> to vector<16xf32>
      %swap3A_613 = vector.shape_cast %mul3A_606 : vector<16xf32> to vector<1x1x16xf32>
      tpu.vector_store %arg6[%swap3A_608, %swap3A_609, %swap3A_610], %swap3A_613 {strides = array<i32>} : memref<2x256x128xf32, #tpu.memory_space<vmem>>, vector<1x1x16xf32>,
      %get3A_614 = arith.constant 0 : i32
      %get3A_615 = arith.index_cast %get3A_614 : i32 to index
      %get3A_616 = arith.index_cast %scan3A_549 : i32 to index
      %get3A_617 = arith.constant 64 : index
      %get3A_618 = tpu.vector_load %arg6[%get3A_615, %get3A_616, %get3A_617] {strides = array<i32>} : memref<2x256x128xf32, #tpu.memory_space<vmem>>, vector<1x1x16xf32>,
      %get3A_619 = vector.shape_cast %get3A_618 : vector<1x1x16xf32> to vector<16xf32>
      %mul3A_620 = arith.constant 11.3137083 : f32
      %mul3A_621 = vector.broadcast %mul3A_620 : f32 to vector<16xf32>
      %mul3A_622 = arith.mulf %get3A_619, %mul3A_621 : vector<16xf32>
      %swap3A_623 = arith.constant 0 : i32
      %swap3A_624 = arith.index_cast %swap3A_623 : i32 to index
      %swap3A_625 = arith.index_cast %scan3A_549 : i32 to index
      %swap3A_626 = arith.constant 64 : index
      %swap3A_627 = tpu.vector_load %arg6[%swap3A_624, %swap3A_625, %swap3A_626] {strides = array<i32>} : memref<2x256x128xf32, #tpu.memory_space<vmem>>, vector<1x1x16xf32>,
      %swap3A_628 = vector.shape_cast %swap3A_627 : vector<1x1x16xf32> to vector<16xf32>
      %swap3A_629 = vector.shape_cast %mul3A_622 : vector<16xf32> to vector<1x1x16xf32>
      tpu.vector_store %arg6[%swap3A_624, %swap3A_625, %swap3A_626], %swap3A_629 {strides = array<i32>} : memref<2x256x128xf32, #tpu.memory_space<vmem>>, vector<1x1x16xf32>,
      %get3A_630 = arith.constant 0 : i32
      %get3A_631 = arith.index_cast %get3A_630 : i32 to index
      %get3A_632 = arith.index_cast %scan3A_549 : i32 to index
      %get3A_633 = arith.constant 80 : index
      %get3A_634 = tpu.vector_load %arg6[%get3A_631, %get3A_632, %get3A_633] {strides = array<i32>} : memref<2x256x128xf32, #tpu.memory_space<vmem>>, vector<1x1x16xf32>,
      %get3A_635 = vector.shape_cast %get3A_634 : vector<1x1x16xf32> to vector<16xf32>
      %mul3A_636 = arith.constant 11.3137083 : f32
      %mul3A_637 = vector.broadcast %mul3A_636 : f32 to vector<16xf32>
      %mul3A_638 = arith.mulf %get3A_635, %mul3A_637 : vector<16xf32>
      %swap3A_639 = arith.constant 0 : i32
      %swap3A_640 = arith.index_cast %swap3A_639 : i32 to index
      %swap3A_641 = arith.index_cast %scan3A_549 : i32 to index
      %swap3A_642 = arith.constant 80 : index
      %swap3A_643 = tpu.vector_load %arg6[%swap3A_640, %swap3A_641, %swap3A_642] {strides = array<i32>} : memref<2x256x128xf32, #tpu.memory_space<vmem>>, vector<1x1x16xf32>,
      %swap3A_644 = vector.shape_cast %swap3A_643 : vector<1x1x16xf32> to vector<16xf32>
      %swap3A_645 = vector.shape_cast %mul3A_638 : vector<16xf32> to vector<1x1x16xf32>
      tpu.vector_store %arg6[%swap3A_640, %swap3A_641, %swap3A_642], %swap3A_645 {strides = array<i32>} : memref<2x256x128xf32, #tpu.memory_space<vmem>>, vector<1x1x16xf32>,
      %get3A_646 = arith.constant 0 : i32
      %get3A_647 = arith.index_cast %get3A_646 : i32 to index
      %get3A_648 = arith.index_cast %scan3A_549 : i32 to index
      %get3A_649 = arith.constant 96 : index
      %get3A_650 = tpu.vector_load %arg6[%get3A_647, %get3A_648, %get3A_649] {strides = array<i32>} : memref<2x256x128xf32, #tpu.memory_space<vmem>>, vector<1x1x16xf32>,
      %get3A_651 = vector.shape_cast %get3A_650 : vector<1x1x16xf32> to vector<16xf32>
      %mul3A_652 = arith.constant 11.3137083 : f32
      %mul3A_653 = vector.broadcast %mul3A_652 : f32 to vector<16xf32>
      %mul3A_654 = arith.mulf %get3A_651, %mul3A_653 : vector<16xf32>
      %swap3A_655 = arith.constant 0 : i32
      %swap3A_656 = arith.index_cast %swap3A_655 : i32 to index
      %swap3A_657 = arith.index_cast %scan3A_549 : i32 to index
      %swap3A_658 = arith.constant 96 : index
      %swap3A_659 = tpu.vector_load %arg6[%swap3A_656, %swap3A_657, %swap3A_658] {strides = array<i32>} : memref<2x256x128xf32, #tpu.memory_space<vmem>>, vector<1x1x16xf32>,
      %swap3A_660 = vector.shape_cast %swap3A_659 : vector<1x1x16xf32> to vector<16xf32>
      %swap3A_661 = vector.shape_cast %mul3A_654 : vector<16xf32> to vector<1x1x16xf32>
      tpu.vector_store %arg6[%swap3A_656, %swap3A_657, %swap3A_658], %swap3A_661 {strides = array<i32>} : memref<2x256x128xf32, #tpu.memory_space<vmem>>, vector<1x1x16xf32>,
      %get3A_662 = arith.constant 0 : i32
      %get3A_663 = arith.index_cast %get3A_662 : i32 to index
      %get3A_664 = arith.index_cast %scan3A_549 : i32 to index
      %get3A_665 = arith.constant 112 : index
      %get3A_666 = tpu.vector_load %arg6[%get3A_663, %get3A_664, %get3A_665] {strides = array<i32>} : memref<2x256x128xf32, #tpu.memory_space<vmem>>, vector<1x1x16xf32>,
      %get3A_667 = vector.shape_cast %get3A_666 : vector<1x1x16xf32> to vector<16xf32>
      %mul3A_668 = arith.constant 11.3137083 : f32
      %mul3A_669 = vector.broadcast %mul3A_668 : f32 to vector<16xf32>
      %mul3A_670 = arith.mulf %get3A_667, %mul3A_669 : vector<16xf32>
      %swap3A_671 = arith.constant 0 : i32
      %swap3A_672 = arith.index_cast %swap3A_671 : i32 to index
      %swap3A_673 = arith.index_cast %scan3A_549 : i32 to index
      %swap3A_674 = arith.constant 112 : index
      %swap3A_675 = tpu.vector_load %arg6[%swap3A_672, %swap3A_673, %swap3A_674] {strides = array<i32>} : memref<2x256x128xf32, #tpu.memory_space<vmem>>, vector<1x1x16xf32>,
      %swap3A_676 = vector.shape_cast %swap3A_675 : vector<1x1x16xf32> to vector<16xf32>
      %swap3A_677 = vector.shape_cast %mul3A_670 : vector<16xf32> to vector<1x1x16xf32>
      tpu.vector_store %arg6[%swap3A_672, %swap3A_673, %swap3A_674], %swap3A_677 {strides = array<i32>} : memref<2x256x128xf32, #tpu.memory_space<vmem>>, vector<1x1x16xf32>,
      %scan3A_678 = arith.constant 0 : i32
      %scan3A_679 = arith.constant 2 : i32
      %scan3A_680 = arith.addi %scan3A_419, %scan3A_679 : i32
      %get3A_681 = arith.constant 0 : i32
      %get3A_682 = arith.index_cast %get3A_681 : i32 to index
      %get3A_683 = arith.index_cast %scan3A_680 : i32 to index
      %get3A_684 = arith.constant 0 : index
      %get3A_685 = tpu.vector_load %arg6[%get3A_682, %get3A_683, %get3A_684] {strides = array<i32>} : memref<2x256x128xf32, #tpu.memory_space<vmem>>, vector<1x1x16xf32>,
      %get3A_686 = vector.shape_cast %get3A_685 : vector<1x1x16xf32> to vector<16xf32>
      %mul3A_687 = arith.constant 11.3137083 : f32
      %mul3A_688 = vector.broadcast %mul3A_687 : f32 to vector<16xf32>
      %mul3A_689 = arith.mulf %get3A_686, %mul3A_688 : vector<16xf32>
      %swap3A_690 = arith.constant 0 : i32
      %swap3A_691 = arith.index_cast %swap3A_690 : i32 to index
      %swap3A_692 = arith.index_cast %scan3A_680 : i32 to index
      %swap3A_693 = arith.constant 0 : index
      %swap3A_694 = tpu.vector_load %arg6[%swap3A_691, %swap3A_692, %swap3A_693] {strides = array<i32>} : memref<2x256x128xf32, #tpu.memory_space<vmem>>, vector<1x1x16xf32>,
      %swap3A_695 = vector.shape_cast %swap3A_694 : vector<1x1x16xf32> to vector<16xf32>
      %swap3A_696 = vector.shape_cast %mul3A_689 : vector<16xf32> to vector<1x1x16xf32>
      tpu.vector_store %arg6[%swap3A_691, %swap3A_692, %swap3A_693], %swap3A_696 {strides = array<i32>} : memref<2x256x128xf32, #tpu.memory_space<vmem>>, vector<1x1x16xf32>,
      %get3A_697 = arith.constant 0 : i32
      %get3A_698 = arith.index_cast %get3A_697 : i32 to index
      %get3A_699 = arith.index_cast %scan3A_680 : i32 to index
      %get3A_700 = arith.constant 16 : index
      %get3A_701 = tpu.vector_load %arg6[%get3A_698, %get3A_699, %get3A_700] {strides = array<i32>} : memref<2x256x128xf32, #tpu.memory_space<vmem>>, vector<1x1x16xf32>,
      %get3A_702 = vector.shape_cast %get3A_701 : vector<1x1x16xf32> to vector<16xf32>
      %mul3A_703 = arith.constant 11.3137083 : f32
      %mul3A_704 = vector.broadcast %mul3A_703 : f32 to vector<16xf32>
      %mul3A_705 = arith.mulf %get3A_702, %mul3A_704 : vector<16xf32>
      %swap3A_706 = arith.constant 0 : i32
      %swap3A_707 = arith.index_cast %swap3A_706 : i32 to index
      %swap3A_708 = arith.index_cast %scan3A_680 : i32 to index
      %swap3A_709 = arith.constant 16 : index
      %swap3A_710 = tpu.vector_load %arg6[%swap3A_707, %swap3A_708, %swap3A_709] {strides = array<i32>} : memref<2x256x128xf32, #tpu.memory_space<vmem>>, vector<1x1x16xf32>,
      %swap3A_711 = vector.shape_cast %swap3A_710 : vector<1x1x16xf32> to vector<16xf32>
      %swap3A_712 = vector.shape_cast %mul3A_705 : vector<16xf32> to vector<1x1x16xf32>
      tpu.vector_store %arg6[%swap3A_707, %swap3A_708, %swap3A_709], %swap3A_712 {strides = array<i32>} : memref<2x256x128xf32, #tpu.memory_space<vmem>>, vector<1x1x16xf32>,
      %get3A_713 = arith.constant 0 : i32
      %get3A_714 = arith.index_cast %get3A_713 : i32 to index
      %get3A_715 = arith.index_cast %scan3A_680 : i32 to index
      %get3A_716 = arith.constant 32 : index
      %get3A_717 = tpu.vector_load %arg6[%get3A_714, %get3A_715, %get3A_716] {strides = array<i32>} : memref<2x256x128xf32, #tpu.memory_space<vmem>>, vector<1x1x16xf32>,
      %get3A_718 = vector.shape_cast %get3A_717 : vector<1x1x16xf32> to vector<16xf32>
      %mul3A_719 = arith.constant 11.3137083 : f32
      %mul3A_720 = vector.broadcast %mul3A_719 : f32 to vector<16xf32>
      %mul3A_721 = arith.mulf %get3A_718, %mul3A_720 : vector<16xf32>
      %swap3A_722 = arith.constant 0 : i32
      %swap3A_723 = arith.index_cast %swap3A_722 : i32 to index
      %swap3A_724 = arith.index_cast %scan3A_680 : i32 to index
      %swap3A_725 = arith.constant 32 : index
      %swap3A_726 = tpu.vector_load %arg6[%swap3A_723, %swap3A_724, %swap3A_725] {strides = array<i32>} : memref<2x256x128xf32, #tpu.memory_space<vmem>>, vector<1x1x16xf32>,
      %swap3A_727 = vector.shape_cast %swap3A_726 : vector<1x1x16xf32> to vector<16xf32>
      %swap3A_728 = vector.shape_cast %mul3A_721 : vector<16xf32> to vector<1x1x16xf32>
      tpu.vector_store %arg6[%swap3A_723, %swap3A_724, %swap3A_725], %swap3A_728 {strides = array<i32>} : memref<2x256x128xf32, #tpu.memory_space<vmem>>, vector<1x1x16xf32>,
      %get3A_729 = arith.constant 0 : i32
      %get3A_730 = arith.index_cast %get3A_729 : i32 to index
      %get3A_731 = arith.index_cast %scan3A_680 : i32 to index
      %get3A_732 = arith.constant 48 : index
      %get3A_733 = tpu.vector_load %arg6[%get3A_730, %get3A_731, %get3A_732] {strides = array<i32>} : memref<2x256x128xf32, #tpu.memory_space<vmem>>, vector<1x1x16xf32>,
      %get3A_734 = vector.shape_cast %get3A_733 : vector<1x1x16xf32> to vector<16xf32>
      %mul3A_735 = arith.constant 11.3137083 : f32
      %mul3A_736 = vector.broadcast %mul3A_735 : f32 to vector<16xf32>
      %mul3A_737 = arith.mulf %get3A_734, %mul3A_736 : vector<16xf32>
      %swap3A_738 = arith.constant 0 : i32
      %swap3A_739 = arith.index_cast %swap3A_738 : i32 to index
      %swap3A_740 = arith.index_cast %scan3A_680 : i32 to index
      %swap3A_741 = arith.constant 48 : index
      %swap3A_742 = tpu.vector_load %arg6[%swap3A_739, %swap3A_740, %swap3A_741] {strides = array<i32>} : memref<2x256x128xf32, #tpu.memory_space<vmem>>, vector<1x1x16xf32>,
      %swap3A_743 = vector.shape_cast %swap3A_742 : vector<1x1x16xf32> to vector<16xf32>
      %swap3A_744 = vector.shape_cast %mul3A_737 : vector<16xf32> to vector<1x1x16xf32>
      tpu.vector_store %arg6[%swap3A_739, %swap3A_740, %swap3A_741], %swap3A_744 {strides = array<i32>} : memref<2x256x128xf32, #tpu.memory_space<vmem>>, vector<1x1x16xf32>,
      %get3A_745 = arith.constant 0 : i32
      %get3A_746 = arith.index_cast %get3A_745 : i32 to index
      %get3A_747 = arith.index_cast %scan3A_680 : i32 to index
      %get3A_748 = arith.constant 64 : index
      %get3A_749 = tpu.vector_load %arg6[%get3A_746, %get3A_747, %get3A_748] {strides = array<i32>} : memref<2x256x128xf32, #tpu.memory_space<vmem>>, vector<1x1x16xf32>,
      %get3A_750 = vector.shape_cast %get3A_749 : vector<1x1x16xf32> to vector<16xf32>
      %mul3A_751 = arith.constant 11.3137083 : f32
      %mul3A_752 = vector.broadcast %mul3A_751 : f32 to vector<16xf32>
      %mul3A_753 = arith.mulf %get3A_750, %mul3A_752 : vector<16xf32>
      %swap3A_754 = arith.constant 0 : i32
      %swap3A_755 = arith.index_cast %swap3A_754 : i32 to index
      %swap3A_756 = arith.index_cast %scan3A_680 : i32 to index
      %swap3A_757 = arith.constant 64 : index
      %swap3A_758 = tpu.vector_load %arg6[%swap3A_755, %swap3A_756, %swap3A_757] {strides = array<i32>} : memref<2x256x128xf32, #tpu.memory_space<vmem>>, vector<1x1x16xf32>,
      %swap3A_759 = vector.shape_cast %swap3A_758 : vector<1x1x16xf32> to vector<16xf32>
      %swap3A_760 = vector.shape_cast %mul3A_753 : vector<16xf32> to vector<1x1x16xf32>
      tpu.vector_store %arg6[%swap3A_755, %swap3A_756, %swap3A_757], %swap3A_760 {strides = array<i32>} : memref<2x256x128xf32, #tpu.memory_space<vmem>>, vector<1x1x16xf32>,
      %get3A_761 = arith.constant 0 : i32
      %get3A_762 = arith.index_cast %get3A_761 : i32 to index
      %get3A_763 = arith.index_cast %scan3A_680 : i32 to index
      %get3A_764 = arith.constant 80 : index
      %get3A_765 = tpu.vector_load %arg6[%get3A_762, %get3A_763, %get3A_764] {strides = array<i32>} : memref<2x256x128xf32, #tpu.memory_space<vmem>>, vector<1x1x16xf32>,
      %get3A_766 = vector.shape_cast %get3A_765 : vector<1x1x16xf32> to vector<16xf32>
      %mul3A_767 = arith.constant 11.3137083 : f32
      %mul3A_768 = vector.broadcast %mul3A_767 : f32 to vector<16xf32>
      %mul3A_769 = arith.mulf %get3A_766, %mul3A_768 : vector<16xf32>
      %swap3A_770 = arith.constant 0 : i32
      %swap3A_771 = arith.index_cast %swap3A_770 : i32 to index
      %swap3A_772 = arith.index_cast %scan3A_680 : i32 to index
      %swap3A_773 = arith.constant 80 : index
      %swap3A_774 = tpu.vector_load %arg6[%swap3A_771, %swap3A_772, %swap3A_773] {strides = array<i32>} : memref<2x256x128xf32, #tpu.memory_space<vmem>>, vector<1x1x16xf32>,
      %swap3A_775 = vector.shape_cast %swap3A_774 : vector<1x1x16xf32> to vector<16xf32>
      %swap3A_776 = vector.shape_cast %mul3A_769 : vector<16xf32> to vector<1x1x16xf32>
      tpu.vector_store %arg6[%swap3A_771, %swap3A_772, %swap3A_773], %swap3A_776 {strides = array<i32>} : memref<2x256x128xf32, #tpu.memory_space<vmem>>, vector<1x1x16xf32>,
      %get3A_777 = arith.constant 0 : i32
      %get3A_778 = arith.index_cast %get3A_777 : i32 to index
      %get3A_779 = arith.index_cast %scan3A_680 : i32 to index
      %get3A_780 = arith.constant 96 : index
      %get3A_781 = tpu.vector_load %arg6[%get3A_778, %get3A_779, %get3A_780] {strides = array<i32>} : memref<2x256x128xf32, #tpu.memory_space<vmem>>, vector<1x1x16xf32>,
      %get3A_782 = vector.shape_cast %get3A_781 : vector<1x1x16xf32> to vector<16xf32>
      %mul3A_783 = arith.constant 11.3137083 : f32
      %mul3A_784 = vector.broadcast %mul3A_783 : f32 to vector<16xf32>
      %mul3A_785 = arith.mulf %get3A_782, %mul3A_784 : vector<16xf32>
      %swap3A_786 = arith.constant 0 : i32
      %swap3A_787 = arith.index_cast %swap3A_786 : i32 to index
      %swap3A_788 = arith.index_cast %scan3A_680 : i32 to index
      %swap3A_789 = arith.constant 96 : index
      %swap3A_790 = tpu.vector_load %arg6[%swap3A_787, %swap3A_788, %swap3A_789] {strides = array<i32>} : memref<2x256x128xf32, #tpu.memory_space<vmem>>, vector<1x1x16xf32>,
      %swap3A_791 = vector.shape_cast %swap3A_790 : vector<1x1x16xf32> to vector<16xf32>
      %swap3A_792 = vector.shape_cast %mul3A_785 : vector<16xf32> to vector<1x1x16xf32>
      tpu.vector_store %arg6[%swap3A_787, %swap3A_788, %swap3A_789], %swap3A_792 {strides = array<i32>} : memref<2x256x128xf32, #tpu.memory_space<vmem>>, vector<1x1x16xf32>,
      %get3A_793 = arith.constant 0 : i32
      %get3A_794 = arith.index_cast %get3A_793 : i32 to index
      %get3A_795 = arith.index_cast %scan3A_680 : i32 to index
      %get3A_796 = arith.constant 112 : index
      %get3A_797 = tpu.vector_load %arg6[%get3A_794, %get3A_795, %get3A_796] {strides = array<i32>} : memref<2x256x128xf32, #tpu.memory_space<vmem>>, vector<1x1x16xf32>,
      %get3A_798 = vector.shape_cast %get3A_797 : vector<1x1x16xf32> to vector<16xf32>
      %mul3A_799 = arith.constant 11.3137083 : f32
      %mul3A_800 = vector.broadcast %mul3A_799 : f32 to vector<16xf32>
      %mul3A_801 = arith.mulf %get3A_798, %mul3A_800 : vector<16xf32>
      %swap3A_802 = arith.constant 0 : i32
      %swap3A_803 = arith.index_cast %swap3A_802 : i32 to index
      %swap3A_804 = arith.index_cast %scan3A_680 : i32 to index
      %swap3A_805 = arith.constant 112 : index
      %swap3A_806 = tpu.vector_load %arg6[%swap3A_803, %swap3A_804, %swap3A_805] {strides = array<i32>} : memref<2x256x128xf32, #tpu.memory_space<vmem>>, vector<1x1x16xf32>,
      %swap3A_807 = vector.shape_cast %swap3A_806 : vector<1x1x16xf32> to vector<16xf32>
      %swap3A_808 = vector.shape_cast %mul3A_801 : vector<16xf32> to vector<1x1x16xf32>
      tpu.vector_store %arg6[%swap3A_803, %swap3A_804, %swap3A_805], %swap3A_808 {strides = array<i32>} : memref<2x256x128xf32, #tpu.memory_space<vmem>>, vector<1x1x16xf32>,
      %scan3A_809 = arith.constant 0 : i32
      %scan3A_810 = arith.constant 3 : i32
      %scan3A_811 = arith.addi %scan3A_419, %scan3A_810 : i32
      %get3A_812 = arith.constant 0 : i32
      %get3A_813 = arith.index_cast %get3A_812 : i32 to index
      %get3A_814 = arith.index_cast %scan3A_811 : i32 to index
      %get3A_815 = arith.constant 0 : index
      %get3A_816 = tpu.vector_load %arg6[%get3A_813, %get3A_814, %get3A_815] {strides = array<i32>} : memref<2x256x128xf32, #tpu.memory_space<vmem>>, vector<1x1x16xf32>,
      %get3A_817 = vector.shape_cast %get3A_816 : vector<1x1x16xf32> to vector<16xf32>
      %mul3A_818 = arith.constant 11.3137083 : f32
      %mul3A_819 = vector.broadcast %mul3A_818 : f32 to vector<16xf32>
      %mul3A_820 = arith.mulf %get3A_817, %mul3A_819 : vector<16xf32>
      %swap3A_821 = arith.constant 0 : i32
      %swap3A_822 = arith.index_cast %swap3A_821 : i32 to index
      %swap3A_823 = arith.index_cast %scan3A_811 : i32 to index
      %swap3A_824 = arith.constant 0 : index
      %swap3A_825 = tpu.vector_load %arg6[%swap3A_822, %swap3A_823, %swap3A_824] {strides = array<i32>} : memref<2x256x128xf32, #tpu.memory_space<vmem>>, vector<1x1x16xf32>,
      %swap3A_826 = vector.shape_cast %swap3A_825 : vector<1x1x16xf32> to vector<16xf32>
      %swap3A_827 = vector.shape_cast %mul3A_820 : vector<16xf32> to vector<1x1x16xf32>
      tpu.vector_store %arg6[%swap3A_822, %swap3A_823, %swap3A_824], %swap3A_827 {strides = array<i32>} : memref<2x256x128xf32, #tpu.memory_space<vmem>>, vector<1x1x16xf32>,
      %get3A_828 = arith.constant 0 : i32
      %get3A_829 = arith.index_cast %get3A_828 : i32 to index
      %get3A_830 = arith.index_cast %scan3A_811 : i32 to index
      %get3A_831 = arith.constant 16 : index
      %get3A_832 = tpu.vector_load %arg6[%get3A_829, %get3A_830, %get3A_831] {strides = array<i32>} : memref<2x256x128xf32, #tpu.memory_space<vmem>>, vector<1x1x16xf32>,
      %get3A_833 = vector.shape_cast %get3A_832 : vector<1x1x16xf32> to vector<16xf32>
      %mul3A_834 = arith.constant 11.3137083 : f32
      %mul3A_835 = vector.broadcast %mul3A_834 : f32 to vector<16xf32>
      %mul3A_836 = arith.mulf %get3A_833, %mul3A_835 : vector<16xf32>
      %swap3A_837 = arith.constant 0 : i32
      %swap3A_838 = arith.index_cast %swap3A_837 : i32 to index
      %swap3A_839 = arith.index_cast %scan3A_811 : i32 to index
      %swap3A_840 = arith.constant 16 : index
      %swap3A_841 = tpu.vector_load %arg6[%swap3A_838, %swap3A_839, %swap3A_840] {strides = array<i32>} : memref<2x256x128xf32, #tpu.memory_space<vmem>>, vector<1x1x16xf32>,
      %swap3A_842 = vector.shape_cast %swap3A_841 : vector<1x1x16xf32> to vector<16xf32>
      %swap3A_843 = vector.shape_cast %mul3A_836 : vector<16xf32> to vector<1x1x16xf32>
      tpu.vector_store %arg6[%swap3A_838, %swap3A_839, %swap3A_840], %swap3A_843 {strides = array<i32>} : memref<2x256x128xf32, #tpu.memory_space<vmem>>, vector<1x1x16xf32>,
      %get3A_844 = arith.constant 0 : i32
      %get3A_845 = arith.index_cast %get3A_844 : i32 to index
      %get3A_846 = arith.index_cast %scan3A_811 : i32 to index
      %get3A_847 = arith.constant 32 : index
      %get3A_848 = tpu.vector_load %arg6[%get3A_845, %get3A_846, %get3A_847] {strides = array<i32>} : memref<2x256x128xf32, #tpu.memory_space<vmem>>, vector<1x1x16xf32>,
      %get3A_849 = vector.shape_cast %get3A_848 : vector<1x1x16xf32> to vector<16xf32>
      %mul3A_850 = arith.constant 11.3137083 : f32
      %mul3A_851 = vector.broadcast %mul3A_850 : f32 to vector<16xf32>
      %mul3A_852 = arith.mulf %get3A_849, %mul3A_851 : vector<16xf32>
      %swap3A_853 = arith.constant 0 : i32
      %swap3A_854 = arith.index_cast %swap3A_853 : i32 to index
      %swap3A_855 = arith.index_cast %scan3A_811 : i32 to index
      %swap3A_856 = arith.constant 32 : index
      %swap3A_857 = tpu.vector_load %arg6[%swap3A_854, %swap3A_855, %swap3A_856] {strides = array<i32>} : memref<2x256x128xf32, #tpu.memory_space<vmem>>, vector<1x1x16xf32>,
      %swap3A_858 = vector.shape_cast %swap3A_857 : vector<1x1x16xf32> to vector<16xf32>
      %swap3A_859 = vector.shape_cast %mul3A_852 : vector<16xf32> to vector<1x1x16xf32>
      tpu.vector_store %arg6[%swap3A_854, %swap3A_855, %swap3A_856], %swap3A_859 {strides = array<i32>} : memref<2x256x128xf32, #tpu.memory_space<vmem>>, vector<1x1x16xf32>,
      %get3A_860 = arith.constant 0 : i32
      %get3A_861 = arith.index_cast %get3A_860 : i32 to index
      %get3A_862 = arith.index_cast %scan3A_811 : i32 to index
      %get3A_863 = arith.constant 48 : index
      %get3A_864 = tpu.vector_load %arg6[%get3A_861, %get3A_862, %get3A_863] {strides = array<i32>} : memref<2x256x128xf32, #tpu.memory_space<vmem>>, vector<1x1x16xf32>,
      %get3A_865 = vector.shape_cast %get3A_864 : vector<1x1x16xf32> to vector<16xf32>
      %mul3A_866 = arith.constant 11.3137083 : f32
      %mul3A_867 = vector.broadcast %mul3A_866 : f32 to vector<16xf32>
      %mul3A_868 = arith.mulf %get3A_865, %mul3A_867 : vector<16xf32>
      %swap3A_869 = arith.constant 0 : i32
      %swap3A_870 = arith.index_cast %swap3A_869 : i32 to index
      %swap3A_871 = arith.index_cast %scan3A_811 : i32 to index
      %swap3A_872 = arith.constant 48 : index
      %swap3A_873 = tpu.vector_load %arg6[%swap3A_870, %swap3A_871, %swap3A_872] {strides = array<i32>} : memref<2x256x128xf32, #tpu.memory_space<vmem>>, vector<1x1x16xf32>,
      %swap3A_874 = vector.shape_cast %swap3A_873 : vector<1x1x16xf32> to vector<16xf32>
      %swap3A_875 = vector.shape_cast %mul3A_868 : vector<16xf32> to vector<1x1x16xf32>
      tpu.vector_store %arg6[%swap3A_870, %swap3A_871, %swap3A_872], %swap3A_875 {strides = array<i32>} : memref<2x256x128xf32, #tpu.memory_space<vmem>>, vector<1x1x16xf32>,
      %get3A_876 = arith.constant 0 : i32
      %get3A_877 = arith.index_cast %get3A_876 : i32 to index
      %get3A_878 = arith.index_cast %scan3A_811 : i32 to index
      %get3A_879 = arith.constant 64 : index
      %get3A_880 = tpu.vector_load %arg6[%get3A_877, %get3A_878, %get3A_879] {strides = array<i32>} : memref<2x256x128xf32, #tpu.memory_space<vmem>>, vector<1x1x16xf32>,
      %get3A_881 = vector.shape_cast %get3A_880 : vector<1x1x16xf32> to vector<16xf32>
      %mul3A_882 = arith.constant 11.3137083 : f32
      %mul3A_883 = vector.broadcast %mul3A_882 : f32 to vector<16xf32>
      %mul3A_884 = arith.mulf %get3A_881, %mul3A_883 : vector<16xf32>
      %swap3A_885 = arith.constant 0 : i32
      %swap3A_886 = arith.index_cast %swap3A_885 : i32 to index
      %swap3A_887 = arith.index_cast %scan3A_811 : i32 to index
      %swap3A_888 = arith.constant 64 : index
      %swap3A_889 = tpu.vector_load %arg6[%swap3A_886, %swap3A_887, %swap3A_888] {strides = array<i32>} : memref<2x256x128xf32, #tpu.memory_space<vmem>>, vector<1x1x16xf32>,
      %swap3A_890 = vector.shape_cast %swap3A_889 : vector<1x1x16xf32> to vector<16xf32>
      %swap3A_891 = vector.shape_cast %mul3A_884 : vector<16xf32> to vector<1x1x16xf32>
      tpu.vector_store %arg6[%swap3A_886, %swap3A_887, %swap3A_888], %swap3A_891 {strides = array<i32>} : memref<2x256x128xf32, #tpu.memory_space<vmem>>, vector<1x1x16xf32>,
      %get3A_892 = arith.constant 0 : i32
      %get3A_893 = arith.index_cast %get3A_892 : i32 to index
      %get3A_894 = arith.index_cast %scan3A_811 : i32 to index
      %get3A_895 = arith.constant 80 : index
      %get3A_896 = tpu.vector_load %arg6[%get3A_893, %get3A_894, %get3A_895] {strides = array<i32>} : memref<2x256x128xf32, #tpu.memory_space<vmem>>, vector<1x1x16xf32>,
      %get3A_897 = vector.shape_cast %get3A_896 : vector<1x1x16xf32> to vector<16xf32>
      %mul3A_898 = arith.constant 11.3137083 : f32
      %mul3A_899 = vector.broadcast %mul3A_898 : f32 to vector<16xf32>
      %mul3A_900 = arith.mulf %get3A_897, %mul3A_899 : vector<16xf32>
      %swap3A_901 = arith.constant 0 : i32
      %swap3A_902 = arith.index_cast %swap3A_901 : i32 to index
      %swap3A_903 = arith.index_cast %scan3A_811 : i32 to index
      %swap3A_904 = arith.constant 80 : index
      %swap3A_905 = tpu.vector_load %arg6[%swap3A_902, %swap3A_903, %swap3A_904] {strides = array<i32>} : memref<2x256x128xf32, #tpu.memory_space<vmem>>, vector<1x1x16xf32>,
      %swap3A_906 = vector.shape_cast %swap3A_905 : vector<1x1x16xf32> to vector<16xf32>
      %swap3A_907 = vector.shape_cast %mul3A_900 : vector<16xf32> to vector<1x1x16xf32>
      tpu.vector_store %arg6[%swap3A_902, %swap3A_903, %swap3A_904], %swap3A_907 {strides = array<i32>} : memref<2x256x128xf32, #tpu.memory_space<vmem>>, vector<1x1x16xf32>,
      %get3A_908 = arith.constant 0 : i32
      %get3A_909 = arith.index_cast %get3A_908 : i32 to index
      %get3A_910 = arith.index_cast %scan3A_811 : i32 to index
      %get3A_911 = arith.constant 96 : index
      %get3A_912 = tpu.vector_load %arg6[%get3A_909, %get3A_910, %get3A_911] {strides = array<i32>} : memref<2x256x128xf32, #tpu.memory_space<vmem>>, vector<1x1x16xf32>,
      %get3A_913 = vector.shape_cast %get3A_912 : vector<1x1x16xf32> to vector<16xf32>
      %mul3A_914 = arith.constant 11.3137083 : f32
      %mul3A_915 = vector.broadcast %mul3A_914 : f32 to vector<16xf32>
      %mul3A_916 = arith.mulf %get3A_913, %mul3A_915 : vector<16xf32>
      %swap3A_917 = arith.constant 0 : i32
      %swap3A_918 = arith.index_cast %swap3A_917 : i32 to index
      %swap3A_919 = arith.index_cast %scan3A_811 : i32 to index
      %swap3A_920 = arith.constant 96 : index
      %swap3A_921 = tpu.vector_load %arg6[%swap3A_918, %swap3A_919, %swap3A_920] {strides = array<i32>} : memref<2x256x128xf32, #tpu.memory_space<vmem>>, vector<1x1x16xf32>,
      %swap3A_922 = vector.shape_cast %swap3A_921 : vector<1x1x16xf32> to vector<16xf32>
      %swap3A_923 = vector.shape_cast %mul3A_916 : vector<16xf32> to vector<1x1x16xf32>
      tpu.vector_store %arg6[%swap3A_918, %swap3A_919, %swap3A_920], %swap3A_923 {strides = array<i32>} : memref<2x256x128xf32, #tpu.memory_space<vmem>>, vector<1x1x16xf32>,
      %get3A_924 = arith.constant 0 : i32
      %get3A_925 = arith.index_cast %get3A_924 : i32 to index
      %get3A_926 = arith.index_cast %scan3A_811 : i32 to index
      %get3A_927 = arith.constant 112 : index
      %get3A_928 = tpu.vector_load %arg6[%get3A_925, %get3A_926, %get3A_927] {strides = array<i32>} : memref<2x256x128xf32, #tpu.memory_space<vmem>>, vector<1x1x16xf32>,
      %get3A_929 = vector.shape_cast %get3A_928 : vector<1x1x16xf32> to vector<16xf32>
      %mul3A_930 = arith.constant 11.3137083 : f32
      %mul3A_931 = vector.broadcast %mul3A_930 : f32 to vector<16xf32>
      %mul3A_932 = arith.mulf %get3A_929, %mul3A_931 : vector<16xf32>
      %swap3A_933 = arith.constant 0 : i32
      %swap3A_934 = arith.index_cast %swap3A_933 : i32 to index
      %swap3A_935 = arith.index_cast %scan3A_811 : i32 to index
      %swap3A_936 = arith.constant 112 : index
      %swap3A_937 = tpu.vector_load %arg6[%swap3A_934, %swap3A_935, %swap3A_936] {strides = array<i32>} : memref<2x256x128xf32, #tpu.memory_space<vmem>>, vector<1x1x16xf32>,
      %swap3A_938 = vector.shape_cast %swap3A_937 : vector<1x1x16xf32> to vector<16xf32>
      %swap3A_939 = vector.shape_cast %mul3A_932 : vector<16xf32> to vector<1x1x16xf32>
      tpu.vector_store %arg6[%swap3A_934, %swap3A_935, %swap3A_936], %swap3A_939 {strides = array<i32>} : memref<2x256x128xf32, #tpu.memory_space<vmem>>, vector<1x1x16xf32>,
      %scan3A_940 = arith.constant 0 : i32
      scf.yield %scan3A_940 : i32
    }
    %scan3A_96 = arith.constant 256 : i32
    %add3A_97 = arith.constant 0 : i32
    %add3A_98 = arith.addi %mul3A_2, %add3A_97 : i32
    %dma_start3A_99 = arith.constant 0 : i32
    %dma_start3A_100 = arith.constant 0 : i32
    %dma_start3A_101 = arith.constant 0 : i32
    %dma_start3A_102 = arith.constant 0 : i32
    %dma_start3A_103 = tpu.memref_slice %arg6[%dma_start3A_99, %dma_start3A_101, %dma_start3A_102] : memref<2x256x128xf32, #tpu.memory_space<vmem>> -> memref<1x256x128xf32, #tpu.memory_space<vmem>>
    %dma_start3A_104 = tpu.memref_squeeze %dma_start3A_103 : memref<1x256x128xf32, #tpu.memory_space<vmem>> -> memref<256x128xf32, #tpu.memory_space<vmem>>
    %dma_start3A_105 = arith.constant 0 : i32
    %dma_start3A_106 = tpu.memref_slice %arg4[%add3A_98, %dma_start3A_105] : memref<819200x128xf32, #tpu.memory_space<hbm>> -> memref<256x128xf32, #tpu.memory_space<hbm>>
    %dma_start3A_107 = tpu.memref_slice %arg8[%dma_start3A_100] : memref<2x!tpu.dma_semaphore, #tpu.memory_space<semaphore_mem>> -> memref<1x!tpu.dma_semaphore, #tpu.memory_space<semaphore_mem>>
    %dma_start3A_108 = tpu.memref_squeeze %dma_start3A_107 : memref<1x!tpu.dma_semaphore, #tpu.memory_space<semaphore_mem>> -> memref<!tpu.dma_semaphore, #tpu.memory_space<semaphore_mem>>
    %dma_start3A_109 = arith.constant 0 : i32
    %dma_start3A_110 = tpu.memref_slice %arg4[%add3A_98, %dma_start3A_109] : memref<819200x128xf32, #tpu.memory_space<hbm>> -> memref<256x128xf32, #tpu.memory_space<hbm>>
    %dma_start3A_111 = arith.constant 0 : i32
    %dma_start3A_112 = arith.constant 0 : i32
    %dma_start3A_113 = tpu.memref_slice %arg6[%dma_start3A_99, %dma_start3A_111, %dma_start3A_112] : memref<2x256x128xf32, #tpu.memory_space<vmem>> -> memref<1x256x128xf32, #tpu.memory_space<vmem>>
    %dma_start3A_114 = tpu.memref_squeeze %dma_start3A_113 : memref<1x256x128xf32, #tpu.memory_space<vmem>> -> memref<256x128xf32, #tpu.memory_space<vmem>>
    tpu.enqueue_dma source(%dma_start3A_114 : memref<256x128xf32, #tpu.memory_space<vmem>>) target(%dma_start3A_110 : memref<256x128xf32, #tpu.memory_space<hbm>>) target_semaphore(%dma_start3A_108 : memref<!tpu.dma_semaphore, #tpu.memory_space<semaphore_mem>>)
    %dma_wait3A_115 = arith.constant 2 : i32
    %dma_wait3A_116 = arith.constant 1 : i32
    %dma_wait3A_117 = arith.constant 1 : i32
    %dma_wait3A_118 = arith.constant 0 : i32
    %dma_wait3A_119 = arith.constant 0 : i32
    %dma_wait3A_120 = tpu.memref_slice %arg6[%dma_wait3A_116, %dma_wait3A_118, %dma_wait3A_119] : memref<2x256x128xf32, #tpu.memory_space<vmem>> -> memref<1x128x128xf32, #tpu.memory_space<vmem>>
    %dma_wait3A_121 = tpu.memref_squeeze %dma_wait3A_120 : memref<1x128x128xf32, #tpu.memory_space<vmem>> -> memref<128x128xf32, #tpu.memory_space<vmem>>
    %dma_wait3A_122 = arith.constant 0 : i32
    %dma_wait3A_123 = tpu.memref_slice %arg5[%dma_wait3A_115, %dma_wait3A_122] : memref<200x128xi32, #tpu.memory_space<vmem>> -> memref<1x128xi32, #tpu.memory_space<vmem>>
    %dma_wait3A_124 = tpu.memref_squeeze %dma_wait3A_123 : memref<1x128xi32, #tpu.memory_space<vmem>> -> memref<128xi32, #tpu.memory_space<vmem>>
    %dma_wait3A_125 = arith.constant 0 : i32
    %dma_wait3A_126 = arith.constant 0 : i32
    %dma_wait3A_127 = tpu.memref_slice %arg3[%dma_wait3A_125, %dma_wait3A_126] : memref<100000x128xf32, #tpu.memory_space<hbm>> -> memref<100000x128xf32, #tpu.memory_space<hbm>>
    %dma_wait3A_128 = tpu.memref_slice %arg7[%dma_wait3A_117] : memref<2x!tpu.dma_semaphore, #tpu.memory_space<semaphore_mem>> -> memref<1x!tpu.dma_semaphore, #tpu.memory_space<semaphore_mem>>
    %dma_wait3A_129 = tpu.memref_squeeze %dma_wait3A_128 : memref<1x!tpu.dma_semaphore, #tpu.memory_space<semaphore_mem>> -> memref<!tpu.dma_semaphore, #tpu.memory_space<semaphore_mem>>
    tpu.wait_indirect_dma semaphore(%dma_wait3A_129 : memref<!tpu.dma_semaphore, #tpu.memory_space<semaphore_mem>>) src(%dma_wait3A_127 : memref<100000x128xf32, #tpu.memory_space<hbm>>) dst(%dma_wait3A_121 : memref<128x128xf32, #tpu.memory_space<vmem>>)
    %dma_wait3A_130 = arith.constant 3 : i32
    %dma_wait3A_131 = arith.constant 1 : i32
    %dma_wait3A_132 = arith.constant 1 : i32
    %dma_wait3A_133 = arith.constant 128 : i32
    %dma_wait3A_134 = arith.constant 0 : i32
    %dma_wait3A_135 = tpu.memref_slice %arg6[%dma_wait3A_131, %dma_wait3A_133, %dma_wait3A_134] : memref<2x256x128xf32, #tpu.memory_space<vmem>> -> memref<1x128x128xf32, #tpu.memory_space<vmem>>
    %dma_wait3A_136 = tpu.memref_squeeze %dma_wait3A_135 : memref<1x128x128xf32, #tpu.memory_space<vmem>> -> memref<128x128xf32, #tpu.memory_space<vmem>>
    %dma_wait3A_137 = arith.constant 0 : i32
    %dma_wait3A_138 = tpu.memref_slice %arg5[%dma_wait3A_130, %dma_wait3A_137] : memref<200x128xi32, #tpu.memory_space<vmem>> -> memref<1x128xi32, #tpu.memory_space<vmem>>
    %dma_wait3A_139 = tpu.memref_squeeze %dma_wait3A_138 : memref<1x128xi32, #tpu.memory_space<vmem>> -> memref<128xi32, #tpu.memory_space<vmem>>
    %dma_wait3A_140 = arith.constant 0 : i32
    %dma_wait3A_141 = arith.constant 0 : i32
    %dma_wait3A_142 = tpu.memref_slice %arg3[%dma_wait3A_140, %dma_wait3A_141] : memref<100000x128xf32, #tpu.memory_space<hbm>> -> memref<100000x128xf32, #tpu.memory_space<hbm>>
    %dma_wait3A_143 = tpu.memref_slice %arg7[%dma_wait3A_132] : memref<2x!tpu.dma_semaphore, #tpu.memory_space<semaphore_mem>> -> memref<1x!tpu.dma_semaphore, #tpu.memory_space<semaphore_mem>>
    %dma_wait3A_144 = tpu.memref_squeeze %dma_wait3A_143 : memref<1x!tpu.dma_semaphore, #tpu.memory_space<semaphore_mem>> -> memref<!tpu.dma_semaphore, #tpu.memory_space<semaphore_mem>>
    tpu.wait_indirect_dma semaphore(%dma_wait3A_144 : memref<!tpu.dma_semaphore, #tpu.memory_space<semaphore_mem>>) src(%dma_wait3A_142 : memref<100000x128xf32, #tpu.memory_space<hbm>>) dst(%dma_wait3A_136 : memref<128x128xf32, #tpu.memory_space<vmem>>)
    %add3A_145 = arith.constant 0 : i32
    %add3A_146 = arith.addi %mul3A_2, %add3A_145 : i32
    %dma_wait3A_147 = arith.constant 0 : i32
    %dma_wait3A_148 = arith.constant 0 : i32
    %dma_wait3A_149 = arith.constant 0 : i32
    %dma_wait3A_150 = arith.constant 0 : i32
    %dma_wait3A_151 = tpu.memref_slice %arg6[%dma_wait3A_147, %dma_wait3A_149, %dma_wait3A_150] : memref<2x256x128xf32, #tpu.memory_space<vmem>> -> memref<1x256x128xf32, #tpu.memory_space<vmem>>
    %dma_wait3A_152 = tpu.memref_squeeze %dma_wait3A_151 : memref<1x256x128xf32, #tpu.memory_space<vmem>> -> memref<256x128xf32, #tpu.memory_space<vmem>>
    %dma_wait3A_153 = arith.constant 0 : i32
    %dma_wait3A_154 = tpu.memref_slice %arg4[%add3A_146, %dma_wait3A_153] : memref<819200x128xf32, #tpu.memory_space<hbm>> -> memref<256x128xf32, #tpu.memory_space<hbm>>
    %dma_wait3A_155 = tpu.memref_slice %arg8[%dma_wait3A_148] : memref<2x!tpu.dma_semaphore, #tpu.memory_space<semaphore_mem>> -> memref<1x!tpu.dma_semaphore, #tpu.memory_space<semaphore_mem>>
    %dma_wait3A_156 = tpu.memref_squeeze %dma_wait3A_155 : memref<1x!tpu.dma_semaphore, #tpu.memory_space<semaphore_mem>> -> memref<!tpu.dma_semaphore, #tpu.memory_space<semaphore_mem>>
    %dma_wait3A_157 = arith.constant 0 : i32
    %dma_wait3A_158 = tpu.memref_slice %arg4[%add3A_146, %dma_wait3A_157] : memref<819200x128xf32, #tpu.memory_space<hbm>> -> memref<256x128xf32, #tpu.memory_space<hbm>>
    %dma_wait3A_159 = arith.constant 0 : i32
    %dma_wait3A_160 = arith.constant 0 : i32
    %dma_wait3A_161 = tpu.memref_slice %arg6[%dma_wait3A_147, %dma_wait3A_159, %dma_wait3A_160] : memref<2x256x128xf32, #tpu.memory_space<vmem>> -> memref<1x256x128xf32, #tpu.memory_space<vmem>>
    %dma_wait3A_162 = tpu.memref_squeeze %dma_wait3A_161 : memref<1x256x128xf32, #tpu.memory_space<vmem>> -> memref<256x128xf32, #tpu.memory_space<vmem>>
    tpu.wait_dma2 semaphore(%dma_wait3A_156 : memref<!tpu.dma_semaphore, #tpu.memory_space<semaphore_mem>>) src(%dma_wait3A_162 : memref<256x128xf32, #tpu.memory_space<vmem>>) dst(%dma_wait3A_158 : memref<256x128xf32, #tpu.memory_space<hbm>>)
    %dma_start3A_163 = arith.constant 4 : i32
    %dma_start3A_164 = arith.constant 0 : i32
    %dma_start3A_165 = arith.constant 0 : i32
    %dma_start3A_166 = arith.constant 0 : i32
    %dma_start3A_167 = arith.constant 0 : i32
    %dma_start3A_168 = tpu.memref_slice %arg6[%dma_start3A_164, %dma_start3A_166, %dma_start3A_167] : memref<2x256x128xf32, #tpu.memory_space<vmem>> -> memref<1x128x128xf32, #tpu.memory_space<vmem>>
    %dma_start3A_169 = tpu.memref_squeeze %dma_start3A_168 : memref<1x128x128xf32, #tpu.memory_space<vmem>> -> memref<128x128xf32, #tpu.memory_space<vmem>>
    %dma_start3A_170 = arith.constant 0 : i32
    %dma_start3A_171 = tpu.memref_slice %arg5[%dma_start3A_163, %dma_start3A_170] : memref<200x128xi32, #tpu.memory_space<vmem>> -> memref<1x128xi32, #tpu.memory_space<vmem>>
    %dma_start3A_172 = tpu.memref_squeeze %dma_start3A_171 : memref<1x128xi32, #tpu.memory_space<vmem>> -> memref<128xi32, #tpu.memory_space<vmem>>
    %dma_start3A_173 = arith.constant 0 : i32
    %dma_start3A_174 = arith.constant 0 : i32
    %dma_start3A_175 = tpu.memref_slice %arg3[%dma_start3A_173, %dma_start3A_174] : memref<100000x128xf32, #tpu.memory_space<hbm>> -> memref<100000x128xf32, #tpu.memory_space<hbm>>
    %dma_start3A_176 = tpu.memref_slice %arg7[%dma_start3A_165] : memref<2x!tpu.dma_semaphore, #tpu.memory_space<semaphore_mem>> -> memref<1x!tpu.dma_semaphore, #tpu.memory_space<semaphore_mem>>
    %dma_start3A_177 = tpu.memref_squeeze %dma_start3A_176 : memref<1x!tpu.dma_semaphore, #tpu.memory_space<semaphore_mem>> -> memref<!tpu.dma_semaphore, #tpu.memory_space<semaphore_mem>>
    tpu.enqueue_indirect_dma source(%dma_start3A_175 : memref<100000x128xf32, #tpu.memory_space<hbm>>) target(%dma_start3A_169 : memref<128x128xf32, #tpu.memory_space<vmem>>) offsets(%dma_start3A_172 : memref<128xi32, #tpu.memory_space<vmem>>) semaphore(%dma_start3A_177 : memref<!tpu.dma_semaphore, #tpu.memory_space<semaphore_mem>>)
    %dma_start3A_178 = arith.constant 5 : i32
    %dma_start3A_179 = arith.constant 0 : i32
    %dma_start3A_180 = arith.constant 0 : i32
    %dma_start3A_181 = arith.constant 128 : i32
    %dma_start3A_182 = arith.constant 0 : i32
    %dma_start3A_183 = tpu.memref_slice %arg6[%dma_start3A_179, %dma_start3A_181, %dma_start3A_182] : memref<2x256x128xf32, #tpu.memory_space<vmem>> -> memref<1x128x128xf32, #tpu.memory_space<vmem>>
    %dma_start3A_184 = tpu.memref_squeeze %dma_start3A_183 : memref<1x128x128xf32, #tpu.memory_space<vmem>> -> memref<128x128xf32, #tpu.memory_space<vmem>>
    %dma_start3A_185 = arith.constant 0 : i32
    %dma_start3A_186 = tpu.memref_slice %arg5[%dma_start3A_178, %dma_start3A_185] : memref<200x128xi32, #tpu.memory_space<vmem>> -> memref<1x128xi32, #tpu.memory_space<vmem>>
    %dma_start3A_187 = tpu.memref_squeeze %dma_start3A_186 : memref<1x128xi32, #tpu.memory_space<vmem>> -> memref<128xi32, #tpu.memory_space<vmem>>
    %dma_start3A_188 = arith.constant 0 : i32
    %dma_start3A_189 = arith.constant 0 : i32
    %dma_start3A_190 = tpu.memref_slice %arg3[%dma_start3A_188, %dma_start3A_189] : memref<100000x128xf32, #tpu.memory_space<hbm>> -> memref<100000x128xf32, #tpu.memory_space<hbm>>
    %dma_start3A_191 = tpu.memref_slice %arg7[%dma_start3A_180] : memref<2x!tpu.dma_semaphore, #tpu.memory_space<semaphore_mem>> -> memref<1x!tpu.dma_semaphore, #tpu.memory_space<semaphore_mem>>
    %dma_start3A_192 = tpu.memref_squeeze %dma_start3A_191 : memref<1x!tpu.dma_semaphore, #tpu.memory_space<semaphore_mem>> -> memref<!tpu.dma_semaphore, #tpu.memory_space<semaphore_mem>>
    tpu.enqueue_indirect_dma source(%dma_start3A_190 : memref<100000x128xf32, #tpu.memory_space<hbm>>) target(%dma_start3A_184 : memref<128x128xf32, #tpu.memory_space<vmem>>) offsets(%dma_start3A_187 : memref<128xi32, #tpu.memory_space<vmem>>) semaphore(%dma_start3A_192 : memref<!tpu.dma_semaphore, #tpu.memory_space<semaphore_mem>>)
    %scan3A_193 = arith.constant 0 : i32
    %scan3A_194 = arith.constant 0 : i32
    %scan3A_195 = arith.constant 256 : i32
    %scan3A_196 = arith.addi %scan3A_194, %scan3A_195 : i32
    %scan3A_197 = arith.constant 4 : i32
    %scan3A_198 = scf.for %scan3A_419 = %scan3A_194 to %scan3A_196 step %scan3A_197 iter_args(%scan3A_420 = %scan3A_193) -> (i32)  : i32 {
      %get3A = arith.constant 1 : i32
      %get3A_421 = arith.index_cast %get3A : i32 to index
      %get3A_422 = arith.index_cast %scan3A_419 : i32 to index
      %get3A_423 = arith.constant 0 : index
      %get3A_424 = tpu.vector_load %arg6[%get3A_421, %get3A_422, %get3A_423] {strides = array<i32>} : memref<2x256x128xf32, #tpu.memory_space<vmem>>, vector<1x1x16xf32>,
      %get3A_425 = vector.shape_cast %get3A_424 : vector<1x1x16xf32> to vector<16xf32>
      %mul3A_426 = arith.constant 11.3137083 : f32
      %mul3A_427 = vector.broadcast %mul3A_426 : f32 to vector<16xf32>
      %mul3A_428 = arith.mulf %get3A_425, %mul3A_427 : vector<16xf32>
      %swap3A = arith.constant 1 : i32
      %swap3A_429 = arith.index_cast %swap3A : i32 to index
      %swap3A_430 = arith.index_cast %scan3A_419 : i32 to index
      %swap3A_431 = arith.constant 0 : index
      %swap3A_432 = tpu.vector_load %arg6[%swap3A_429, %swap3A_430, %swap3A_431] {strides = array<i32>} : memref<2x256x128xf32, #tpu.memory_space<vmem>>, vector<1x1x16xf32>,
      %swap3A_433 = vector.shape_cast %swap3A_432 : vector<1x1x16xf32> to vector<16xf32>
      %swap3A_434 = vector.shape_cast %mul3A_428 : vector<16xf32> to vector<1x1x16xf32>
      tpu.vector_store %arg6[%swap3A_429, %swap3A_430, %swap3A_431], %swap3A_434 {strides = array<i32>} : memref<2x256x128xf32, #tpu.memory_space<vmem>>, vector<1x1x16xf32>,
      %get3A_435 = arith.constant 1 : i32
      %get3A_436 = arith.index_cast %get3A_435 : i32 to index
      %get3A_437 = arith.index_cast %scan3A_419 : i32 to index
      %get3A_438 = arith.constant 16 : index
      %get3A_439 = tpu.vector_load %arg6[%get3A_436, %get3A_437, %get3A_438] {strides = array<i32>} : memref<2x256x128xf32, #tpu.memory_space<vmem>>, vector<1x1x16xf32>,
      %get3A_440 = vector.shape_cast %get3A_439 : vector<1x1x16xf32> to vector<16xf32>
      %mul3A_441 = arith.constant 11.3137083 : f32
      %mul3A_442 = vector.broadcast %mul3A_441 : f32 to vector<16xf32>
      %mul3A_443 = arith.mulf %get3A_440, %mul3A_442 : vector<16xf32>
      %swap3A_444 = arith.constant 1 : i32
      %swap3A_445 = arith.index_cast %swap3A_444 : i32 to index
      %swap3A_446 = arith.index_cast %scan3A_419 : i32 to index
      %swap3A_447 = arith.constant 16 : index
      %swap3A_448 = tpu.vector_load %arg6[%swap3A_445, %swap3A_446, %swap3A_447] {strides = array<i32>} : memref<2x256x128xf32, #tpu.memory_space<vmem>>, vector<1x1x16xf32>,
      %swap3A_449 = vector.shape_cast %swap3A_448 : vector<1x1x16xf32> to vector<16xf32>
      %swap3A_450 = vector.shape_cast %mul3A_443 : vector<16xf32> to vector<1x1x16xf32>
      tpu.vector_store %arg6[%swap3A_445, %swap3A_446, %swap3A_447], %swap3A_450 {strides = array<i32>} : memref<2x256x128xf32, #tpu.memory_space<vmem>>, vector<1x1x16xf32>,
      %get3A_451 = arith.constant 1 : i32
      %get3A_452 = arith.index_cast %get3A_451 : i32 to index
      %get3A_453 = arith.index_cast %scan3A_419 : i32 to index
      %get3A_454 = arith.constant 32 : index
      %get3A_455 = tpu.vector_load %arg6[%get3A_452, %get3A_453, %get3A_454] {strides = array<i32>} : memref<2x256x128xf32, #tpu.memory_space<vmem>>, vector<1x1x16xf32>,
      %get3A_456 = vector.shape_cast %get3A_455 : vector<1x1x16xf32> to vector<16xf32>
      %mul3A_457 = arith.constant 11.3137083 : f32
      %mul3A_458 = vector.broadcast %mul3A_457 : f32 to vector<16xf32>
      %mul3A_459 = arith.mulf %get3A_456, %mul3A_458 : vector<16xf32>
      %swap3A_460 = arith.constant 1 : i32
      %swap3A_461 = arith.index_cast %swap3A_460 : i32 to index
      %swap3A_462 = arith.index_cast %scan3A_419 : i32 to index
      %swap3A_463 = arith.constant 32 : index
      %swap3A_464 = tpu.vector_load %arg6[%swap3A_461, %swap3A_462, %swap3A_463] {strides = array<i32>} : memref<2x256x128xf32, #tpu.memory_space<vmem>>, vector<1x1x16xf32>,
      %swap3A_465 = vector.shape_cast %swap3A_464 : vector<1x1x16xf32> to vector<16xf32>
      %swap3A_466 = vector.shape_cast %mul3A_459 : vector<16xf32> to vector<1x1x16xf32>
      tpu.vector_store %arg6[%swap3A_461, %swap3A_462, %swap3A_463], %swap3A_466 {strides = array<i32>} : memref<2x256x128xf32, #tpu.memory_space<vmem>>, vector<1x1x16xf32>,
      %get3A_467 = arith.constant 1 : i32
      %get3A_468 = arith.index_cast %get3A_467 : i32 to index
      %get3A_469 = arith.index_cast %scan3A_419 : i32 to index
      %get3A_470 = arith.constant 48 : index
      %get3A_471 = tpu.vector_load %arg6[%get3A_468, %get3A_469, %get3A_470] {strides = array<i32>} : memref<2x256x128xf32, #tpu.memory_space<vmem>>, vector<1x1x16xf32>,
      %get3A_472 = vector.shape_cast %get3A_471 : vector<1x1x16xf32> to vector<16xf32>
      %mul3A_473 = arith.constant 11.3137083 : f32
      %mul3A_474 = vector.broadcast %mul3A_473 : f32 to vector<16xf32>
      %mul3A_475 = arith.mulf %get3A_472, %mul3A_474 : vector<16xf32>
      %swap3A_476 = arith.constant 1 : i32
      %swap3A_477 = arith.index_cast %swap3A_476 : i32 to index
      %swap3A_478 = arith.index_cast %scan3A_419 : i32 to index
      %swap3A_479 = arith.constant 48 : index
      %swap3A_480 = tpu.vector_load %arg6[%swap3A_477, %swap3A_478, %swap3A_479] {strides = array<i32>} : memref<2x256x128xf32, #tpu.memory_space<vmem>>, vector<1x1x16xf32>,
      %swap3A_481 = vector.shape_cast %swap3A_480 : vector<1x1x16xf32> to vector<16xf32>
      %swap3A_482 = vector.shape_cast %mul3A_475 : vector<16xf32> to vector<1x1x16xf32>
      tpu.vector_store %arg6[%swap3A_477, %swap3A_478, %swap3A_479], %swap3A_482 {strides = array<i32>} : memref<2x256x128xf32, #tpu.memory_space<vmem>>, vector<1x1x16xf32>,
      %get3A_483 = arith.constant 1 : i32
      %get3A_484 = arith.index_cast %get3A_483 : i32 to index
      %get3A_485 = arith.index_cast %scan3A_419 : i32 to index
      %get3A_486 = arith.constant 64 : index
      %get3A_487 = tpu.vector_load %arg6[%get3A_484, %get3A_485, %get3A_486] {strides = array<i32>} : memref<2x256x128xf32, #tpu.memory_space<vmem>>, vector<1x1x16xf32>,
      %get3A_488 = vector.shape_cast %get3A_487 : vector<1x1x16xf32> to vector<16xf32>
      %mul3A_489 = arith.constant 11.3137083 : f32
      %mul3A_490 = vector.broadcast %mul3A_489 : f32 to vector<16xf32>
      %mul3A_491 = arith.mulf %get3A_488, %mul3A_490 : vector<16xf32>
      %swap3A_492 = arith.constant 1 : i32
      %swap3A_493 = arith.index_cast %swap3A_492 : i32 to index
      %swap3A_494 = arith.index_cast %scan3A_419 : i32 to index
      %swap3A_495 = arith.constant 64 : index
      %swap3A_496 = tpu.vector_load %arg6[%swap3A_493, %swap3A_494, %swap3A_495] {strides = array<i32>} : memref<2x256x128xf32, #tpu.memory_space<vmem>>, vector<1x1x16xf32>,
      %swap3A_497 = vector.shape_cast %swap3A_496 : vector<1x1x16xf32> to vector<16xf32>
      %swap3A_498 = vector.shape_cast %mul3A_491 : vector<16xf32> to vector<1x1x16xf32>
      tpu.vector_store %arg6[%swap3A_493, %swap3A_494, %swap3A_495], %swap3A_498 {strides = array<i32>} : memref<2x256x128xf32, #tpu.memory_space<vmem>>, vector<1x1x16xf32>,
      %get3A_499 = arith.constant 1 : i32
      %get3A_500 = arith.index_cast %get3A_499 : i32 to index
      %get3A_501 = arith.index_cast %scan3A_419 : i32 to index
      %get3A_502 = arith.constant 80 : index
      %get3A_503 = tpu.vector_load %arg6[%get3A_500, %get3A_501, %get3A_502] {strides = array<i32>} : memref<2x256x128xf32, #tpu.memory_space<vmem>>, vector<1x1x16xf32>,
      %get3A_504 = vector.shape_cast %get3A_503 : vector<1x1x16xf32> to vector<16xf32>
      %mul3A_505 = arith.constant 11.3137083 : f32
      %mul3A_506 = vector.broadcast %mul3A_505 : f32 to vector<16xf32>
      %mul3A_507 = arith.mulf %get3A_504, %mul3A_506 : vector<16xf32>
      %swap3A_508 = arith.constant 1 : i32
      %swap3A_509 = arith.index_cast %swap3A_508 : i32 to index
      %swap3A_510 = arith.index_cast %scan3A_419 : i32 to index
      %swap3A_511 = arith.constant 80 : index
      %swap3A_512 = tpu.vector_load %arg6[%swap3A_509, %swap3A_510, %swap3A_511] {strides = array<i32>} : memref<2x256x128xf32, #tpu.memory_space<vmem>>, vector<1x1x16xf32>,
      %swap3A_513 = vector.shape_cast %swap3A_512 : vector<1x1x16xf32> to vector<16xf32>
      %swap3A_514 = vector.shape_cast %mul3A_507 : vector<16xf32> to vector<1x1x16xf32>
      tpu.vector_store %arg6[%swap3A_509, %swap3A_510, %swap3A_511], %swap3A_514 {strides = array<i32>} : memref<2x256x128xf32, #tpu.memory_space<vmem>>, vector<1x1x16xf32>,
      %get3A_515 = arith.constant 1 : i32
      %get3A_516 = arith.index_cast %get3A_515 : i32 to index
      %get3A_517 = arith.index_cast %scan3A_419 : i32 to index
      %get3A_518 = arith.constant 96 : index
      %get3A_519 = tpu.vector_load %arg6[%get3A_516, %get3A_517, %get3A_518] {strides = array<i32>} : memref<2x256x128xf32, #tpu.memory_space<vmem>>, vector<1x1x16xf32>,
      %get3A_520 = vector.shape_cast %get3A_519 : vector<1x1x16xf32> to vector<16xf32>
      %mul3A_521 = arith.constant 11.3137083 : f32
      %mul3A_522 = vector.broadcast %mul3A_521 : f32 to vector<16xf32>
      %mul3A_523 = arith.mulf %get3A_520, %mul3A_522 : vector<16xf32>
      %swap3A_524 = arith.constant 1 : i32
      %swap3A_525 = arith.index_cast %swap3A_524 : i32 to index
      %swap3A_526 = arith.index_cast %scan3A_419 : i32 to index
      %swap3A_527 = arith.constant 96 : index
      %swap3A_528 = tpu.vector_load %arg6[%swap3A_525, %swap3A_526, %swap3A_527] {strides = array<i32>} : memref<2x256x128xf32, #tpu.memory_space<vmem>>, vector<1x1x16xf32>,
      %swap3A_529 = vector.shape_cast %swap3A_528 : vector<1x1x16xf32> to vector<16xf32>
      %swap3A_530 = vector.shape_cast %mul3A_523 : vector<16xf32> to vector<1x1x16xf32>
      tpu.vector_store %arg6[%swap3A_525, %swap3A_526, %swap3A_527], %swap3A_530 {strides = array<i32>} : memref<2x256x128xf32, #tpu.memory_space<vmem>>, vector<1x1x16xf32>,
      %get3A_531 = arith.constant 1 : i32
      %get3A_532 = arith.index_cast %get3A_531 : i32 to index
      %get3A_533 = arith.index_cast %scan3A_419 : i32 to index
      %get3A_534 = arith.constant 112 : index
      %get3A_535 = tpu.vector_load %arg6[%get3A_532, %get3A_533, %get3A_534] {strides = array<i32>} : memref<2x256x128xf32, #tpu.memory_space<vmem>>, vector<1x1x16xf32>,
      %get3A_536 = vector.shape_cast %get3A_535 : vector<1x1x16xf32> to vector<16xf32>
      %mul3A_537 = arith.constant 11.3137083 : f32
      %mul3A_538 = vector.broadcast %mul3A_537 : f32 to vector<16xf32>
      %mul3A_539 = arith.mulf %get3A_536, %mul3A_538 : vector<16xf32>
      %swap3A_540 = arith.constant 1 : i32
      %swap3A_541 = arith.index_cast %swap3A_540 : i32 to index
      %swap3A_542 = arith.index_cast %scan3A_419 : i32 to index
      %swap3A_543 = arith.constant 112 : index
      %swap3A_544 = tpu.vector_load %arg6[%swap3A_541, %swap3A_542, %swap3A_543] {strides = array<i32>} : memref<2x256x128xf32, #tpu.memory_space<vmem>>, vector<1x1x16xf32>,
      %swap3A_545 = vector.shape_cast %swap3A_544 : vector<1x1x16xf32> to vector<16xf32>
      %swap3A_546 = vector.shape_cast %mul3A_539 : vector<16xf32> to vector<1x1x16xf32>
      tpu.vector_store %arg6[%swap3A_541, %swap3A_542, %swap3A_543], %swap3A_546 {strides = array<i32>} : memref<2x256x128xf32, #tpu.memory_space<vmem>>, vector<1x1x16xf32>,
      %scan3A_547 = arith.constant 0 : i32
      %scan3A_548 = arith.constant 1 : i32
      %scan3A_549 = arith.addi %scan3A_419, %scan3A_548 : i32
      %get3A_550 = arith.constant 1 : i32
      %get3A_551 = arith.index_cast %get3A_550 : i32 to index
      %get3A_552 = arith.index_cast %scan3A_549 : i32 to index
      %get3A_553 = arith.constant 0 : index
      %get3A_554 = tpu.vector_load %arg6[%get3A_551, %get3A_552, %get3A_553] {strides = array<i32>} : memref<2x256x128xf32, #tpu.memory_space<vmem>>, vector<1x1x16xf32>,
      %get3A_555 = vector.shape_cast %get3A_554 : vector<1x1x16xf32> to vector<16xf32>
      %mul3A_556 = arith.constant 11.3137083 : f32
      %mul3A_557 = vector.broadcast %mul3A_556 : f32 to vector<16xf32>
      %mul3A_558 = arith.mulf %get3A_555, %mul3A_557 : vector<16xf32>
      %swap3A_559 = arith.constant 1 : i32
      %swap3A_560 = arith.index_cast %swap3A_559 : i32 to index
      %swap3A_561 = arith.index_cast %scan3A_549 : i32 to index
      %swap3A_562 = arith.constant 0 : index
      %swap3A_563 = tpu.vector_load %arg6[%swap3A_560, %swap3A_561, %swap3A_562] {strides = array<i32>} : memref<2x256x128xf32, #tpu.memory_space<vmem>>, vector<1x1x16xf32>,
      %swap3A_564 = vector.shape_cast %swap3A_563 : vector<1x1x16xf32> to vector<16xf32>
      %swap3A_565 = vector.shape_cast %mul3A_558 : vector<16xf32> to vector<1x1x16xf32>
      tpu.vector_store %arg6[%swap3A_560, %swap3A_561, %swap3A_562], %swap3A_565 {strides = array<i32>} : memref<2x256x128xf32, #tpu.memory_space<vmem>>, vector<1x1x16xf32>,
      %get3A_566 = arith.constant 1 : i32
      %get3A_567 = arith.index_cast %get3A_566 : i32 to index
      %get3A_568 = arith.index_cast %scan3A_549 : i32 to index
      %get3A_569 = arith.constant 16 : index
      %get3A_570 = tpu.vector_load %arg6[%get3A_567, %get3A_568, %get3A_569] {strides = array<i32>} : memref<2x256x128xf32, #tpu.memory_space<vmem>>, vector<1x1x16xf32>,
      %get3A_571 = vector.shape_cast %get3A_570 : vector<1x1x16xf32> to vector<16xf32>
      %mul3A_572 = arith.constant 11.3137083 : f32
      %mul3A_573 = vector.broadcast %mul3A_572 : f32 to vector<16xf32>
      %mul3A_574 = arith.mulf %get3A_571, %mul3A_573 : vector<16xf32>
      %swap3A_575 = arith.constant 1 : i32
      %swap3A_576 = arith.index_cast %swap3A_575 : i32 to index
      %swap3A_577 = arith.index_cast %scan3A_549 : i32 to index
      %swap3A_578 = arith.constant 16 : index
      %swap3A_579 = tpu.vector_load %arg6[%swap3A_576, %swap3A_577, %swap3A_578] {strides = array<i32>} : memref<2x256x128xf32, #tpu.memory_space<vmem>>, vector<1x1x16xf32>,
      %swap3A_580 = vector.shape_cast %swap3A_579 : vector<1x1x16xf32> to vector<16xf32>
      %swap3A_581 = vector.shape_cast %mul3A_574 : vector<16xf32> to vector<1x1x16xf32>
      tpu.vector_store %arg6[%swap3A_576, %swap3A_577, %swap3A_578], %swap3A_581 {strides = array<i32>} : memref<2x256x128xf32, #tpu.memory_space<vmem>>, vector<1x1x16xf32>,
      %get3A_582 = arith.constant 1 : i32
      %get3A_583 = arith.index_cast %get3A_582 : i32 to index
      %get3A_584 = arith.index_cast %scan3A_549 : i32 to index
      %get3A_585 = arith.constant 32 : index
      %get3A_586 = tpu.vector_load %arg6[%get3A_583, %get3A_584, %get3A_585] {strides = array<i32>} : memref<2x256x128xf32, #tpu.memory_space<vmem>>, vector<1x1x16xf32>,
      %get3A_587 = vector.shape_cast %get3A_586 : vector<1x1x16xf32> to vector<16xf32>
      %mul3A_588 = arith.constant 11.3137083 : f32
      %mul3A_589 = vector.broadcast %mul3A_588 : f32 to vector<16xf32>
      %mul3A_590 = arith.mulf %get3A_587, %mul3A_589 : vector<16xf32>
      %swap3A_591 = arith.constant 1 : i32
      %swap3A_592 = arith.index_cast %swap3A_591 : i32 to index
      %swap3A_593 = arith.index_cast %scan3A_549 : i32 to index
      %swap3A_594 = arith.constant 32 : index
      %swap3A_595 = tpu.vector_load %arg6[%swap3A_592, %swap3A_593, %swap3A_594] {strides = array<i32>} : memref<2x256x128xf32, #tpu.memory_space<vmem>>, vector<1x1x16xf32>,
      %swap3A_596 = vector.shape_cast %swap3A_595 : vector<1x1x16xf32> to vector<16xf32>
      %swap3A_597 = vector.shape_cast %mul3A_590 : vector<16xf32> to vector<1x1x16xf32>
      tpu.vector_store %arg6[%swap3A_592, %swap3A_593, %swap3A_594], %swap3A_597 {strides = array<i32>} : memref<2x256x128xf32, #tpu.memory_space<vmem>>, vector<1x1x16xf32>,
      %get3A_598 = arith.constant 1 : i32
      %get3A_599 = arith.index_cast %get3A_598 : i32 to index
      %get3A_600 = arith.index_cast %scan3A_549 : i32 to index
      %get3A_601 = arith.constant 48 : index
      %get3A_602 = tpu.vector_load %arg6[%get3A_599, %get3A_600, %get3A_601] {strides = array<i32>} : memref<2x256x128xf32, #tpu.memory_space<vmem>>, vector<1x1x16xf32>,
      %get3A_603 = vector.shape_cast %get3A_602 : vector<1x1x16xf32> to vector<16xf32>
      %mul3A_604 = arith.constant 11.3137083 : f32
      %mul3A_605 = vector.broadcast %mul3A_604 : f32 to vector<16xf32>
      %mul3A_606 = arith.mulf %get3A_603, %mul3A_605 : vector<16xf32>
      %swap3A_607 = arith.constant 1 : i32
      %swap3A_608 = arith.index_cast %swap3A_607 : i32 to index
      %swap3A_609 = arith.index_cast %scan3A_549 : i32 to index
      %swap3A_610 = arith.constant 48 : index
      %swap3A_611 = tpu.vector_load %arg6[%swap3A_608, %swap3A_609, %swap3A_610] {strides = array<i32>} : memref<2x256x128xf32, #tpu.memory_space<vmem>>, vector<1x1x16xf32>,
      %swap3A_612 = vector.shape_cast %swap3A_611 : vector<1x1x16xf32> to vector<16xf32>
      %swap3A_613 = vector.shape_cast %mul3A_606 : vector<16xf32> to vector<1x1x16xf32>
      tpu.vector_store %arg6[%swap3A_608, %swap3A_609, %swap3A_610], %swap3A_613 {strides = array<i32>} : memref<2x256x128xf32, #tpu.memory_space<vmem>>, vector<1x1x16xf32>,
      %get3A_614 = arith.constant 1 : i32
      %get3A_615 = arith.index_cast %get3A_614 : i32 to index
      %get3A_616 = arith.index_cast %scan3A_549 : i32 to index
      %get3A_617 = arith.constant 64 : index
      %get3A_618 = tpu.vector_load %arg6[%get3A_615, %get3A_616, %get3A_617] {strides = array<i32>} : memref<2x256x128xf32, #tpu.memory_space<vmem>>, vector<1x1x16xf32>,
      %get3A_619 = vector.shape_cast %get3A_618 : vector<1x1x16xf32> to vector<16xf32>
      %mul3A_620 = arith.constant 11.3137083 : f32
      %mul3A_621 = vector.broadcast %mul3A_620 : f32 to vector<16xf32>
      %mul3A_622 = arith.mulf %get3A_619, %mul3A_621 : vector<16xf32>
      %swap3A_623 = arith.constant 1 : i32
      %swap3A_624 = arith.index_cast %swap3A_623 : i32 to index
      %swap3A_625 = arith.index_cast %scan3A_549 : i32 to index
      %swap3A_626 = arith.constant 64 : index
      %swap3A_627 = tpu.vector_load %arg6[%swap3A_624, %swap3A_625, %swap3A_626] {strides = array<i32>} : memref<2x256x128xf32, #tpu.memory_space<vmem>>, vector<1x1x16xf32>,
      %swap3A_628 = vector.shape_cast %swap3A_627 : vector<1x1x16xf32> to vector<16xf32>
      %swap3A_629 = vector.shape_cast %mul3A_622 : vector<16xf32> to vector<1x1x16xf32>
      tpu.vector_store %arg6[%swap3A_624, %swap3A_625, %swap3A_626], %swap3A_629 {strides = array<i32>} : memref<2x256x128xf32, #tpu.memory_space<vmem>>, vector<1x1x16xf32>,
      %get3A_630 = arith.constant 1 : i32
      %get3A_631 = arith.index_cast %get3A_630 : i32 to index
      %get3A_632 = arith.index_cast %scan3A_549 : i32 to index
      %get3A_633 = arith.constant 80 : index
      %get3A_634 = tpu.vector_load %arg6[%get3A_631, %get3A_632, %get3A_633] {strides = array<i32>} : memref<2x256x128xf32, #tpu.memory_space<vmem>>, vector<1x1x16xf32>,
      %get3A_635 = vector.shape_cast %get3A_634 : vector<1x1x16xf32> to vector<16xf32>
      %mul3A_636 = arith.constant 11.3137083 : f32
      %mul3A_637 = vector.broadcast %mul3A_636 : f32 to vector<16xf32>
      %mul3A_638 = arith.mulf %get3A_635, %mul3A_637 : vector<16xf32>
      %swap3A_639 = arith.constant 1 : i32
      %swap3A_640 = arith.index_cast %swap3A_639 : i32 to index
      %swap3A_641 = arith.index_cast %scan3A_549 : i32 to index
      %swap3A_642 = arith.constant 80 : index
      %swap3A_643 = tpu.vector_load %arg6[%swap3A_640, %swap3A_641, %swap3A_642] {strides = array<i32>} : memref<2x256x128xf32, #tpu.memory_space<vmem>>, vector<1x1x16xf32>,
      %swap3A_644 = vector.shape_cast %swap3A_643 : vector<1x1x16xf32> to vector<16xf32>
      %swap3A_645 = vector.shape_cast %mul3A_638 : vector<16xf32> to vector<1x1x16xf32>
      tpu.vector_store %arg6[%swap3A_640, %swap3A_641, %swap3A_642], %swap3A_645 {strides = array<i32>} : memref<2x256x128xf32, #tpu.memory_space<vmem>>, vector<1x1x16xf32>,
      %get3A_646 = arith.constant 1 : i32
      %get3A_647 = arith.index_cast %get3A_646 : i32 to index
      %get3A_648 = arith.index_cast %scan3A_549 : i32 to index
      %get3A_649 = arith.constant 96 : index
      %get3A_650 = tpu.vector_load %arg6[%get3A_647, %get3A_648, %get3A_649] {strides = array<i32>} : memref<2x256x128xf32, #tpu.memory_space<vmem>>, vector<1x1x16xf32>,
      %get3A_651 = vector.shape_cast %get3A_650 : vector<1x1x16xf32> to vector<16xf32>
      %mul3A_652 = arith.constant 11.3137083 : f32
      %mul3A_653 = vector.broadcast %mul3A_652 : f32 to vector<16xf32>
      %mul3A_654 = arith.mulf %get3A_651, %mul3A_653 : vector<16xf32>
      %swap3A_655 = arith.constant 1 : i32
      %swap3A_656 = arith.index_cast %swap3A_655 : i32 to index
      %swap3A_657 = arith.index_cast %scan3A_549 : i32 to index
      %swap3A_658 = arith.constant 96 : index
      %swap3A_659 = tpu.vector_load %arg6[%swap3A_656, %swap3A_657, %swap3A_658] {strides = array<i32>} : memref<2x256x128xf32, #tpu.memory_space<vmem>>, vector<1x1x16xf32>,
      %swap3A_660 = vector.shape_cast %swap3A_659 : vector<1x1x16xf32> to vector<16xf32>
      %swap3A_661 = vector.shape_cast %mul3A_654 : vector<16xf32> to vector<1x1x16xf32>
      tpu.vector_store %arg6[%swap3A_656, %swap3A_657, %swap3A_658], %swap3A_661 {strides = array<i32>} : memref<2x256x128xf32, #tpu.memory_space<vmem>>, vector<1x1x16xf32>,
      %get3A_662 = arith.constant 1 : i32
      %get3A_663 = arith.index_cast %get3A_662 : i32 to index
      %get3A_664 = arith.index_cast %scan3A_549 : i32 to index
      %get3A_665 = arith.constant 112 : index
      %get3A_666 = tpu.vector_load %arg6[%get3A_663, %get3A_664, %get3A_665] {strides = array<i32>} : memref<2x256x128xf32, #tpu.memory_space<vmem>>, vector<1x1x16xf32>,
      %get3A_667 = vector.shape_cast %get3A_666 : vector<1x1x16xf32> to vector<16xf32>
      %mul3A_668 = arith.constant 11.3137083 : f32
      %mul3A_669 = vector.broadcast %mul3A_668 : f32 to vector<16xf32>
      %mul3A_670 = arith.mulf %get3A_667, %mul3A_669 : vector<16xf32>
      %swap3A_671 = arith.constant 1 : i32
      %swap3A_672 = arith.index_cast %swap3A_671 : i32 to index
      %swap3A_673 = arith.index_cast %scan3A_549 : i32 to index
      %swap3A_674 = arith.constant 112 : index
      %swap3A_675 = tpu.vector_load %arg6[%swap3A_672, %swap3A_673, %swap3A_674] {strides = array<i32>} : memref<2x256x128xf32, #tpu.memory_space<vmem>>, vector<1x1x16xf32>,
      %swap3A_676 = vector.shape_cast %swap3A_675 : vector<1x1x16xf32> to vector<16xf32>
      %swap3A_677 = vector.shape_cast %mul3A_670 : vector<16xf32> to vector<1x1x16xf32>
      tpu.vector_store %arg6[%swap3A_672, %swap3A_673, %swap3A_674], %swap3A_677 {strides = array<i32>} : memref<2x256x128xf32, #tpu.memory_space<vmem>>, vector<1x1x16xf32>,
      %scan3A_678 = arith.constant 0 : i32
      %scan3A_679 = arith.constant 2 : i32
      %scan3A_680 = arith.addi %scan3A_419, %scan3A_679 : i32
      %get3A_681 = arith.constant 1 : i32
      %get3A_682 = arith.index_cast %get3A_681 : i32 to index
      %get3A_683 = arith.index_cast %scan3A_680 : i32 to index
      %get3A_684 = arith.constant 0 : index
      %get3A_685 = tpu.vector_load %arg6[%get3A_682, %get3A_683, %get3A_684] {strides = array<i32>} : memref<2x256x128xf32, #tpu.memory_space<vmem>>, vector<1x1x16xf32>,
      %get3A_686 = vector.shape_cast %get3A_685 : vector<1x1x16xf32> to vector<16xf32>
      %mul3A_687 = arith.constant 11.3137083 : f32
      %mul3A_688 = vector.broadcast %mul3A_687 : f32 to vector<16xf32>
      %mul3A_689 = arith.mulf %get3A_686, %mul3A_688 : vector<16xf32>
      %swap3A_690 = arith.constant 1 : i32
      %swap3A_691 = arith.index_cast %swap3A_690 : i32 to index
      %swap3A_692 = arith.index_cast %scan3A_680 : i32 to index
      %swap3A_693 = arith.constant 0 : index
      %swap3A_694 = tpu.vector_load %arg6[%swap3A_691, %swap3A_692, %swap3A_693] {strides = array<i32>} : memref<2x256x128xf32, #tpu.memory_space<vmem>>, vector<1x1x16xf32>,
      %swap3A_695 = vector.shape_cast %swap3A_694 : vector<1x1x16xf32> to vector<16xf32>
      %swap3A_696 = vector.shape_cast %mul3A_689 : vector<16xf32> to vector<1x1x16xf32>
      tpu.vector_store %arg6[%swap3A_691, %swap3A_692, %swap3A_693], %swap3A_696 {strides = array<i32>} : memref<2x256x128xf32, #tpu.memory_space<vmem>>, vector<1x1x16xf32>,
      %get3A_697 = arith.constant 1 : i32
      %get3A_698 = arith.index_cast %get3A_697 : i32 to index
      %get3A_699 = arith.index_cast %scan3A_680 : i32 to index
      %get3A_700 = arith.constant 16 : index
      %get3A_701 = tpu.vector_load %arg6[%get3A_698, %get3A_699, %get3A_700] {strides = array<i32>} : memref<2x256x128xf32, #tpu.memory_space<vmem>>, vector<1x1x16xf32>,
      %get3A_702 = vector.shape_cast %get3A_701 : vector<1x1x16xf32> to vector<16xf32>
      %mul3A_703 = arith.constant 11.3137083 : f32
      %mul3A_704 = vector.broadcast %mul3A_703 : f32 to vector<16xf32>
      %mul3A_705 = arith.mulf %get3A_702, %mul3A_704 : vector<16xf32>
      %swap3A_706 = arith.constant 1 : i32
      %swap3A_707 = arith.index_cast %swap3A_706 : i32 to index
      %swap3A_708 = arith.index_cast %scan3A_680 : i32 to index
      %swap3A_709 = arith.constant 16 : index
      %swap3A_710 = tpu.vector_load %arg6[%swap3A_707, %swap3A_708, %swap3A_709] {strides = array<i32>} : memref<2x256x128xf32, #tpu.memory_space<vmem>>, vector<1x1x16xf32>,
      %swap3A_711 = vector.shape_cast %swap3A_710 : vector<1x1x16xf32> to vector<16xf32>
      %swap3A_712 = vector.shape_cast %mul3A_705 : vector<16xf32> to vector<1x1x16xf32>
      tpu.vector_store %arg6[%swap3A_707, %swap3A_708, %swap3A_709], %swap3A_712 {strides = array<i32>} : memref<2x256x128xf32, #tpu.memory_space<vmem>>, vector<1x1x16xf32>,
      %get3A_713 = arith.constant 1 : i32
      %get3A_714 = arith.index_cast %get3A_713 : i32 to index
      %get3A_715 = arith.index_cast %scan3A_680 : i32 to index
      %get3A_716 = arith.constant 32 : index
      %get3A_717 = tpu.vector_load %arg6[%get3A_714, %get3A_715, %get3A_716] {strides = array<i32>} : memref<2x256x128xf32, #tpu.memory_space<vmem>>, vector<1x1x16xf32>,
      %get3A_718 = vector.shape_cast %get3A_717 : vector<1x1x16xf32> to vector<16xf32>
      %mul3A_719 = arith.constant 11.3137083 : f32
      %mul3A_720 = vector.broadcast %mul3A_719 : f32 to vector<16xf32>
      %mul3A_721 = arith.mulf %get3A_718, %mul3A_720 : vector<16xf32>
      %swap3A_722 = arith.constant 1 : i32
      %swap3A_723 = arith.index_cast %swap3A_722 : i32 to index
      %swap3A_724 = arith.index_cast %scan3A_680 : i32 to index
      %swap3A_725 = arith.constant 32 : index
      %swap3A_726 = tpu.vector_load %arg6[%swap3A_723, %swap3A_724, %swap3A_725] {strides = array<i32>} : memref<2x256x128xf32, #tpu.memory_space<vmem>>, vector<1x1x16xf32>,
      %swap3A_727 = vector.shape_cast %swap3A_726 : vector<1x1x16xf32> to vector<16xf32>
      %swap3A_728 = vector.shape_cast %mul3A_721 : vector<16xf32> to vector<1x1x16xf32>
      tpu.vector_store %arg6[%swap3A_723, %swap3A_724, %swap3A_725], %swap3A_728 {strides = array<i32>} : memref<2x256x128xf32, #tpu.memory_space<vmem>>, vector<1x1x16xf32>,
      %get3A_729 = arith.constant 1 : i32
      %get3A_730 = arith.index_cast %get3A_729 : i32 to index
      %get3A_731 = arith.index_cast %scan3A_680 : i32 to index
      %get3A_732 = arith.constant 48 : index
      %get3A_733 = tpu.vector_load %arg6[%get3A_730, %get3A_731, %get3A_732] {strides = array<i32>} : memref<2x256x128xf32, #tpu.memory_space<vmem>>, vector<1x1x16xf32>,
      %get3A_734 = vector.shape_cast %get3A_733 : vector<1x1x16xf32> to vector<16xf32>
      %mul3A_735 = arith.constant 11.3137083 : f32
      %mul3A_736 = vector.broadcast %mul3A_735 : f32 to vector<16xf32>
      %mul3A_737 = arith.mulf %get3A_734, %mul3A_736 : vector<16xf32>
      %swap3A_738 = arith.constant 1 : i32
      %swap3A_739 = arith.index_cast %swap3A_738 : i32 to index
      %swap3A_740 = arith.index_cast %scan3A_680 : i32 to index
      %swap3A_741 = arith.constant 48 : index
      %swap3A_742 = tpu.vector_load %arg6[%swap3A_739, %swap3A_740, %swap3A_741] {strides = array<i32>} : memref<2x256x128xf32, #tpu.memory_space<vmem>>, vector<1x1x16xf32>,
      %swap3A_743 = vector.shape_cast %swap3A_742 : vector<1x1x16xf32> to vector<16xf32>
      %swap3A_744 = vector.shape_cast %mul3A_737 : vector<16xf32> to vector<1x1x16xf32>
      tpu.vector_store %arg6[%swap3A_739, %swap3A_740, %swap3A_741], %swap3A_744 {strides = array<i32>} : memref<2x256x128xf32, #tpu.memory_space<vmem>>, vector<1x1x16xf32>,
      %get3A_745 = arith.constant 1 : i32
      %get3A_746 = arith.index_cast %get3A_745 : i32 to index
      %get3A_747 = arith.index_cast %scan3A_680 : i32 to index
      %get3A_748 = arith.constant 64 : index
      %get3A_749 = tpu.vector_load %arg6[%get3A_746, %get3A_747, %get3A_748] {strides = array<i32>} : memref<2x256x128xf32, #tpu.memory_space<vmem>>, vector<1x1x16xf32>,
      %get3A_750 = vector.shape_cast %get3A_749 : vector<1x1x16xf32> to vector<16xf32>
      %mul3A_751 = arith.constant 11.3137083 : f32
      %mul3A_752 = vector.broadcast %mul3A_751 : f32 to vector<16xf32>
      %mul3A_753 = arith.mulf %get3A_750, %mul3A_752 : vector<16xf32>
      %swap3A_754 = arith.constant 1 : i32
      %swap3A_755 = arith.index_cast %swap3A_754 : i32 to index
      %swap3A_756 = arith.index_cast %scan3A_680 : i32 to index
      %swap3A_757 = arith.constant 64 : index
      %swap3A_758 = tpu.vector_load %arg6[%swap3A_755, %swap3A_756, %swap3A_757] {strides = array<i32>} : memref<2x256x128xf32, #tpu.memory_space<vmem>>, vector<1x1x16xf32>,
      %swap3A_759 = vector.shape_cast %swap3A_758 : vector<1x1x16xf32> to vector<16xf32>
      %swap3A_760 = vector.shape_cast %mul3A_753 : vector<16xf32> to vector<1x1x16xf32>
      tpu.vector_store %arg6[%swap3A_755, %swap3A_756, %swap3A_757], %swap3A_760 {strides = array<i32>} : memref<2x256x128xf32, #tpu.memory_space<vmem>>, vector<1x1x16xf32>,
      %get3A_761 = arith.constant 1 : i32
      %get3A_762 = arith.index_cast %get3A_761 : i32 to index
      %get3A_763 = arith.index_cast %scan3A_680 : i32 to index
      %get3A_764 = arith.constant 80 : index
      %get3A_765 = tpu.vector_load %arg6[%get3A_762, %get3A_763, %get3A_764] {strides = array<i32>} : memref<2x256x128xf32, #tpu.memory_space<vmem>>, vector<1x1x16xf32>,
      %get3A_766 = vector.shape_cast %get3A_765 : vector<1x1x16xf32> to vector<16xf32>
      %mul3A_767 = arith.constant 11.3137083 : f32
      %mul3A_768 = vector.broadcast %mul3A_767 : f32 to vector<16xf32>
      %mul3A_769 = arith.mulf %get3A_766, %mul3A_768 : vector<16xf32>
      %swap3A_770 = arith.constant 1 : i32
      %swap3A_771 = arith.index_cast %swap3A_770 : i32 to index
      %swap3A_772 = arith.index_cast %scan3A_680 : i32 to index
      %swap3A_773 = arith.constant 80 : index
      %swap3A_774 = tpu.vector_load %arg6[%swap3A_771, %swap3A_772, %swap3A_773] {strides = array<i32>} : memref<2x256x128xf32, #tpu.memory_space<vmem>>, vector<1x1x16xf32>,
      %swap3A_775 = vector.shape_cast %swap3A_774 : vector<1x1x16xf32> to vector<16xf32>
      %swap3A_776 = vector.shape_cast %mul3A_769 : vector<16xf32> to vector<1x1x16xf32>
      tpu.vector_store %arg6[%swap3A_771, %swap3A_772, %swap3A_773], %swap3A_776 {strides = array<i32>} : memref<2x256x128xf32, #tpu.memory_space<vmem>>, vector<1x1x16xf32>,
      %get3A_777 = arith.constant 1 : i32
      %get3A_778 = arith.index_cast %get3A_777 : i32 to index
      %get3A_779 = arith.index_cast %scan3A_680 : i32 to index
      %get3A_780 = arith.constant 96 : index
      %get3A_781 = tpu.vector_load %arg6[%get3A_778, %get3A_779, %get3A_780] {strides = array<i32>} : memref<2x256x128xf32, #tpu.memory_space<vmem>>, vector<1x1x16xf32>,
      %get3A_782 = vector.shape_cast %get3A_781 : vector<1x1x16xf32> to vector<16xf32>
      %mul3A_783 = arith.constant 11.3137083 : f32
      %mul3A_784 = vector.broadcast %mul3A_783 : f32 to vector<16xf32>
      %mul3A_785 = arith.mulf %get3A_782, %mul3A_784 : vector<16xf32>
      %swap3A_786 = arith.constant 1 : i32
      %swap3A_787 = arith.index_cast %swap3A_786 : i32 to index
      %swap3A_788 = arith.index_cast %scan3A_680 : i32 to index
      %swap3A_789 = arith.constant 96 : index
      %swap3A_790 = tpu.vector_load %arg6[%swap3A_787, %swap3A_788, %swap3A_789] {strides = array<i32>} : memref<2x256x128xf32, #tpu.memory_space<vmem>>, vector<1x1x16xf32>,
      %swap3A_791 = vector.shape_cast %swap3A_790 : vector<1x1x16xf32> to vector<16xf32>
      %swap3A_792 = vector.shape_cast %mul3A_785 : vector<16xf32> to vector<1x1x16xf32>
      tpu.vector_store %arg6[%swap3A_787, %swap3A_788, %swap3A_789], %swap3A_792 {strides = array<i32>} : memref<2x256x128xf32, #tpu.memory_space<vmem>>, vector<1x1x16xf32>,
      %get3A_793 = arith.constant 1 : i32
      %get3A_794 = arith.index_cast %get3A_793 : i32 to index
      %get3A_795 = arith.index_cast %scan3A_680 : i32 to index
      %get3A_796 = arith.constant 112 : index
      %get3A_797 = tpu.vector_load %arg6[%get3A_794, %get3A_795, %get3A_796] {strides = array<i32>} : memref<2x256x128xf32, #tpu.memory_space<vmem>>, vector<1x1x16xf32>,
      %get3A_798 = vector.shape_cast %get3A_797 : vector<1x1x16xf32> to vector<16xf32>
      %mul3A_799 = arith.constant 11.3137083 : f32
      %mul3A_800 = vector.broadcast %mul3A_799 : f32 to vector<16xf32>
      %mul3A_801 = arith.mulf %get3A_798, %mul3A_800 : vector<16xf32>
      %swap3A_802 = arith.constant 1 : i32
      %swap3A_803 = arith.index_cast %swap3A_802 : i32 to index
      %swap3A_804 = arith.index_cast %scan3A_680 : i32 to index
      %swap3A_805 = arith.constant 112 : index
      %swap3A_806 = tpu.vector_load %arg6[%swap3A_803, %swap3A_804, %swap3A_805] {strides = array<i32>} : memref<2x256x128xf32, #tpu.memory_space<vmem>>, vector<1x1x16xf32>,
      %swap3A_807 = vector.shape_cast %swap3A_806 : vector<1x1x16xf32> to vector<16xf32>
      %swap3A_808 = vector.shape_cast %mul3A_801 : vector<16xf32> to vector<1x1x16xf32>
      tpu.vector_store %arg6[%swap3A_803, %swap3A_804, %swap3A_805], %swap3A_808 {strides = array<i32>} : memref<2x256x128xf32, #tpu.memory_space<vmem>>, vector<1x1x16xf32>,
      %scan3A_809 = arith.constant 0 : i32
      %scan3A_810 = arith.constant 3 : i32
      %scan3A_811 = arith.addi %scan3A_419, %scan3A_810 : i32
      %get3A_812 = arith.constant 1 : i32
      %get3A_813 = arith.index_cast %get3A_812 : i32 to index
      %get3A_814 = arith.index_cast %scan3A_811 : i32 to index
      %get3A_815 = arith.constant 0 : index
      %get3A_816 = tpu.vector_load %arg6[%get3A_813, %get3A_814, %get3A_815] {strides = array<i32>} : memref<2x256x128xf32, #tpu.memory_space<vmem>>, vector<1x1x16xf32>,
      %get3A_817 = vector.shape_cast %get3A_816 : vector<1x1x16xf32> to vector<16xf32>
      %mul3A_818 = arith.constant 11.3137083 : f32
      %mul3A_819 = vector.broadcast %mul3A_818 : f32 to vector<16xf32>
      %mul3A_820 = arith.mulf %get3A_817, %mul3A_819 : vector<16xf32>
      %swap3A_821 = arith.constant 1 : i32
      %swap3A_822 = arith.index_cast %swap3A_821 : i32 to index
      %swap3A_823 = arith.index_cast %scan3A_811 : i32 to index
      %swap3A_824 = arith.constant 0 : index
      %swap3A_825 = tpu.vector_load %arg6[%swap3A_822, %swap3A_823, %swap3A_824] {strides = array<i32>} : memref<2x256x128xf32, #tpu.memory_space<vmem>>, vector<1x1x16xf32>,
      %swap3A_826 = vector.shape_cast %swap3A_825 : vector<1x1x16xf32> to vector<16xf32>
      %swap3A_827 = vector.shape_cast %mul3A_820 : vector<16xf32> to vector<1x1x16xf32>
      tpu.vector_store %arg6[%swap3A_822, %swap3A_823, %swap3A_824], %swap3A_827 {strides = array<i32>} : memref<2x256x128xf32, #tpu.memory_space<vmem>>, vector<1x1x16xf32>,
      %get3A_828 = arith.constant 1 : i32
      %get3A_829 = arith.index_cast %get3A_828 : i32 to index
      %get3A_830 = arith.index_cast %scan3A_811 : i32 to index
      %get3A_831 = arith.constant 16 : index
      %get3A_832 = tpu.vector_load %arg6[%get3A_829, %get3A_830, %get3A_831] {strides = array<i32>} : memref<2x256x128xf32, #tpu.memory_space<vmem>>, vector<1x1x16xf32>,
      %get3A_833 = vector.shape_cast %get3A_832 : vector<1x1x16xf32> to vector<16xf32>
      %mul3A_834 = arith.constant 11.3137083 : f32
      %mul3A_835 = vector.broadcast %mul3A_834 : f32 to vector<16xf32>
      %mul3A_836 = arith.mulf %get3A_833, %mul3A_835 : vector<16xf32>
      %swap3A_837 = arith.constant 1 : i32
      %swap3A_838 = arith.index_cast %swap3A_837 : i32 to index
      %swap3A_839 = arith.index_cast %scan3A_811 : i32 to index
      %swap3A_840 = arith.constant 16 : index
      %swap3A_841 = tpu.vector_load %arg6[%swap3A_838, %swap3A_839, %swap3A_840] {strides = array<i32>} : memref<2x256x128xf32, #tpu.memory_space<vmem>>, vector<1x1x16xf32>,
      %swap3A_842 = vector.shape_cast %swap3A_841 : vector<1x1x16xf32> to vector<16xf32>
      %swap3A_843 = vector.shape_cast %mul3A_836 : vector<16xf32> to vector<1x1x16xf32>
      tpu.vector_store %arg6[%swap3A_838, %swap3A_839, %swap3A_840], %swap3A_843 {strides = array<i32>} : memref<2x256x128xf32, #tpu.memory_space<vmem>>, vector<1x1x16xf32>,
      %get3A_844 = arith.constant 1 : i32
      %get3A_845 = arith.index_cast %get3A_844 : i32 to index
      %get3A_846 = arith.index_cast %scan3A_811 : i32 to index
      %get3A_847 = arith.constant 32 : index
      %get3A_848 = tpu.vector_load %arg6[%get3A_845, %get3A_846, %get3A_847] {strides = array<i32>} : memref<2x256x128xf32, #tpu.memory_space<vmem>>, vector<1x1x16xf32>,
      %get3A_849 = vector.shape_cast %get3A_848 : vector<1x1x16xf32> to vector<16xf32>
      %mul3A_850 = arith.constant 11.3137083 : f32
      %mul3A_851 = vector.broadcast %mul3A_850 : f32 to vector<16xf32>
      %mul3A_852 = arith.mulf %get3A_849, %mul3A_851 : vector<16xf32>
      %swap3A_853 = arith.constant 1 : i32
      %swap3A_854 = arith.index_cast %swap3A_853 : i32 to index
      %swap3A_855 = arith.index_cast %scan3A_811 : i32 to index
      %swap3A_856 = arith.constant 32 : index
      %swap3A_857 = tpu.vector_load %arg6[%swap3A_854, %swap3A_855, %swap3A_856] {strides = array<i32>} : memref<2x256x128xf32, #tpu.memory_space<vmem>>, vector<1x1x16xf32>,
      %swap3A_858 = vector.shape_cast %swap3A_857 : vector<1x1x16xf32> to vector<16xf32>
      %swap3A_859 = vector.shape_cast %mul3A_852 : vector<16xf32> to vector<1x1x16xf32>
      tpu.vector_store %arg6[%swap3A_854, %swap3A_855, %swap3A_856], %swap3A_859 {strides = array<i32>} : memref<2x256x128xf32, #tpu.memory_space<vmem>>, vector<1x1x16xf32>,
      %get3A_860 = arith.constant 1 : i32
      %get3A_861 = arith.index_cast %get3A_860 : i32 to index
      %get3A_862 = arith.index_cast %scan3A_811 : i32 to index
      %get3A_863 = arith.constant 48 : index
      %get3A_864 = tpu.vector_load %arg6[%get3A_861, %get3A_862, %get3A_863] {strides = array<i32>} : memref<2x256x128xf32, #tpu.memory_space<vmem>>, vector<1x1x16xf32>,
      %get3A_865 = vector.shape_cast %get3A_864 : vector<1x1x16xf32> to vector<16xf32>
      %mul3A_866 = arith.constant 11.3137083 : f32
      %mul3A_867 = vector.broadcast %mul3A_866 : f32 to vector<16xf32>
      %mul3A_868 = arith.mulf %get3A_865, %mul3A_867 : vector<16xf32>
      %swap3A_869 = arith.constant 1 : i32
      %swap3A_870 = arith.index_cast %swap3A_869 : i32 to index
      %swap3A_871 = arith.index_cast %scan3A_811 : i32 to index
      %swap3A_872 = arith.constant 48 : index
      %swap3A_873 = tpu.vector_load %arg6[%swap3A_870, %swap3A_871, %swap3A_872] {strides = array<i32>} : memref<2x256x128xf32, #tpu.memory_space<vmem>>, vector<1x1x16xf32>,
      %swap3A_874 = vector.shape_cast %swap3A_873 : vector<1x1x16xf32> to vector<16xf32>
      %swap3A_875 = vector.shape_cast %mul3A_868 : vector<16xf32> to vector<1x1x16xf32>
      tpu.vector_store %arg6[%swap3A_870, %swap3A_871, %swap3A_872], %swap3A_875 {strides = array<i32>} : memref<2x256x128xf32, #tpu.memory_space<vmem>>, vector<1x1x16xf32>,
      %get3A_876 = arith.constant 1 : i32
      %get3A_877 = arith.index_cast %get3A_876 : i32 to index
      %get3A_878 = arith.index_cast %scan3A_811 : i32 to index
      %get3A_879 = arith.constant 64 : index
      %get3A_880 = tpu.vector_load %arg6[%get3A_877, %get3A_878, %get3A_879] {strides = array<i32>} : memref<2x256x128xf32, #tpu.memory_space<vmem>>, vector<1x1x16xf32>,
      %get3A_881 = vector.shape_cast %get3A_880 : vector<1x1x16xf32> to vector<16xf32>
      %mul3A_882 = arith.constant 11.3137083 : f32
      %mul3A_883 = vector.broadcast %mul3A_882 : f32 to vector<16xf32>
      %mul3A_884 = arith.mulf %get3A_881, %mul3A_883 : vector<16xf32>
      %swap3A_885 = arith.constant 1 : i32
      %swap3A_886 = arith.index_cast %swap3A_885 : i32 to index
      %swap3A_887 = arith.index_cast %scan3A_811 : i32 to index
      %swap3A_888 = arith.constant 64 : index
      %swap3A_889 = tpu.vector_load %arg6[%swap3A_886, %swap3A_887, %swap3A_888] {strides = array<i32>} : memref<2x256x128xf32, #tpu.memory_space<vmem>>, vector<1x1x16xf32>,
      %swap3A_890 = vector.shape_cast %swap3A_889 : vector<1x1x16xf32> to vector<16xf32>
      %swap3A_891 = vector.shape_cast %mul3A_884 : vector<16xf32> to vector<1x1x16xf32>
      tpu.vector_store %arg6[%swap3A_886, %swap3A_887, %swap3A_888], %swap3A_891 {strides = array<i32>} : memref<2x256x128xf32, #tpu.memory_space<vmem>>, vector<1x1x16xf32>,
      %get3A_892 = arith.constant 1 : i32
      %get3A_893 = arith.index_cast %get3A_892 : i32 to index
      %get3A_894 = arith.index_cast %scan3A_811 : i32 to index
      %get3A_895 = arith.constant 80 : index
      %get3A_896 = tpu.vector_load %arg6[%get3A_893, %get3A_894, %get3A_895] {strides = array<i32>} : memref<2x256x128xf32, #tpu.memory_space<vmem>>, vector<1x1x16xf32>,
      %get3A_897 = vector.shape_cast %get3A_896 : vector<1x1x16xf32> to vector<16xf32>
      %mul3A_898 = arith.constant 11.3137083 : f32
      %mul3A_899 = vector.broadcast %mul3A_898 : f32 to vector<16xf32>
      %mul3A_900 = arith.mulf %get3A_897, %mul3A_899 : vector<16xf32>
      %swap3A_901 = arith.constant 1 : i32
      %swap3A_902 = arith.index_cast %swap3A_901 : i32 to index
      %swap3A_903 = arith.index_cast %scan3A_811 : i32 to index
      %swap3A_904 = arith.constant 80 : index
      %swap3A_905 = tpu.vector_load %arg6[%swap3A_902, %swap3A_903, %swap3A_904] {strides = array<i32>} : memref<2x256x128xf32, #tpu.memory_space<vmem>>, vector<1x1x16xf32>,
      %swap3A_906 = vector.shape_cast %swap3A_905 : vector<1x1x16xf32> to vector<16xf32>
      %swap3A_907 = vector.shape_cast %mul3A_900 : vector<16xf32> to vector<1x1x16xf32>
      tpu.vector_store %arg6[%swap3A_902, %swap3A_903, %swap3A_904], %swap3A_907 {strides = array<i32>} : memref<2x256x128xf32, #tpu.memory_space<vmem>>, vector<1x1x16xf32>,
      %get3A_908 = arith.constant 1 : i32
      %get3A_909 = arith.index_cast %get3A_908 : i32 to index
      %get3A_910 = arith.index_cast %scan3A_811 : i32 to index
      %get3A_911 = arith.constant 96 : index
      %get3A_912 = tpu.vector_load %arg6[%get3A_909, %get3A_910, %get3A_911] {strides = array<i32>} : memref<2x256x128xf32, #tpu.memory_space<vmem>>, vector<1x1x16xf32>,
      %get3A_913 = vector.shape_cast %get3A_912 : vector<1x1x16xf32> to vector<16xf32>
      %mul3A_914 = arith.constant 11.3137083 : f32
      %mul3A_915 = vector.broadcast %mul3A_914 : f32 to vector<16xf32>
      %mul3A_916 = arith.mulf %get3A_913, %mul3A_915 : vector<16xf32>
      %swap3A_917 = arith.constant 1 : i32
      %swap3A_918 = arith.index_cast %swap3A_917 : i32 to index
      %swap3A_919 = arith.index_cast %scan3A_811 : i32 to index
      %swap3A_920 = arith.constant 96 : index
      %swap3A_921 = tpu.vector_load %arg6[%swap3A_918, %swap3A_919, %swap3A_920] {strides = array<i32>} : memref<2x256x128xf32, #tpu.memory_space<vmem>>, vector<1x1x16xf32>,
      %swap3A_922 = vector.shape_cast %swap3A_921 : vector<1x1x16xf32> to vector<16xf32>
      %swap3A_923 = vector.shape_cast %mul3A_916 : vector<16xf32> to vector<1x1x16xf32>
      tpu.vector_store %arg6[%swap3A_918, %swap3A_919, %swap3A_920], %swap3A_923 {strides = array<i32>} : memref<2x256x128xf32, #tpu.memory_space<vmem>>, vector<1x1x16xf32>,
      %get3A_924 = arith.constant 1 : i32
      %get3A_925 = arith.index_cast %get3A_924 : i32 to index
      %get3A_926 = arith.index_cast %scan3A_811 : i32 to index
      %get3A_927 = arith.constant 112 : index
      %get3A_928 = tpu.vector_load %arg6[%get3A_925, %get3A_926, %get3A_927] {strides = array<i32>} : memref<2x256x128xf32, #tpu.memory_space<vmem>>, vector<1x1x16xf32>,
      %get3A_929 = vector.shape_cast %get3A_928 : vector<1x1x16xf32> to vector<16xf32>
      %mul3A_930 = arith.constant 11.3137083 : f32
      %mul3A_931 = vector.broadcast %mul3A_930 : f32 to vector<16xf32>
      %mul3A_932 = arith.mulf %get3A_929, %mul3A_931 : vector<16xf32>
      %swap3A_933 = arith.constant 1 : i32
      %swap3A_934 = arith.index_cast %swap3A_933 : i32 to index
      %swap3A_935 = arith.index_cast %scan3A_811 : i32 to index
      %swap3A_936 = arith.constant 112 : index
      %swap3A_937 = tpu.vector_load %arg6[%swap3A_934, %swap3A_935, %swap3A_936] {strides = array<i32>} : memref<2x256x128xf32, #tpu.memory_space<vmem>>, vector<1x1x16xf32>,
      %swap3A_938 = vector.shape_cast %swap3A_937 : vector<1x1x16xf32> to vector<16xf32>
      %swap3A_939 = vector.shape_cast %mul3A_932 : vector<16xf32> to vector<1x1x16xf32>
      tpu.vector_store %arg6[%swap3A_934, %swap3A_935, %swap3A_936], %swap3A_939 {strides = array<i32>} : memref<2x256x128xf32, #tpu.memory_space<vmem>>, vector<1x1x16xf32>,
      %scan3A_940 = arith.constant 0 : i32
      scf.yield %scan3A_940 : i32
    }
    %scan3A_199 = arith.constant 256 : i32
    %add3A_200 = arith.constant 256 : i32
    %add3A_201 = arith.addi %mul3A_2, %add3A_200 : i32
    %dma_start3A_202 = arith.constant 1 : i32
    %dma_start3A_203 = arith.constant 1 : i32
    %dma_start3A_204 = arith.constant 0 : i32
    %dma_start3A_205 = arith.constant 0 : i32
    %dma_start3A_206 = tpu.memref_slice %arg6[%dma_start3A_202, %dma_start3A_204, %dma_start3A_205] : memref<2x256x128xf32, #tpu.memory_space<vmem>> -> memref<1x256x128xf32, #tpu.memory_space<vmem>>
    %dma_start3A_207 = tpu.memref_squeeze %dma_start3A_206 : memref<1x256x128xf32, #tpu.memory_space<vmem>> -> memref<256x128xf32, #tpu.memory_space<vmem>>
    %dma_start3A_208 = arith.constant 0 : i32
    %dma_start3A_209 = tpu.memref_slice %arg4[%add3A_201, %dma_start3A_208] : memref<819200x128xf32, #tpu.memory_space<hbm>> -> memref<256x128xf32, #tpu.memory_space<hbm>>
    %dma_start3A_210 = tpu.memref_slice %arg8[%dma_start3A_203] : memref<2x!tpu.dma_semaphore, #tpu.memory_space<semaphore_mem>> -> memref<1x!tpu.dma_semaphore, #tpu.memory_space<semaphore_mem>>
    %dma_start3A_211 = tpu.memref_squeeze %dma_start3A_210 : memref<1x!tpu.dma_semaphore, #tpu.memory_space<semaphore_mem>> -> memref<!tpu.dma_semaphore, #tpu.memory_space<semaphore_mem>>
    %dma_start3A_212 = arith.constant 0 : i32
    %dma_start3A_213 = tpu.memref_slice %arg4[%add3A_201, %dma_start3A_212] : memref<819200x128xf32, #tpu.memory_space<hbm>> -> memref<256x128xf32, #tpu.memory_space<hbm>>
    %dma_start3A_214 = arith.constant 0 : i32
    %dma_start3A_215 = arith.constant 0 : i32
    %dma_start3A_216 = tpu.memref_slice %arg6[%dma_start3A_202, %dma_start3A_214, %dma_start3A_215] : memref<2x256x128xf32, #tpu.memory_space<vmem>> -> memref<1x256x128xf32, #tpu.memory_space<vmem>>
    %dma_start3A_217 = tpu.memref_squeeze %dma_start3A_216 : memref<1x256x128xf32, #tpu.memory_space<vmem>> -> memref<256x128xf32, #tpu.memory_space<vmem>>
    tpu.enqueue_dma source(%dma_start3A_217 : memref<256x128xf32, #tpu.memory_space<vmem>>) target(%dma_start3A_213 : memref<256x128xf32, #tpu.memory_space<hbm>>) target_semaphore(%dma_start3A_211 : memref<!tpu.dma_semaphore, #tpu.memory_space<semaphore_mem>>)
    %scan3A_218 = arith.constant 0 : i32
    %scan3A_219 = arith.constant 1 : i32
    %scan3A_220 = arith.constant 48 : i32
    %scan3A_221 = arith.addi %scan3A_219, %scan3A_220 : i32
    %scan3A_222 = arith.constant 1 : i32
    %scan3A_223 = scf.for %scan3A_419 = %scan3A_219 to %scan3A_221 step %scan3A_222 iter_args(%scan3A_420 = %scan3A_218) -> (i32)  : i32 {
      %mul3A_421 = arith.constant 2 : i32
      %mul3A_422 = arith.muli %scan3A_419, %mul3A_421 : i32
      %mul3A_423 = arith.constant 2 : i32
      %mul3A_424 = arith.muli %mul3A_423, %mul3A_422 : i32
      %add3A_425 = arith.constant 0 : i32
      %add3A_426 = arith.addi %mul3A_424, %add3A_425 : i32
      %dma_wait3A_427 = arith.constant 0 : i32
      %dma_wait3A_428 = arith.constant 0 : i32
      %dma_wait3A_429 = arith.constant 0 : i32
      %dma_wait3A_430 = arith.constant 0 : i32
      %dma_wait3A_431 = tpu.memref_slice %arg6[%dma_wait3A_427, %dma_wait3A_429, %dma_wait3A_430] : memref<2x256x128xf32, #tpu.memory_space<vmem>> -> memref<1x128x128xf32, #tpu.memory_space<vmem>>
      %dma_wait3A_432 = tpu.memref_squeeze %dma_wait3A_431 : memref<1x128x128xf32, #tpu.memory_space<vmem>> -> memref<128x128xf32, #tpu.memory_space<vmem>>
      %dma_wait3A_433 = arith.constant 0 : i32
      %dma_wait3A_434 = tpu.memref_slice %arg5[%add3A_426, %dma_wait3A_433] : memref<200x128xi32, #tpu.memory_space<vmem>> -> memref<1x128xi32, #tpu.memory_space<vmem>>
      %dma_wait3A_435 = tpu.memref_squeeze %dma_wait3A_434 : memref<1x128xi32, #tpu.memory_space<vmem>> -> memref<128xi32, #tpu.memory_space<vmem>>
      %dma_wait3A_436 = arith.constant 0 : i32
      %dma_wait3A_437 = arith.constant 0 : i32
      %dma_wait3A_438 = tpu.memref_slice %arg3[%dma_wait3A_436, %dma_wait3A_437] : memref<100000x128xf32, #tpu.memory_space<hbm>> -> memref<100000x128xf32, #tpu.memory_space<hbm>>
      %dma_wait3A_439 = tpu.memref_slice %arg7[%dma_wait3A_428] : memref<2x!tpu.dma_semaphore, #tpu.memory_space<semaphore_mem>> -> memref<1x!tpu.dma_semaphore, #tpu.memory_space<semaphore_mem>>
      %dma_wait3A_440 = tpu.memref_squeeze %dma_wait3A_439 : memref<1x!tpu.dma_semaphore, #tpu.memory_space<semaphore_mem>> -> memref<!tpu.dma_semaphore, #tpu.memory_space<semaphore_mem>>
      tpu.wait_indirect_dma semaphore(%dma_wait3A_440 : memref<!tpu.dma_semaphore, #tpu.memory_space<semaphore_mem>>) src(%dma_wait3A_438 : memref<100000x128xf32, #tpu.memory_space<hbm>>) dst(%dma_wait3A_432 : memref<128x128xf32, #tpu.memory_space<vmem>>)
      %mul3A_441 = arith.constant 2 : i32
      %mul3A_442 = arith.muli %mul3A_441, %mul3A_422 : i32
      %add3A_443 = arith.constant 1 : i32
      %add3A_444 = arith.addi %mul3A_442, %add3A_443 : i32
      %dma_wait3A_445 = arith.constant 0 : i32
      %dma_wait3A_446 = arith.constant 0 : i32
      %dma_wait3A_447 = arith.constant 128 : i32
      %dma_wait3A_448 = arith.constant 0 : i32
      %dma_wait3A_449 = tpu.memref_slice %arg6[%dma_wait3A_445, %dma_wait3A_447, %dma_wait3A_448] : memref<2x256x128xf32, #tpu.memory_space<vmem>> -> memref<1x128x128xf32, #tpu.memory_space<vmem>>
      %dma_wait3A_450 = tpu.memref_squeeze %dma_wait3A_449 : memref<1x128x128xf32, #tpu.memory_space<vmem>> -> memref<128x128xf32, #tpu.memory_space<vmem>>
      %dma_wait3A_451 = arith.constant 0 : i32
      %dma_wait3A_452 = tpu.memref_slice %arg5[%add3A_444, %dma_wait3A_451] : memref<200x128xi32, #tpu.memory_space<vmem>> -> memref<1x128xi32, #tpu.memory_space<vmem>>
      %dma_wait3A_453 = tpu.memref_squeeze %dma_wait3A_452 : memref<1x128xi32, #tpu.memory_space<vmem>> -> memref<128xi32, #tpu.memory_space<vmem>>
      %dma_wait3A_454 = arith.constant 0 : i32
      %dma_wait3A_455 = arith.constant 0 : i32
      %dma_wait3A_456 = tpu.memref_slice %arg3[%dma_wait3A_454, %dma_wait3A_455] : memref<100000x128xf32, #tpu.memory_space<hbm>> -> memref<100000x128xf32, #tpu.memory_space<hbm>>
      %dma_wait3A_457 = tpu.memref_slice %arg7[%dma_wait3A_446] : memref<2x!tpu.dma_semaphore, #tpu.memory_space<semaphore_mem>> -> memref<1x!tpu.dma_semaphore, #tpu.memory_space<semaphore_mem>>
      %dma_wait3A_458 = tpu.memref_squeeze %dma_wait3A_457 : memref<1x!tpu.dma_semaphore, #tpu.memory_space<semaphore_mem>> -> memref<!tpu.dma_semaphore, #tpu.memory_space<semaphore_mem>>
      tpu.wait_indirect_dma semaphore(%dma_wait3A_458 : memref<!tpu.dma_semaphore, #tpu.memory_space<semaphore_mem>>) src(%dma_wait3A_456 : memref<100000x128xf32, #tpu.memory_space<hbm>>) dst(%dma_wait3A_450 : memref<128x128xf32, #tpu.memory_space<vmem>>)
      %sub3A = arith.constant 1 : i32
      %sub3A_459 = arith.subi %mul3A_422, %sub3A : i32
      %mul3A_460 = arith.constant 256 : i32
      %mul3A_461 = arith.muli %sub3A_459, %mul3A_460 : i32
      %add3A_462 = arith.addi %mul3A_2, %mul3A_461 : i32
      %dma_wait3A_463 = arith.constant 1 : i32
      %dma_wait3A_464 = arith.constant 1 : i32
      %dma_wait3A_465 = arith.constant 0 : i32
      %dma_wait3A_466 = arith.constant 0 : i32
      %dma_wait3A_467 = tpu.memref_slice %arg6[%dma_wait3A_463, %dma_wait3A_465, %dma_wait3A_466] : memref<2x256x128xf32, #tpu.memory_space<vmem>> -> memref<1x256x128xf32, #tpu.memory_space<vmem>>
      %dma_wait3A_468 = tpu.memref_squeeze %dma_wait3A_467 : memref<1x256x128xf32, #tpu.memory_space<vmem>> -> memref<256x128xf32, #tpu.memory_space<vmem>>
      %dma_wait3A_469 = arith.constant 0 : i32
      %dma_wait3A_470 = tpu.memref_slice %arg4[%add3A_462, %dma_wait3A_469] : memref<819200x128xf32, #tpu.memory_space<hbm>> -> memref<256x128xf32, #tpu.memory_space<hbm>>
      %dma_wait3A_471 = tpu.memref_slice %arg8[%dma_wait3A_464] : memref<2x!tpu.dma_semaphore, #tpu.memory_space<semaphore_mem>> -> memref<1x!tpu.dma_semaphore, #tpu.memory_space<semaphore_mem>>
      %dma_wait3A_472 = tpu.memref_squeeze %dma_wait3A_471 : memref<1x!tpu.dma_semaphore, #tpu.memory_space<semaphore_mem>> -> memref<!tpu.dma_semaphore, #tpu.memory_space<semaphore_mem>>
      %dma_wait3A_473 = arith.constant 0 : i32
      %dma_wait3A_474 = tpu.memref_slice %arg4[%add3A_462, %dma_wait3A_473] : memref<819200x128xf32, #tpu.memory_space<hbm>> -> memref<256x128xf32, #tpu.memory_space<hbm>>
      %dma_wait3A_475 = arith.constant 0 : i32
      %dma_wait3A_476 = arith.constant 0 : i32
      %dma_wait3A_477 = tpu.memref_slice %arg6[%dma_wait3A_463, %dma_wait3A_475, %dma_wait3A_476] : memref<2x256x128xf32, #tpu.memory_space<vmem>> -> memref<1x256x128xf32, #tpu.memory_space<vmem>>
      %dma_wait3A_478 = tpu.memref_squeeze %dma_wait3A_477 : memref<1x256x128xf32, #tpu.memory_space<vmem>> -> memref<256x128xf32, #tpu.memory_space<vmem>>
      tpu.wait_dma2 semaphore(%dma_wait3A_472 : memref<!tpu.dma_semaphore, #tpu.memory_space<semaphore_mem>>) src(%dma_wait3A_478 : memref<256x128xf32, #tpu.memory_space<vmem>>) dst(%dma_wait3A_474 : memref<256x128xf32, #tpu.memory_space<hbm>>)
      %add3A_479 = arith.constant 1 : i32
      %add3A_480 = arith.addi %mul3A_422, %add3A_479 : i32
      %mul3A_481 = arith.constant 2 : i32
      %mul3A_482 = arith.muli %mul3A_481, %add3A_480 : i32
      %add3A_483 = arith.constant 0 : i32
      %add3A_484 = arith.addi %mul3A_482, %add3A_483 : i32
      %dma_start3A_485 = arith.constant 1 : i32
      %dma_start3A_486 = arith.constant 1 : i32
      %dma_start3A_487 = arith.constant 0 : i32
      %dma_start3A_488 = arith.constant 0 : i32
      %dma_start3A_489 = tpu.memref_slice %arg6[%dma_start3A_485, %dma_start3A_487, %dma_start3A_488] : memref<2x256x128xf32, #tpu.memory_space<vmem>> -> memref<1x128x128xf32, #tpu.memory_space<vmem>>
      %dma_start3A_490 = tpu.memref_squeeze %dma_start3A_489 : memref<1x128x128xf32, #tpu.memory_space<vmem>> -> memref<128x128xf32, #tpu.memory_space<vmem>>
      %dma_start3A_491 = arith.constant 0 : i32
      %dma_start3A_492 = tpu.memref_slice %arg5[%add3A_484, %dma_start3A_491] : memref<200x128xi32, #tpu.memory_space<vmem>> -> memref<1x128xi32, #tpu.memory_space<vmem>>
      %dma_start3A_493 = tpu.memref_squeeze %dma_start3A_492 : memref<1x128xi32, #tpu.memory_space<vmem>> -> memref<128xi32, #tpu.memory_space<vmem>>
      %dma_start3A_494 = arith.constant 0 : i32
      %dma_start3A_495 = arith.constant 0 : i32
      %dma_start3A_496 = tpu.memref_slice %arg3[%dma_start3A_494, %dma_start3A_495] : memref<100000x128xf32, #tpu.memory_space<hbm>> -> memref<100000x128xf32, #tpu.memory_space<hbm>>
      %dma_start3A_497 = tpu.memref_slice %arg7[%dma_start3A_486] : memref<2x!tpu.dma_semaphore, #tpu.memory_space<semaphore_mem>> -> memref<1x!tpu.dma_semaphore, #tpu.memory_space<semaphore_mem>>
      %dma_start3A_498 = tpu.memref_squeeze %dma_start3A_497 : memref<1x!tpu.dma_semaphore, #tpu.memory_space<semaphore_mem>> -> memref<!tpu.dma_semaphore, #tpu.memory_space<semaphore_mem>>
      tpu.enqueue_indirect_dma source(%dma_start3A_496 : memref<100000x128xf32, #tpu.memory_space<hbm>>) target(%dma_start3A_490 : memref<128x128xf32, #tpu.memory_space<vmem>>) offsets(%dma_start3A_493 : memref<128xi32, #tpu.memory_space<vmem>>) semaphore(%dma_start3A_498 : memref<!tpu.dma_semaphore, #tpu.memory_space<semaphore_mem>>)
      %mul3A_499 = arith.constant 2 : i32
      %mul3A_500 = arith.muli %mul3A_499, %add3A_480 : i32
      %add3A_501 = arith.constant 1 : i32
      %add3A_502 = arith.addi %mul3A_500, %add3A_501 : i32
      %dma_start3A_503 = arith.constant 1 : i32
      %dma_start3A_504 = arith.constant 1 : i32
      %dma_start3A_505 = arith.constant 128 : i32
      %dma_start3A_506 = arith.constant 0 : i32
      %dma_start3A_507 = tpu.memref_slice %arg6[%dma_start3A_503, %dma_start3A_505, %dma_start3A_506] : memref<2x256x128xf32, #tpu.memory_space<vmem>> -> memref<1x128x128xf32, #tpu.memory_space<vmem>>
      %dma_start3A_508 = tpu.memref_squeeze %dma_start3A_507 : memref<1x128x128xf32, #tpu.memory_space<vmem>> -> memref<128x128xf32, #tpu.memory_space<vmem>>
      %dma_start3A_509 = arith.constant 0 : i32
      %dma_start3A_510 = tpu.memref_slice %arg5[%add3A_502, %dma_start3A_509] : memref<200x128xi32, #tpu.memory_space<vmem>> -> memref<1x128xi32, #tpu.memory_space<vmem>>
      %dma_start3A_511 = tpu.memref_squeeze %dma_start3A_510 : memref<1x128xi32, #tpu.memory_space<vmem>> -> memref<128xi32, #tpu.memory_space<vmem>>
      %dma_start3A_512 = arith.constant 0 : i32
      %dma_start3A_513 = arith.constant 0 : i32
      %dma_start3A_514 = tpu.memref_slice %arg3[%dma_start3A_512, %dma_start3A_513] : memref<100000x128xf32, #tpu.memory_space<hbm>> -> memref<100000x128xf32, #tpu.memory_space<hbm>>
      %dma_start3A_515 = tpu.memref_slice %arg7[%dma_start3A_504] : memref<2x!tpu.dma_semaphore, #tpu.memory_space<semaphore_mem>> -> memref<1x!tpu.dma_semaphore, #tpu.memory_space<semaphore_mem>>
      %dma_start3A_516 = tpu.memref_squeeze %dma_start3A_515 : memref<1x!tpu.dma_semaphore, #tpu.memory_space<semaphore_mem>> -> memref<!tpu.dma_semaphore, #tpu.memory_space<semaphore_mem>>
      tpu.enqueue_indirect_dma source(%dma_start3A_514 : memref<100000x128xf32, #tpu.memory_space<hbm>>) target(%dma_start3A_508 : memref<128x128xf32, #tpu.memory_space<vmem>>) offsets(%dma_start3A_511 : memref<128xi32, #tpu.memory_space<vmem>>) semaphore(%dma_start3A_516 : memref<!tpu.dma_semaphore, #tpu.memory_space<semaphore_mem>>)
      %scan3A_517 = arith.constant 0 : i32
      %scan3A_518 = arith.constant 0 : i32
      %scan3A_519 = arith.constant 256 : i32
      %scan3A_520 = arith.addi %scan3A_518, %scan3A_519 : i32
      %scan3A_521 = arith.constant 4 : i32
      %scan3A_522 = scf.for %scan3A_667 = %scan3A_518 to %scan3A_520 step %scan3A_521 iter_args(%scan3A_668 = %scan3A_517) -> (i32)  : i32 {
        %get3A = arith.constant 0 : i32
        %get3A_669 = arith.index_cast %get3A : i32 to index
        %get3A_670 = arith.index_cast %scan3A_667 : i32 to index
        %get3A_671 = arith.constant 0 : index
        %get3A_672 = tpu.vector_load %arg6[%get3A_669, %get3A_670, %get3A_671] {strides = array<i32>} : memref<2x256x128xf32, #tpu.memory_space<vmem>>, vector<1x1x16xf32>,
        %get3A_673 = vector.shape_cast %get3A_672 : vector<1x1x16xf32> to vector<16xf32>
        %mul3A_674 = arith.constant 11.3137083 : f32
        %mul3A_675 = vector.broadcast %mul3A_674 : f32 to vector<16xf32>
        %mul3A_676 = arith.mulf %get3A_673, %mul3A_675 : vector<16xf32>
        %swap3A = arith.constant 0 : i32
        %swap3A_677 = arith.index_cast %swap3A : i32 to index
        %swap3A_678 = arith.index_cast %scan3A_667 : i32 to index
        %swap3A_679 = arith.constant 0 : index
        %swap3A_680 = tpu.vector_load %arg6[%swap3A_677, %swap3A_678, %swap3A_679] {strides = array<i32>} : memref<2x256x128xf32, #tpu.memory_space<vmem>>, vector<1x1x16xf32>,
        %swap3A_681 = vector.shape_cast %swap3A_680 : vector<1x1x16xf32> to vector<16xf32>
        %swap3A_682 = vector.shape_cast %mul3A_676 : vector<16xf32> to vector<1x1x16xf32>
        tpu.vector_store %arg6[%swap3A_677, %swap3A_678, %swap3A_679], %swap3A_682 {strides = array<i32>} : memref<2x256x128xf32, #tpu.memory_space<vmem>>, vector<1x1x16xf32>,
        %get3A_683 = arith.constant 0 : i32
        %get3A_684 = arith.index_cast %get3A_683 : i32 to index
        %get3A_685 = arith.index_cast %scan3A_667 : i32 to index
        %get3A_686 = arith.constant 16 : index
        %get3A_687 = tpu.vector_load %arg6[%get3A_684, %get3A_685, %get3A_686] {strides = array<i32>} : memref<2x256x128xf32, #tpu.memory_space<vmem>>, vector<1x1x16xf32>,
        %get3A_688 = vector.shape_cast %get3A_687 : vector<1x1x16xf32> to vector<16xf32>
        %mul3A_689 = arith.constant 11.3137083 : f32
        %mul3A_690 = vector.broadcast %mul3A_689 : f32 to vector<16xf32>
        %mul3A_691 = arith.mulf %get3A_688, %mul3A_690 : vector<16xf32>
        %swap3A_692 = arith.constant 0 : i32
        %swap3A_693 = arith.index_cast %swap3A_692 : i32 to index
        %swap3A_694 = arith.index_cast %scan3A_667 : i32 to index
        %swap3A_695 = arith.constant 16 : index
        %swap3A_696 = tpu.vector_load %arg6[%swap3A_693, %swap3A_694, %swap3A_695] {strides = array<i32>} : memref<2x256x128xf32, #tpu.memory_space<vmem>>, vector<1x1x16xf32>,
        %swap3A_697 = vector.shape_cast %swap3A_696 : vector<1x1x16xf32> to vector<16xf32>
        %swap3A_698 = vector.shape_cast %mul3A_691 : vector<16xf32> to vector<1x1x16xf32>
        tpu.vector_store %arg6[%swap3A_693, %swap3A_694, %swap3A_695], %swap3A_698 {strides = array<i32>} : memref<2x256x128xf32, #tpu.memory_space<vmem>>, vector<1x1x16xf32>,
        %get3A_699 = arith.constant 0 : i32
        %get3A_700 = arith.index_cast %get3A_699 : i32 to index
        %get3A_701 = arith.index_cast %scan3A_667 : i32 to index
        %get3A_702 = arith.constant 32 : index
        %get3A_703 = tpu.vector_load %arg6[%get3A_700, %get3A_701, %get3A_702] {strides = array<i32>} : memref<2x256x128xf32, #tpu.memory_space<vmem>>, vector<1x1x16xf32>,
        %get3A_704 = vector.shape_cast %get3A_703 : vector<1x1x16xf32> to vector<16xf32>
        %mul3A_705 = arith.constant 11.3137083 : f32
        %mul3A_706 = vector.broadcast %mul3A_705 : f32 to vector<16xf32>
        %mul3A_707 = arith.mulf %get3A_704, %mul3A_706 : vector<16xf32>
        %swap3A_708 = arith.constant 0 : i32
        %swap3A_709 = arith.index_cast %swap3A_708 : i32 to index
        %swap3A_710 = arith.index_cast %scan3A_667 : i32 to index
        %swap3A_711 = arith.constant 32 : index
        %swap3A_712 = tpu.vector_load %arg6[%swap3A_709, %swap3A_710, %swap3A_711] {strides = array<i32>} : memref<2x256x128xf32, #tpu.memory_space<vmem>>, vector<1x1x16xf32>,
        %swap3A_713 = vector.shape_cast %swap3A_712 : vector<1x1x16xf32> to vector<16xf32>
        %swap3A_714 = vector.shape_cast %mul3A_707 : vector<16xf32> to vector<1x1x16xf32>
        tpu.vector_store %arg6[%swap3A_709, %swap3A_710, %swap3A_711], %swap3A_714 {strides = array<i32>} : memref<2x256x128xf32, #tpu.memory_space<vmem>>, vector<1x1x16xf32>,
        %get3A_715 = arith.constant 0 : i32
        %get3A_716 = arith.index_cast %get3A_715 : i32 to index
        %get3A_717 = arith.index_cast %scan3A_667 : i32 to index
        %get3A_718 = arith.constant 48 : index
        %get3A_719 = tpu.vector_load %arg6[%get3A_716, %get3A_717, %get3A_718] {strides = array<i32>} : memref<2x256x128xf32, #tpu.memory_space<vmem>>, vector<1x1x16xf32>,
        %get3A_720 = vector.shape_cast %get3A_719 : vector<1x1x16xf32> to vector<16xf32>
        %mul3A_721 = arith.constant 11.3137083 : f32
        %mul3A_722 = vector.broadcast %mul3A_721 : f32 to vector<16xf32>
        %mul3A_723 = arith.mulf %get3A_720, %mul3A_722 : vector<16xf32>
        %swap3A_724 = arith.constant 0 : i32
        %swap3A_725 = arith.index_cast %swap3A_724 : i32 to index
        %swap3A_726 = arith.index_cast %scan3A_667 : i32 to index
        %swap3A_727 = arith.constant 48 : index
        %swap3A_728 = tpu.vector_load %arg6[%swap3A_725, %swap3A_726, %swap3A_727] {strides = array<i32>} : memref<2x256x128xf32, #tpu.memory_space<vmem>>, vector<1x1x16xf32>,
        %swap3A_729 = vector.shape_cast %swap3A_728 : vector<1x1x16xf32> to vector<16xf32>
        %swap3A_730 = vector.shape_cast %mul3A_723 : vector<16xf32> to vector<1x1x16xf32>
        tpu.vector_store %arg6[%swap3A_725, %swap3A_726, %swap3A_727], %swap3A_730 {strides = array<i32>} : memref<2x256x128xf32, #tpu.memory_space<vmem>>, vector<1x1x16xf32>,
        %get3A_731 = arith.constant 0 : i32
        %get3A_732 = arith.index_cast %get3A_731 : i32 to index
        %get3A_733 = arith.index_cast %scan3A_667 : i32 to index
        %get3A_734 = arith.constant 64 : index
        %get3A_735 = tpu.vector_load %arg6[%get3A_732, %get3A_733, %get3A_734] {strides = array<i32>} : memref<2x256x128xf32, #tpu.memory_space<vmem>>, vector<1x1x16xf32>,
        %get3A_736 = vector.shape_cast %get3A_735 : vector<1x1x16xf32> to vector<16xf32>
        %mul3A_737 = arith.constant 11.3137083 : f32
        %mul3A_738 = vector.broadcast %mul3A_737 : f32 to vector<16xf32>
        %mul3A_739 = arith.mulf %get3A_736, %mul3A_738 : vector<16xf32>
        %swap3A_740 = arith.constant 0 : i32
        %swap3A_741 = arith.index_cast %swap3A_740 : i32 to index
        %swap3A_742 = arith.index_cast %scan3A_667 : i32 to index
        %swap3A_743 = arith.constant 64 : index
        %swap3A_744 = tpu.vector_load %arg6[%swap3A_741, %swap3A_742, %swap3A_743] {strides = array<i32>} : memref<2x256x128xf32, #tpu.memory_space<vmem>>, vector<1x1x16xf32>,
        %swap3A_745 = vector.shape_cast %swap3A_744 : vector<1x1x16xf32> to vector<16xf32>
        %swap3A_746 = vector.shape_cast %mul3A_739 : vector<16xf32> to vector<1x1x16xf32>
        tpu.vector_store %arg6[%swap3A_741, %swap3A_742, %swap3A_743], %swap3A_746 {strides = array<i32>} : memref<2x256x128xf32, #tpu.memory_space<vmem>>, vector<1x1x16xf32>,
        %get3A_747 = arith.constant 0 : i32
        %get3A_748 = arith.index_cast %get3A_747 : i32 to index
        %get3A_749 = arith.index_cast %scan3A_667 : i32 to index
        %get3A_750 = arith.constant 80 : index
        %get3A_751 = tpu.vector_load %arg6[%get3A_748, %get3A_749, %get3A_750] {strides = array<i32>} : memref<2x256x128xf32, #tpu.memory_space<vmem>>, vector<1x1x16xf32>,
        %get3A_752 = vector.shape_cast %get3A_751 : vector<1x1x16xf32> to vector<16xf32>
        %mul3A_753 = arith.constant 11.3137083 : f32
        %mul3A_754 = vector.broadcast %mul3A_753 : f32 to vector<16xf32>
        %mul3A_755 = arith.mulf %get3A_752, %mul3A_754 : vector<16xf32>
        %swap3A_756 = arith.constant 0 : i32
        %swap3A_757 = arith.index_cast %swap3A_756 : i32 to index
        %swap3A_758 = arith.index_cast %scan3A_667 : i32 to index
        %swap3A_759 = arith.constant 80 : index
        %swap3A_760 = tpu.vector_load %arg6[%swap3A_757, %swap3A_758, %swap3A_759] {strides = array<i32>} : memref<2x256x128xf32, #tpu.memory_space<vmem>>, vector<1x1x16xf32>,
        %swap3A_761 = vector.shape_cast %swap3A_760 : vector<1x1x16xf32> to vector<16xf32>
        %swap3A_762 = vector.shape_cast %mul3A_755 : vector<16xf32> to vector<1x1x16xf32>
        tpu.vector_store %arg6[%swap3A_757, %swap3A_758, %swap3A_759], %swap3A_762 {strides = array<i32>} : memref<2x256x128xf32, #tpu.memory_space<vmem>>, vector<1x1x16xf32>,
        %get3A_763 = arith.constant 0 : i32
        %get3A_764 = arith.index_cast %get3A_763 : i32 to index
        %get3A_765 = arith.index_cast %scan3A_667 : i32 to index
        %get3A_766 = arith.constant 96 : index
        %get3A_767 = tpu.vector_load %arg6[%get3A_764, %get3A_765, %get3A_766] {strides = array<i32>} : memref<2x256x128xf32, #tpu.memory_space<vmem>>, vector<1x1x16xf32>,
        %get3A_768 = vector.shape_cast %get3A_767 : vector<1x1x16xf32> to vector<16xf32>
        %mul3A_769 = arith.constant 11.3137083 : f32
        %mul3A_770 = vector.broadcast %mul3A_769 : f32 to vector<16xf32>
        %mul3A_771 = arith.mulf %get3A_768, %mul3A_770 : vector<16xf32>
        %swap3A_772 = arith.constant 0 : i32
        %swap3A_773 = arith.index_cast %swap3A_772 : i32 to index
        %swap3A_774 = arith.index_cast %scan3A_667 : i32 to index
        %swap3A_775 = arith.constant 96 : index
        %swap3A_776 = tpu.vector_load %arg6[%swap3A_773, %swap3A_774, %swap3A_775] {strides = array<i32>} : memref<2x256x128xf32, #tpu.memory_space<vmem>>, vector<1x1x16xf32>,
        %swap3A_777 = vector.shape_cast %swap3A_776 : vector<1x1x16xf32> to vector<16xf32>
        %swap3A_778 = vector.shape_cast %mul3A_771 : vector<16xf32> to vector<1x1x16xf32>
        tpu.vector_store %arg6[%swap3A_773, %swap3A_774, %swap3A_775], %swap3A_778 {strides = array<i32>} : memref<2x256x128xf32, #tpu.memory_space<vmem>>, vector<1x1x16xf32>,
        %get3A_779 = arith.constant 0 : i32
        %get3A_780 = arith.index_cast %get3A_779 : i32 to index
        %get3A_781 = arith.index_cast %scan3A_667 : i32 to index
        %get3A_782 = arith.constant 112 : index
        %get3A_783 = tpu.vector_load %arg6[%get3A_780, %get3A_781, %get3A_782] {strides = array<i32>} : memref<2x256x128xf32, #tpu.memory_space<vmem>>, vector<1x1x16xf32>,
        %get3A_784 = vector.shape_cast %get3A_783 : vector<1x1x16xf32> to vector<16xf32>
        %mul3A_785 = arith.constant 11.3137083 : f32
        %mul3A_786 = vector.broadcast %mul3A_785 : f32 to vector<16xf32>
        %mul3A_787 = arith.mulf %get3A_784, %mul3A_786 : vector<16xf32>
        %swap3A_788 = arith.constant 0 : i32
        %swap3A_789 = arith.index_cast %swap3A_788 : i32 to index
        %swap3A_790 = arith.index_cast %scan3A_667 : i32 to index
        %swap3A_791 = arith.constant 112 : index
        %swap3A_792 = tpu.vector_load %arg6[%swap3A_789, %swap3A_790, %swap3A_791] {strides = array<i32>} : memref<2x256x128xf32, #tpu.memory_space<vmem>>, vector<1x1x16xf32>,
        %swap3A_793 = vector.shape_cast %swap3A_792 : vector<1x1x16xf32> to vector<16xf32>
        %swap3A_794 = vector.shape_cast %mul3A_787 : vector<16xf32> to vector<1x1x16xf32>
        tpu.vector_store %arg6[%swap3A_789, %swap3A_790, %swap3A_791], %swap3A_794 {strides = array<i32>} : memref<2x256x128xf32, #tpu.memory_space<vmem>>, vector<1x1x16xf32>,
        %scan3A_795 = arith.constant 0 : i32
        %scan3A_796 = arith.constant 1 : i32
        %scan3A_797 = arith.addi %scan3A_667, %scan3A_796 : i32
        %get3A_798 = arith.constant 0 : i32
        %get3A_799 = arith.index_cast %get3A_798 : i32 to index
        %get3A_800 = arith.index_cast %scan3A_797 : i32 to index
        %get3A_801 = arith.constant 0 : index
        %get3A_802 = tpu.vector_load %arg6[%get3A_799, %get3A_800, %get3A_801] {strides = array<i32>} : memref<2x256x128xf32, #tpu.memory_space<vmem>>, vector<1x1x16xf32>,
        %get3A_803 = vector.shape_cast %get3A_802 : vector<1x1x16xf32> to vector<16xf32>
        %mul3A_804 = arith.constant 11.3137083 : f32
        %mul3A_805 = vector.broadcast %mul3A_804 : f32 to vector<16xf32>
        %mul3A_806 = arith.mulf %get3A_803, %mul3A_805 : vector<16xf32>
        %swap3A_807 = arith.constant 0 : i32
        %swap3A_808 = arith.index_cast %swap3A_807 : i32 to index
        %swap3A_809 = arith.index_cast %scan3A_797 : i32 to index
        %swap3A_810 = arith.constant 0 : index
        %swap3A_811 = tpu.vector_load %arg6[%swap3A_808, %swap3A_809, %swap3A_810] {strides = array<i32>} : memref<2x256x128xf32, #tpu.memory_space<vmem>>, vector<1x1x16xf32>,
        %swap3A_812 = vector.shape_cast %swap3A_811 : vector<1x1x16xf32> to vector<16xf32>
        %swap3A_813 = vector.shape_cast %mul3A_806 : vector<16xf32> to vector<1x1x16xf32>
        tpu.vector_store %arg6[%swap3A_808, %swap3A_809, %swap3A_810], %swap3A_813 {strides = array<i32>} : memref<2x256x128xf32, #tpu.memory_space<vmem>>, vector<1x1x16xf32>,
        %get3A_814 = arith.constant 0 : i32
        %get3A_815 = arith.index_cast %get3A_814 : i32 to index
        %get3A_816 = arith.index_cast %scan3A_797 : i32 to index
        %get3A_817 = arith.constant 16 : index
        %get3A_818 = tpu.vector_load %arg6[%get3A_815, %get3A_816, %get3A_817] {strides = array<i32>} : memref<2x256x128xf32, #tpu.memory_space<vmem>>, vector<1x1x16xf32>,
        %get3A_819 = vector.shape_cast %get3A_818 : vector<1x1x16xf32> to vector<16xf32>
        %mul3A_820 = arith.constant 11.3137083 : f32
        %mul3A_821 = vector.broadcast %mul3A_820 : f32 to vector<16xf32>
        %mul3A_822 = arith.mulf %get3A_819, %mul3A_821 : vector<16xf32>
        %swap3A_823 = arith.constant 0 : i32
        %swap3A_824 = arith.index_cast %swap3A_823 : i32 to index
        %swap3A_825 = arith.index_cast %scan3A_797 : i32 to index
        %swap3A_826 = arith.constant 16 : index
        %swap3A_827 = tpu.vector_load %arg6[%swap3A_824, %swap3A_825, %swap3A_826] {strides = array<i32>} : memref<2x256x128xf32, #tpu.memory_space<vmem>>, vector<1x1x16xf32>,
        %swap3A_828 = vector.shape_cast %swap3A_827 : vector<1x1x16xf32> to vector<16xf32>
        %swap3A_829 = vector.shape_cast %mul3A_822 : vector<16xf32> to vector<1x1x16xf32>
        tpu.vector_store %arg6[%swap3A_824, %swap3A_825, %swap3A_826], %swap3A_829 {strides = array<i32>} : memref<2x256x128xf32, #tpu.memory_space<vmem>>, vector<1x1x16xf32>,
        %get3A_830 = arith.constant 0 : i32
        %get3A_831 = arith.index_cast %get3A_830 : i32 to index
        %get3A_832 = arith.index_cast %scan3A_797 : i32 to index
        %get3A_833 = arith.constant 32 : index
        %get3A_834 = tpu.vector_load %arg6[%get3A_831, %get3A_832, %get3A_833] {strides = array<i32>} : memref<2x256x128xf32, #tpu.memory_space<vmem>>, vector<1x1x16xf32>,
        %get3A_835 = vector.shape_cast %get3A_834 : vector<1x1x16xf32> to vector<16xf32>
        %mul3A_836 = arith.constant 11.3137083 : f32
        %mul3A_837 = vector.broadcast %mul3A_836 : f32 to vector<16xf32>
        %mul3A_838 = arith.mulf %get3A_835, %mul3A_837 : vector<16xf32>
        %swap3A_839 = arith.constant 0 : i32
        %swap3A_840 = arith.index_cast %swap3A_839 : i32 to index
        %swap3A_841 = arith.index_cast %scan3A_797 : i32 to index
        %swap3A_842 = arith.constant 32 : index
        %swap3A_843 = tpu.vector_load %arg6[%swap3A_840, %swap3A_841, %swap3A_842] {strides = array<i32>} : memref<2x256x128xf32, #tpu.memory_space<vmem>>, vector<1x1x16xf32>,
        %swap3A_844 = vector.shape_cast %swap3A_843 : vector<1x1x16xf32> to vector<16xf32>
        %swap3A_845 = vector.shape_cast %mul3A_838 : vector<16xf32> to vector<1x1x16xf32>
        tpu.vector_store %arg6[%swap3A_840, %swap3A_841, %swap3A_842], %swap3A_845 {strides = array<i32>} : memref<2x256x128xf32, #tpu.memory_space<vmem>>, vector<1x1x16xf32>,
        %get3A_846 = arith.constant 0 : i32
        %get3A_847 = arith.index_cast %get3A_846 : i32 to index
        %get3A_848 = arith.index_cast %scan3A_797 : i32 to index
        %get3A_849 = arith.constant 48 : index
        %get3A_850 = tpu.vector_load %arg6[%get3A_847, %get3A_848, %get3A_849] {strides = array<i32>} : memref<2x256x128xf32, #tpu.memory_space<vmem>>, vector<1x1x16xf32>,
        %get3A_851 = vector.shape_cast %get3A_850 : vector<1x1x16xf32> to vector<16xf32>
        %mul3A_852 = arith.constant 11.3137083 : f32
        %mul3A_853 = vector.broadcast %mul3A_852 : f32 to vector<16xf32>
        %mul3A_854 = arith.mulf %get3A_851, %mul3A_853 : vector<16xf32>
        %swap3A_855 = arith.constant 0 : i32
        %swap3A_856 = arith.index_cast %swap3A_855 : i32 to index
        %swap3A_857 = arith.index_cast %scan3A_797 : i32 to index
        %swap3A_858 = arith.constant 48 : index
        %swap3A_859 = tpu.vector_load %arg6[%swap3A_856, %swap3A_857, %swap3A_858] {strides = array<i32>} : memref<2x256x128xf32, #tpu.memory_space<vmem>>, vector<1x1x16xf32>,
        %swap3A_860 = vector.shape_cast %swap3A_859 : vector<1x1x16xf32> to vector<16xf32>
        %swap3A_861 = vector.shape_cast %mul3A_854 : vector<16xf32> to vector<1x1x16xf32>
        tpu.vector_store %arg6[%swap3A_856, %swap3A_857, %swap3A_858], %swap3A_861 {strides = array<i32>} : memref<2x256x128xf32, #tpu.memory_space<vmem>>, vector<1x1x16xf32>,
        %get3A_862 = arith.constant 0 : i32
        %get3A_863 = arith.index_cast %get3A_862 : i32 to index
        %get3A_864 = arith.index_cast %scan3A_797 : i32 to index
        %get3A_865 = arith.constant 64 : index
        %get3A_866 = tpu.vector_load %arg6[%get3A_863, %get3A_864, %get3A_865] {strides = array<i32>} : memref<2x256x128xf32, #tpu.memory_space<vmem>>, vector<1x1x16xf32>,
        %get3A_867 = vector.shape_cast %get3A_866 : vector<1x1x16xf32> to vector<16xf32>
        %mul3A_868 = arith.constant 11.3137083 : f32
        %mul3A_869 = vector.broadcast %mul3A_868 : f32 to vector<16xf32>
        %mul3A_870 = arith.mulf %get3A_867, %mul3A_869 : vector<16xf32>
        %swap3A_871 = arith.constant 0 : i32
        %swap3A_872 = arith.index_cast %swap3A_871 : i32 to index
        %swap3A_873 = arith.index_cast %scan3A_797 : i32 to index
        %swap3A_874 = arith.constant 64 : index
        %swap3A_875 = tpu.vector_load %arg6[%swap3A_872, %swap3A_873, %swap3A_874] {strides = array<i32>} : memref<2x256x128xf32, #tpu.memory_space<vmem>>, vector<1x1x16xf32>,
        %swap3A_876 = vector.shape_cast %swap3A_875 : vector<1x1x16xf32> to vector<16xf32>
        %swap3A_877 = vector.shape_cast %mul3A_870 : vector<16xf32> to vector<1x1x16xf32>
        tpu.vector_store %arg6[%swap3A_872, %swap3A_873, %swap3A_874], %swap3A_877 {strides = array<i32>} : memref<2x256x128xf32, #tpu.memory_space<vmem>>, vector<1x1x16xf32>,
        %get3A_878 = arith.constant 0 : i32
        %get3A_879 = arith.index_cast %get3A_878 : i32 to index
        %get3A_880 = arith.index_cast %scan3A_797 : i32 to index
        %get3A_881 = arith.constant 80 : index
        %get3A_882 = tpu.vector_load %arg6[%get3A_879, %get3A_880, %get3A_881] {strides = array<i32>} : memref<2x256x128xf32, #tpu.memory_space<vmem>>, vector<1x1x16xf32>,
        %get3A_883 = vector.shape_cast %get3A_882 : vector<1x1x16xf32> to vector<16xf32>
        %mul3A_884 = arith.constant 11.3137083 : f32
        %mul3A_885 = vector.broadcast %mul3A_884 : f32 to vector<16xf32>
        %mul3A_886 = arith.mulf %get3A_883, %mul3A_885 : vector<16xf32>
        %swap3A_887 = arith.constant 0 : i32
        %swap3A_888 = arith.index_cast %swap3A_887 : i32 to index
        %swap3A_889 = arith.index_cast %scan3A_797 : i32 to index
        %swap3A_890 = arith.constant 80 : index
        %swap3A_891 = tpu.vector_load %arg6[%swap3A_888, %swap3A_889, %swap3A_890] {strides = array<i32>} : memref<2x256x128xf32, #tpu.memory_space<vmem>>, vector<1x1x16xf32>,
        %swap3A_892 = vector.shape_cast %swap3A_891 : vector<1x1x16xf32> to vector<16xf32>
        %swap3A_893 = vector.shape_cast %mul3A_886 : vector<16xf32> to vector<1x1x16xf32>
        tpu.vector_store %arg6[%swap3A_888, %swap3A_889, %swap3A_890], %swap3A_893 {strides = array<i32>} : memref<2x256x128xf32, #tpu.memory_space<vmem>>, vector<1x1x16xf32>,
        %get3A_894 = arith.constant 0 : i32
        %get3A_895 = arith.index_cast %get3A_894 : i32 to index
        %get3A_896 = arith.index_cast %scan3A_797 : i32 to index
        %get3A_897 = arith.constant 96 : index
        %get3A_898 = tpu.vector_load %arg6[%get3A_895, %get3A_896, %get3A_897] {strides = array<i32>} : memref<2x256x128xf32, #tpu.memory_space<vmem>>, vector<1x1x16xf32>,
        %get3A_899 = vector.shape_cast %get3A_898 : vector<1x1x16xf32> to vector<16xf32>
        %mul3A_900 = arith.constant 11.3137083 : f32
        %mul3A_901 = vector.broadcast %mul3A_900 : f32 to vector<16xf32>
        %mul3A_902 = arith.mulf %get3A_899, %mul3A_901 : vector<16xf32>
        %swap3A_903 = arith.constant 0 : i32
        %swap3A_904 = arith.index_cast %swap3A_903 : i32 to index
        %swap3A_905 = arith.index_cast %scan3A_797 : i32 to index
        %swap3A_906 = arith.constant 96 : index
        %swap3A_907 = tpu.vector_load %arg6[%swap3A_904, %swap3A_905, %swap3A_906] {strides = array<i32>} : memref<2x256x128xf32, #tpu.memory_space<vmem>>, vector<1x1x16xf32>,
        %swap3A_908 = vector.shape_cast %swap3A_907 : vector<1x1x16xf32> to vector<16xf32>
        %swap3A_909 = vector.shape_cast %mul3A_902 : vector<16xf32> to vector<1x1x16xf32>
        tpu.vector_store %arg6[%swap3A_904, %swap3A_905, %swap3A_906], %swap3A_909 {strides = array<i32>} : memref<2x256x128xf32, #tpu.memory_space<vmem>>, vector<1x1x16xf32>,
        %get3A_910 = arith.constant 0 : i32
        %get3A_911 = arith.index_cast %get3A_910 : i32 to index
        %get3A_912 = arith.index_cast %scan3A_797 : i32 to index
        %get3A_913 = arith.constant 112 : index
        %get3A_914 = tpu.vector_load %arg6[%get3A_911, %get3A_912, %get3A_913] {strides = array<i32>} : memref<2x256x128xf32, #tpu.memory_space<vmem>>, vector<1x1x16xf32>,
        %get3A_915 = vector.shape_cast %get3A_914 : vector<1x1x16xf32> to vector<16xf32>
        %mul3A_916 = arith.constant 11.3137083 : f32
        %mul3A_917 = vector.broadcast %mul3A_916 : f32 to vector<16xf32>
        %mul3A_918 = arith.mulf %get3A_915, %mul3A_917 : vector<16xf32>
        %swap3A_919 = arith.constant 0 : i32
        %swap3A_920 = arith.index_cast %swap3A_919 : i32 to index
        %swap3A_921 = arith.index_cast %scan3A_797 : i32 to index
        %swap3A_922 = arith.constant 112 : index
        %swap3A_923 = tpu.vector_load %arg6[%swap3A_920, %swap3A_921, %swap3A_922] {strides = array<i32>} : memref<2x256x128xf32, #tpu.memory_space<vmem>>, vector<1x1x16xf32>,
        %swap3A_924 = vector.shape_cast %swap3A_923 : vector<1x1x16xf32> to vector<16xf32>
        %swap3A_925 = vector.shape_cast %mul3A_918 : vector<16xf32> to vector<1x1x16xf32>
        tpu.vector_store %arg6[%swap3A_920, %swap3A_921, %swap3A_922], %swap3A_925 {strides = array<i32>} : memref<2x256x128xf32, #tpu.memory_space<vmem>>, vector<1x1x16xf32>,
        %scan3A_926 = arith.constant 0 : i32
        %scan3A_927 = arith.constant 2 : i32
        %scan3A_928 = arith.addi %scan3A_667, %scan3A_927 : i32
        %get3A_929 = arith.constant 0 : i32
        %get3A_930 = arith.index_cast %get3A_929 : i32 to index
        %get3A_931 = arith.index_cast %scan3A_928 : i32 to index
        %get3A_932 = arith.constant 0 : index
        %get3A_933 = tpu.vector_load %arg6[%get3A_930, %get3A_931, %get3A_932] {strides = array<i32>} : memref<2x256x128xf32, #tpu.memory_space<vmem>>, vector<1x1x16xf32>,
        %get3A_934 = vector.shape_cast %get3A_933 : vector<1x1x16xf32> to vector<16xf32>
        %mul3A_935 = arith.constant 11.3137083 : f32
        %mul3A_936 = vector.broadcast %mul3A_935 : f32 to vector<16xf32>
        %mul3A_937 = arith.mulf %get3A_934, %mul3A_936 : vector<16xf32>
        %swap3A_938 = arith.constant 0 : i32
        %swap3A_939 = arith.index_cast %swap3A_938 : i32 to index
        %swap3A_940 = arith.index_cast %scan3A_928 : i32 to index
        %swap3A_941 = arith.constant 0 : index
        %swap3A_942 = tpu.vector_load %arg6[%swap3A_939, %swap3A_940, %swap3A_941] {strides = array<i32>} : memref<2x256x128xf32, #tpu.memory_space<vmem>>, vector<1x1x16xf32>,
        %swap3A_943 = vector.shape_cast %swap3A_942 : vector<1x1x16xf32> to vector<16xf32>
        %swap3A_944 = vector.shape_cast %mul3A_937 : vector<16xf32> to vector<1x1x16xf32>
        tpu.vector_store %arg6[%swap3A_939, %swap3A_940, %swap3A_941], %swap3A_944 {strides = array<i32>} : memref<2x256x128xf32, #tpu.memory_space<vmem>>, vector<1x1x16xf32>,
        %get3A_945 = arith.constant 0 : i32
        %get3A_946 = arith.index_cast %get3A_945 : i32 to index
        %get3A_947 = arith.index_cast %scan3A_928 : i32 to index
        %get3A_948 = arith.constant 16 : index
        %get3A_949 = tpu.vector_load %arg6[%get3A_946, %get3A_947, %get3A_948] {strides = array<i32>} : memref<2x256x128xf32, #tpu.memory_space<vmem>>, vector<1x1x16xf32>,
        %get3A_950 = vector.shape_cast %get3A_949 : vector<1x1x16xf32> to vector<16xf32>
        %mul3A_951 = arith.constant 11.3137083 : f32
        %mul3A_952 = vector.broadcast %mul3A_951 : f32 to vector<16xf32>
        %mul3A_953 = arith.mulf %get3A_950, %mul3A_952 : vector<16xf32>
        %swap3A_954 = arith.constant 0 : i32
        %swap3A_955 = arith.index_cast %swap3A_954 : i32 to index
        %swap3A_956 = arith.index_cast %scan3A_928 : i32 to index
        %swap3A_957 = arith.constant 16 : index
        %swap3A_958 = tpu.vector_load %arg6[%swap3A_955, %swap3A_956, %swap3A_957] {strides = array<i32>} : memref<2x256x128xf32, #tpu.memory_space<vmem>>, vector<1x1x16xf32>,
        %swap3A_959 = vector.shape_cast %swap3A_958 : vector<1x1x16xf32> to vector<16xf32>
        %swap3A_960 = vector.shape_cast %mul3A_953 : vector<16xf32> to vector<1x1x16xf32>
        tpu.vector_store %arg6[%swap3A_955, %swap3A_956, %swap3A_957], %swap3A_960 {strides = array<i32>} : memref<2x256x128xf32, #tpu.memory_space<vmem>>, vector<1x1x16xf32>,
        %get3A_961 = arith.constant 0 : i32
        %get3A_962 = arith.index_cast %get3A_961 : i32 to index
        %get3A_963 = arith.index_cast %scan3A_928 : i32 to index
        %get3A_964 = arith.constant 32 : index
        %get3A_965 = tpu.vector_load %arg6[%get3A_962, %get3A_963, %get3A_964] {strides = array<i32>} : memref<2x256x128xf32, #tpu.memory_space<vmem>>, vector<1x1x16xf32>,
        %get3A_966 = vector.shape_cast %get3A_965 : vector<1x1x16xf32> to vector<16xf32>
        %mul3A_967 = arith.constant 11.3137083 : f32
        %mul3A_968 = vector.broadcast %mul3A_967 : f32 to vector<16xf32>
        %mul3A_969 = arith.mulf %get3A_966, %mul3A_968 : vector<16xf32>
        %swap3A_970 = arith.constant 0 : i32
        %swap3A_971 = arith.index_cast %swap3A_970 : i32 to index
        %swap3A_972 = arith.index_cast %scan3A_928 : i32 to index
        %swap3A_973 = arith.constant 32 : index
        %swap3A_974 = tpu.vector_load %arg6[%swap3A_971, %swap3A_972, %swap3A_973] {strides = array<i32>} : memref<2x256x128xf32, #tpu.memory_space<vmem>>, vector<1x1x16xf32>,
        %swap3A_975 = vector.shape_cast %swap3A_974 : vector<1x1x16xf32> to vector<16xf32>
        %swap3A_976 = vector.shape_cast %mul3A_969 : vector<16xf32> to vector<1x1x16xf32>
        tpu.vector_store %arg6[%swap3A_971, %swap3A_972, %swap3A_973], %swap3A_976 {strides = array<i32>} : memref<2x256x128xf32, #tpu.memory_space<vmem>>, vector<1x1x16xf32>,
        %get3A_977 = arith.constant 0 : i32
        %get3A_978 = arith.index_cast %get3A_977 : i32 to index
        %get3A_979 = arith.index_cast %scan3A_928 : i32 to index
        %get3A_980 = arith.constant 48 : index
        %get3A_981 = tpu.vector_load %arg6[%get3A_978, %get3A_979, %get3A_980] {strides = array<i32>} : memref<2x256x128xf32, #tpu.memory_space<vmem>>, vector<1x1x16xf32>,
        %get3A_982 = vector.shape_cast %get3A_981 : vector<1x1x16xf32> to vector<16xf32>
        %mul3A_983 = arith.constant 11.3137083 : f32
        %mul3A_984 = vector.broadcast %mul3A_983 : f32 to vector<16xf32>
        %mul3A_985 = arith.mulf %get3A_982, %mul3A_984 : vector<16xf32>
        %swap3A_986 = arith.constant 0 : i32
        %swap3A_987 = arith.index_cast %swap3A_986 : i32 to index
        %swap3A_988 = arith.index_cast %scan3A_928 : i32 to index
        %swap3A_989 = arith.constant 48 : index
        %swap3A_990 = tpu.vector_load %arg6[%swap3A_987, %swap3A_988, %swap3A_989] {strides = array<i32>} : memref<2x256x128xf32, #tpu.memory_space<vmem>>, vector<1x1x16xf32>,
        %swap3A_991 = vector.shape_cast %swap3A_990 : vector<1x1x16xf32> to vector<16xf32>
        %swap3A_992 = vector.shape_cast %mul3A_985 : vector<16xf32> to vector<1x1x16xf32>
        tpu.vector_store %arg6[%swap3A_987, %swap3A_988, %swap3A_989], %swap3A_992 {strides = array<i32>} : memref<2x256x128xf32, #tpu.memory_space<vmem>>, vector<1x1x16xf32>,
        %get3A_993 = arith.constant 0 : i32
        %get3A_994 = arith.index_cast %get3A_993 : i32 to index
        %get3A_995 = arith.index_cast %scan3A_928 : i32 to index
        %get3A_996 = arith.constant 64 : index
        %get3A_997 = tpu.vector_load %arg6[%get3A_994, %get3A_995, %get3A_996] {strides = array<i32>} : memref<2x256x128xf32, #tpu.memory_space<vmem>>, vector<1x1x16xf32>,
        %get3A_998 = vector.shape_cast %get3A_997 : vector<1x1x16xf32> to vector<16xf32>
        %mul3A_999 = arith.constant 11.3137083 : f32
        %mul3A_1000 = vector.broadcast %mul3A_999 : f32 to vector<16xf32>
        %mul3A_1001 = arith.mulf %get3A_998, %mul3A_1000 : vector<16xf32>
        %swap3A_1002 = arith.constant 0 : i32
        %swap3A_1003 = arith.index_cast %swap3A_1002 : i32 to index
        %swap3A_1004 = arith.index_cast %scan3A_928 : i32 to index
        %swap3A_1005 = arith.constant 64 : index
        %swap3A_1006 = tpu.vector_load %arg6[%swap3A_1003, %swap3A_1004, %swap3A_1005] {strides = array<i32>} : memref<2x256x128xf32, #tpu.memory_space<vmem>>, vector<1x1x16xf32>,
        %swap3A_1007 = vector.shape_cast %swap3A_1006 : vector<1x1x16xf32> to vector<16xf32>
        %swap3A_1008 = vector.shape_cast %mul3A_1001 : vector<16xf32> to vector<1x1x16xf32>
        tpu.vector_store %arg6[%swap3A_1003, %swap3A_1004, %swap3A_1005], %swap3A_1008 {strides = array<i32>} : memref<2x256x128xf32, #tpu.memory_space<vmem>>, vector<1x1x16xf32>,
        %get3A_1009 = arith.constant 0 : i32
        %get3A_1010 = arith.index_cast %get3A_1009 : i32 to index
        %get3A_1011 = arith.index_cast %scan3A_928 : i32 to index
        %get3A_1012 = arith.constant 80 : index
        %get3A_1013 = tpu.vector_load %arg6[%get3A_1010, %get3A_1011, %get3A_1012] {strides = array<i32>} : memref<2x256x128xf32, #tpu.memory_space<vmem>>, vector<1x1x16xf32>,
        %get3A_1014 = vector.shape_cast %get3A_1013 : vector<1x1x16xf32> to vector<16xf32>
        %mul3A_1015 = arith.constant 11.3137083 : f32
        %mul3A_1016 = vector.broadcast %mul3A_1015 : f32 to vector<16xf32>
        %mul3A_1017 = arith.mulf %get3A_1014, %mul3A_1016 : vector<16xf32>
        %swap3A_1018 = arith.constant 0 : i32
        %swap3A_1019 = arith.index_cast %swap3A_1018 : i32 to index
        %swap3A_1020 = arith.index_cast %scan3A_928 : i32 to index
        %swap3A_1021 = arith.constant 80 : index
        %swap3A_1022 = tpu.vector_load %arg6[%swap3A_1019, %swap3A_1020, %swap3A_1021] {strides = array<i32>} : memref<2x256x128xf32, #tpu.memory_space<vmem>>, vector<1x1x16xf32>,
        %swap3A_1023 = vector.shape_cast %swap3A_1022 : vector<1x1x16xf32> to vector<16xf32>
        %swap3A_1024 = vector.shape_cast %mul3A_1017 : vector<16xf32> to vector<1x1x16xf32>
        tpu.vector_store %arg6[%swap3A_1019, %swap3A_1020, %swap3A_1021], %swap3A_1024 {strides = array<i32>} : memref<2x256x128xf32, #tpu.memory_space<vmem>>, vector<1x1x16xf32>,
        %get3A_1025 = arith.constant 0 : i32
        %get3A_1026 = arith.index_cast %get3A_1025 : i32 to index
        %get3A_1027 = arith.index_cast %scan3A_928 : i32 to index
        %get3A_1028 = arith.constant 96 : index
        %get3A_1029 = tpu.vector_load %arg6[%get3A_1026, %get3A_1027, %get3A_1028] {strides = array<i32>} : memref<2x256x128xf32, #tpu.memory_space<vmem>>, vector<1x1x16xf32>,
        %get3A_1030 = vector.shape_cast %get3A_1029 : vector<1x1x16xf32> to vector<16xf32>
        %mul3A_1031 = arith.constant 11.3137083 : f32
        %mul3A_1032 = vector.broadcast %mul3A_1031 : f32 to vector<16xf32>
        %mul3A_1033 = arith.mulf %get3A_1030, %mul3A_1032 : vector<16xf32>
        %swap3A_1034 = arith.constant 0 : i32
        %swap3A_1035 = arith.index_cast %swap3A_1034 : i32 to index
        %swap3A_1036 = arith.index_cast %scan3A_928 : i32 to index
        %swap3A_1037 = arith.constant 96 : index
        %swap3A_1038 = tpu.vector_load %arg6[%swap3A_1035, %swap3A_1036, %swap3A_1037] {strides = array<i32>} : memref<2x256x128xf32, #tpu.memory_space<vmem>>, vector<1x1x16xf32>,
        %swap3A_1039 = vector.shape_cast %swap3A_1038 : vector<1x1x16xf32> to vector<16xf32>
        %swap3A_1040 = vector.shape_cast %mul3A_1033 : vector<16xf32> to vector<1x1x16xf32>
        tpu.vector_store %arg6[%swap3A_1035, %swap3A_1036, %swap3A_1037], %swap3A_1040 {strides = array<i32>} : memref<2x256x128xf32, #tpu.memory_space<vmem>>, vector<1x1x16xf32>,
        %get3A_1041 = arith.constant 0 : i32
        %get3A_1042 = arith.index_cast %get3A_1041 : i32 to index
        %get3A_1043 = arith.index_cast %scan3A_928 : i32 to index
        %get3A_1044 = arith.constant 112 : index
        %get3A_1045 = tpu.vector_load %arg6[%get3A_1042, %get3A_1043, %get3A_1044] {strides = array<i32>} : memref<2x256x128xf32, #tpu.memory_space<vmem>>, vector<1x1x16xf32>,
        %get3A_1046 = vector.shape_cast %get3A_1045 : vector<1x1x16xf32> to vector<16xf32>
        %mul3A_1047 = arith.constant 11.3137083 : f32
        %mul3A_1048 = vector.broadcast %mul3A_1047 : f32 to vector<16xf32>
        %mul3A_1049 = arith.mulf %get3A_1046, %mul3A_1048 : vector<16xf32>
        %swap3A_1050 = arith.constant 0 : i32
        %swap3A_1051 = arith.index_cast %swap3A_1050 : i32 to index
        %swap3A_1052 = arith.index_cast %scan3A_928 : i32 to index
        %swap3A_1053 = arith.constant 112 : index
        %swap3A_1054 = tpu.vector_load %arg6[%swap3A_1051, %swap3A_1052, %swap3A_1053] {strides = array<i32>} : memref<2x256x128xf32, #tpu.memory_space<vmem>>, vector<1x1x16xf32>,
        %swap3A_1055 = vector.shape_cast %swap3A_1054 : vector<1x1x16xf32> to vector<16xf32>
        %swap3A_1056 = vector.shape_cast %mul3A_1049 : vector<16xf32> to vector<1x1x16xf32>
        tpu.vector_store %arg6[%swap3A_1051, %swap3A_1052, %swap3A_1053], %swap3A_1056 {strides = array<i32>} : memref<2x256x128xf32, #tpu.memory_space<vmem>>, vector<1x1x16xf32>,
        %scan3A_1057 = arith.constant 0 : i32
        %scan3A_1058 = arith.constant 3 : i32
        %scan3A_1059 = arith.addi %scan3A_667, %scan3A_1058 : i32
        %get3A_1060 = arith.constant 0 : i32
        %get3A_1061 = arith.index_cast %get3A_1060 : i32 to index
        %get3A_1062 = arith.index_cast %scan3A_1059 : i32 to index
        %get3A_1063 = arith.constant 0 : index
        %get3A_1064 = tpu.vector_load %arg6[%get3A_1061, %get3A_1062, %get3A_1063] {strides = array<i32>} : memref<2x256x128xf32, #tpu.memory_space<vmem>>, vector<1x1x16xf32>,
        %get3A_1065 = vector.shape_cast %get3A_1064 : vector<1x1x16xf32> to vector<16xf32>
        %mul3A_1066 = arith.constant 11.3137083 : f32
        %mul3A_1067 = vector.broadcast %mul3A_1066 : f32 to vector<16xf32>
        %mul3A_1068 = arith.mulf %get3A_1065, %mul3A_1067 : vector<16xf32>
        %swap3A_1069 = arith.constant 0 : i32
        %swap3A_1070 = arith.index_cast %swap3A_1069 : i32 to index
        %swap3A_1071 = arith.index_cast %scan3A_1059 : i32 to index
        %swap3A_1072 = arith.constant 0 : index
        %swap3A_1073 = tpu.vector_load %arg6[%swap3A_1070, %swap3A_1071, %swap3A_1072] {strides = array<i32>} : memref<2x256x128xf32, #tpu.memory_space<vmem>>, vector<1x1x16xf32>,
        %swap3A_1074 = vector.shape_cast %swap3A_1073 : vector<1x1x16xf32> to vector<16xf32>
        %swap3A_1075 = vector.shape_cast %mul3A_1068 : vector<16xf32> to vector<1x1x16xf32>
        tpu.vector_store %arg6[%swap3A_1070, %swap3A_1071, %swap3A_1072], %swap3A_1075 {strides = array<i32>} : memref<2x256x128xf32, #tpu.memory_space<vmem>>, vector<1x1x16xf32>,
        %get3A_1076 = arith.constant 0 : i32
        %get3A_1077 = arith.index_cast %get3A_1076 : i32 to index
        %get3A_1078 = arith.index_cast %scan3A_1059 : i32 to index
        %get3A_1079 = arith.constant 16 : index
        %get3A_1080 = tpu.vector_load %arg6[%get3A_1077, %get3A_1078, %get3A_1079] {strides = array<i32>} : memref<2x256x128xf32, #tpu.memory_space<vmem>>, vector<1x1x16xf32>,
        %get3A_1081 = vector.shape_cast %get3A_1080 : vector<1x1x16xf32> to vector<16xf32>
        %mul3A_1082 = arith.constant 11.3137083 : f32
        %mul3A_1083 = vector.broadcast %mul3A_1082 : f32 to vector<16xf32>
        %mul3A_1084 = arith.mulf %get3A_1081, %mul3A_1083 : vector<16xf32>
        %swap3A_1085 = arith.constant 0 : i32
        %swap3A_1086 = arith.index_cast %swap3A_1085 : i32 to index
        %swap3A_1087 = arith.index_cast %scan3A_1059 : i32 to index
        %swap3A_1088 = arith.constant 16 : index
        %swap3A_1089 = tpu.vector_load %arg6[%swap3A_1086, %swap3A_1087, %swap3A_1088] {strides = array<i32>} : memref<2x256x128xf32, #tpu.memory_space<vmem>>, vector<1x1x16xf32>,
        %swap3A_1090 = vector.shape_cast %swap3A_1089 : vector<1x1x16xf32> to vector<16xf32>
        %swap3A_1091 = vector.shape_cast %mul3A_1084 : vector<16xf32> to vector<1x1x16xf32>
        tpu.vector_store %arg6[%swap3A_1086, %swap3A_1087, %swap3A_1088], %swap3A_1091 {strides = array<i32>} : memref<2x256x128xf32, #tpu.memory_space<vmem>>, vector<1x1x16xf32>,
        %get3A_1092 = arith.constant 0 : i32
        %get3A_1093 = arith.index_cast %get3A_1092 : i32 to index
        %get3A_1094 = arith.index_cast %scan3A_1059 : i32 to index
        %get3A_1095 = arith.constant 32 : index
        %get3A_1096 = tpu.vector_load %arg6[%get3A_1093, %get3A_1094, %get3A_1095] {strides = array<i32>} : memref<2x256x128xf32, #tpu.memory_space<vmem>>, vector<1x1x16xf32>,
        %get3A_1097 = vector.shape_cast %get3A_1096 : vector<1x1x16xf32> to vector<16xf32>
        %mul3A_1098 = arith.constant 11.3137083 : f32
        %mul3A_1099 = vector.broadcast %mul3A_1098 : f32 to vector<16xf32>
        %mul3A_1100 = arith.mulf %get3A_1097, %mul3A_1099 : vector<16xf32>
        %swap3A_1101 = arith.constant 0 : i32
        %swap3A_1102 = arith.index_cast %swap3A_1101 : i32 to index
        %swap3A_1103 = arith.index_cast %scan3A_1059 : i32 to index
        %swap3A_1104 = arith.constant 32 : index
        %swap3A_1105 = tpu.vector_load %arg6[%swap3A_1102, %swap3A_1103, %swap3A_1104] {strides = array<i32>} : memref<2x256x128xf32, #tpu.memory_space<vmem>>, vector<1x1x16xf32>,
        %swap3A_1106 = vector.shape_cast %swap3A_1105 : vector<1x1x16xf32> to vector<16xf32>
        %swap3A_1107 = vector.shape_cast %mul3A_1100 : vector<16xf32> to vector<1x1x16xf32>
        tpu.vector_store %arg6[%swap3A_1102, %swap3A_1103, %swap3A_1104], %swap3A_1107 {strides = array<i32>} : memref<2x256x128xf32, #tpu.memory_space<vmem>>, vector<1x1x16xf32>,
        %get3A_1108 = arith.constant 0 : i32
        %get3A_1109 = arith.index_cast %get3A_1108 : i32 to index
        %get3A_1110 = arith.index_cast %scan3A_1059 : i32 to index
        %get3A_1111 = arith.constant 48 : index
        %get3A_1112 = tpu.vector_load %arg6[%get3A_1109, %get3A_1110, %get3A_1111] {strides = array<i32>} : memref<2x256x128xf32, #tpu.memory_space<vmem>>, vector<1x1x16xf32>,
        %get3A_1113 = vector.shape_cast %get3A_1112 : vector<1x1x16xf32> to vector<16xf32>
        %mul3A_1114 = arith.constant 11.3137083 : f32
        %mul3A_1115 = vector.broadcast %mul3A_1114 : f32 to vector<16xf32>
        %mul3A_1116 = arith.mulf %get3A_1113, %mul3A_1115 : vector<16xf32>
        %swap3A_1117 = arith.constant 0 : i32
        %swap3A_1118 = arith.index_cast %swap3A_1117 : i32 to index
        %swap3A_1119 = arith.index_cast %scan3A_1059 : i32 to index
        %swap3A_1120 = arith.constant 48 : index
        %swap3A_1121 = tpu.vector_load %arg6[%swap3A_1118, %swap3A_1119, %swap3A_1120] {strides = array<i32>} : memref<2x256x128xf32, #tpu.memory_space<vmem>>, vector<1x1x16xf32>,
        %swap3A_1122 = vector.shape_cast %swap3A_1121 : vector<1x1x16xf32> to vector<16xf32>
        %swap3A_1123 = vector.shape_cast %mul3A_1116 : vector<16xf32> to vector<1x1x16xf32>
        tpu.vector_store %arg6[%swap3A_1118, %swap3A_1119, %swap3A_1120], %swap3A_1123 {strides = array<i32>} : memref<2x256x128xf32, #tpu.memory_space<vmem>>, vector<1x1x16xf32>,
        %get3A_1124 = arith.constant 0 : i32
        %get3A_1125 = arith.index_cast %get3A_1124 : i32 to index
        %get3A_1126 = arith.index_cast %scan3A_1059 : i32 to index
        %get3A_1127 = arith.constant 64 : index
        %get3A_1128 = tpu.vector_load %arg6[%get3A_1125, %get3A_1126, %get3A_1127] {strides = array<i32>} : memref<2x256x128xf32, #tpu.memory_space<vmem>>, vector<1x1x16xf32>,
        %get3A_1129 = vector.shape_cast %get3A_1128 : vector<1x1x16xf32> to vector<16xf32>
        %mul3A_1130 = arith.constant 11.3137083 : f32
        %mul3A_1131 = vector.broadcast %mul3A_1130 : f32 to vector<16xf32>
        %mul3A_1132 = arith.mulf %get3A_1129, %mul3A_1131 : vector<16xf32>
        %swap3A_1133 = arith.constant 0 : i32
        %swap3A_1134 = arith.index_cast %swap3A_1133 : i32 to index
        %swap3A_1135 = arith.index_cast %scan3A_1059 : i32 to index
        %swap3A_1136 = arith.constant 64 : index
        %swap3A_1137 = tpu.vector_load %arg6[%swap3A_1134, %swap3A_1135, %swap3A_1136] {strides = array<i32>} : memref<2x256x128xf32, #tpu.memory_space<vmem>>, vector<1x1x16xf32>,
        %swap3A_1138 = vector.shape_cast %swap3A_1137 : vector<1x1x16xf32> to vector<16xf32>
        %swap3A_1139 = vector.shape_cast %mul3A_1132 : vector<16xf32> to vector<1x1x16xf32>
        tpu.vector_store %arg6[%swap3A_1134, %swap3A_1135, %swap3A_1136], %swap3A_1139 {strides = array<i32>} : memref<2x256x128xf32, #tpu.memory_space<vmem>>, vector<1x1x16xf32>,
        %get3A_1140 = arith.constant 0 : i32
        %get3A_1141 = arith.index_cast %get3A_1140 : i32 to index
        %get3A_1142 = arith.index_cast %scan3A_1059 : i32 to index
        %get3A_1143 = arith.constant 80 : index
        %get3A_1144 = tpu.vector_load %arg6[%get3A_1141, %get3A_1142, %get3A_1143] {strides = array<i32>} : memref<2x256x128xf32, #tpu.memory_space<vmem>>, vector<1x1x16xf32>,
        %get3A_1145 = vector.shape_cast %get3A_1144 : vector<1x1x16xf32> to vector<16xf32>
        %mul3A_1146 = arith.constant 11.3137083 : f32
        %mul3A_1147 = vector.broadcast %mul3A_1146 : f32 to vector<16xf32>
        %mul3A_1148 = arith.mulf %get3A_1145, %mul3A_1147 : vector<16xf32>
        %swap3A_1149 = arith.constant 0 : i32
        %swap3A_1150 = arith.index_cast %swap3A_1149 : i32 to index
        %swap3A_1151 = arith.index_cast %scan3A_1059 : i32 to index
        %swap3A_1152 = arith.constant 80 : index
        %swap3A_1153 = tpu.vector_load %arg6[%swap3A_1150, %swap3A_1151, %swap3A_1152] {strides = array<i32>} : memref<2x256x128xf32, #tpu.memory_space<vmem>>, vector<1x1x16xf32>,
        %swap3A_1154 = vector.shape_cast %swap3A_1153 : vector<1x1x16xf32> to vector<16xf32>
        %swap3A_1155 = vector.shape_cast %mul3A_1148 : vector<16xf32> to vector<1x1x16xf32>
        tpu.vector_store %arg6[%swap3A_1150, %swap3A_1151, %swap3A_1152], %swap3A_1155 {strides = array<i32>} : memref<2x256x128xf32, #tpu.memory_space<vmem>>, vector<1x1x16xf32>,
        %get3A_1156 = arith.constant 0 : i32
        %get3A_1157 = arith.index_cast %get3A_1156 : i32 to index
        %get3A_1158 = arith.index_cast %scan3A_1059 : i32 to index
        %get3A_1159 = arith.constant 96 : index
        %get3A_1160 = tpu.vector_load %arg6[%get3A_1157, %get3A_1158, %get3A_1159] {strides = array<i32>} : memref<2x256x128xf32, #tpu.memory_space<vmem>>, vector<1x1x16xf32>,
        %get3A_1161 = vector.shape_cast %get3A_1160 : vector<1x1x16xf32> to vector<16xf32>
        %mul3A_1162 = arith.constant 11.3137083 : f32
        %mul3A_1163 = vector.broadcast %mul3A_1162 : f32 to vector<16xf32>
        %mul3A_1164 = arith.mulf %get3A_1161, %mul3A_1163 : vector<16xf32>
        %swap3A_1165 = arith.constant 0 : i32
        %swap3A_1166 = arith.index_cast %swap3A_1165 : i32 to index
        %swap3A_1167 = arith.index_cast %scan3A_1059 : i32 to index
        %swap3A_1168 = arith.constant 96 : index
        %swap3A_1169 = tpu.vector_load %arg6[%swap3A_1166, %swap3A_1167, %swap3A_1168] {strides = array<i32>} : memref<2x256x128xf32, #tpu.memory_space<vmem>>, vector<1x1x16xf32>,
        %swap3A_1170 = vector.shape_cast %swap3A_1169 : vector<1x1x16xf32> to vector<16xf32>
        %swap3A_1171 = vector.shape_cast %mul3A_1164 : vector<16xf32> to vector<1x1x16xf32>
        tpu.vector_store %arg6[%swap3A_1166, %swap3A_1167, %swap3A_1168], %swap3A_1171 {strides = array<i32>} : memref<2x256x128xf32, #tpu.memory_space<vmem>>, vector<1x1x16xf32>,
        %get3A_1172 = arith.constant 0 : i32
        %get3A_1173 = arith.index_cast %get3A_1172 : i32 to index
        %get3A_1174 = arith.index_cast %scan3A_1059 : i32 to index
        %get3A_1175 = arith.constant 112 : index
        %get3A_1176 = tpu.vector_load %arg6[%get3A_1173, %get3A_1174, %get3A_1175] {strides = array<i32>} : memref<2x256x128xf32, #tpu.memory_space<vmem>>, vector<1x1x16xf32>,
        %get3A_1177 = vector.shape_cast %get3A_1176 : vector<1x1x16xf32> to vector<16xf32>
        %mul3A_1178 = arith.constant 11.3137083 : f32
        %mul3A_1179 = vector.broadcast %mul3A_1178 : f32 to vector<16xf32>
        %mul3A_1180 = arith.mulf %get3A_1177, %mul3A_1179 : vector<16xf32>
        %swap3A_1181 = arith.constant 0 : i32
        %swap3A_1182 = arith.index_cast %swap3A_1181 : i32 to index
        %swap3A_1183 = arith.index_cast %scan3A_1059 : i32 to index
        %swap3A_1184 = arith.constant 112 : index
        %swap3A_1185 = tpu.vector_load %arg6[%swap3A_1182, %swap3A_1183, %swap3A_1184] {strides = array<i32>} : memref<2x256x128xf32, #tpu.memory_space<vmem>>, vector<1x1x16xf32>,
        %swap3A_1186 = vector.shape_cast %swap3A_1185 : vector<1x1x16xf32> to vector<16xf32>
        %swap3A_1187 = vector.shape_cast %mul3A_1180 : vector<16xf32> to vector<1x1x16xf32>
        tpu.vector_store %arg6[%swap3A_1182, %swap3A_1183, %swap3A_1184], %swap3A_1187 {strides = array<i32>} : memref<2x256x128xf32, #tpu.memory_space<vmem>>, vector<1x1x16xf32>,
        %scan3A_1188 = arith.constant 0 : i32
        scf.yield %scan3A_1188 : i32
      }
      %scan3A_523 = arith.constant 256 : i32
      %mul3A_524 = arith.constant 256 : i32
      %mul3A_525 = arith.muli %mul3A_422, %mul3A_524 : i32
      %add3A_526 = arith.addi %mul3A_2, %mul3A_525 : i32
      %dma_start3A_527 = arith.constant 0 : i32
      %dma_start3A_528 = arith.constant 0 : i32
      %dma_start3A_529 = arith.constant 0 : i32
      %dma_start3A_530 = arith.constant 0 : i32
      %dma_start3A_531 = tpu.memref_slice %arg6[%dma_start3A_527, %dma_start3A_529, %dma_start3A_530] : memref<2x256x128xf32, #tpu.memory_space<vmem>> -> memref<1x256x128xf32, #tpu.memory_space<vmem>>
      %dma_start3A_532 = tpu.memref_squeeze %dma_start3A_531 : memref<1x256x128xf32, #tpu.memory_space<vmem>> -> memref<256x128xf32, #tpu.memory_space<vmem>>
      %dma_start3A_533 = arith.constant 0 : i32
      %dma_start3A_534 = tpu.memref_slice %arg4[%add3A_526, %dma_start3A_533] : memref<819200x128xf32, #tpu.memory_space<hbm>> -> memref<256x128xf32, #tpu.memory_space<hbm>>
      %dma_start3A_535 = tpu.memref_slice %arg8[%dma_start3A_528] : memref<2x!tpu.dma_semaphore, #tpu.memory_space<semaphore_mem>> -> memref<1x!tpu.dma_semaphore, #tpu.memory_space<semaphore_mem>>
      %dma_start3A_536 = tpu.memref_squeeze %dma_start3A_535 : memref<1x!tpu.dma_semaphore, #tpu.memory_space<semaphore_mem>> -> memref<!tpu.dma_semaphore, #tpu.memory_space<semaphore_mem>>
      %dma_start3A_537 = arith.constant 0 : i32
      %dma_start3A_538 = tpu.memref_slice %arg4[%add3A_526, %dma_start3A_537] : memref<819200x128xf32, #tpu.memory_space<hbm>> -> memref<256x128xf32, #tpu.memory_space<hbm>>
      %dma_start3A_539 = arith.constant 0 : i32
      %dma_start3A_540 = arith.constant 0 : i32
      %dma_start3A_541 = tpu.memref_slice %arg6[%dma_start3A_527, %dma_start3A_539, %dma_start3A_540] : memref<2x256x128xf32, #tpu.memory_space<vmem>> -> memref<1x256x128xf32, #tpu.memory_space<vmem>>
      %dma_start3A_542 = tpu.memref_squeeze %dma_start3A_541 : memref<1x256x128xf32, #tpu.memory_space<vmem>> -> memref<256x128xf32, #tpu.memory_space<vmem>>
      tpu.enqueue_dma source(%dma_start3A_542 : memref<256x128xf32, #tpu.memory_space<vmem>>) target(%dma_start3A_538 : memref<256x128xf32, #tpu.memory_space<hbm>>) target_semaphore(%dma_start3A_536 : memref<!tpu.dma_semaphore, #tpu.memory_space<semaphore_mem>>)
      %add3A_543 = arith.constant 1 : i32
      %add3A_544 = arith.addi %mul3A_422, %add3A_543 : i32
      %mul3A_545 = arith.constant 2 : i32
      %mul3A_546 = arith.muli %mul3A_545, %add3A_544 : i32
      %add3A_547 = arith.constant 0 : i32
      %add3A_548 = arith.addi %mul3A_546, %add3A_547 : i32
      %dma_wait3A_549 = arith.constant 1 : i32
      %dma_wait3A_550 = arith.constant 1 : i32
      %dma_wait3A_551 = arith.constant 0 : i32
      %dma_wait3A_552 = arith.constant 0 : i32
      %dma_wait3A_553 = tpu.memref_slice %arg6[%dma_wait3A_549, %dma_wait3A_551, %dma_wait3A_552] : memref<2x256x128xf32, #tpu.memory_space<vmem>> -> memref<1x128x128xf32, #tpu.memory_space<vmem>>
      %dma_wait3A_554 = tpu.memref_squeeze %dma_wait3A_553 : memref<1x128x128xf32, #tpu.memory_space<vmem>> -> memref<128x128xf32, #tpu.memory_space<vmem>>
      %dma_wait3A_555 = arith.constant 0 : i32
      %dma_wait3A_556 = tpu.memref_slice %arg5[%add3A_548, %dma_wait3A_555] : memref<200x128xi32, #tpu.memory_space<vmem>> -> memref<1x128xi32, #tpu.memory_space<vmem>>
      %dma_wait3A_557 = tpu.memref_squeeze %dma_wait3A_556 : memref<1x128xi32, #tpu.memory_space<vmem>> -> memref<128xi32, #tpu.memory_space<vmem>>
      %dma_wait3A_558 = arith.constant 0 : i32
      %dma_wait3A_559 = arith.constant 0 : i32
      %dma_wait3A_560 = tpu.memref_slice %arg3[%dma_wait3A_558, %dma_wait3A_559] : memref<100000x128xf32, #tpu.memory_space<hbm>> -> memref<100000x128xf32, #tpu.memory_space<hbm>>
      %dma_wait3A_561 = tpu.memref_slice %arg7[%dma_wait3A_550] : memref<2x!tpu.dma_semaphore, #tpu.memory_space<semaphore_mem>> -> memref<1x!tpu.dma_semaphore, #tpu.memory_space<semaphore_mem>>
      %dma_wait3A_562 = tpu.memref_squeeze %dma_wait3A_561 : memref<1x!tpu.dma_semaphore, #tpu.memory_space<semaphore_mem>> -> memref<!tpu.dma_semaphore, #tpu.memory_space<semaphore_mem>>
      tpu.wait_indirect_dma semaphore(%dma_wait3A_562 : memref<!tpu.dma_semaphore, #tpu.memory_space<semaphore_mem>>) src(%dma_wait3A_560 : memref<100000x128xf32, #tpu.memory_space<hbm>>) dst(%dma_wait3A_554 : memref<128x128xf32, #tpu.memory_space<vmem>>)
      %mul3A_563 = arith.constant 2 : i32
      %mul3A_564 = arith.muli %mul3A_563, %add3A_544 : i32
      %add3A_565 = arith.constant 1 : i32
      %add3A_566 = arith.addi %mul3A_564, %add3A_565 : i32
      %dma_wait3A_567 = arith.constant 1 : i32
      %dma_wait3A_568 = arith.constant 1 : i32
      %dma_wait3A_569 = arith.constant 128 : i32
      %dma_wait3A_570 = arith.constant 0 : i32
      %dma_wait3A_571 = tpu.memref_slice %arg6[%dma_wait3A_567, %dma_wait3A_569, %dma_wait3A_570] : memref<2x256x128xf32, #tpu.memory_space<vmem>> -> memref<1x128x128xf32, #tpu.memory_space<vmem>>
      %dma_wait3A_572 = tpu.memref_squeeze %dma_wait3A_571 : memref<1x128x128xf32, #tpu.memory_space<vmem>> -> memref<128x128xf32, #tpu.memory_space<vmem>>
      %dma_wait3A_573 = arith.constant 0 : i32
      %dma_wait3A_574 = tpu.memref_slice %arg5[%add3A_566, %dma_wait3A_573] : memref<200x128xi32, #tpu.memory_space<vmem>> -> memref<1x128xi32, #tpu.memory_space<vmem>>
      %dma_wait3A_575 = tpu.memref_squeeze %dma_wait3A_574 : memref<1x128xi32, #tpu.memory_space<vmem>> -> memref<128xi32, #tpu.memory_space<vmem>>
      %dma_wait3A_576 = arith.constant 0 : i32
      %dma_wait3A_577 = arith.constant 0 : i32
      %dma_wait3A_578 = tpu.memref_slice %arg3[%dma_wait3A_576, %dma_wait3A_577] : memref<100000x128xf32, #tpu.memory_space<hbm>> -> memref<100000x128xf32, #tpu.memory_space<hbm>>
      %dma_wait3A_579 = tpu.memref_slice %arg7[%dma_wait3A_568] : memref<2x!tpu.dma_semaphore, #tpu.memory_space<semaphore_mem>> -> memref<1x!tpu.dma_semaphore, #tpu.memory_space<semaphore_mem>>
      %dma_wait3A_580 = tpu.memref_squeeze %dma_wait3A_579 : memref<1x!tpu.dma_semaphore, #tpu.memory_space<semaphore_mem>> -> memref<!tpu.dma_semaphore, #tpu.memory_space<semaphore_mem>>
      tpu.wait_indirect_dma semaphore(%dma_wait3A_580 : memref<!tpu.dma_semaphore, #tpu.memory_space<semaphore_mem>>) src(%dma_wait3A_578 : memref<100000x128xf32, #tpu.memory_space<hbm>>) dst(%dma_wait3A_572 : memref<128x128xf32, #tpu.memory_space<vmem>>)
      %sub3A_581 = arith.constant 1 : i32
      %sub3A_582 = arith.subi %add3A_544, %sub3A_581 : i32
      %mul3A_583 = arith.constant 256 : i32
      %mul3A_584 = arith.muli %sub3A_582, %mul3A_583 : i32
      %add3A_585 = arith.addi %mul3A_2, %mul3A_584 : i32
      %dma_wait3A_586 = arith.constant 0 : i32
      %dma_wait3A_587 = arith.constant 0 : i32
      %dma_wait3A_588 = arith.constant 0 : i32
      %dma_wait3A_589 = arith.constant 0 : i32
      %dma_wait3A_590 = tpu.memref_slice %arg6[%dma_wait3A_586, %dma_wait3A_588, %dma_wait3A_589] : memref<2x256x128xf32, #tpu.memory_space<vmem>> -> memref<1x256x128xf32, #tpu.memory_space<vmem>>
      %dma_wait3A_591 = tpu.memref_squeeze %dma_wait3A_590 : memref<1x256x128xf32, #tpu.memory_space<vmem>> -> memref<256x128xf32, #tpu.memory_space<vmem>>
      %dma_wait3A_592 = arith.constant 0 : i32
      %dma_wait3A_593 = tpu.memref_slice %arg4[%add3A_585, %dma_wait3A_592] : memref<819200x128xf32, #tpu.memory_space<hbm>> -> memref<256x128xf32, #tpu.memory_space<hbm>>
      %dma_wait3A_594 = tpu.memref_slice %arg8[%dma_wait3A_587] : memref<2x!tpu.dma_semaphore, #tpu.memory_space<semaphore_mem>> -> memref<1x!tpu.dma_semaphore, #tpu.memory_space<semaphore_mem>>
      %dma_wait3A_595 = tpu.memref_squeeze %dma_wait3A_594 : memref<1x!tpu.dma_semaphore, #tpu.memory_space<semaphore_mem>> -> memref<!tpu.dma_semaphore, #tpu.memory_space<semaphore_mem>>
      %dma_wait3A_596 = arith.constant 0 : i32
      %dma_wait3A_597 = tpu.memref_slice %arg4[%add3A_585, %dma_wait3A_596] : memref<819200x128xf32, #tpu.memory_space<hbm>> -> memref<256x128xf32, #tpu.memory_space<hbm>>
      %dma_wait3A_598 = arith.constant 0 : i32
      %dma_wait3A_599 = arith.constant 0 : i32
      %dma_wait3A_600 = tpu.memref_slice %arg6[%dma_wait3A_586, %dma_wait3A_598, %dma_wait3A_599] : memref<2x256x128xf32, #tpu.memory_space<vmem>> -> memref<1x256x128xf32, #tpu.memory_space<vmem>>
      %dma_wait3A_601 = tpu.memref_squeeze %dma_wait3A_600 : memref<1x256x128xf32, #tpu.memory_space<vmem>> -> memref<256x128xf32, #tpu.memory_space<vmem>>
      tpu.wait_dma2 semaphore(%dma_wait3A_595 : memref<!tpu.dma_semaphore, #tpu.memory_space<semaphore_mem>>) src(%dma_wait3A_601 : memref<256x128xf32, #tpu.memory_space<vmem>>) dst(%dma_wait3A_597 : memref<256x128xf32, #tpu.memory_space<hbm>>)
      %add3A_602 = arith.constant 1 : i32
      %add3A_603 = arith.addi %add3A_544, %add3A_602 : i32
      %mul3A_604 = arith.constant 2 : i32
      %mul3A_605 = arith.muli %mul3A_604, %add3A_603 : i32
      %add3A_606 = arith.constant 0 : i32
      %add3A_607 = arith.addi %mul3A_605, %add3A_606 : i32
      %dma_start3A_608 = arith.constant 0 : i32
      %dma_start3A_609 = arith.constant 0 : i32
      %dma_start3A_610 = arith.constant 0 : i32
      %dma_start3A_611 = arith.constant 0 : i32
      %dma_start3A_612 = tpu.memref_slice %arg6[%dma_start3A_608, %dma_start3A_610, %dma_start3A_611] : memref<2x256x128xf32, #tpu.memory_space<vmem>> -> memref<1x128x128xf32, #tpu.memory_space<vmem>>
      %dma_start3A_613 = tpu.memref_squeeze %dma_start3A_612 : memref<1x128x128xf32, #tpu.memory_space<vmem>> -> memref<128x128xf32, #tpu.memory_space<vmem>>
      %dma_start3A_614 = arith.constant 0 : i32
      %dma_start3A_615 = tpu.memref_slice %arg5[%add3A_607, %dma_start3A_614] : memref<200x128xi32, #tpu.memory_space<vmem>> -> memref<1x128xi32, #tpu.memory_space<vmem>>
      %dma_start3A_616 = tpu.memref_squeeze %dma_start3A_615 : memref<1x128xi32, #tpu.memory_space<vmem>> -> memref<128xi32, #tpu.memory_space<vmem>>
      %dma_start3A_617 = arith.constant 0 : i32
      %dma_start3A_618 = arith.constant 0 : i32
      %dma_start3A_619 = tpu.memref_slice %arg3[%dma_start3A_617, %dma_start3A_618] : memref<100000x128xf32, #tpu.memory_space<hbm>> -> memref<100000x128xf32, #tpu.memory_space<hbm>>
      %dma_start3A_620 = tpu.memref_slice %arg7[%dma_start3A_609] : memref<2x!tpu.dma_semaphore, #tpu.memory_space<semaphore_mem>> -> memref<1x!tpu.dma_semaphore, #tpu.memory_space<semaphore_mem>>
      %dma_start3A_621 = tpu.memref_squeeze %dma_start3A_620 : memref<1x!tpu.dma_semaphore, #tpu.memory_space<semaphore_mem>> -> memref<!tpu.dma_semaphore, #tpu.memory_space<semaphore_mem>>
      tpu.enqueue_indirect_dma source(%dma_start3A_619 : memref<100000x128xf32, #tpu.memory_space<hbm>>) target(%dma_start3A_613 : memref<128x128xf32, #tpu.memory_space<vmem>>) offsets(%dma_start3A_616 : memref<128xi32, #tpu.memory_space<vmem>>) semaphore(%dma_start3A_621 : memref<!tpu.dma_semaphore, #tpu.memory_space<semaphore_mem>>)
      %mul3A_622 = arith.constant 2 : i32
      %mul3A_623 = arith.muli %mul3A_622, %add3A_603 : i32
      %add3A_624 = arith.constant 1 : i32
      %add3A_625 = arith.addi %mul3A_623, %add3A_624 : i32
      %dma_start3A_626 = arith.constant 0 : i32
      %dma_start3A_627 = arith.constant 0 : i32
      %dma_start3A_628 = arith.constant 128 : i32
      %dma_start3A_629 = arith.constant 0 : i32
      %dma_start3A_630 = tpu.memref_slice %arg6[%dma_start3A_626, %dma_start3A_628, %dma_start3A_629] : memref<2x256x128xf32, #tpu.memory_space<vmem>> -> memref<1x128x128xf32, #tpu.memory_space<vmem>>
      %dma_start3A_631 = tpu.memref_squeeze %dma_start3A_630 : memref<1x128x128xf32, #tpu.memory_space<vmem>> -> memref<128x128xf32, #tpu.memory_space<vmem>>
      %dma_start3A_632 = arith.constant 0 : i32
      %dma_start3A_633 = tpu.memref_slice %arg5[%add3A_625, %dma_start3A_632] : memref<200x128xi32, #tpu.memory_space<vmem>> -> memref<1x128xi32, #tpu.memory_space<vmem>>
      %dma_start3A_634 = tpu.memref_squeeze %dma_start3A_633 : memref<1x128xi32, #tpu.memory_space<vmem>> -> memref<128xi32, #tpu.memory_space<vmem>>
      %dma_start3A_635 = arith.constant 0 : i32
      %dma_start3A_636 = arith.constant 0 : i32
      %dma_start3A_637 = tpu.memref_slice %arg3[%dma_start3A_635, %dma_start3A_636] : memref<100000x128xf32, #tpu.memory_space<hbm>> -> memref<100000x128xf32, #tpu.memory_space<hbm>>
      %dma_start3A_638 = tpu.memref_slice %arg7[%dma_start3A_627] : memref<2x!tpu.dma_semaphore, #tpu.memory_space<semaphore_mem>> -> memref<1x!tpu.dma_semaphore, #tpu.memory_space<semaphore_mem>>
      %dma_start3A_639 = tpu.memref_squeeze %dma_start3A_638 : memref<1x!tpu.dma_semaphore, #tpu.memory_space<semaphore_mem>> -> memref<!tpu.dma_semaphore, #tpu.memory_space<semaphore_mem>>
      tpu.enqueue_indirect_dma source(%dma_start3A_637 : memref<100000x128xf32, #tpu.memory_space<hbm>>) target(%dma_start3A_631 : memref<128x128xf32, #tpu.memory_space<vmem>>) offsets(%dma_start3A_634 : memref<128xi32, #tpu.memory_space<vmem>>) semaphore(%dma_start3A_639 : memref<!tpu.dma_semaphore, #tpu.memory_space<semaphore_mem>>)
      %scan3A_640 = arith.constant 0 : i32
      %scan3A_641 = arith.constant 0 : i32
      %scan3A_642 = arith.constant 256 : i32
      %scan3A_643 = arith.addi %scan3A_641, %scan3A_642 : i32
      %scan3A_644 = arith.constant 4 : i32
      %scan3A_645 = scf.for %scan3A_667 = %scan3A_641 to %scan3A_643 step %scan3A_644 iter_args(%scan3A_668 = %scan3A_640) -> (i32)  : i32 {
        %get3A = arith.constant 1 : i32
        %get3A_669 = arith.index_cast %get3A : i32 to index
        %get3A_670 = arith.index_cast %scan3A_667 : i32 to index
        %get3A_671 = arith.constant 0 : index
        %get3A_672 = tpu.vector_load %arg6[%get3A_669, %get3A_670, %get3A_671] {strides = array<i32>} : memref<2x256x128xf32, #tpu.memory_space<vmem>>, vector<1x1x16xf32>,
        %get3A_673 = vector.shape_cast %get3A_672 : vector<1x1x16xf32> to vector<16xf32>
        %mul3A_674 = arith.constant 11.3137083 : f32
        %mul3A_675 = vector.broadcast %mul3A_674 : f32 to vector<16xf32>
        %mul3A_676 = arith.mulf %get3A_673, %mul3A_675 : vector<16xf32>
        %swap3A = arith.constant 1 : i32
        %swap3A_677 = arith.index_cast %swap3A : i32 to index
        %swap3A_678 = arith.index_cast %scan3A_667 : i32 to index
        %swap3A_679 = arith.constant 0 : index
        %swap3A_680 = tpu.vector_load %arg6[%swap3A_677, %swap3A_678, %swap3A_679] {strides = array<i32>} : memref<2x256x128xf32, #tpu.memory_space<vmem>>, vector<1x1x16xf32>,
        %swap3A_681 = vector.shape_cast %swap3A_680 : vector<1x1x16xf32> to vector<16xf32>
        %swap3A_682 = vector.shape_cast %mul3A_676 : vector<16xf32> to vector<1x1x16xf32>
        tpu.vector_store %arg6[%swap3A_677, %swap3A_678, %swap3A_679], %swap3A_682 {strides = array<i32>} : memref<2x256x128xf32, #tpu.memory_space<vmem>>, vector<1x1x16xf32>,
        %get3A_683 = arith.constant 1 : i32
        %get3A_684 = arith.index_cast %get3A_683 : i32 to index
        %get3A_685 = arith.index_cast %scan3A_667 : i32 to index
        %get3A_686 = arith.constant 16 : index
        %get3A_687 = tpu.vector_load %arg6[%get3A_684, %get3A_685, %get3A_686] {strides = array<i32>} : memref<2x256x128xf32, #tpu.memory_space<vmem>>, vector<1x1x16xf32>,
        %get3A_688 = vector.shape_cast %get3A_687 : vector<1x1x16xf32> to vector<16xf32>
        %mul3A_689 = arith.constant 11.3137083 : f32
        %mul3A_690 = vector.broadcast %mul3A_689 : f32 to vector<16xf32>
        %mul3A_691 = arith.mulf %get3A_688, %mul3A_690 : vector<16xf32>
        %swap3A_692 = arith.constant 1 : i32
        %swap3A_693 = arith.index_cast %swap3A_692 : i32 to index
        %swap3A_694 = arith.index_cast %scan3A_667 : i32 to index
        %swap3A_695 = arith.constant 16 : index
        %swap3A_696 = tpu.vector_load %arg6[%swap3A_693, %swap3A_694, %swap3A_695] {strides = array<i32>} : memref<2x256x128xf32, #tpu.memory_space<vmem>>, vector<1x1x16xf32>,
        %swap3A_697 = vector.shape_cast %swap3A_696 : vector<1x1x16xf32> to vector<16xf32>
        %swap3A_698 = vector.shape_cast %mul3A_691 : vector<16xf32> to vector<1x1x16xf32>
        tpu.vector_store %arg6[%swap3A_693, %swap3A_694, %swap3A_695], %swap3A_698 {strides = array<i32>} : memref<2x256x128xf32, #tpu.memory_space<vmem>>, vector<1x1x16xf32>,
        %get3A_699 = arith.constant 1 : i32
        %get3A_700 = arith.index_cast %get3A_699 : i32 to index
        %get3A_701 = arith.index_cast %scan3A_667 : i32 to index
        %get3A_702 = arith.constant 32 : index
        %get3A_703 = tpu.vector_load %arg6[%get3A_700, %get3A_701, %get3A_702] {strides = array<i32>} : memref<2x256x128xf32, #tpu.memory_space<vmem>>, vector<1x1x16xf32>,
        %get3A_704 = vector.shape_cast %get3A_703 : vector<1x1x16xf32> to vector<16xf32>
        %mul3A_705 = arith.constant 11.3137083 : f32
        %mul3A_706 = vector.broadcast %mul3A_705 : f32 to vector<16xf32>
        %mul3A_707 = arith.mulf %get3A_704, %mul3A_706 : vector<16xf32>
        %swap3A_708 = arith.constant 1 : i32
        %swap3A_709 = arith.index_cast %swap3A_708 : i32 to index
        %swap3A_710 = arith.index_cast %scan3A_667 : i32 to index
        %swap3A_711 = arith.constant 32 : index
        %swap3A_712 = tpu.vector_load %arg6[%swap3A_709, %swap3A_710, %swap3A_711] {strides = array<i32>} : memref<2x256x128xf32, #tpu.memory_space<vmem>>, vector<1x1x16xf32>,
        %swap3A_713 = vector.shape_cast %swap3A_712 : vector<1x1x16xf32> to vector<16xf32>
        %swap3A_714 = vector.shape_cast %mul3A_707 : vector<16xf32> to vector<1x1x16xf32>
        tpu.vector_store %arg6[%swap3A_709, %swap3A_710, %swap3A_711], %swap3A_714 {strides = array<i32>} : memref<2x256x128xf32, #tpu.memory_space<vmem>>, vector<1x1x16xf32>,
        %get3A_715 = arith.constant 1 : i32
        %get3A_716 = arith.index_cast %get3A_715 : i32 to index
        %get3A_717 = arith.index_cast %scan3A_667 : i32 to index
        %get3A_718 = arith.constant 48 : index
        %get3A_719 = tpu.vector_load %arg6[%get3A_716, %get3A_717, %get3A_718] {strides = array<i32>} : memref<2x256x128xf32, #tpu.memory_space<vmem>>, vector<1x1x16xf32>,
        %get3A_720 = vector.shape_cast %get3A_719 : vector<1x1x16xf32> to vector<16xf32>
        %mul3A_721 = arith.constant 11.3137083 : f32
        %mul3A_722 = vector.broadcast %mul3A_721 : f32 to vector<16xf32>
        %mul3A_723 = arith.mulf %get3A_720, %mul3A_722 : vector<16xf32>
        %swap3A_724 = arith.constant 1 : i32
        %swap3A_725 = arith.index_cast %swap3A_724 : i32 to index
        %swap3A_726 = arith.index_cast %scan3A_667 : i32 to index
        %swap3A_727 = arith.constant 48 : index
        %swap3A_728 = tpu.vector_load %arg6[%swap3A_725, %swap3A_726, %swap3A_727] {strides = array<i32>} : memref<2x256x128xf32, #tpu.memory_space<vmem>>, vector<1x1x16xf32>,
        %swap3A_729 = vector.shape_cast %swap3A_728 : vector<1x1x16xf32> to vector<16xf32>
        %swap3A_730 = vector.shape_cast %mul3A_723 : vector<16xf32> to vector<1x1x16xf32>
        tpu.vector_store %arg6[%swap3A_725, %swap3A_726, %swap3A_727], %swap3A_730 {strides = array<i32>} : memref<2x256x128xf32, #tpu.memory_space<vmem>>, vector<1x1x16xf32>,
        %get3A_731 = arith.constant 1 : i32
        %get3A_732 = arith.index_cast %get3A_731 : i32 to index
        %get3A_733 = arith.index_cast %scan3A_667 : i32 to index
        %get3A_734 = arith.constant 64 : index
        %get3A_735 = tpu.vector_load %arg6[%get3A_732, %get3A_733, %get3A_734] {strides = array<i32>} : memref<2x256x128xf32, #tpu.memory_space<vmem>>, vector<1x1x16xf32>,
        %get3A_736 = vector.shape_cast %get3A_735 : vector<1x1x16xf32> to vector<16xf32>
        %mul3A_737 = arith.constant 11.3137083 : f32
        %mul3A_738 = vector.broadcast %mul3A_737 : f32 to vector<16xf32>
        %mul3A_739 = arith.mulf %get3A_736, %mul3A_738 : vector<16xf32>
        %swap3A_740 = arith.constant 1 : i32
        %swap3A_741 = arith.index_cast %swap3A_740 : i32 to index
        %swap3A_742 = arith.index_cast %scan3A_667 : i32 to index
        %swap3A_743 = arith.constant 64 : index
        %swap3A_744 = tpu.vector_load %arg6[%swap3A_741, %swap3A_742, %swap3A_743] {strides = array<i32>} : memref<2x256x128xf32, #tpu.memory_space<vmem>>, vector<1x1x16xf32>,
        %swap3A_745 = vector.shape_cast %swap3A_744 : vector<1x1x16xf32> to vector<16xf32>
        %swap3A_746 = vector.shape_cast %mul3A_739 : vector<16xf32> to vector<1x1x16xf32>
        tpu.vector_store %arg6[%swap3A_741, %swap3A_742, %swap3A_743], %swap3A_746 {strides = array<i32>} : memref<2x256x128xf32, #tpu.memory_space<vmem>>, vector<1x1x16xf32>,
        %get3A_747 = arith.constant 1 : i32
        %get3A_748 = arith.index_cast %get3A_747 : i32 to index
        %get3A_749 = arith.index_cast %scan3A_667 : i32 to index
        %get3A_750 = arith.constant 80 : index
        %get3A_751 = tpu.vector_load %arg6[%get3A_748, %get3A_749, %get3A_750] {strides = array<i32>} : memref<2x256x128xf32, #tpu.memory_space<vmem>>, vector<1x1x16xf32>,
        %get3A_752 = vector.shape_cast %get3A_751 : vector<1x1x16xf32> to vector<16xf32>
        %mul3A_753 = arith.constant 11.3137083 : f32
        %mul3A_754 = vector.broadcast %mul3A_753 : f32 to vector<16xf32>
        %mul3A_755 = arith.mulf %get3A_752, %mul3A_754 : vector<16xf32>
        %swap3A_756 = arith.constant 1 : i32
        %swap3A_757 = arith.index_cast %swap3A_756 : i32 to index
        %swap3A_758 = arith.index_cast %scan3A_667 : i32 to index
        %swap3A_759 = arith.constant 80 : index
        %swap3A_760 = tpu.vector_load %arg6[%swap3A_757, %swap3A_758, %swap3A_759] {strides = array<i32>} : memref<2x256x128xf32, #tpu.memory_space<vmem>>, vector<1x1x16xf32>,
        %swap3A_761 = vector.shape_cast %swap3A_760 : vector<1x1x16xf32> to vector<16xf32>
        %swap3A_762 = vector.shape_cast %mul3A_755 : vector<16xf32> to vector<1x1x16xf32>
        tpu.vector_store %arg6[%swap3A_757, %swap3A_758, %swap3A_759], %swap3A_762 {strides = array<i32>} : memref<2x256x128xf32, #tpu.memory_space<vmem>>, vector<1x1x16xf32>,
        %get3A_763 = arith.constant 1 : i32
        %get3A_764 = arith.index_cast %get3A_763 : i32 to index
        %get3A_765 = arith.index_cast %scan3A_667 : i32 to index
        %get3A_766 = arith.constant 96 : index
        %get3A_767 = tpu.vector_load %arg6[%get3A_764, %get3A_765, %get3A_766] {strides = array<i32>} : memref<2x256x128xf32, #tpu.memory_space<vmem>>, vector<1x1x16xf32>,
        %get3A_768 = vector.shape_cast %get3A_767 : vector<1x1x16xf32> to vector<16xf32>
        %mul3A_769 = arith.constant 11.3137083 : f32
        %mul3A_770 = vector.broadcast %mul3A_769 : f32 to vector<16xf32>
        %mul3A_771 = arith.mulf %get3A_768, %mul3A_770 : vector<16xf32>
        %swap3A_772 = arith.constant 1 : i32
        %swap3A_773 = arith.index_cast %swap3A_772 : i32 to index
        %swap3A_774 = arith.index_cast %scan3A_667 : i32 to index
        %swap3A_775 = arith.constant 96 : index
        %swap3A_776 = tpu.vector_load %arg6[%swap3A_773, %swap3A_774, %swap3A_775] {strides = array<i32>} : memref<2x256x128xf32, #tpu.memory_space<vmem>>, vector<1x1x16xf32>,
        %swap3A_777 = vector.shape_cast %swap3A_776 : vector<1x1x16xf32> to vector<16xf32>
        %swap3A_778 = vector.shape_cast %mul3A_771 : vector<16xf32> to vector<1x1x16xf32>
        tpu.vector_store %arg6[%swap3A_773, %swap3A_774, %swap3A_775], %swap3A_778 {strides = array<i32>} : memref<2x256x128xf32, #tpu.memory_space<vmem>>, vector<1x1x16xf32>,
        %get3A_779 = arith.constant 1 : i32
        %get3A_780 = arith.index_cast %get3A_779 : i32 to index
        %get3A_781 = arith.index_cast %scan3A_667 : i32 to index
        %get3A_782 = arith.constant 112 : index
        %get3A_783 = tpu.vector_load %arg6[%get3A_780, %get3A_781, %get3A_782] {strides = array<i32>} : memref<2x256x128xf32, #tpu.memory_space<vmem>>, vector<1x1x16xf32>,
        %get3A_784 = vector.shape_cast %get3A_783 : vector<1x1x16xf32> to vector<16xf32>
        %mul3A_785 = arith.constant 11.3137083 : f32
        %mul3A_786 = vector.broadcast %mul3A_785 : f32 to vector<16xf32>
        %mul3A_787 = arith.mulf %get3A_784, %mul3A_786 : vector<16xf32>
        %swap3A_788 = arith.constant 1 : i32
        %swap3A_789 = arith.index_cast %swap3A_788 : i32 to index
        %swap3A_790 = arith.index_cast %scan3A_667 : i32 to index
        %swap3A_791 = arith.constant 112 : index
        %swap3A_792 = tpu.vector_load %arg6[%swap3A_789, %swap3A_790, %swap3A_791] {strides = array<i32>} : memref<2x256x128xf32, #tpu.memory_space<vmem>>, vector<1x1x16xf32>,
        %swap3A_793 = vector.shape_cast %swap3A_792 : vector<1x1x16xf32> to vector<16xf32>
        %swap3A_794 = vector.shape_cast %mul3A_787 : vector<16xf32> to vector<1x1x16xf32>
        tpu.vector_store %arg6[%swap3A_789, %swap3A_790, %swap3A_791], %swap3A_794 {strides = array<i32>} : memref<2x256x128xf32, #tpu.memory_space<vmem>>, vector<1x1x16xf32>,
        %scan3A_795 = arith.constant 0 : i32
        %scan3A_796 = arith.constant 1 : i32
        %scan3A_797 = arith.addi %scan3A_667, %scan3A_796 : i32
        %get3A_798 = arith.constant 1 : i32
        %get3A_799 = arith.index_cast %get3A_798 : i32 to index
        %get3A_800 = arith.index_cast %scan3A_797 : i32 to index
        %get3A_801 = arith.constant 0 : index
        %get3A_802 = tpu.vector_load %arg6[%get3A_799, %get3A_800, %get3A_801] {strides = array<i32>} : memref<2x256x128xf32, #tpu.memory_space<vmem>>, vector<1x1x16xf32>,
        %get3A_803 = vector.shape_cast %get3A_802 : vector<1x1x16xf32> to vector<16xf32>
        %mul3A_804 = arith.constant 11.3137083 : f32
        %mul3A_805 = vector.broadcast %mul3A_804 : f32 to vector<16xf32>
        %mul3A_806 = arith.mulf %get3A_803, %mul3A_805 : vector<16xf32>
        %swap3A_807 = arith.constant 1 : i32
        %swap3A_808 = arith.index_cast %swap3A_807 : i32 to index
        %swap3A_809 = arith.index_cast %scan3A_797 : i32 to index
        %swap3A_810 = arith.constant 0 : index
        %swap3A_811 = tpu.vector_load %arg6[%swap3A_808, %swap3A_809, %swap3A_810] {strides = array<i32>} : memref<2x256x128xf32, #tpu.memory_space<vmem>>, vector<1x1x16xf32>,
        %swap3A_812 = vector.shape_cast %swap3A_811 : vector<1x1x16xf32> to vector<16xf32>
        %swap3A_813 = vector.shape_cast %mul3A_806 : vector<16xf32> to vector<1x1x16xf32>
        tpu.vector_store %arg6[%swap3A_808, %swap3A_809, %swap3A_810], %swap3A_813 {strides = array<i32>} : memref<2x256x128xf32, #tpu.memory_space<vmem>>, vector<1x1x16xf32>,
        %get3A_814 = arith.constant 1 : i32
        %get3A_815 = arith.index_cast %get3A_814 : i32 to index
        %get3A_816 = arith.index_cast %scan3A_797 : i32 to index
        %get3A_817 = arith.constant 16 : index
        %get3A_818 = tpu.vector_load %arg6[%get3A_815, %get3A_816, %get3A_817] {strides = array<i32>} : memref<2x256x128xf32, #tpu.memory_space<vmem>>, vector<1x1x16xf32>,
        %get3A_819 = vector.shape_cast %get3A_818 : vector<1x1x16xf32> to vector<16xf32>
        %mul3A_820 = arith.constant 11.3137083 : f32
        %mul3A_821 = vector.broadcast %mul3A_820 : f32 to vector<16xf32>
        %mul3A_822 = arith.mulf %get3A_819, %mul3A_821 : vector<16xf32>
        %swap3A_823 = arith.constant 1 : i32
        %swap3A_824 = arith.index_cast %swap3A_823 : i32 to index
        %swap3A_825 = arith.index_cast %scan3A_797 : i32 to index
        %swap3A_826 = arith.constant 16 : index
        %swap3A_827 = tpu.vector_load %arg6[%swap3A_824, %swap3A_825, %swap3A_826] {strides = array<i32>} : memref<2x256x128xf32, #tpu.memory_space<vmem>>, vector<1x1x16xf32>,
        %swap3A_828 = vector.shape_cast %swap3A_827 : vector<1x1x16xf32> to vector<16xf32>
        %swap3A_829 = vector.shape_cast %mul3A_822 : vector<16xf32> to vector<1x1x16xf32>
        tpu.vector_store %arg6[%swap3A_824, %swap3A_825, %swap3A_826], %swap3A_829 {strides = array<i32>} : memref<2x256x128xf32, #tpu.memory_space<vmem>>, vector<1x1x16xf32>,
        %get3A_830 = arith.constant 1 : i32
        %get3A_831 = arith.index_cast %get3A_830 : i32 to index
        %get3A_832 = arith.index_cast %scan3A_797 : i32 to index
        %get3A_833 = arith.constant 32 : index
        %get3A_834 = tpu.vector_load %arg6[%get3A_831, %get3A_832, %get3A_833] {strides = array<i32>} : memref<2x256x128xf32, #tpu.memory_space<vmem>>, vector<1x1x16xf32>,
        %get3A_835 = vector.shape_cast %get3A_834 : vector<1x1x16xf32> to vector<16xf32>
        %mul3A_836 = arith.constant 11.3137083 : f32
        %mul3A_837 = vector.broadcast %mul3A_836 : f32 to vector<16xf32>
        %mul3A_838 = arith.mulf %get3A_835, %mul3A_837 : vector<16xf32>
        %swap3A_839 = arith.constant 1 : i32
        %swap3A_840 = arith.index_cast %swap3A_839 : i32 to index
        %swap3A_841 = arith.index_cast %scan3A_797 : i32 to index
        %swap3A_842 = arith.constant 32 : index
        %swap3A_843 = tpu.vector_load %arg6[%swap3A_840, %swap3A_841, %swap3A_842] {strides = array<i32>} : memref<2x256x128xf32, #tpu.memory_space<vmem>>, vector<1x1x16xf32>,
        %swap3A_844 = vector.shape_cast %swap3A_843 : vector<1x1x16xf32> to vector<16xf32>
        %swap3A_845 = vector.shape_cast %mul3A_838 : vector<16xf32> to vector<1x1x16xf32>
        tpu.vector_store %arg6[%swap3A_840, %swap3A_841, %swap3A_842], %swap3A_845 {strides = array<i32>} : memref<2x256x128xf32, #tpu.memory_space<vmem>>, vector<1x1x16xf32>,
        %get3A_846 = arith.constant 1 : i32
        %get3A_847 = arith.index_cast %get3A_846 : i32 to index
        %get3A_848 = arith.index_cast %scan3A_797 : i32 to index
        %get3A_849 = arith.constant 48 : index
        %get3A_850 = tpu.vector_load %arg6[%get3A_847, %get3A_848, %get3A_849] {strides = array<i32>} : memref<2x256x128xf32, #tpu.memory_space<vmem>>, vector<1x1x16xf32>,
        %get3A_851 = vector.shape_cast %get3A_850 : vector<1x1x16xf32> to vector<16xf32>
        %mul3A_852 = arith.constant 11.3137083 : f32
        %mul3A_853 = vector.broadcast %mul3A_852 : f32 to vector<16xf32>
        %mul3A_854 = arith.mulf %get3A_851, %mul3A_853 : vector<16xf32>
        %swap3A_855 = arith.constant 1 : i32
        %swap3A_856 = arith.index_cast %swap3A_855 : i32 to index
        %swap3A_857 = arith.index_cast %scan3A_797 : i32 to index
        %swap3A_858 = arith.constant 48 : index
        %swap3A_859 = tpu.vector_load %arg6[%swap3A_856, %swap3A_857, %swap3A_858] {strides = array<i32>} : memref<2x256x128xf32, #tpu.memory_space<vmem>>, vector<1x1x16xf32>,
        %swap3A_860 = vector.shape_cast %swap3A_859 : vector<1x1x16xf32> to vector<16xf32>
        %swap3A_861 = vector.shape_cast %mul3A_854 : vector<16xf32> to vector<1x1x16xf32>
        tpu.vector_store %arg6[%swap3A_856, %swap3A_857, %swap3A_858], %swap3A_861 {strides = array<i32>} : memref<2x256x128xf32, #tpu.memory_space<vmem>>, vector<1x1x16xf32>,
        %get3A_862 = arith.constant 1 : i32
        %get3A_863 = arith.index_cast %get3A_862 : i32 to index
        %get3A_864 = arith.index_cast %scan3A_797 : i32 to index
        %get3A_865 = arith.constant 64 : index
        %get3A_866 = tpu.vector_load %arg6[%get3A_863, %get3A_864, %get3A_865] {strides = array<i32>} : memref<2x256x128xf32, #tpu.memory_space<vmem>>, vector<1x1x16xf32>,
        %get3A_867 = vector.shape_cast %get3A_866 : vector<1x1x16xf32> to vector<16xf32>
        %mul3A_868 = arith.constant 11.3137083 : f32
        %mul3A_869 = vector.broadcast %mul3A_868 : f32 to vector<16xf32>
        %mul3A_870 = arith.mulf %get3A_867, %mul3A_869 : vector<16xf32>
        %swap3A_871 = arith.constant 1 : i32
        %swap3A_872 = arith.index_cast %swap3A_871 : i32 to index
        %swap3A_873 = arith.index_cast %scan3A_797 : i32 to index
        %swap3A_874 = arith.constant 64 : index
        %swap3A_875 = tpu.vector_load %arg6[%swap3A_872, %swap3A_873, %swap3A_874] {strides = array<i32>} : memref<2x256x128xf32, #tpu.memory_space<vmem>>, vector<1x1x16xf32>,
        %swap3A_876 = vector.shape_cast %swap3A_875 : vector<1x1x16xf32> to vector<16xf32>
        %swap3A_877 = vector.shape_cast %mul3A_870 : vector<16xf32> to vector<1x1x16xf32>
        tpu.vector_store %arg6[%swap3A_872, %swap3A_873, %swap3A_874], %swap3A_877 {strides = array<i32>} : memref<2x256x128xf32, #tpu.memory_space<vmem>>, vector<1x1x16xf32>,
        %get3A_878 = arith.constant 1 : i32
        %get3A_879 = arith.index_cast %get3A_878 : i32 to index
        %get3A_880 = arith.index_cast %scan3A_797 : i32 to index
        %get3A_881 = arith.constant 80 : index
        %get3A_882 = tpu.vector_load %arg6[%get3A_879, %get3A_880, %get3A_881] {strides = array<i32>} : memref<2x256x128xf32, #tpu.memory_space<vmem>>, vector<1x1x16xf32>,
        %get3A_883 = vector.shape_cast %get3A_882 : vector<1x1x16xf32> to vector<16xf32>
        %mul3A_884 = arith.constant 11.3137083 : f32
        %mul3A_885 = vector.broadcast %mul3A_884 : f32 to vector<16xf32>
        %mul3A_886 = arith.mulf %get3A_883, %mul3A_885 : vector<16xf32>
        %swap3A_887 = arith.constant 1 : i32
        %swap3A_888 = arith.index_cast %swap3A_887 : i32 to index
        %swap3A_889 = arith.index_cast %scan3A_797 : i32 to index
        %swap3A_890 = arith.constant 80 : index
        %swap3A_891 = tpu.vector_load %arg6[%swap3A_888, %swap3A_889, %swap3A_890] {strides = array<i32>} : memref<2x256x128xf32, #tpu.memory_space<vmem>>, vector<1x1x16xf32>,
        %swap3A_892 = vector.shape_cast %swap3A_891 : vector<1x1x16xf32> to vector<16xf32>
        %swap3A_893 = vector.shape_cast %mul3A_886 : vector<16xf32> to vector<1x1x16xf32>
        tpu.vector_store %arg6[%swap3A_888, %swap3A_889, %swap3A_890], %swap3A_893 {strides = array<i32>} : memref<2x256x128xf32, #tpu.memory_space<vmem>>, vector<1x1x16xf32>,
        %get3A_894 = arith.constant 1 : i32
        %get3A_895 = arith.index_cast %get3A_894 : i32 to index
        %get3A_896 = arith.index_cast %scan3A_797 : i32 to index
        %get3A_897 = arith.constant 96 : index
        %get3A_898 = tpu.vector_load %arg6[%get3A_895, %get3A_896, %get3A_897] {strides = array<i32>} : memref<2x256x128xf32, #tpu.memory_space<vmem>>, vector<1x1x16xf32>,
        %get3A_899 = vector.shape_cast %get3A_898 : vector<1x1x16xf32> to vector<16xf32>
        %mul3A_900 = arith.constant 11.3137083 : f32
        %mul3A_901 = vector.broadcast %mul3A_900 : f32 to vector<16xf32>
        %mul3A_902 = arith.mulf %get3A_899, %mul3A_901 : vector<16xf32>
        %swap3A_903 = arith.constant 1 : i32
        %swap3A_904 = arith.index_cast %swap3A_903 : i32 to index
        %swap3A_905 = arith.index_cast %scan3A_797 : i32 to index
        %swap3A_906 = arith.constant 96 : index
        %swap3A_907 = tpu.vector_load %arg6[%swap3A_904, %swap3A_905, %swap3A_906] {strides = array<i32>} : memref<2x256x128xf32, #tpu.memory_space<vmem>>, vector<1x1x16xf32>,
        %swap3A_908 = vector.shape_cast %swap3A_907 : vector<1x1x16xf32> to vector<16xf32>
        %swap3A_909 = vector.shape_cast %mul3A_902 : vector<16xf32> to vector<1x1x16xf32>
        tpu.vector_store %arg6[%swap3A_904, %swap3A_905, %swap3A_906], %swap3A_909 {strides = array<i32>} : memref<2x256x128xf32, #tpu.memory_space<vmem>>, vector<1x1x16xf32>,
        %get3A_910 = arith.constant 1 : i32
        %get3A_911 = arith.index_cast %get3A_910 : i32 to index
        %get3A_912 = arith.index_cast %scan3A_797 : i32 to index
        %get3A_913 = arith.constant 112 : index
        %get3A_914 = tpu.vector_load %arg6[%get3A_911, %get3A_912, %get3A_913] {strides = array<i32>} : memref<2x256x128xf32, #tpu.memory_space<vmem>>, vector<1x1x16xf32>,
        %get3A_915 = vector.shape_cast %get3A_914 : vector<1x1x16xf32> to vector<16xf32>
        %mul3A_916 = arith.constant 11.3137083 : f32
        %mul3A_917 = vector.broadcast %mul3A_916 : f32 to vector<16xf32>
        %mul3A_918 = arith.mulf %get3A_915, %mul3A_917 : vector<16xf32>
        %swap3A_919 = arith.constant 1 : i32
        %swap3A_920 = arith.index_cast %swap3A_919 : i32 to index
        %swap3A_921 = arith.index_cast %scan3A_797 : i32 to index
        %swap3A_922 = arith.constant 112 : index
        %swap3A_923 = tpu.vector_load %arg6[%swap3A_920, %swap3A_921, %swap3A_922] {strides = array<i32>} : memref<2x256x128xf32, #tpu.memory_space<vmem>>, vector<1x1x16xf32>,
        %swap3A_924 = vector.shape_cast %swap3A_923 : vector<1x1x16xf32> to vector<16xf32>
        %swap3A_925 = vector.shape_cast %mul3A_918 : vector<16xf32> to vector<1x1x16xf32>
        tpu.vector_store %arg6[%swap3A_920, %swap3A_921, %swap3A_922], %swap3A_925 {strides = array<i32>} : memref<2x256x128xf32, #tpu.memory_space<vmem>>, vector<1x1x16xf32>,
        %scan3A_926 = arith.constant 0 : i32
        %scan3A_927 = arith.constant 2 : i32
        %scan3A_928 = arith.addi %scan3A_667, %scan3A_927 : i32
        %get3A_929 = arith.constant 1 : i32
        %get3A_930 = arith.index_cast %get3A_929 : i32 to index
        %get3A_931 = arith.index_cast %scan3A_928 : i32 to index
        %get3A_932 = arith.constant 0 : index
        %get3A_933 = tpu.vector_load %arg6[%get3A_930, %get3A_931, %get3A_932] {strides = array<i32>} : memref<2x256x128xf32, #tpu.memory_space<vmem>>, vector<1x1x16xf32>,
        %get3A_934 = vector.shape_cast %get3A_933 : vector<1x1x16xf32> to vector<16xf32>
        %mul3A_935 = arith.constant 11.3137083 : f32
        %mul3A_936 = vector.broadcast %mul3A_935 : f32 to vector<16xf32>
        %mul3A_937 = arith.mulf %get3A_934, %mul3A_936 : vector<16xf32>
        %swap3A_938 = arith.constant 1 : i32
        %swap3A_939 = arith.index_cast %swap3A_938 : i32 to index
        %swap3A_940 = arith.index_cast %scan3A_928 : i32 to index
        %swap3A_941 = arith.constant 0 : index
        %swap3A_942 = tpu.vector_load %arg6[%swap3A_939, %swap3A_940, %swap3A_941] {strides = array<i32>} : memref<2x256x128xf32, #tpu.memory_space<vmem>>, vector<1x1x16xf32>,
        %swap3A_943 = vector.shape_cast %swap3A_942 : vector<1x1x16xf32> to vector<16xf32>
        %swap3A_944 = vector.shape_cast %mul3A_937 : vector<16xf32> to vector<1x1x16xf32>
        tpu.vector_store %arg6[%swap3A_939, %swap3A_940, %swap3A_941], %swap3A_944 {strides = array<i32>} : memref<2x256x128xf32, #tpu.memory_space<vmem>>, vector<1x1x16xf32>,
        %get3A_945 = arith.constant 1 : i32
        %get3A_946 = arith.index_cast %get3A_945 : i32 to index
        %get3A_947 = arith.index_cast %scan3A_928 : i32 to index
        %get3A_948 = arith.constant 16 : index
        %get3A_949 = tpu.vector_load %arg6[%get3A_946, %get3A_947, %get3A_948] {strides = array<i32>} : memref<2x256x128xf32, #tpu.memory_space<vmem>>, vector<1x1x16xf32>,
        %get3A_950 = vector.shape_cast %get3A_949 : vector<1x1x16xf32> to vector<16xf32>
        %mul3A_951 = arith.constant 11.3137083 : f32
        %mul3A_952 = vector.broadcast %mul3A_951 : f32 to vector<16xf32>
        %mul3A_953 = arith.mulf %get3A_950, %mul3A_952 : vector<16xf32>
        %swap3A_954 = arith.constant 1 : i32
        %swap3A_955 = arith.index_cast %swap3A_954 : i32 to index
        %swap3A_956 = arith.index_cast %scan3A_928 : i32 to index
        %swap3A_957 = arith.constant 16 : index
        %swap3A_958 = tpu.vector_load %arg6[%swap3A_955, %swap3A_956, %swap3A_957] {strides = array<i32>} : memref<2x256x128xf32, #tpu.memory_space<vmem>>, vector<1x1x16xf32>,
        %swap3A_959 = vector.shape_cast %swap3A_958 : vector<1x1x16xf32> to vector<16xf32>
        %swap3A_960 = vector.shape_cast %mul3A_953 : vector<16xf32> to vector<1x1x16xf32>
        tpu.vector_store %arg6[%swap3A_955, %swap3A_956, %swap3A_957], %swap3A_960 {strides = array<i32>} : memref<2x256x128xf32, #tpu.memory_space<vmem>>, vector<1x1x16xf32>,
        %get3A_961 = arith.constant 1 : i32
        %get3A_962 = arith.index_cast %get3A_961 : i32 to index
        %get3A_963 = arith.index_cast %scan3A_928 : i32 to index
        %get3A_964 = arith.constant 32 : index
        %get3A_965 = tpu.vector_load %arg6[%get3A_962, %get3A_963, %get3A_964] {strides = array<i32>} : memref<2x256x128xf32, #tpu.memory_space<vmem>>, vector<1x1x16xf32>,
        %get3A_966 = vector.shape_cast %get3A_965 : vector<1x1x16xf32> to vector<16xf32>
        %mul3A_967 = arith.constant 11.3137083 : f32
        %mul3A_968 = vector.broadcast %mul3A_967 : f32 to vector<16xf32>
        %mul3A_969 = arith.mulf %get3A_966, %mul3A_968 : vector<16xf32>
        %swap3A_970 = arith.constant 1 : i32
        %swap3A_971 = arith.index_cast %swap3A_970 : i32 to index
        %swap3A_972 = arith.index_cast %scan3A_928 : i32 to index
        %swap3A_973 = arith.constant 32 : index
        %swap3A_974 = tpu.vector_load %arg6[%swap3A_971, %swap3A_972, %swap3A_973] {strides = array<i32>} : memref<2x256x128xf32, #tpu.memory_space<vmem>>, vector<1x1x16xf32>,
        %swap3A_975 = vector.shape_cast %swap3A_974 : vector<1x1x16xf32> to vector<16xf32>
        %swap3A_976 = vector.shape_cast %mul3A_969 : vector<16xf32> to vector<1x1x16xf32>
        tpu.vector_store %arg6[%swap3A_971, %swap3A_972, %swap3A_973], %swap3A_976 {strides = array<i32>} : memref<2x256x128xf32, #tpu.memory_space<vmem>>, vector<1x1x16xf32>,
        %get3A_977 = arith.constant 1 : i32
        %get3A_978 = arith.index_cast %get3A_977 : i32 to index
        %get3A_979 = arith.index_cast %scan3A_928 : i32 to index
        %get3A_980 = arith.constant 48 : index
        %get3A_981 = tpu.vector_load %arg6[%get3A_978, %get3A_979, %get3A_980] {strides = array<i32>} : memref<2x256x128xf32, #tpu.memory_space<vmem>>, vector<1x1x16xf32>,
        %get3A_982 = vector.shape_cast %get3A_981 : vector<1x1x16xf32> to vector<16xf32>
        %mul3A_983 = arith.constant 11.3137083 : f32
        %mul3A_984 = vector.broadcast %mul3A_983 : f32 to vector<16xf32>
        %mul3A_985 = arith.mulf %get3A_982, %mul3A_984 : vector<16xf32>
        %swap3A_986 = arith.constant 1 : i32
        %swap3A_987 = arith.index_cast %swap3A_986 : i32 to index
        %swap3A_988 = arith.index_cast %scan3A_928 : i32 to index
        %swap3A_989 = arith.constant 48 : index
        %swap3A_990 = tpu.vector_load %arg6[%swap3A_987, %swap3A_988, %swap3A_989] {strides = array<i32>} : memref<2x256x128xf32, #tpu.memory_space<vmem>>, vector<1x1x16xf32>,
        %swap3A_991 = vector.shape_cast %swap3A_990 : vector<1x1x16xf32> to vector<16xf32>
        %swap3A_992 = vector.shape_cast %mul3A_985 : vector<16xf32> to vector<1x1x16xf32>
        tpu.vector_store %arg6[%swap3A_987, %swap3A_988, %swap3A_989], %swap3A_992 {strides = array<i32>} : memref<2x256x128xf32, #tpu.memory_space<vmem>>, vector<1x1x16xf32>,
        %get3A_993 = arith.constant 1 : i32
        %get3A_994 = arith.index_cast %get3A_993 : i32 to index
        %get3A_995 = arith.index_cast %scan3A_928 : i32 to index
        %get3A_996 = arith.constant 64 : index
        %get3A_997 = tpu.vector_load %arg6[%get3A_994, %get3A_995, %get3A_996] {strides = array<i32>} : memref<2x256x128xf32, #tpu.memory_space<vmem>>, vector<1x1x16xf32>,
        %get3A_998 = vector.shape_cast %get3A_997 : vector<1x1x16xf32> to vector<16xf32>
        %mul3A_999 = arith.constant 11.3137083 : f32
        %mul3A_1000 = vector.broadcast %mul3A_999 : f32 to vector<16xf32>
        %mul3A_1001 = arith.mulf %get3A_998, %mul3A_1000 : vector<16xf32>
        %swap3A_1002 = arith.constant 1 : i32
        %swap3A_1003 = arith.index_cast %swap3A_1002 : i32 to index
        %swap3A_1004 = arith.index_cast %scan3A_928 : i32 to index
        %swap3A_1005 = arith.constant 64 : index
        %swap3A_1006 = tpu.vector_load %arg6[%swap3A_1003, %swap3A_1004, %swap3A_1005] {strides = array<i32>} : memref<2x256x128xf32, #tpu.memory_space<vmem>>, vector<1x1x16xf32>,
        %swap3A_1007 = vector.shape_cast %swap3A_1006 : vector<1x1x16xf32> to vector<16xf32>
        %swap3A_1008 = vector.shape_cast %mul3A_1001 : vector<16xf32> to vector<1x1x16xf32>
        tpu.vector_store %arg6[%swap3A_1003, %swap3A_1004, %swap3A_1005], %swap3A_1008 {strides = array<i32>} : memref<2x256x128xf32, #tpu.memory_space<vmem>>, vector<1x1x16xf32>,
        %get3A_1009 = arith.constant 1 : i32
        %get3A_1010 = arith.index_cast %get3A_1009 : i32 to index
        %get3A_1011 = arith.index_cast %scan3A_928 : i32 to index
        %get3A_1012 = arith.constant 80 : index
        %get3A_1013 = tpu.vector_load %arg6[%get3A_1010, %get3A_1011, %get3A_1012] {strides = array<i32>} : memref<2x256x128xf32, #tpu.memory_space<vmem>>, vector<1x1x16xf32>,
        %get3A_1014 = vector.shape_cast %get3A_1013 : vector<1x1x16xf32> to vector<16xf32>
        %mul3A_1015 = arith.constant 11.3137083 : f32
        %mul3A_1016 = vector.broadcast %mul3A_1015 : f32 to vector<16xf32>
        %mul3A_1017 = arith.mulf %get3A_1014, %mul3A_1016 : vector<16xf32>
        %swap3A_1018 = arith.constant 1 : i32
        %swap3A_1019 = arith.index_cast %swap3A_1018 : i32 to index
        %swap3A_1020 = arith.index_cast %scan3A_928 : i32 to index
        %swap3A_1021 = arith.constant 80 : index
        %swap3A_1022 = tpu.vector_load %arg6[%swap3A_1019, %swap3A_1020, %swap3A_1021] {strides = array<i32>} : memref<2x256x128xf32, #tpu.memory_space<vmem>>, vector<1x1x16xf32>,
        %swap3A_1023 = vector.shape_cast %swap3A_1022 : vector<1x1x16xf32> to vector<16xf32>
        %swap3A_1024 = vector.shape_cast %mul3A_1017 : vector<16xf32> to vector<1x1x16xf32>
        tpu.vector_store %arg6[%swap3A_1019, %swap3A_1020, %swap3A_1021], %swap3A_1024 {strides = array<i32>} : memref<2x256x128xf32, #tpu.memory_space<vmem>>, vector<1x1x16xf32>,
        %get3A_1025 = arith.constant 1 : i32
        %get3A_1026 = arith.index_cast %get3A_1025 : i32 to index
        %get3A_1027 = arith.index_cast %scan3A_928 : i32 to index
        %get3A_1028 = arith.constant 96 : index
        %get3A_1029 = tpu.vector_load %arg6[%get3A_1026, %get3A_1027, %get3A_1028] {strides = array<i32>} : memref<2x256x128xf32, #tpu.memory_space<vmem>>, vector<1x1x16xf32>,
        %get3A_1030 = vector.shape_cast %get3A_1029 : vector<1x1x16xf32> to vector<16xf32>
        %mul3A_1031 = arith.constant 11.3137083 : f32
        %mul3A_1032 = vector.broadcast %mul3A_1031 : f32 to vector<16xf32>
        %mul3A_1033 = arith.mulf %get3A_1030, %mul3A_1032 : vector<16xf32>
        %swap3A_1034 = arith.constant 1 : i32
        %swap3A_1035 = arith.index_cast %swap3A_1034 : i32 to index
        %swap3A_1036 = arith.index_cast %scan3A_928 : i32 to index
        %swap3A_1037 = arith.constant 96 : index
        %swap3A_1038 = tpu.vector_load %arg6[%swap3A_1035, %swap3A_1036, %swap3A_1037] {strides = array<i32>} : memref<2x256x128xf32, #tpu.memory_space<vmem>>, vector<1x1x16xf32>,
        %swap3A_1039 = vector.shape_cast %swap3A_1038 : vector<1x1x16xf32> to vector<16xf32>
        %swap3A_1040 = vector.shape_cast %mul3A_1033 : vector<16xf32> to vector<1x1x16xf32>
        tpu.vector_store %arg6[%swap3A_1035, %swap3A_1036, %swap3A_1037], %swap3A_1040 {strides = array<i32>} : memref<2x256x128xf32, #tpu.memory_space<vmem>>, vector<1x1x16xf32>,
        %get3A_1041 = arith.constant 1 : i32
        %get3A_1042 = arith.index_cast %get3A_1041 : i32 to index
        %get3A_1043 = arith.index_cast %scan3A_928 : i32 to index
        %get3A_1044 = arith.constant 112 : index
        %get3A_1045 = tpu.vector_load %arg6[%get3A_1042, %get3A_1043, %get3A_1044] {strides = array<i32>} : memref<2x256x128xf32, #tpu.memory_space<vmem>>, vector<1x1x16xf32>,
        %get3A_1046 = vector.shape_cast %get3A_1045 : vector<1x1x16xf32> to vector<16xf32>
        %mul3A_1047 = arith.constant 11.3137083 : f32
        %mul3A_1048 = vector.broadcast %mul3A_1047 : f32 to vector<16xf32>
        %mul3A_1049 = arith.mulf %get3A_1046, %mul3A_1048 : vector<16xf32>
        %swap3A_1050 = arith.constant 1 : i32
        %swap3A_1051 = arith.index_cast %swap3A_1050 : i32 to index
        %swap3A_1052 = arith.index_cast %scan3A_928 : i32 to index
        %swap3A_1053 = arith.constant 112 : index
        %swap3A_1054 = tpu.vector_load %arg6[%swap3A_1051, %swap3A_1052, %swap3A_1053] {strides = array<i32>} : memref<2x256x128xf32, #tpu.memory_space<vmem>>, vector<1x1x16xf32>,
        %swap3A_1055 = vector.shape_cast %swap3A_1054 : vector<1x1x16xf32> to vector<16xf32>
        %swap3A_1056 = vector.shape_cast %mul3A_1049 : vector<16xf32> to vector<1x1x16xf32>
        tpu.vector_store %arg6[%swap3A_1051, %swap3A_1052, %swap3A_1053], %swap3A_1056 {strides = array<i32>} : memref<2x256x128xf32, #tpu.memory_space<vmem>>, vector<1x1x16xf32>,
        %scan3A_1057 = arith.constant 0 : i32
        %scan3A_1058 = arith.constant 3 : i32
        %scan3A_1059 = arith.addi %scan3A_667, %scan3A_1058 : i32
        %get3A_1060 = arith.constant 1 : i32
        %get3A_1061 = arith.index_cast %get3A_1060 : i32 to index
        %get3A_1062 = arith.index_cast %scan3A_1059 : i32 to index
        %get3A_1063 = arith.constant 0 : index
        %get3A_1064 = tpu.vector_load %arg6[%get3A_1061, %get3A_1062, %get3A_1063] {strides = array<i32>} : memref<2x256x128xf32, #tpu.memory_space<vmem>>, vector<1x1x16xf32>,
        %get3A_1065 = vector.shape_cast %get3A_1064 : vector<1x1x16xf32> to vector<16xf32>
        %mul3A_1066 = arith.constant 11.3137083 : f32
        %mul3A_1067 = vector.broadcast %mul3A_1066 : f32 to vector<16xf32>
        %mul3A_1068 = arith.mulf %get3A_1065, %mul3A_1067 : vector<16xf32>
        %swap3A_1069 = arith.constant 1 : i32
        %swap3A_1070 = arith.index_cast %swap3A_1069 : i32 to index
        %swap3A_1071 = arith.index_cast %scan3A_1059 : i32 to index
        %swap3A_1072 = arith.constant 0 : index
        %swap3A_1073 = tpu.vector_load %arg6[%swap3A_1070, %swap3A_1071, %swap3A_1072] {strides = array<i32>} : memref<2x256x128xf32, #tpu.memory_space<vmem>>, vector<1x1x16xf32>,
        %swap3A_1074 = vector.shape_cast %swap3A_1073 : vector<1x1x16xf32> to vector<16xf32>
        %swap3A_1075 = vector.shape_cast %mul3A_1068 : vector<16xf32> to vector<1x1x16xf32>
        tpu.vector_store %arg6[%swap3A_1070, %swap3A_1071, %swap3A_1072], %swap3A_1075 {strides = array<i32>} : memref<2x256x128xf32, #tpu.memory_space<vmem>>, vector<1x1x16xf32>,
        %get3A_1076 = arith.constant 1 : i32
        %get3A_1077 = arith.index_cast %get3A_1076 : i32 to index
        %get3A_1078 = arith.index_cast %scan3A_1059 : i32 to index
        %get3A_1079 = arith.constant 16 : index
        %get3A_1080 = tpu.vector_load %arg6[%get3A_1077, %get3A_1078, %get3A_1079] {strides = array<i32>} : memref<2x256x128xf32, #tpu.memory_space<vmem>>, vector<1x1x16xf32>,
        %get3A_1081 = vector.shape_cast %get3A_1080 : vector<1x1x16xf32> to vector<16xf32>
        %mul3A_1082 = arith.constant 11.3137083 : f32
        %mul3A_1083 = vector.broadcast %mul3A_1082 : f32 to vector<16xf32>
        %mul3A_1084 = arith.mulf %get3A_1081, %mul3A_1083 : vector<16xf32>
        %swap3A_1085 = arith.constant 1 : i32
        %swap3A_1086 = arith.index_cast %swap3A_1085 : i32 to index
        %swap3A_1087 = arith.index_cast %scan3A_1059 : i32 to index
        %swap3A_1088 = arith.constant 16 : index
        %swap3A_1089 = tpu.vector_load %arg6[%swap3A_1086, %swap3A_1087, %swap3A_1088] {strides = array<i32>} : memref<2x256x128xf32, #tpu.memory_space<vmem>>, vector<1x1x16xf32>,
        %swap3A_1090 = vector.shape_cast %swap3A_1089 : vector<1x1x16xf32> to vector<16xf32>
        %swap3A_1091 = vector.shape_cast %mul3A_1084 : vector<16xf32> to vector<1x1x16xf32>
        tpu.vector_store %arg6[%swap3A_1086, %swap3A_1087, %swap3A_1088], %swap3A_1091 {strides = array<i32>} : memref<2x256x128xf32, #tpu.memory_space<vmem>>, vector<1x1x16xf32>,
        %get3A_1092 = arith.constant 1 : i32
        %get3A_1093 = arith.index_cast %get3A_1092 : i32 to index
        %get3A_1094 = arith.index_cast %scan3A_1059 : i32 to index
        %get3A_1095 = arith.constant 32 : index
        %get3A_1096 = tpu.vector_load %arg6[%get3A_1093, %get3A_1094, %get3A_1095] {strides = array<i32>} : memref<2x256x128xf32, #tpu.memory_space<vmem>>, vector<1x1x16xf32>,
        %get3A_1097 = vector.shape_cast %get3A_1096 : vector<1x1x16xf32> to vector<16xf32>
        %mul3A_1098 = arith.constant 11.3137083 : f32
        %mul3A_1099 = vector.broadcast %mul3A_1098 : f32 to vector<16xf32>
        %mul3A_1100 = arith.mulf %get3A_1097, %mul3A_1099 : vector<16xf32>
        %swap3A_1101 = arith.constant 1 : i32
        %swap3A_1102 = arith.index_cast %swap3A_1101 : i32 to index
        %swap3A_1103 = arith.index_cast %scan3A_1059 : i32 to index
        %swap3A_1104 = arith.constant 32 : index
        %swap3A_1105 = tpu.vector_load %arg6[%swap3A_1102, %swap3A_1103, %swap3A_1104] {strides = array<i32>} : memref<2x256x128xf32, #tpu.memory_space<vmem>>, vector<1x1x16xf32>,
        %swap3A_1106 = vector.shape_cast %swap3A_1105 : vector<1x1x16xf32> to vector<16xf32>
        %swap3A_1107 = vector.shape_cast %mul3A_1100 : vector<16xf32> to vector<1x1x16xf32>
        tpu.vector_store %arg6[%swap3A_1102, %swap3A_1103, %swap3A_1104], %swap3A_1107 {strides = array<i32>} : memref<2x256x128xf32, #tpu.memory_space<vmem>>, vector<1x1x16xf32>,
        %get3A_1108 = arith.constant 1 : i32
        %get3A_1109 = arith.index_cast %get3A_1108 : i32 to index
        %get3A_1110 = arith.index_cast %scan3A_1059 : i32 to index
        %get3A_1111 = arith.constant 48 : index
        %get3A_1112 = tpu.vector_load %arg6[%get3A_1109, %get3A_1110, %get3A_1111] {strides = array<i32>} : memref<2x256x128xf32, #tpu.memory_space<vmem>>, vector<1x1x16xf32>,
        %get3A_1113 = vector.shape_cast %get3A_1112 : vector<1x1x16xf32> to vector<16xf32>
        %mul3A_1114 = arith.constant 11.3137083 : f32
        %mul3A_1115 = vector.broadcast %mul3A_1114 : f32 to vector<16xf32>
        %mul3A_1116 = arith.mulf %get3A_1113, %mul3A_1115 : vector<16xf32>
        %swap3A_1117 = arith.constant 1 : i32
        %swap3A_1118 = arith.index_cast %swap3A_1117 : i32 to index
        %swap3A_1119 = arith.index_cast %scan3A_1059 : i32 to index
        %swap3A_1120 = arith.constant 48 : index
        %swap3A_1121 = tpu.vector_load %arg6[%swap3A_1118, %swap3A_1119, %swap3A_1120] {strides = array<i32>} : memref<2x256x128xf32, #tpu.memory_space<vmem>>, vector<1x1x16xf32>,
        %swap3A_1122 = vector.shape_cast %swap3A_1121 : vector<1x1x16xf32> to vector<16xf32>
        %swap3A_1123 = vector.shape_cast %mul3A_1116 : vector<16xf32> to vector<1x1x16xf32>
        tpu.vector_store %arg6[%swap3A_1118, %swap3A_1119, %swap3A_1120], %swap3A_1123 {strides = array<i32>} : memref<2x256x128xf32, #tpu.memory_space<vmem>>, vector<1x1x16xf32>,
        %get3A_1124 = arith.constant 1 : i32
        %get3A_1125 = arith.index_cast %get3A_1124 : i32 to index
        %get3A_1126 = arith.index_cast %scan3A_1059 : i32 to index
        %get3A_1127 = arith.constant 64 : index
        %get3A_1128 = tpu.vector_load %arg6[%get3A_1125, %get3A_1126, %get3A_1127] {strides = array<i32>} : memref<2x256x128xf32, #tpu.memory_space<vmem>>, vector<1x1x16xf32>,
        %get3A_1129 = vector.shape_cast %get3A_1128 : vector<1x1x16xf32> to vector<16xf32>
        %mul3A_1130 = arith.constant 11.3137083 : f32
        %mul3A_1131 = vector.broadcast %mul3A_1130 : f32 to vector<16xf32>
        %mul3A_1132 = arith.mulf %get3A_1129, %mul3A_1131 : vector<16xf32>
        %swap3A_1133 = arith.constant 1 : i32
        %swap3A_1134 = arith.index_cast %swap3A_1133 : i32 to index
        %swap3A_1135 = arith.index_cast %scan3A_1059 : i32 to index
        %swap3A_1136 = arith.constant 64 : index
        %swap3A_1137 = tpu.vector_load %arg6[%swap3A_1134, %swap3A_1135, %swap3A_1136] {strides = array<i32>} : memref<2x256x128xf32, #tpu.memory_space<vmem>>, vector<1x1x16xf32>,
        %swap3A_1138 = vector.shape_cast %swap3A_1137 : vector<1x1x16xf32> to vector<16xf32>
        %swap3A_1139 = vector.shape_cast %mul3A_1132 : vector<16xf32> to vector<1x1x16xf32>
        tpu.vector_store %arg6[%swap3A_1134, %swap3A_1135, %swap3A_1136], %swap3A_1139 {strides = array<i32>} : memref<2x256x128xf32, #tpu.memory_space<vmem>>, vector<1x1x16xf32>,
        %get3A_1140 = arith.constant 1 : i32
        %get3A_1141 = arith.index_cast %get3A_1140 : i32 to index
        %get3A_1142 = arith.index_cast %scan3A_1059 : i32 to index
        %get3A_1143 = arith.constant 80 : index
        %get3A_1144 = tpu.vector_load %arg6[%get3A_1141, %get3A_1142, %get3A_1143] {strides = array<i32>} : memref<2x256x128xf32, #tpu.memory_space<vmem>>, vector<1x1x16xf32>,
        %get3A_1145 = vector.shape_cast %get3A_1144 : vector<1x1x16xf32> to vector<16xf32>
        %mul3A_1146 = arith.constant 11.3137083 : f32
        %mul3A_1147 = vector.broadcast %mul3A_1146 : f32 to vector<16xf32>
        %mul3A_1148 = arith.mulf %get3A_1145, %mul3A_1147 : vector<16xf32>
        %swap3A_1149 = arith.constant 1 : i32
        %swap3A_1150 = arith.index_cast %swap3A_1149 : i32 to index
        %swap3A_1151 = arith.index_cast %scan3A_1059 : i32 to index
        %swap3A_1152 = arith.constant 80 : index
        %swap3A_1153 = tpu.vector_load %arg6[%swap3A_1150, %swap3A_1151, %swap3A_1152] {strides = array<i32>} : memref<2x256x128xf32, #tpu.memory_space<vmem>>, vector<1x1x16xf32>,
        %swap3A_1154 = vector.shape_cast %swap3A_1153 : vector<1x1x16xf32> to vector<16xf32>
        %swap3A_1155 = vector.shape_cast %mul3A_1148 : vector<16xf32> to vector<1x1x16xf32>
        tpu.vector_store %arg6[%swap3A_1150, %swap3A_1151, %swap3A_1152], %swap3A_1155 {strides = array<i32>} : memref<2x256x128xf32, #tpu.memory_space<vmem>>, vector<1x1x16xf32>,
        %get3A_1156 = arith.constant 1 : i32
        %get3A_1157 = arith.index_cast %get3A_1156 : i32 to index
        %get3A_1158 = arith.index_cast %scan3A_1059 : i32 to index
        %get3A_1159 = arith.constant 96 : index
        %get3A_1160 = tpu.vector_load %arg6[%get3A_1157, %get3A_1158, %get3A_1159] {strides = array<i32>} : memref<2x256x128xf32, #tpu.memory_space<vmem>>, vector<1x1x16xf32>,
        %get3A_1161 = vector.shape_cast %get3A_1160 : vector<1x1x16xf32> to vector<16xf32>
        %mul3A_1162 = arith.constant 11.3137083 : f32
        %mul3A_1163 = vector.broadcast %mul3A_1162 : f32 to vector<16xf32>
        %mul3A_1164 = arith.mulf %get3A_1161, %mul3A_1163 : vector<16xf32>
        %swap3A_1165 = arith.constant 1 : i32
        %swap3A_1166 = arith.index_cast %swap3A_1165 : i32 to index
        %swap3A_1167 = arith.index_cast %scan3A_1059 : i32 to index
        %swap3A_1168 = arith.constant 96 : index
        %swap3A_1169 = tpu.vector_load %arg6[%swap3A_1166, %swap3A_1167, %swap3A_1168] {strides = array<i32>} : memref<2x256x128xf32, #tpu.memory_space<vmem>>, vector<1x1x16xf32>,
        %swap3A_1170 = vector.shape_cast %swap3A_1169 : vector<1x1x16xf32> to vector<16xf32>
        %swap3A_1171 = vector.shape_cast %mul3A_1164 : vector<16xf32> to vector<1x1x16xf32>
        tpu.vector_store %arg6[%swap3A_1166, %swap3A_1167, %swap3A_1168], %swap3A_1171 {strides = array<i32>} : memref<2x256x128xf32, #tpu.memory_space<vmem>>, vector<1x1x16xf32>,
        %get3A_1172 = arith.constant 1 : i32
        %get3A_1173 = arith.index_cast %get3A_1172 : i32 to index
        %get3A_1174 = arith.index_cast %scan3A_1059 : i32 to index
        %get3A_1175 = arith.constant 112 : index
        %get3A_1176 = tpu.vector_load %arg6[%get3A_1173, %get3A_1174, %get3A_1175] {strides = array<i32>} : memref<2x256x128xf32, #tpu.memory_space<vmem>>, vector<1x1x16xf32>,
        %get3A_1177 = vector.shape_cast %get3A_1176 : vector<1x1x16xf32> to vector<16xf32>
        %mul3A_1178 = arith.constant 11.3137083 : f32
        %mul3A_1179 = vector.broadcast %mul3A_1178 : f32 to vector<16xf32>
        %mul3A_1180 = arith.mulf %get3A_1177, %mul3A_1179 : vector<16xf32>
        %swap3A_1181 = arith.constant 1 : i32
        %swap3A_1182 = arith.index_cast %swap3A_1181 : i32 to index
        %swap3A_1183 = arith.index_cast %scan3A_1059 : i32 to index
        %swap3A_1184 = arith.constant 112 : index
        %swap3A_1185 = tpu.vector_load %arg6[%swap3A_1182, %swap3A_1183, %swap3A_1184] {strides = array<i32>} : memref<2x256x128xf32, #tpu.memory_space<vmem>>, vector<1x1x16xf32>,
        %swap3A_1186 = vector.shape_cast %swap3A_1185 : vector<1x1x16xf32> to vector<16xf32>
        %swap3A_1187 = vector.shape_cast %mul3A_1180 : vector<16xf32> to vector<1x1x16xf32>
        tpu.vector_store %arg6[%swap3A_1182, %swap3A_1183, %swap3A_1184], %swap3A_1187 {strides = array<i32>} : memref<2x256x128xf32, #tpu.memory_space<vmem>>, vector<1x1x16xf32>,
        %scan3A_1188 = arith.constant 0 : i32
        scf.yield %scan3A_1188 : i32
      }
      %scan3A_646 = arith.constant 256 : i32
      %mul3A_647 = arith.constant 256 : i32
      %mul3A_648 = arith.muli %add3A_544, %mul3A_647 : i32
      %add3A_649 = arith.addi %mul3A_2, %mul3A_648 : i32
      %dma_start3A_650 = arith.constant 1 : i32
      %dma_start3A_651 = arith.constant 1 : i32
      %dma_start3A_652 = arith.constant 0 : i32
      %dma_start3A_653 = arith.constant 0 : i32
      %dma_start3A_654 = tpu.memref_slice %arg6[%dma_start3A_650, %dma_start3A_652, %dma_start3A_653] : memref<2x256x128xf32, #tpu.memory_space<vmem>> -> memref<1x256x128xf32, #tpu.memory_space<vmem>>
      %dma_start3A_655 = tpu.memref_squeeze %dma_start3A_654 : memref<1x256x128xf32, #tpu.memory_space<vmem>> -> memref<256x128xf32, #tpu.memory_space<vmem>>
      %dma_start3A_656 = arith.constant 0 : i32
      %dma_start3A_657 = tpu.memref_slice %arg4[%add3A_649, %dma_start3A_656] : memref<819200x128xf32, #tpu.memory_space<hbm>> -> memref<256x128xf32, #tpu.memory_space<hbm>>
      %dma_start3A_658 = tpu.memref_slice %arg8[%dma_start3A_651] : memref<2x!tpu.dma_semaphore, #tpu.memory_space<semaphore_mem>> -> memref<1x!tpu.dma_semaphore, #tpu.memory_space<semaphore_mem>>
      %dma_start3A_659 = tpu.memref_squeeze %dma_start3A_658 : memref<1x!tpu.dma_semaphore, #tpu.memory_space<semaphore_mem>> -> memref<!tpu.dma_semaphore, #tpu.memory_space<semaphore_mem>>
      %dma_start3A_660 = arith.constant 0 : i32
      %dma_start3A_661 = tpu.memref_slice %arg4[%add3A_649, %dma_start3A_660] : memref<819200x128xf32, #tpu.memory_space<hbm>> -> memref<256x128xf32, #tpu.memory_space<hbm>>
      %dma_start3A_662 = arith.constant 0 : i32
      %dma_start3A_663 = arith.constant 0 : i32
      %dma_start3A_664 = tpu.memref_slice %arg6[%dma_start3A_650, %dma_start3A_662, %dma_start3A_663] : memref<2x256x128xf32, #tpu.memory_space<vmem>> -> memref<1x256x128xf32, #tpu.memory_space<vmem>>
      %dma_start3A_665 = tpu.memref_squeeze %dma_start3A_664 : memref<1x256x128xf32, #tpu.memory_space<vmem>> -> memref<256x128xf32, #tpu.memory_space<vmem>>
      tpu.enqueue_dma source(%dma_start3A_665 : memref<256x128xf32, #tpu.memory_space<vmem>>) target(%dma_start3A_661 : memref<256x128xf32, #tpu.memory_space<hbm>>) target_semaphore(%dma_start3A_659 : memref<!tpu.dma_semaphore, #tpu.memory_space<semaphore_mem>>)
      %scan3A_666 = arith.constant 0 : i32
      scf.yield %scan3A_666 : i32
    }
    %scan3A_224 = arith.constant 48 : i32
    %dma_wait3A_225 = arith.constant 196 : i32
    %dma_wait3A_226 = arith.constant 0 : i32
    %dma_wait3A_227 = arith.constant 0 : i32
    %dma_wait3A_228 = arith.constant 0 : i32
    %dma_wait3A_229 = arith.constant 0 : i32
    %dma_wait3A_230 = tpu.memref_slice %arg6[%dma_wait3A_226, %dma_wait3A_228, %dma_wait3A_229] : memref<2x256x128xf32, #tpu.memory_space<vmem>> -> memref<1x128x128xf32, #tpu.memory_space<vmem>>
    %dma_wait3A_231 = tpu.memref_squeeze %dma_wait3A_230 : memref<1x128x128xf32, #tpu.memory_space<vmem>> -> memref<128x128xf32, #tpu.memory_space<vmem>>
    %dma_wait3A_232 = arith.constant 0 : i32
    %dma_wait3A_233 = tpu.memref_slice %arg5[%dma_wait3A_225, %dma_wait3A_232] : memref<200x128xi32, #tpu.memory_space<vmem>> -> memref<1x128xi32, #tpu.memory_space<vmem>>
    %dma_wait3A_234 = tpu.memref_squeeze %dma_wait3A_233 : memref<1x128xi32, #tpu.memory_space<vmem>> -> memref<128xi32, #tpu.memory_space<vmem>>
    %dma_wait3A_235 = arith.constant 0 : i32
    %dma_wait3A_236 = arith.constant 0 : i32
    %dma_wait3A_237 = tpu.memref_slice %arg3[%dma_wait3A_235, %dma_wait3A_236] : memref<100000x128xf32, #tpu.memory_space<hbm>> -> memref<100000x128xf32, #tpu.memory_space<hbm>>
    %dma_wait3A_238 = tpu.memref_slice %arg7[%dma_wait3A_227] : memref<2x!tpu.dma_semaphore, #tpu.memory_space<semaphore_mem>> -> memref<1x!tpu.dma_semaphore, #tpu.memory_space<semaphore_mem>>
    %dma_wait3A_239 = tpu.memref_squeeze %dma_wait3A_238 : memref<1x!tpu.dma_semaphore, #tpu.memory_space<semaphore_mem>> -> memref<!tpu.dma_semaphore, #tpu.memory_space<semaphore_mem>>
    tpu.wait_indirect_dma semaphore(%dma_wait3A_239 : memref<!tpu.dma_semaphore, #tpu.memory_space<semaphore_mem>>) src(%dma_wait3A_237 : memref<100000x128xf32, #tpu.memory_space<hbm>>) dst(%dma_wait3A_231 : memref<128x128xf32, #tpu.memory_space<vmem>>)
    %dma_wait3A_240 = arith.constant 197 : i32
    %dma_wait3A_241 = arith.constant 0 : i32
    %dma_wait3A_242 = arith.constant 0 : i32
    %dma_wait3A_243 = arith.constant 128 : i32
    %dma_wait3A_244 = arith.constant 0 : i32
    %dma_wait3A_245 = tpu.memref_slice %arg6[%dma_wait3A_241, %dma_wait3A_243, %dma_wait3A_244] : memref<2x256x128xf32, #tpu.memory_space<vmem>> -> memref<1x128x128xf32, #tpu.memory_space<vmem>>
    %dma_wait3A_246 = tpu.memref_squeeze %dma_wait3A_245 : memref<1x128x128xf32, #tpu.memory_space<vmem>> -> memref<128x128xf32, #tpu.memory_space<vmem>>
    %dma_wait3A_247 = arith.constant 0 : i32
    %dma_wait3A_248 = tpu.memref_slice %arg5[%dma_wait3A_240, %dma_wait3A_247] : memref<200x128xi32, #tpu.memory_space<vmem>> -> memref<1x128xi32, #tpu.memory_space<vmem>>
    %dma_wait3A_249 = tpu.memref_squeeze %dma_wait3A_248 : memref<1x128xi32, #tpu.memory_space<vmem>> -> memref<128xi32, #tpu.memory_space<vmem>>
    %dma_wait3A_250 = arith.constant 0 : i32
    %dma_wait3A_251 = arith.constant 0 : i32
    %dma_wait3A_252 = tpu.memref_slice %arg3[%dma_wait3A_250, %dma_wait3A_251] : memref<100000x128xf32, #tpu.memory_space<hbm>> -> memref<100000x128xf32, #tpu.memory_space<hbm>>
    %dma_wait3A_253 = tpu.memref_slice %arg7[%dma_wait3A_242] : memref<2x!tpu.dma_semaphore, #tpu.memory_space<semaphore_mem>> -> memref<1x!tpu.dma_semaphore, #tpu.memory_space<semaphore_mem>>
    %dma_wait3A_254 = tpu.memref_squeeze %dma_wait3A_253 : memref<1x!tpu.dma_semaphore, #tpu.memory_space<semaphore_mem>> -> memref<!tpu.dma_semaphore, #tpu.memory_space<semaphore_mem>>
    tpu.wait_indirect_dma semaphore(%dma_wait3A_254 : memref<!tpu.dma_semaphore, #tpu.memory_space<semaphore_mem>>) src(%dma_wait3A_252 : memref<100000x128xf32, #tpu.memory_space<hbm>>) dst(%dma_wait3A_246 : memref<128x128xf32, #tpu.memory_space<vmem>>)
    %add3A_255 = arith.constant 24832 : i32
    %add3A_256 = arith.addi %mul3A_2, %add3A_255 : i32
    %dma_wait3A_257 = arith.constant 1 : i32
    %dma_wait3A_258 = arith.constant 1 : i32
    %dma_wait3A_259 = arith.constant 0 : i32
    %dma_wait3A_260 = arith.constant 0 : i32
    %dma_wait3A_261 = tpu.memref_slice %arg6[%dma_wait3A_257, %dma_wait3A_259, %dma_wait3A_260] : memref<2x256x128xf32, #tpu.memory_space<vmem>> -> memref<1x256x128xf32, #tpu.memory_space<vmem>>
    %dma_wait3A_262 = tpu.memref_squeeze %dma_wait3A_261 : memref<1x256x128xf32, #tpu.memory_space<vmem>> -> memref<256x128xf32, #tpu.memory_space<vmem>>
    %dma_wait3A_263 = arith.constant 0 : i32
    %dma_wait3A_264 = tpu.memref_slice %arg4[%add3A_256, %dma_wait3A_263] : memref<819200x128xf32, #tpu.memory_space<hbm>> -> memref<256x128xf32, #tpu.memory_space<hbm>>
    %dma_wait3A_265 = tpu.memref_slice %arg8[%dma_wait3A_258] : memref<2x!tpu.dma_semaphore, #tpu.memory_space<semaphore_mem>> -> memref<1x!tpu.dma_semaphore, #tpu.memory_space<semaphore_mem>>
    %dma_wait3A_266 = tpu.memref_squeeze %dma_wait3A_265 : memref<1x!tpu.dma_semaphore, #tpu.memory_space<semaphore_mem>> -> memref<!tpu.dma_semaphore, #tpu.memory_space<semaphore_mem>>
    %dma_wait3A_267 = arith.constant 0 : i32
    %dma_wait3A_268 = tpu.memref_slice %arg4[%add3A_256, %dma_wait3A_267] : memref<819200x128xf32, #tpu.memory_space<hbm>> -> memref<256x128xf32, #tpu.memory_space<hbm>>
    %dma_wait3A_269 = arith.constant 0 : i32
    %dma_wait3A_270 = arith.constant 0 : i32
    %dma_wait3A_271 = tpu.memref_slice %arg6[%dma_wait3A_257, %dma_wait3A_269, %dma_wait3A_270] : memref<2x256x128xf32, #tpu.memory_space<vmem>> -> memref<1x256x128xf32, #tpu.memory_space<vmem>>
    %dma_wait3A_272 = tpu.memref_squeeze %dma_wait3A_271 : memref<1x256x128xf32, #tpu.memory_space<vmem>> -> memref<256x128xf32, #tpu.memory_space<vmem>>
    tpu.wait_dma2 semaphore(%dma_wait3A_266 : memref<!tpu.dma_semaphore, #tpu.memory_space<semaphore_mem>>) src(%dma_wait3A_272 : memref<256x128xf32, #tpu.memory_space<vmem>>) dst(%dma_wait3A_268 : memref<256x128xf32, #tpu.memory_space<hbm>>)
    %dma_start3A_273 = arith.constant 198 : i32
    %dma_start3A_274 = arith.constant 1 : i32
    %dma_start3A_275 = arith.constant 1 : i32
    %dma_start3A_276 = arith.constant 0 : i32
    %dma_start3A_277 = arith.constant 0 : i32
    %dma_start3A_278 = tpu.memref_slice %arg6[%dma_start3A_274, %dma_start3A_276, %dma_start3A_277] : memref<2x256x128xf32, #tpu.memory_space<vmem>> -> memref<1x128x128xf32, #tpu.memory_space<vmem>>
    %dma_start3A_279 = tpu.memref_squeeze %dma_start3A_278 : memref<1x128x128xf32, #tpu.memory_space<vmem>> -> memref<128x128xf32, #tpu.memory_space<vmem>>
    %dma_start3A_280 = arith.constant 0 : i32
    %dma_start3A_281 = tpu.memref_slice %arg5[%dma_start3A_273, %dma_start3A_280] : memref<200x128xi32, #tpu.memory_space<vmem>> -> memref<1x128xi32, #tpu.memory_space<vmem>>
    %dma_start3A_282 = tpu.memref_squeeze %dma_start3A_281 : memref<1x128xi32, #tpu.memory_space<vmem>> -> memref<128xi32, #tpu.memory_space<vmem>>
    %dma_start3A_283 = arith.constant 0 : i32
    %dma_start3A_284 = arith.constant 0 : i32
    %dma_start3A_285 = tpu.memref_slice %arg3[%dma_start3A_283, %dma_start3A_284] : memref<100000x128xf32, #tpu.memory_space<hbm>> -> memref<100000x128xf32, #tpu.memory_space<hbm>>
    %dma_start3A_286 = tpu.memref_slice %arg7[%dma_start3A_275] : memref<2x!tpu.dma_semaphore, #tpu.memory_space<semaphore_mem>> -> memref<1x!tpu.dma_semaphore, #tpu.memory_space<semaphore_mem>>
    %dma_start3A_287 = tpu.memref_squeeze %dma_start3A_286 : memref<1x!tpu.dma_semaphore, #tpu.memory_space<semaphore_mem>> -> memref<!tpu.dma_semaphore, #tpu.memory_space<semaphore_mem>>
    tpu.enqueue_indirect_dma source(%dma_start3A_285 : memref<100000x128xf32, #tpu.memory_space<hbm>>) target(%dma_start3A_279 : memref<128x128xf32, #tpu.memory_space<vmem>>) offsets(%dma_start3A_282 : memref<128xi32, #tpu.memory_space<vmem>>) semaphore(%dma_start3A_287 : memref<!tpu.dma_semaphore, #tpu.memory_space<semaphore_mem>>)
    %dma_start3A_288 = arith.constant 199 : i32
    %dma_start3A_289 = arith.constant 1 : i32
    %dma_start3A_290 = arith.constant 1 : i32
    %dma_start3A_291 = arith.constant 128 : i32
    %dma_start3A_292 = arith.constant 0 : i32
    %dma_start3A_293 = tpu.memref_slice %arg6[%dma_start3A_289, %dma_start3A_291, %dma_start3A_292] : memref<2x256x128xf32, #tpu.memory_space<vmem>> -> memref<1x128x128xf32, #tpu.memory_space<vmem>>
    %dma_start3A_294 = tpu.memref_squeeze %dma_start3A_293 : memref<1x128x128xf32, #tpu.memory_space<vmem>> -> memref<128x128xf32, #tpu.memory_space<vmem>>
    %dma_start3A_295 = arith.constant 0 : i32
    %dma_start3A_296 = tpu.memref_slice %arg5[%dma_start3A_288, %dma_start3A_295] : memref<200x128xi32, #tpu.memory_space<vmem>> -> memref<1x128xi32, #tpu.memory_space<vmem>>
    %dma_start3A_297 = tpu.memref_squeeze %dma_start3A_296 : memref<1x128xi32, #tpu.memory_space<vmem>> -> memref<128xi32, #tpu.memory_space<vmem>>
    %dma_start3A_298 = arith.constant 0 : i32
    %dma_start3A_299 = arith.constant 0 : i32
    %dma_start3A_300 = tpu.memref_slice %arg3[%dma_start3A_298, %dma_start3A_299] : memref<100000x128xf32, #tpu.memory_space<hbm>> -> memref<100000x128xf32, #tpu.memory_space<hbm>>
    %dma_start3A_301 = tpu.memref_slice %arg7[%dma_start3A_290] : memref<2x!tpu.dma_semaphore, #tpu.memory_space<semaphore_mem>> -> memref<1x!tpu.dma_semaphore, #tpu.memory_space<semaphore_mem>>
    %dma_start3A_302 = tpu.memref_squeeze %dma_start3A_301 : memref<1x!tpu.dma_semaphore, #tpu.memory_space<semaphore_mem>> -> memref<!tpu.dma_semaphore, #tpu.memory_space<semaphore_mem>>
    tpu.enqueue_indirect_dma source(%dma_start3A_300 : memref<100000x128xf32, #tpu.memory_space<hbm>>) target(%dma_start3A_294 : memref<128x128xf32, #tpu.memory_space<vmem>>) offsets(%dma_start3A_297 : memref<128xi32, #tpu.memory_space<vmem>>) semaphore(%dma_start3A_302 : memref<!tpu.dma_semaphore, #tpu.memory_space<semaphore_mem>>)
    %scan3A_303 = arith.constant 0 : i32
    %scan3A_304 = arith.constant 0 : i32
    %scan3A_305 = arith.constant 256 : i32
    %scan3A_306 = arith.addi %scan3A_304, %scan3A_305 : i32
    %scan3A_307 = arith.constant 4 : i32
    %scan3A_308 = scf.for %scan3A_419 = %scan3A_304 to %scan3A_306 step %scan3A_307 iter_args(%scan3A_420 = %scan3A_303) -> (i32)  : i32 {
      %get3A = arith.constant 0 : i32
      %get3A_421 = arith.index_cast %get3A : i32 to index
      %get3A_422 = arith.index_cast %scan3A_419 : i32 to index
      %get3A_423 = arith.constant 0 : index
      %get3A_424 = tpu.vector_load %arg6[%get3A_421, %get3A_422, %get3A_423] {strides = array<i32>} : memref<2x256x128xf32, #tpu.memory_space<vmem>>, vector<1x1x16xf32>,
      %get3A_425 = vector.shape_cast %get3A_424 : vector<1x1x16xf32> to vector<16xf32>
      %mul3A_426 = arith.constant 11.3137083 : f32
      %mul3A_427 = vector.broadcast %mul3A_426 : f32 to vector<16xf32>
      %mul3A_428 = arith.mulf %get3A_425, %mul3A_427 : vector<16xf32>
      %swap3A = arith.constant 0 : i32
      %swap3A_429 = arith.index_cast %swap3A : i32 to index
      %swap3A_430 = arith.index_cast %scan3A_419 : i32 to index
      %swap3A_431 = arith.constant 0 : index
      %swap3A_432 = tpu.vector_load %arg6[%swap3A_429, %swap3A_430, %swap3A_431] {strides = array<i32>} : memref<2x256x128xf32, #tpu.memory_space<vmem>>, vector<1x1x16xf32>,
      %swap3A_433 = vector.shape_cast %swap3A_432 : vector<1x1x16xf32> to vector<16xf32>
      %swap3A_434 = vector.shape_cast %mul3A_428 : vector<16xf32> to vector<1x1x16xf32>
      tpu.vector_store %arg6[%swap3A_429, %swap3A_430, %swap3A_431], %swap3A_434 {strides = array<i32>} : memref<2x256x128xf32, #tpu.memory_space<vmem>>, vector<1x1x16xf32>,
      %get3A_435 = arith.constant 0 : i32
      %get3A_436 = arith.index_cast %get3A_435 : i32 to index
      %get3A_437 = arith.index_cast %scan3A_419 : i32 to index
      %get3A_438 = arith.constant 16 : index
      %get3A_439 = tpu.vector_load %arg6[%get3A_436, %get3A_437, %get3A_438] {strides = array<i32>} : memref<2x256x128xf32, #tpu.memory_space<vmem>>, vector<1x1x16xf32>,
      %get3A_440 = vector.shape_cast %get3A_439 : vector<1x1x16xf32> to vector<16xf32>
      %mul3A_441 = arith.constant 11.3137083 : f32
      %mul3A_442 = vector.broadcast %mul3A_441 : f32 to vector<16xf32>
      %mul3A_443 = arith.mulf %get3A_440, %mul3A_442 : vector<16xf32>
      %swap3A_444 = arith.constant 0 : i32
      %swap3A_445 = arith.index_cast %swap3A_444 : i32 to index
      %swap3A_446 = arith.index_cast %scan3A_419 : i32 to index
      %swap3A_447 = arith.constant 16 : index
      %swap3A_448 = tpu.vector_load %arg6[%swap3A_445, %swap3A_446, %swap3A_447] {strides = array<i32>} : memref<2x256x128xf32, #tpu.memory_space<vmem>>, vector<1x1x16xf32>,
      %swap3A_449 = vector.shape_cast %swap3A_448 : vector<1x1x16xf32> to vector<16xf32>
      %swap3A_450 = vector.shape_cast %mul3A_443 : vector<16xf32> to vector<1x1x16xf32>
      tpu.vector_store %arg6[%swap3A_445, %swap3A_446, %swap3A_447], %swap3A_450 {strides = array<i32>} : memref<2x256x128xf32, #tpu.memory_space<vmem>>, vector<1x1x16xf32>,
      %get3A_451 = arith.constant 0 : i32
      %get3A_452 = arith.index_cast %get3A_451 : i32 to index
      %get3A_453 = arith.index_cast %scan3A_419 : i32 to index
      %get3A_454 = arith.constant 32 : index
      %get3A_455 = tpu.vector_load %arg6[%get3A_452, %get3A_453, %get3A_454] {strides = array<i32>} : memref<2x256x128xf32, #tpu.memory_space<vmem>>, vector<1x1x16xf32>,
      %get3A_456 = vector.shape_cast %get3A_455 : vector<1x1x16xf32> to vector<16xf32>
      %mul3A_457 = arith.constant 11.3137083 : f32
      %mul3A_458 = vector.broadcast %mul3A_457 : f32 to vector<16xf32>
      %mul3A_459 = arith.mulf %get3A_456, %mul3A_458 : vector<16xf32>
      %swap3A_460 = arith.constant 0 : i32
      %swap3A_461 = arith.index_cast %swap3A_460 : i32 to index
      %swap3A_462 = arith.index_cast %scan3A_419 : i32 to index
      %swap3A_463 = arith.constant 32 : index
      %swap3A_464 = tpu.vector_load %arg6[%swap3A_461, %swap3A_462, %swap3A_463] {strides = array<i32>} : memref<2x256x128xf32, #tpu.memory_space<vmem>>, vector<1x1x16xf32>,
      %swap3A_465 = vector.shape_cast %swap3A_464 : vector<1x1x16xf32> to vector<16xf32>
      %swap3A_466 = vector.shape_cast %mul3A_459 : vector<16xf32> to vector<1x1x16xf32>
      tpu.vector_store %arg6[%swap3A_461, %swap3A_462, %swap3A_463], %swap3A_466 {strides = array<i32>} : memref<2x256x128xf32, #tpu.memory_space<vmem>>, vector<1x1x16xf32>,
      %get3A_467 = arith.constant 0 : i32
      %get3A_468 = arith.index_cast %get3A_467 : i32 to index
      %get3A_469 = arith.index_cast %scan3A_419 : i32 to index
      %get3A_470 = arith.constant 48 : index
      %get3A_471 = tpu.vector_load %arg6[%get3A_468, %get3A_469, %get3A_470] {strides = array<i32>} : memref<2x256x128xf32, #tpu.memory_space<vmem>>, vector<1x1x16xf32>,
      %get3A_472 = vector.shape_cast %get3A_471 : vector<1x1x16xf32> to vector<16xf32>
      %mul3A_473 = arith.constant 11.3137083 : f32
      %mul3A_474 = vector.broadcast %mul3A_473 : f32 to vector<16xf32>
      %mul3A_475 = arith.mulf %get3A_472, %mul3A_474 : vector<16xf32>
      %swap3A_476 = arith.constant 0 : i32
      %swap3A_477 = arith.index_cast %swap3A_476 : i32 to index
      %swap3A_478 = arith.index_cast %scan3A_419 : i32 to index
      %swap3A_479 = arith.constant 48 : index
      %swap3A_480 = tpu.vector_load %arg6[%swap3A_477, %swap3A_478, %swap3A_479] {strides = array<i32>} : memref<2x256x128xf32, #tpu.memory_space<vmem>>, vector<1x1x16xf32>,
      %swap3A_481 = vector.shape_cast %swap3A_480 : vector<1x1x16xf32> to vector<16xf32>
      %swap3A_482 = vector.shape_cast %mul3A_475 : vector<16xf32> to vector<1x1x16xf32>
      tpu.vector_store %arg6[%swap3A_477, %swap3A_478, %swap3A_479], %swap3A_482 {strides = array<i32>} : memref<2x256x128xf32, #tpu.memory_space<vmem>>, vector<1x1x16xf32>,
      %get3A_483 = arith.constant 0 : i32
      %get3A_484 = arith.index_cast %get3A_483 : i32 to index
      %get3A_485 = arith.index_cast %scan3A_419 : i32 to index
      %get3A_486 = arith.constant 64 : index
      %get3A_487 = tpu.vector_load %arg6[%get3A_484, %get3A_485, %get3A_486] {strides = array<i32>} : memref<2x256x128xf32, #tpu.memory_space<vmem>>, vector<1x1x16xf32>,
      %get3A_488 = vector.shape_cast %get3A_487 : vector<1x1x16xf32> to vector<16xf32>
      %mul3A_489 = arith.constant 11.3137083 : f32
      %mul3A_490 = vector.broadcast %mul3A_489 : f32 to vector<16xf32>
      %mul3A_491 = arith.mulf %get3A_488, %mul3A_490 : vector<16xf32>
      %swap3A_492 = arith.constant 0 : i32
      %swap3A_493 = arith.index_cast %swap3A_492 : i32 to index
      %swap3A_494 = arith.index_cast %scan3A_419 : i32 to index
      %swap3A_495 = arith.constant 64 : index
      %swap3A_496 = tpu.vector_load %arg6[%swap3A_493, %swap3A_494, %swap3A_495] {strides = array<i32>} : memref<2x256x128xf32, #tpu.memory_space<vmem>>, vector<1x1x16xf32>,
      %swap3A_497 = vector.shape_cast %swap3A_496 : vector<1x1x16xf32> to vector<16xf32>
      %swap3A_498 = vector.shape_cast %mul3A_491 : vector<16xf32> to vector<1x1x16xf32>
      tpu.vector_store %arg6[%swap3A_493, %swap3A_494, %swap3A_495], %swap3A_498 {strides = array<i32>} : memref<2x256x128xf32, #tpu.memory_space<vmem>>, vector<1x1x16xf32>,
      %get3A_499 = arith.constant 0 : i32
      %get3A_500 = arith.index_cast %get3A_499 : i32 to index
      %get3A_501 = arith.index_cast %scan3A_419 : i32 to index
      %get3A_502 = arith.constant 80 : index
      %get3A_503 = tpu.vector_load %arg6[%get3A_500, %get3A_501, %get3A_502] {strides = array<i32>} : memref<2x256x128xf32, #tpu.memory_space<vmem>>, vector<1x1x16xf32>,
      %get3A_504 = vector.shape_cast %get3A_503 : vector<1x1x16xf32> to vector<16xf32>
      %mul3A_505 = arith.constant 11.3137083 : f32
      %mul3A_506 = vector.broadcast %mul3A_505 : f32 to vector<16xf32>
      %mul3A_507 = arith.mulf %get3A_504, %mul3A_506 : vector<16xf32>
      %swap3A_508 = arith.constant 0 : i32
      %swap3A_509 = arith.index_cast %swap3A_508 : i32 to index
      %swap3A_510 = arith.index_cast %scan3A_419 : i32 to index
      %swap3A_511 = arith.constant 80 : index
      %swap3A_512 = tpu.vector_load %arg6[%swap3A_509, %swap3A_510, %swap3A_511] {strides = array<i32>} : memref<2x256x128xf32, #tpu.memory_space<vmem>>, vector<1x1x16xf32>,
      %swap3A_513 = vector.shape_cast %swap3A_512 : vector<1x1x16xf32> to vector<16xf32>
      %swap3A_514 = vector.shape_cast %mul3A_507 : vector<16xf32> to vector<1x1x16xf32>
      tpu.vector_store %arg6[%swap3A_509, %swap3A_510, %swap3A_511], %swap3A_514 {strides = array<i32>} : memref<2x256x128xf32, #tpu.memory_space<vmem>>, vector<1x1x16xf32>,
      %get3A_515 = arith.constant 0 : i32
      %get3A_516 = arith.index_cast %get3A_515 : i32 to index
      %get3A_517 = arith.index_cast %scan3A_419 : i32 to index
      %get3A_518 = arith.constant 96 : index
      %get3A_519 = tpu.vector_load %arg6[%get3A_516, %get3A_517, %get3A_518] {strides = array<i32>} : memref<2x256x128xf32, #tpu.memory_space<vmem>>, vector<1x1x16xf32>,
      %get3A_520 = vector.shape_cast %get3A_519 : vector<1x1x16xf32> to vector<16xf32>
      %mul3A_521 = arith.constant 11.3137083 : f32
      %mul3A_522 = vector.broadcast %mul3A_521 : f32 to vector<16xf32>
      %mul3A_523 = arith.mulf %get3A_520, %mul3A_522 : vector<16xf32>
      %swap3A_524 = arith.constant 0 : i32
      %swap3A_525 = arith.index_cast %swap3A_524 : i32 to index
      %swap3A_526 = arith.index_cast %scan3A_419 : i32 to index
      %swap3A_527 = arith.constant 96 : index
      %swap3A_528 = tpu.vector_load %arg6[%swap3A_525, %swap3A_526, %swap3A_527] {strides = array<i32>} : memref<2x256x128xf32, #tpu.memory_space<vmem>>, vector<1x1x16xf32>,
      %swap3A_529 = vector.shape_cast %swap3A_528 : vector<1x1x16xf32> to vector<16xf32>
      %swap3A_530 = vector.shape_cast %mul3A_523 : vector<16xf32> to vector<1x1x16xf32>
      tpu.vector_store %arg6[%swap3A_525, %swap3A_526, %swap3A_527], %swap3A_530 {strides = array<i32>} : memref<2x256x128xf32, #tpu.memory_space<vmem>>, vector<1x1x16xf32>,
      %get3A_531 = arith.constant 0 : i32
      %get3A_532 = arith.index_cast %get3A_531 : i32 to index
      %get3A_533 = arith.index_cast %scan3A_419 : i32 to index
      %get3A_534 = arith.constant 112 : index
      %get3A_535 = tpu.vector_load %arg6[%get3A_532, %get3A_533, %get3A_534] {strides = array<i32>} : memref<2x256x128xf32, #tpu.memory_space<vmem>>, vector<1x1x16xf32>,
      %get3A_536 = vector.shape_cast %get3A_535 : vector<1x1x16xf32> to vector<16xf32>
      %mul3A_537 = arith.constant 11.3137083 : f32
      %mul3A_538 = vector.broadcast %mul3A_537 : f32 to vector<16xf32>
      %mul3A_539 = arith.mulf %get3A_536, %mul3A_538 : vector<16xf32>
      %swap3A_540 = arith.constant 0 : i32
      %swap3A_541 = arith.index_cast %swap3A_540 : i32 to index
      %swap3A_542 = arith.index_cast %scan3A_419 : i32 to index
      %swap3A_543 = arith.constant 112 : index
      %swap3A_544 = tpu.vector_load %arg6[%swap3A_541, %swap3A_542, %swap3A_543] {strides = array<i32>} : memref<2x256x128xf32, #tpu.memory_space<vmem>>, vector<1x1x16xf32>,
      %swap3A_545 = vector.shape_cast %swap3A_544 : vector<1x1x16xf32> to vector<16xf32>
      %swap3A_546 = vector.shape_cast %mul3A_539 : vector<16xf32> to vector<1x1x16xf32>
      tpu.vector_store %arg6[%swap3A_541, %swap3A_542, %swap3A_543], %swap3A_546 {strides = array<i32>} : memref<2x256x128xf32, #tpu.memory_space<vmem>>, vector<1x1x16xf32>,
      %scan3A_547 = arith.constant 0 : i32
      %scan3A_548 = arith.constant 1 : i32
      %scan3A_549 = arith.addi %scan3A_419, %scan3A_548 : i32
      %get3A_550 = arith.constant 0 : i32
      %get3A_551 = arith.index_cast %get3A_550 : i32 to index
      %get3A_552 = arith.index_cast %scan3A_549 : i32 to index
      %get3A_553 = arith.constant 0 : index
      %get3A_554 = tpu.vector_load %arg6[%get3A_551, %get3A_552, %get3A_553] {strides = array<i32>} : memref<2x256x128xf32, #tpu.memory_space<vmem>>, vector<1x1x16xf32>,
      %get3A_555 = vector.shape_cast %get3A_554 : vector<1x1x16xf32> to vector<16xf32>
      %mul3A_556 = arith.constant 11.3137083 : f32
      %mul3A_557 = vector.broadcast %mul3A_556 : f32 to vector<16xf32>
      %mul3A_558 = arith.mulf %get3A_555, %mul3A_557 : vector<16xf32>
      %swap3A_559 = arith.constant 0 : i32
      %swap3A_560 = arith.index_cast %swap3A_559 : i32 to index
      %swap3A_561 = arith.index_cast %scan3A_549 : i32 to index
      %swap3A_562 = arith.constant 0 : index
      %swap3A_563 = tpu.vector_load %arg6[%swap3A_560, %swap3A_561, %swap3A_562] {strides = array<i32>} : memref<2x256x128xf32, #tpu.memory_space<vmem>>, vector<1x1x16xf32>,
      %swap3A_564 = vector.shape_cast %swap3A_563 : vector<1x1x16xf32> to vector<16xf32>
      %swap3A_565 = vector.shape_cast %mul3A_558 : vector<16xf32> to vector<1x1x16xf32>
      tpu.vector_store %arg6[%swap3A_560, %swap3A_561, %swap3A_562], %swap3A_565 {strides = array<i32>} : memref<2x256x128xf32, #tpu.memory_space<vmem>>, vector<1x1x16xf32>,
      %get3A_566 = arith.constant 0 : i32
      %get3A_567 = arith.index_cast %get3A_566 : i32 to index
      %get3A_568 = arith.index_cast %scan3A_549 : i32 to index
      %get3A_569 = arith.constant 16 : index
      %get3A_570 = tpu.vector_load %arg6[%get3A_567, %get3A_568, %get3A_569] {strides = array<i32>} : memref<2x256x128xf32, #tpu.memory_space<vmem>>, vector<1x1x16xf32>,
      %get3A_571 = vector.shape_cast %get3A_570 : vector<1x1x16xf32> to vector<16xf32>
      %mul3A_572 = arith.constant 11.3137083 : f32
      %mul3A_573 = vector.broadcast %mul3A_572 : f32 to vector<16xf32>
      %mul3A_574 = arith.mulf %get3A_571, %mul3A_573 : vector<16xf32>
      %swap3A_575 = arith.constant 0 : i32
      %swap3A_576 = arith.index_cast %swap3A_575 : i32 to index
      %swap3A_577 = arith.index_cast %scan3A_549 : i32 to index
      %swap3A_578 = arith.constant 16 : index
      %swap3A_579 = tpu.vector_load %arg6[%swap3A_576, %swap3A_577, %swap3A_578] {strides = array<i32>} : memref<2x256x128xf32, #tpu.memory_space<vmem>>, vector<1x1x16xf32>,
      %swap3A_580 = vector.shape_cast %swap3A_579 : vector<1x1x16xf32> to vector<16xf32>
      %swap3A_581 = vector.shape_cast %mul3A_574 : vector<16xf32> to vector<1x1x16xf32>
      tpu.vector_store %arg6[%swap3A_576, %swap3A_577, %swap3A_578], %swap3A_581 {strides = array<i32>} : memref<2x256x128xf32, #tpu.memory_space<vmem>>, vector<1x1x16xf32>,
      %get3A_582 = arith.constant 0 : i32
      %get3A_583 = arith.index_cast %get3A_582 : i32 to index
      %get3A_584 = arith.index_cast %scan3A_549 : i32 to index
      %get3A_585 = arith.constant 32 : index
      %get3A_586 = tpu.vector_load %arg6[%get3A_583, %get3A_584, %get3A_585] {strides = array<i32>} : memref<2x256x128xf32, #tpu.memory_space<vmem>>, vector<1x1x16xf32>,
      %get3A_587 = vector.shape_cast %get3A_586 : vector<1x1x16xf32> to vector<16xf32>
      %mul3A_588 = arith.constant 11.3137083 : f32
      %mul3A_589 = vector.broadcast %mul3A_588 : f32 to vector<16xf32>
      %mul3A_590 = arith.mulf %get3A_587, %mul3A_589 : vector<16xf32>
      %swap3A_591 = arith.constant 0 : i32
      %swap3A_592 = arith.index_cast %swap3A_591 : i32 to index
      %swap3A_593 = arith.index_cast %scan3A_549 : i32 to index
      %swap3A_594 = arith.constant 32 : index
      %swap3A_595 = tpu.vector_load %arg6[%swap3A_592, %swap3A_593, %swap3A_594] {strides = array<i32>} : memref<2x256x128xf32, #tpu.memory_space<vmem>>, vector<1x1x16xf32>,
      %swap3A_596 = vector.shape_cast %swap3A_595 : vector<1x1x16xf32> to vector<16xf32>
      %swap3A_597 = vector.shape_cast %mul3A_590 : vector<16xf32> to vector<1x1x16xf32>
      tpu.vector_store %arg6[%swap3A_592, %swap3A_593, %swap3A_594], %swap3A_597 {strides = array<i32>} : memref<2x256x128xf32, #tpu.memory_space<vmem>>, vector<1x1x16xf32>,
      %get3A_598 = arith.constant 0 : i32
      %get3A_599 = arith.index_cast %get3A_598 : i32 to index
      %get3A_600 = arith.index_cast %scan3A_549 : i32 to index
      %get3A_601 = arith.constant 48 : index
      %get3A_602 = tpu.vector_load %arg6[%get3A_599, %get3A_600, %get3A_601] {strides = array<i32>} : memref<2x256x128xf32, #tpu.memory_space<vmem>>, vector<1x1x16xf32>,
      %get3A_603 = vector.shape_cast %get3A_602 : vector<1x1x16xf32> to vector<16xf32>
      %mul3A_604 = arith.constant 11.3137083 : f32
      %mul3A_605 = vector.broadcast %mul3A_604 : f32 to vector<16xf32>
      %mul3A_606 = arith.mulf %get3A_603, %mul3A_605 : vector<16xf32>
      %swap3A_607 = arith.constant 0 : i32
      %swap3A_608 = arith.index_cast %swap3A_607 : i32 to index
      %swap3A_609 = arith.index_cast %scan3A_549 : i32 to index
      %swap3A_610 = arith.constant 48 : index
      %swap3A_611 = tpu.vector_load %arg6[%swap3A_608, %swap3A_609, %swap3A_610] {strides = array<i32>} : memref<2x256x128xf32, #tpu.memory_space<vmem>>, vector<1x1x16xf32>,
      %swap3A_612 = vector.shape_cast %swap3A_611 : vector<1x1x16xf32> to vector<16xf32>
      %swap3A_613 = vector.shape_cast %mul3A_606 : vector<16xf32> to vector<1x1x16xf32>
      tpu.vector_store %arg6[%swap3A_608, %swap3A_609, %swap3A_610], %swap3A_613 {strides = array<i32>} : memref<2x256x128xf32, #tpu.memory_space<vmem>>, vector<1x1x16xf32>,
      %get3A_614 = arith.constant 0 : i32
      %get3A_615 = arith.index_cast %get3A_614 : i32 to index
      %get3A_616 = arith.index_cast %scan3A_549 : i32 to index
      %get3A_617 = arith.constant 64 : index
      %get3A_618 = tpu.vector_load %arg6[%get3A_615, %get3A_616, %get3A_617] {strides = array<i32>} : memref<2x256x128xf32, #tpu.memory_space<vmem>>, vector<1x1x16xf32>,
      %get3A_619 = vector.shape_cast %get3A_618 : vector<1x1x16xf32> to vector<16xf32>
      %mul3A_620 = arith.constant 11.3137083 : f32
      %mul3A_621 = vector.broadcast %mul3A_620 : f32 to vector<16xf32>
      %mul3A_622 = arith.mulf %get3A_619, %mul3A_621 : vector<16xf32>
      %swap3A_623 = arith.constant 0 : i32
      %swap3A_624 = arith.index_cast %swap3A_623 : i32 to index
      %swap3A_625 = arith.index_cast %scan3A_549 : i32 to index
      %swap3A_626 = arith.constant 64 : index
      %swap3A_627 = tpu.vector_load %arg6[%swap3A_624, %swap3A_625, %swap3A_626] {strides = array<i32>} : memref<2x256x128xf32, #tpu.memory_space<vmem>>, vector<1x1x16xf32>,
      %swap3A_628 = vector.shape_cast %swap3A_627 : vector<1x1x16xf32> to vector<16xf32>
      %swap3A_629 = vector.shape_cast %mul3A_622 : vector<16xf32> to vector<1x1x16xf32>
      tpu.vector_store %arg6[%swap3A_624, %swap3A_625, %swap3A_626], %swap3A_629 {strides = array<i32>} : memref<2x256x128xf32, #tpu.memory_space<vmem>>, vector<1x1x16xf32>,
      %get3A_630 = arith.constant 0 : i32
      %get3A_631 = arith.index_cast %get3A_630 : i32 to index
      %get3A_632 = arith.index_cast %scan3A_549 : i32 to index
      %get3A_633 = arith.constant 80 : index
      %get3A_634 = tpu.vector_load %arg6[%get3A_631, %get3A_632, %get3A_633] {strides = array<i32>} : memref<2x256x128xf32, #tpu.memory_space<vmem>>, vector<1x1x16xf32>,
      %get3A_635 = vector.shape_cast %get3A_634 : vector<1x1x16xf32> to vector<16xf32>
      %mul3A_636 = arith.constant 11.3137083 : f32
      %mul3A_637 = vector.broadcast %mul3A_636 : f32 to vector<16xf32>
      %mul3A_638 = arith.mulf %get3A_635, %mul3A_637 : vector<16xf32>
      %swap3A_639 = arith.constant 0 : i32
      %swap3A_640 = arith.index_cast %swap3A_639 : i32 to index
      %swap3A_641 = arith.index_cast %scan3A_549 : i32 to index
      %swap3A_642 = arith.constant 80 : index
      %swap3A_643 = tpu.vector_load %arg6[%swap3A_640, %swap3A_641, %swap3A_642] {strides = array<i32>} : memref<2x256x128xf32, #tpu.memory_space<vmem>>, vector<1x1x16xf32>,
      %swap3A_644 = vector.shape_cast %swap3A_643 : vector<1x1x16xf32> to vector<16xf32>
      %swap3A_645 = vector.shape_cast %mul3A_638 : vector<16xf32> to vector<1x1x16xf32>
      tpu.vector_store %arg6[%swap3A_640, %swap3A_641, %swap3A_642], %swap3A_645 {strides = array<i32>} : memref<2x256x128xf32, #tpu.memory_space<vmem>>, vector<1x1x16xf32>,
      %get3A_646 = arith.constant 0 : i32
      %get3A_647 = arith.index_cast %get3A_646 : i32 to index
      %get3A_648 = arith.index_cast %scan3A_549 : i32 to index
      %get3A_649 = arith.constant 96 : index
      %get3A_650 = tpu.vector_load %arg6[%get3A_647, %get3A_648, %get3A_649] {strides = array<i32>} : memref<2x256x128xf32, #tpu.memory_space<vmem>>, vector<1x1x16xf32>,
      %get3A_651 = vector.shape_cast %get3A_650 : vector<1x1x16xf32> to vector<16xf32>
      %mul3A_652 = arith.constant 11.3137083 : f32
      %mul3A_653 = vector.broadcast %mul3A_652 : f32 to vector<16xf32>
      %mul3A_654 = arith.mulf %get3A_651, %mul3A_653 : vector<16xf32>
      %swap3A_655 = arith.constant 0 : i32
      %swap3A_656 = arith.index_cast %swap3A_655 : i32 to index
      %swap3A_657 = arith.index_cast %scan3A_549 : i32 to index
      %swap3A_658 = arith.constant 96 : index
      %swap3A_659 = tpu.vector_load %arg6[%swap3A_656, %swap3A_657, %swap3A_658] {strides = array<i32>} : memref<2x256x128xf32, #tpu.memory_space<vmem>>, vector<1x1x16xf32>,
      %swap3A_660 = vector.shape_cast %swap3A_659 : vector<1x1x16xf32> to vector<16xf32>
      %swap3A_661 = vector.shape_cast %mul3A_654 : vector<16xf32> to vector<1x1x16xf32>
      tpu.vector_store %arg6[%swap3A_656, %swap3A_657, %swap3A_658], %swap3A_661 {strides = array<i32>} : memref<2x256x128xf32, #tpu.memory_space<vmem>>, vector<1x1x16xf32>,
      %get3A_662 = arith.constant 0 : i32
      %get3A_663 = arith.index_cast %get3A_662 : i32 to index
      %get3A_664 = arith.index_cast %scan3A_549 : i32 to index
      %get3A_665 = arith.constant 112 : index
      %get3A_666 = tpu.vector_load %arg6[%get3A_663, %get3A_664, %get3A_665] {strides = array<i32>} : memref<2x256x128xf32, #tpu.memory_space<vmem>>, vector<1x1x16xf32>,
      %get3A_667 = vector.shape_cast %get3A_666 : vector<1x1x16xf32> to vector<16xf32>
      %mul3A_668 = arith.constant 11.3137083 : f32
      %mul3A_669 = vector.broadcast %mul3A_668 : f32 to vector<16xf32>
      %mul3A_670 = arith.mulf %get3A_667, %mul3A_669 : vector<16xf32>
      %swap3A_671 = arith.constant 0 : i32
      %swap3A_672 = arith.index_cast %swap3A_671 : i32 to index
      %swap3A_673 = arith.index_cast %scan3A_549 : i32 to index
      %swap3A_674 = arith.constant 112 : index
      %swap3A_675 = tpu.vector_load %arg6[%swap3A_672, %swap3A_673, %swap3A_674] {strides = array<i32>} : memref<2x256x128xf32, #tpu.memory_space<vmem>>, vector<1x1x16xf32>,
      %swap3A_676 = vector.shape_cast %swap3A_675 : vector<1x1x16xf32> to vector<16xf32>
      %swap3A_677 = vector.shape_cast %mul3A_670 : vector<16xf32> to vector<1x1x16xf32>
      tpu.vector_store %arg6[%swap3A_672, %swap3A_673, %swap3A_674], %swap3A_677 {strides = array<i32>} : memref<2x256x128xf32, #tpu.memory_space<vmem>>, vector<1x1x16xf32>,
      %scan3A_678 = arith.constant 0 : i32
      %scan3A_679 = arith.constant 2 : i32
      %scan3A_680 = arith.addi %scan3A_419, %scan3A_679 : i32
      %get3A_681 = arith.constant 0 : i32
      %get3A_682 = arith.index_cast %get3A_681 : i32 to index
      %get3A_683 = arith.index_cast %scan3A_680 : i32 to index
      %get3A_684 = arith.constant 0 : index
      %get3A_685 = tpu.vector_load %arg6[%get3A_682, %get3A_683, %get3A_684] {strides = array<i32>} : memref<2x256x128xf32, #tpu.memory_space<vmem>>, vector<1x1x16xf32>,
      %get3A_686 = vector.shape_cast %get3A_685 : vector<1x1x16xf32> to vector<16xf32>
      %mul3A_687 = arith.constant 11.3137083 : f32
      %mul3A_688 = vector.broadcast %mul3A_687 : f32 to vector<16xf32>
      %mul3A_689 = arith.mulf %get3A_686, %mul3A_688 : vector<16xf32>
      %swap3A_690 = arith.constant 0 : i32
      %swap3A_691 = arith.index_cast %swap3A_690 : i32 to index
      %swap3A_692 = arith.index_cast %scan3A_680 : i32 to index
      %swap3A_693 = arith.constant 0 : index
      %swap3A_694 = tpu.vector_load %arg6[%swap3A_691, %swap3A_692, %swap3A_693] {strides = array<i32>} : memref<2x256x128xf32, #tpu.memory_space<vmem>>, vector<1x1x16xf32>,
      %swap3A_695 = vector.shape_cast %swap3A_694 : vector<1x1x16xf32> to vector<16xf32>
      %swap3A_696 = vector.shape_cast %mul3A_689 : vector<16xf32> to vector<1x1x16xf32>
      tpu.vector_store %arg6[%swap3A_691, %swap3A_692, %swap3A_693], %swap3A_696 {strides = array<i32>} : memref<2x256x128xf32, #tpu.memory_space<vmem>>, vector<1x1x16xf32>,
      %get3A_697 = arith.constant 0 : i32
      %get3A_698 = arith.index_cast %get3A_697 : i32 to index
      %get3A_699 = arith.index_cast %scan3A_680 : i32 to index
      %get3A_700 = arith.constant 16 : index
      %get3A_701 = tpu.vector_load %arg6[%get3A_698, %get3A_699, %get3A_700] {strides = array<i32>} : memref<2x256x128xf32, #tpu.memory_space<vmem>>, vector<1x1x16xf32>,
      %get3A_702 = vector.shape_cast %get3A_701 : vector<1x1x16xf32> to vector<16xf32>
      %mul3A_703 = arith.constant 11.3137083 : f32
      %mul3A_704 = vector.broadcast %mul3A_703 : f32 to vector<16xf32>
      %mul3A_705 = arith.mulf %get3A_702, %mul3A_704 : vector<16xf32>
      %swap3A_706 = arith.constant 0 : i32
      %swap3A_707 = arith.index_cast %swap3A_706 : i32 to index
      %swap3A_708 = arith.index_cast %scan3A_680 : i32 to index
      %swap3A_709 = arith.constant 16 : index
      %swap3A_710 = tpu.vector_load %arg6[%swap3A_707, %swap3A_708, %swap3A_709] {strides = array<i32>} : memref<2x256x128xf32, #tpu.memory_space<vmem>>, vector<1x1x16xf32>,
      %swap3A_711 = vector.shape_cast %swap3A_710 : vector<1x1x16xf32> to vector<16xf32>
      %swap3A_712 = vector.shape_cast %mul3A_705 : vector<16xf32> to vector<1x1x16xf32>
      tpu.vector_store %arg6[%swap3A_707, %swap3A_708, %swap3A_709], %swap3A_712 {strides = array<i32>} : memref<2x256x128xf32, #tpu.memory_space<vmem>>, vector<1x1x16xf32>,
      %get3A_713 = arith.constant 0 : i32
      %get3A_714 = arith.index_cast %get3A_713 : i32 to index
      %get3A_715 = arith.index_cast %scan3A_680 : i32 to index
      %get3A_716 = arith.constant 32 : index
      %get3A_717 = tpu.vector_load %arg6[%get3A_714, %get3A_715, %get3A_716] {strides = array<i32>} : memref<2x256x128xf32, #tpu.memory_space<vmem>>, vector<1x1x16xf32>,
      %get3A_718 = vector.shape_cast %get3A_717 : vector<1x1x16xf32> to vector<16xf32>
      %mul3A_719 = arith.constant 11.3137083 : f32
      %mul3A_720 = vector.broadcast %mul3A_719 : f32 to vector<16xf32>
      %mul3A_721 = arith.mulf %get3A_718, %mul3A_720 : vector<16xf32>
      %swap3A_722 = arith.constant 0 : i32
      %swap3A_723 = arith.index_cast %swap3A_722 : i32 to index
      %swap3A_724 = arith.index_cast %scan3A_680 : i32 to index
      %swap3A_725 = arith.constant 32 : index
      %swap3A_726 = tpu.vector_load %arg6[%swap3A_723, %swap3A_724, %swap3A_725] {strides = array<i32>} : memref<2x256x128xf32, #tpu.memory_space<vmem>>, vector<1x1x16xf32>,
      %swap3A_727 = vector.shape_cast %swap3A_726 : vector<1x1x16xf32> to vector<16xf32>
      %swap3A_728 = vector.shape_cast %mul3A_721 : vector<16xf32> to vector<1x1x16xf32>
      tpu.vector_store %arg6[%swap3A_723, %swap3A_724, %swap3A_725], %swap3A_728 {strides = array<i32>} : memref<2x256x128xf32, #tpu.memory_space<vmem>>, vector<1x1x16xf32>,
      %get3A_729 = arith.constant 0 : i32
      %get3A_730 = arith.index_cast %get3A_729 : i32 to index
      %get3A_731 = arith.index_cast %scan3A_680 : i32 to index
      %get3A_732 = arith.constant 48 : index
      %get3A_733 = tpu.vector_load %arg6[%get3A_730, %get3A_731, %get3A_732] {strides = array<i32>} : memref<2x256x128xf32, #tpu.memory_space<vmem>>, vector<1x1x16xf32>,
      %get3A_734 = vector.shape_cast %get3A_733 : vector<1x1x16xf32> to vector<16xf32>
      %mul3A_735 = arith.constant 11.3137083 : f32
      %mul3A_736 = vector.broadcast %mul3A_735 : f32 to vector<16xf32>
      %mul3A_737 = arith.mulf %get3A_734, %mul3A_736 : vector<16xf32>
      %swap3A_738 = arith.constant 0 : i32
      %swap3A_739 = arith.index_cast %swap3A_738 : i32 to index
      %swap3A_740 = arith.index_cast %scan3A_680 : i32 to index
      %swap3A_741 = arith.constant 48 : index
      %swap3A_742 = tpu.vector_load %arg6[%swap3A_739, %swap3A_740, %swap3A_741] {strides = array<i32>} : memref<2x256x128xf32, #tpu.memory_space<vmem>>, vector<1x1x16xf32>,
      %swap3A_743 = vector.shape_cast %swap3A_742 : vector<1x1x16xf32> to vector<16xf32>
      %swap3A_744 = vector.shape_cast %mul3A_737 : vector<16xf32> to vector<1x1x16xf32>
      tpu.vector_store %arg6[%swap3A_739, %swap3A_740, %swap3A_741], %swap3A_744 {strides = array<i32>} : memref<2x256x128xf32, #tpu.memory_space<vmem>>, vector<1x1x16xf32>,
      %get3A_745 = arith.constant 0 : i32
      %get3A_746 = arith.index_cast %get3A_745 : i32 to index
      %get3A_747 = arith.index_cast %scan3A_680 : i32 to index
      %get3A_748 = arith.constant 64 : index
      %get3A_749 = tpu.vector_load %arg6[%get3A_746, %get3A_747, %get3A_748] {strides = array<i32>} : memref<2x256x128xf32, #tpu.memory_space<vmem>>, vector<1x1x16xf32>,
      %get3A_750 = vector.shape_cast %get3A_749 : vector<1x1x16xf32> to vector<16xf32>
      %mul3A_751 = arith.constant 11.3137083 : f32
      %mul3A_752 = vector.broadcast %mul3A_751 : f32 to vector<16xf32>
      %mul3A_753 = arith.mulf %get3A_750, %mul3A_752 : vector<16xf32>
      %swap3A_754 = arith.constant 0 : i32
      %swap3A_755 = arith.index_cast %swap3A_754 : i32 to index
      %swap3A_756 = arith.index_cast %scan3A_680 : i32 to index
      %swap3A_757 = arith.constant 64 : index
      %swap3A_758 = tpu.vector_load %arg6[%swap3A_755, %swap3A_756, %swap3A_757] {strides = array<i32>} : memref<2x256x128xf32, #tpu.memory_space<vmem>>, vector<1x1x16xf32>,
      %swap3A_759 = vector.shape_cast %swap3A_758 : vector<1x1x16xf32> to vector<16xf32>
      %swap3A_760 = vector.shape_cast %mul3A_753 : vector<16xf32> to vector<1x1x16xf32>
      tpu.vector_store %arg6[%swap3A_755, %swap3A_756, %swap3A_757], %swap3A_760 {strides = array<i32>} : memref<2x256x128xf32, #tpu.memory_space<vmem>>, vector<1x1x16xf32>,
      %get3A_761 = arith.constant 0 : i32
      %get3A_762 = arith.index_cast %get3A_761 : i32 to index
      %get3A_763 = arith.index_cast %scan3A_680 : i32 to index
      %get3A_764 = arith.constant 80 : index
      %get3A_765 = tpu.vector_load %arg6[%get3A_762, %get3A_763, %get3A_764] {strides = array<i32>} : memref<2x256x128xf32, #tpu.memory_space<vmem>>, vector<1x1x16xf32>,
      %get3A_766 = vector.shape_cast %get3A_765 : vector<1x1x16xf32> to vector<16xf32>
      %mul3A_767 = arith.constant 11.3137083 : f32
      %mul3A_768 = vector.broadcast %mul3A_767 : f32 to vector<16xf32>
      %mul3A_769 = arith.mulf %get3A_766, %mul3A_768 : vector<16xf32>
      %swap3A_770 = arith.constant 0 : i32
      %swap3A_771 = arith.index_cast %swap3A_770 : i32 to index
      %swap3A_772 = arith.index_cast %scan3A_680 : i32 to index
      %swap3A_773 = arith.constant 80 : index
      %swap3A_774 = tpu.vector_load %arg6[%swap3A_771, %swap3A_772, %swap3A_773] {strides = array<i32>} : memref<2x256x128xf32, #tpu.memory_space<vmem>>, vector<1x1x16xf32>,
      %swap3A_775 = vector.shape_cast %swap3A_774 : vector<1x1x16xf32> to vector<16xf32>
      %swap3A_776 = vector.shape_cast %mul3A_769 : vector<16xf32> to vector<1x1x16xf32>
      tpu.vector_store %arg6[%swap3A_771, %swap3A_772, %swap3A_773], %swap3A_776 {strides = array<i32>} : memref<2x256x128xf32, #tpu.memory_space<vmem>>, vector<1x1x16xf32>,
      %get3A_777 = arith.constant 0 : i32
      %get3A_778 = arith.index_cast %get3A_777 : i32 to index
      %get3A_779 = arith.index_cast %scan3A_680 : i32 to index
      %get3A_780 = arith.constant 96 : index
      %get3A_781 = tpu.vector_load %arg6[%get3A_778, %get3A_779, %get3A_780] {strides = array<i32>} : memref<2x256x128xf32, #tpu.memory_space<vmem>>, vector<1x1x16xf32>,
      %get3A_782 = vector.shape_cast %get3A_781 : vector<1x1x16xf32> to vector<16xf32>
      %mul3A_783 = arith.constant 11.3137083 : f32
      %mul3A_784 = vector.broadcast %mul3A_783 : f32 to vector<16xf32>
      %mul3A_785 = arith.mulf %get3A_782, %mul3A_784 : vector<16xf32>
      %swap3A_786 = arith.constant 0 : i32
      %swap3A_787 = arith.index_cast %swap3A_786 : i32 to index
      %swap3A_788 = arith.index_cast %scan3A_680 : i32 to index
      %swap3A_789 = arith.constant 96 : index
      %swap3A_790 = tpu.vector_load %arg6[%swap3A_787, %swap3A_788, %swap3A_789] {strides = array<i32>} : memref<2x256x128xf32, #tpu.memory_space<vmem>>, vector<1x1x16xf32>,
      %swap3A_791 = vector.shape_cast %swap3A_790 : vector<1x1x16xf32> to vector<16xf32>
      %swap3A_792 = vector.shape_cast %mul3A_785 : vector<16xf32> to vector<1x1x16xf32>
      tpu.vector_store %arg6[%swap3A_787, %swap3A_788, %swap3A_789], %swap3A_792 {strides = array<i32>} : memref<2x256x128xf32, #tpu.memory_space<vmem>>, vector<1x1x16xf32>,
      %get3A_793 = arith.constant 0 : i32
      %get3A_794 = arith.index_cast %get3A_793 : i32 to index
      %get3A_795 = arith.index_cast %scan3A_680 : i32 to index
      %get3A_796 = arith.constant 112 : index
      %get3A_797 = tpu.vector_load %arg6[%get3A_794, %get3A_795, %get3A_796] {strides = array<i32>} : memref<2x256x128xf32, #tpu.memory_space<vmem>>, vector<1x1x16xf32>,
      %get3A_798 = vector.shape_cast %get3A_797 : vector<1x1x16xf32> to vector<16xf32>
      %mul3A_799 = arith.constant 11.3137083 : f32
      %mul3A_800 = vector.broadcast %mul3A_799 : f32 to vector<16xf32>
      %mul3A_801 = arith.mulf %get3A_798, %mul3A_800 : vector<16xf32>
      %swap3A_802 = arith.constant 0 : i32
      %swap3A_803 = arith.index_cast %swap3A_802 : i32 to index
      %swap3A_804 = arith.index_cast %scan3A_680 : i32 to index
      %swap3A_805 = arith.constant 112 : index
      %swap3A_806 = tpu.vector_load %arg6[%swap3A_803, %swap3A_804, %swap3A_805] {strides = array<i32>} : memref<2x256x128xf32, #tpu.memory_space<vmem>>, vector<1x1x16xf32>,
      %swap3A_807 = vector.shape_cast %swap3A_806 : vector<1x1x16xf32> to vector<16xf32>
      %swap3A_808 = vector.shape_cast %mul3A_801 : vector<16xf32> to vector<1x1x16xf32>
      tpu.vector_store %arg6[%swap3A_803, %swap3A_804, %swap3A_805], %swap3A_808 {strides = array<i32>} : memref<2x256x128xf32, #tpu.memory_space<vmem>>, vector<1x1x16xf32>,
      %scan3A_809 = arith.constant 0 : i32
      %scan3A_810 = arith.constant 3 : i32
      %scan3A_811 = arith.addi %scan3A_419, %scan3A_810 : i32
      %get3A_812 = arith.constant 0 : i32
      %get3A_813 = arith.index_cast %get3A_812 : i32 to index
      %get3A_814 = arith.index_cast %scan3A_811 : i32 to index
      %get3A_815 = arith.constant 0 : index
      %get3A_816 = tpu.vector_load %arg6[%get3A_813, %get3A_814, %get3A_815] {strides = array<i32>} : memref<2x256x128xf32, #tpu.memory_space<vmem>>, vector<1x1x16xf32>,
      %get3A_817 = vector.shape_cast %get3A_816 : vector<1x1x16xf32> to vector<16xf32>
      %mul3A_818 = arith.constant 11.3137083 : f32
      %mul3A_819 = vector.broadcast %mul3A_818 : f32 to vector<16xf32>
      %mul3A_820 = arith.mulf %get3A_817, %mul3A_819 : vector<16xf32>
      %swap3A_821 = arith.constant 0 : i32
      %swap3A_822 = arith.index_cast %swap3A_821 : i32 to index
      %swap3A_823 = arith.index_cast %scan3A_811 : i32 to index
      %swap3A_824 = arith.constant 0 : index
      %swap3A_825 = tpu.vector_load %arg6[%swap3A_822, %swap3A_823, %swap3A_824] {strides = array<i32>} : memref<2x256x128xf32, #tpu.memory_space<vmem>>, vector<1x1x16xf32>,
      %swap3A_826 = vector.shape_cast %swap3A_825 : vector<1x1x16xf32> to vector<16xf32>
      %swap3A_827 = vector.shape_cast %mul3A_820 : vector<16xf32> to vector<1x1x16xf32>
      tpu.vector_store %arg6[%swap3A_822, %swap3A_823, %swap3A_824], %swap3A_827 {strides = array<i32>} : memref<2x256x128xf32, #tpu.memory_space<vmem>>, vector<1x1x16xf32>,
      %get3A_828 = arith.constant 0 : i32
      %get3A_829 = arith.index_cast %get3A_828 : i32 to index
      %get3A_830 = arith.index_cast %scan3A_811 : i32 to index
      %get3A_831 = arith.constant 16 : index
      %get3A_832 = tpu.vector_load %arg6[%get3A_829, %get3A_830, %get3A_831] {strides = array<i32>} : memref<2x256x128xf32, #tpu.memory_space<vmem>>, vector<1x1x16xf32>,
      %get3A_833 = vector.shape_cast %get3A_832 : vector<1x1x16xf32> to vector<16xf32>
      %mul3A_834 = arith.constant 11.3137083 : f32
      %mul3A_835 = vector.broadcast %mul3A_834 : f32 to vector<16xf32>
      %mul3A_836 = arith.mulf %get3A_833, %mul3A_835 : vector<16xf32>
      %swap3A_837 = arith.constant 0 : i32
      %swap3A_838 = arith.index_cast %swap3A_837 : i32 to index
      %swap3A_839 = arith.index_cast %scan3A_811 : i32 to index
      %swap3A_840 = arith.constant 16 : index
      %swap3A_841 = tpu.vector_load %arg6[%swap3A_838, %swap3A_839, %swap3A_840] {strides = array<i32>} : memref<2x256x128xf32, #tpu.memory_space<vmem>>, vector<1x1x16xf32>,
      %swap3A_842 = vector.shape_cast %swap3A_841 : vector<1x1x16xf32> to vector<16xf32>
      %swap3A_843 = vector.shape_cast %mul3A_836 : vector<16xf32> to vector<1x1x16xf32>
      tpu.vector_store %arg6[%swap3A_838, %swap3A_839, %swap3A_840], %swap3A_843 {strides = array<i32>} : memref<2x256x128xf32, #tpu.memory_space<vmem>>, vector<1x1x16xf32>,
      %get3A_844 = arith.constant 0 : i32
      %get3A_845 = arith.index_cast %get3A_844 : i32 to index
      %get3A_846 = arith.index_cast %scan3A_811 : i32 to index
      %get3A_847 = arith.constant 32 : index
      %get3A_848 = tpu.vector_load %arg6[%get3A_845, %get3A_846, %get3A_847] {strides = array<i32>} : memref<2x256x128xf32, #tpu.memory_space<vmem>>, vector<1x1x16xf32>,
      %get3A_849 = vector.shape_cast %get3A_848 : vector<1x1x16xf32> to vector<16xf32>
      %mul3A_850 = arith.constant 11.3137083 : f32
      %mul3A_851 = vector.broadcast %mul3A_850 : f32 to vector<16xf32>
      %mul3A_852 = arith.mulf %get3A_849, %mul3A_851 : vector<16xf32>
      %swap3A_853 = arith.constant 0 : i32
      %swap3A_854 = arith.index_cast %swap3A_853 : i32 to index
      %swap3A_855 = arith.index_cast %scan3A_811 : i32 to index
      %swap3A_856 = arith.constant 32 : index
      %swap3A_857 = tpu.vector_load %arg6[%swap3A_854, %swap3A_855, %swap3A_856] {strides = array<i32>} : memref<2x256x128xf32, #tpu.memory_space<vmem>>, vector<1x1x16xf32>,
      %swap3A_858 = vector.shape_cast %swap3A_857 : vector<1x1x16xf32> to vector<16xf32>
      %swap3A_859 = vector.shape_cast %mul3A_852 : vector<16xf32> to vector<1x1x16xf32>
      tpu.vector_store %arg6[%swap3A_854, %swap3A_855, %swap3A_856], %swap3A_859 {strides = array<i32>} : memref<2x256x128xf32, #tpu.memory_space<vmem>>, vector<1x1x16xf32>,
      %get3A_860 = arith.constant 0 : i32
      %get3A_861 = arith.index_cast %get3A_860 : i32 to index
      %get3A_862 = arith.index_cast %scan3A_811 : i32 to index
      %get3A_863 = arith.constant 48 : index
      %get3A_864 = tpu.vector_load %arg6[%get3A_861, %get3A_862, %get3A_863] {strides = array<i32>} : memref<2x256x128xf32, #tpu.memory_space<vmem>>, vector<1x1x16xf32>,
      %get3A_865 = vector.shape_cast %get3A_864 : vector<1x1x16xf32> to vector<16xf32>
      %mul3A_866 = arith.constant 11.3137083 : f32
      %mul3A_867 = vector.broadcast %mul3A_866 : f32 to vector<16xf32>
      %mul3A_868 = arith.mulf %get3A_865, %mul3A_867 : vector<16xf32>
      %swap3A_869 = arith.constant 0 : i32
      %swap3A_870 = arith.index_cast %swap3A_869 : i32 to index
      %swap3A_871 = arith.index_cast %scan3A_811 : i32 to index
      %swap3A_872 = arith.constant 48 : index
      %swap3A_873 = tpu.vector_load %arg6[%swap3A_870, %swap3A_871, %swap3A_872] {strides = array<i32>} : memref<2x256x128xf32, #tpu.memory_space<vmem>>, vector<1x1x16xf32>,
      %swap3A_874 = vector.shape_cast %swap3A_873 : vector<1x1x16xf32> to vector<16xf32>
      %swap3A_875 = vector.shape_cast %mul3A_868 : vector<16xf32> to vector<1x1x16xf32>
      tpu.vector_store %arg6[%swap3A_870, %swap3A_871, %swap3A_872], %swap3A_875 {strides = array<i32>} : memref<2x256x128xf32, #tpu.memory_space<vmem>>, vector<1x1x16xf32>,
      %get3A_876 = arith.constant 0 : i32
      %get3A_877 = arith.index_cast %get3A_876 : i32 to index
      %get3A_878 = arith.index_cast %scan3A_811 : i32 to index
      %get3A_879 = arith.constant 64 : index
      %get3A_880 = tpu.vector_load %arg6[%get3A_877, %get3A_878, %get3A_879] {strides = array<i32>} : memref<2x256x128xf32, #tpu.memory_space<vmem>>, vector<1x1x16xf32>,
      %get3A_881 = vector.shape_cast %get3A_880 : vector<1x1x16xf32> to vector<16xf32>
      %mul3A_882 = arith.constant 11.3137083 : f32
      %mul3A_883 = vector.broadcast %mul3A_882 : f32 to vector<16xf32>
      %mul3A_884 = arith.mulf %get3A_881, %mul3A_883 : vector<16xf32>
      %swap3A_885 = arith.constant 0 : i32
      %swap3A_886 = arith.index_cast %swap3A_885 : i32 to index
      %swap3A_887 = arith.index_cast %scan3A_811 : i32 to index
      %swap3A_888 = arith.constant 64 : index
      %swap3A_889 = tpu.vector_load %arg6[%swap3A_886, %swap3A_887, %swap3A_888] {strides = array<i32>} : memref<2x256x128xf32, #tpu.memory_space<vmem>>, vector<1x1x16xf32>,
      %swap3A_890 = vector.shape_cast %swap3A_889 : vector<1x1x16xf32> to vector<16xf32>
      %swap3A_891 = vector.shape_cast %mul3A_884 : vector<16xf32> to vector<1x1x16xf32>
      tpu.vector_store %arg6[%swap3A_886, %swap3A_887, %swap3A_888], %swap3A_891 {strides = array<i32>} : memref<2x256x128xf32, #tpu.memory_space<vmem>>, vector<1x1x16xf32>,
      %get3A_892 = arith.constant 0 : i32
      %get3A_893 = arith.index_cast %get3A_892 : i32 to index
      %get3A_894 = arith.index_cast %scan3A_811 : i32 to index
      %get3A_895 = arith.constant 80 : index
      %get3A_896 = tpu.vector_load %arg6[%get3A_893, %get3A_894, %get3A_895] {strides = array<i32>} : memref<2x256x128xf32, #tpu.memory_space<vmem>>, vector<1x1x16xf32>,
      %get3A_897 = vector.shape_cast %get3A_896 : vector<1x1x16xf32> to vector<16xf32>
      %mul3A_898 = arith.constant 11.3137083 : f32
      %mul3A_899 = vector.broadcast %mul3A_898 : f32 to vector<16xf32>
      %mul3A_900 = arith.mulf %get3A_897, %mul3A_899 : vector<16xf32>
      %swap3A_901 = arith.constant 0 : i32
      %swap3A_902 = arith.index_cast %swap3A_901 : i32 to index
      %swap3A_903 = arith.index_cast %scan3A_811 : i32 to index
      %swap3A_904 = arith.constant 80 : index
      %swap3A_905 = tpu.vector_load %arg6[%swap3A_902, %swap3A_903, %swap3A_904] {strides = array<i32>} : memref<2x256x128xf32, #tpu.memory_space<vmem>>, vector<1x1x16xf32>,
      %swap3A_906 = vector.shape_cast %swap3A_905 : vector<1x1x16xf32> to vector<16xf32>
      %swap3A_907 = vector.shape_cast %mul3A_900 : vector<16xf32> to vector<1x1x16xf32>
      tpu.vector_store %arg6[%swap3A_902, %swap3A_903, %swap3A_904], %swap3A_907 {strides = array<i32>} : memref<2x256x128xf32, #tpu.memory_space<vmem>>, vector<1x1x16xf32>,
      %get3A_908 = arith.constant 0 : i32
      %get3A_909 = arith.index_cast %get3A_908 : i32 to index
      %get3A_910 = arith.index_cast %scan3A_811 : i32 to index
      %get3A_911 = arith.constant 96 : index
      %get3A_912 = tpu.vector_load %arg6[%get3A_909, %get3A_910, %get3A_911] {strides = array<i32>} : memref<2x256x128xf32, #tpu.memory_space<vmem>>, vector<1x1x16xf32>,
      %get3A_913 = vector.shape_cast %get3A_912 : vector<1x1x16xf32> to vector<16xf32>
      %mul3A_914 = arith.constant 11.3137083 : f32
      %mul3A_915 = vector.broadcast %mul3A_914 : f32 to vector<16xf32>
      %mul3A_916 = arith.mulf %get3A_913, %mul3A_915 : vector<16xf32>
      %swap3A_917 = arith.constant 0 : i32
      %swap3A_918 = arith.index_cast %swap3A_917 : i32 to index
      %swap3A_919 = arith.index_cast %scan3A_811 : i32 to index
      %swap3A_920 = arith.constant 96 : index
      %swap3A_921 = tpu.vector_load %arg6[%swap3A_918, %swap3A_919, %swap3A_920] {strides = array<i32>} : memref<2x256x128xf32, #tpu.memory_space<vmem>>, vector<1x1x16xf32>,
      %swap3A_922 = vector.shape_cast %swap3A_921 : vector<1x1x16xf32> to vector<16xf32>
      %swap3A_923 = vector.shape_cast %mul3A_916 : vector<16xf32> to vector<1x1x16xf32>
      tpu.vector_store %arg6[%swap3A_918, %swap3A_919, %swap3A_920], %swap3A_923 {strides = array<i32>} : memref<2x256x128xf32, #tpu.memory_space<vmem>>, vector<1x1x16xf32>,
      %get3A_924 = arith.constant 0 : i32
      %get3A_925 = arith.index_cast %get3A_924 : i32 to index
      %get3A_926 = arith.index_cast %scan3A_811 : i32 to index
      %get3A_927 = arith.constant 112 : index
      %get3A_928 = tpu.vector_load %arg6[%get3A_925, %get3A_926, %get3A_927] {strides = array<i32>} : memref<2x256x128xf32, #tpu.memory_space<vmem>>, vector<1x1x16xf32>,
      %get3A_929 = vector.shape_cast %get3A_928 : vector<1x1x16xf32> to vector<16xf32>
      %mul3A_930 = arith.constant 11.3137083 : f32
      %mul3A_931 = vector.broadcast %mul3A_930 : f32 to vector<16xf32>
      %mul3A_932 = arith.mulf %get3A_929, %mul3A_931 : vector<16xf32>
      %swap3A_933 = arith.constant 0 : i32
      %swap3A_934 = arith.index_cast %swap3A_933 : i32 to index
      %swap3A_935 = arith.index_cast %scan3A_811 : i32 to index
      %swap3A_936 = arith.constant 112 : index
      %swap3A_937 = tpu.vector_load %arg6[%swap3A_934, %swap3A_935, %swap3A_936] {strides = array<i32>} : memref<2x256x128xf32, #tpu.memory_space<vmem>>, vector<1x1x16xf32>,
      %swap3A_938 = vector.shape_cast %swap3A_937 : vector<1x1x16xf32> to vector<16xf32>
      %swap3A_939 = vector.shape_cast %mul3A_932 : vector<16xf32> to vector<1x1x16xf32>
      tpu.vector_store %arg6[%swap3A_934, %swap3A_935, %swap3A_936], %swap3A_939 {strides = array<i32>} : memref<2x256x128xf32, #tpu.memory_space<vmem>>, vector<1x1x16xf32>,
      %scan3A_940 = arith.constant 0 : i32
      scf.yield %scan3A_940 : i32
    }
    %scan3A_309 = arith.constant 256 : i32
    %add3A_310 = arith.constant 25088 : i32
    %add3A_311 = arith.addi %mul3A_2, %add3A_310 : i32
    %dma_start3A_312 = arith.constant 0 : i32
    %dma_start3A_313 = arith.constant 0 : i32
    %dma_start3A_314 = arith.constant 0 : i32
    %dma_start3A_315 = arith.constant 0 : i32
    %dma_start3A_316 = tpu.memref_slice %arg6[%dma_start3A_312, %dma_start3A_314, %dma_start3A_315] : memref<2x256x128xf32, #tpu.memory_space<vmem>> -> memref<1x256x128xf32, #tpu.memory_space<vmem>>
    %dma_start3A_317 = tpu.memref_squeeze %dma_start3A_316 : memref<1x256x128xf32, #tpu.memory_space<vmem>> -> memref<256x128xf32, #tpu.memory_space<vmem>>
    %dma_start3A_318 = arith.constant 0 : i32
    %dma_start3A_319 = tpu.memref_slice %arg4[%add3A_311, %dma_start3A_318] : memref<819200x128xf32, #tpu.memory_space<hbm>> -> memref<256x128xf32, #tpu.memory_space<hbm>>
    %dma_start3A_320 = tpu.memref_slice %arg8[%dma_start3A_313] : memref<2x!tpu.dma_semaphore, #tpu.memory_space<semaphore_mem>> -> memref<1x!tpu.dma_semaphore, #tpu.memory_space<semaphore_mem>>
    %dma_start3A_321 = tpu.memref_squeeze %dma_start3A_320 : memref<1x!tpu.dma_semaphore, #tpu.memory_space<semaphore_mem>> -> memref<!tpu.dma_semaphore, #tpu.memory_space<semaphore_mem>>
    %dma_start3A_322 = arith.constant 0 : i32
    %dma_start3A_323 = tpu.memref_slice %arg4[%add3A_311, %dma_start3A_322] : memref<819200x128xf32, #tpu.memory_space<hbm>> -> memref<256x128xf32, #tpu.memory_space<hbm>>
    %dma_start3A_324 = arith.constant 0 : i32
    %dma_start3A_325 = arith.constant 0 : i32
    %dma_start3A_326 = tpu.memref_slice %arg6[%dma_start3A_312, %dma_start3A_324, %dma_start3A_325] : memref<2x256x128xf32, #tpu.memory_space<vmem>> -> memref<1x256x128xf32, #tpu.memory_space<vmem>>
    %dma_start3A_327 = tpu.memref_squeeze %dma_start3A_326 : memref<1x256x128xf32, #tpu.memory_space<vmem>> -> memref<256x128xf32, #tpu.memory_space<vmem>>
    tpu.enqueue_dma source(%dma_start3A_327 : memref<256x128xf32, #tpu.memory_space<vmem>>) target(%dma_start3A_323 : memref<256x128xf32, #tpu.memory_space<hbm>>) target_semaphore(%dma_start3A_321 : memref<!tpu.dma_semaphore, #tpu.memory_space<semaphore_mem>>)
    %dma_wait3A_328 = arith.constant 198 : i32
    %dma_wait3A_329 = arith.constant 1 : i32
    %dma_wait3A_330 = arith.constant 1 : i32
    %dma_wait3A_331 = arith.constant 0 : i32
    %dma_wait3A_332 = arith.constant 0 : i32
    %dma_wait3A_333 = tpu.memref_slice %arg6[%dma_wait3A_329, %dma_wait3A_331, %dma_wait3A_332] : memref<2x256x128xf32, #tpu.memory_space<vmem>> -> memref<1x128x128xf32, #tpu.memory_space<vmem>>
    %dma_wait3A_334 = tpu.memref_squeeze %dma_wait3A_333 : memref<1x128x128xf32, #tpu.memory_space<vmem>> -> memref<128x128xf32, #tpu.memory_space<vmem>>
    %dma_wait3A_335 = arith.constant 0 : i32
    %dma_wait3A_336 = tpu.memref_slice %arg5[%dma_wait3A_328, %dma_wait3A_335] : memref<200x128xi32, #tpu.memory_space<vmem>> -> memref<1x128xi32, #tpu.memory_space<vmem>>
    %dma_wait3A_337 = tpu.memref_squeeze %dma_wait3A_336 : memref<1x128xi32, #tpu.memory_space<vmem>> -> memref<128xi32, #tpu.memory_space<vmem>>
    %dma_wait3A_338 = arith.constant 0 : i32
    %dma_wait3A_339 = arith.constant 0 : i32
    %dma_wait3A_340 = tpu.memref_slice %arg3[%dma_wait3A_338, %dma_wait3A_339] : memref<100000x128xf32, #tpu.memory_space<hbm>> -> memref<100000x128xf32, #tpu.memory_space<hbm>>
    %dma_wait3A_341 = tpu.memref_slice %arg7[%dma_wait3A_330] : memref<2x!tpu.dma_semaphore, #tpu.memory_space<semaphore_mem>> -> memref<1x!tpu.dma_semaphore, #tpu.memory_space<semaphore_mem>>
    %dma_wait3A_342 = tpu.memref_squeeze %dma_wait3A_341 : memref<1x!tpu.dma_semaphore, #tpu.memory_space<semaphore_mem>> -> memref<!tpu.dma_semaphore, #tpu.memory_space<semaphore_mem>>
    tpu.wait_indirect_dma semaphore(%dma_wait3A_342 : memref<!tpu.dma_semaphore, #tpu.memory_space<semaphore_mem>>) src(%dma_wait3A_340 : memref<100000x128xf32, #tpu.memory_space<hbm>>) dst(%dma_wait3A_334 : memref<128x128xf32, #tpu.memory_space<vmem>>)
    %dma_wait3A_343 = arith.constant 199 : i32
    %dma_wait3A_344 = arith.constant 1 : i32
    %dma_wait3A_345 = arith.constant 1 : i32
    %dma_wait3A_346 = arith.constant 128 : i32
    %dma_wait3A_347 = arith.constant 0 : i32
    %dma_wait3A_348 = tpu.memref_slice %arg6[%dma_wait3A_344, %dma_wait3A_346, %dma_wait3A_347] : memref<2x256x128xf32, #tpu.memory_space<vmem>> -> memref<1x128x128xf32, #tpu.memory_space<vmem>>
    %dma_wait3A_349 = tpu.memref_squeeze %dma_wait3A_348 : memref<1x128x128xf32, #tpu.memory_space<vmem>> -> memref<128x128xf32, #tpu.memory_space<vmem>>
    %dma_wait3A_350 = arith.constant 0 : i32
    %dma_wait3A_351 = tpu.memref_slice %arg5[%dma_wait3A_343, %dma_wait3A_350] : memref<200x128xi32, #tpu.memory_space<vmem>> -> memref<1x128xi32, #tpu.memory_space<vmem>>
    %dma_wait3A_352 = tpu.memref_squeeze %dma_wait3A_351 : memref<1x128xi32, #tpu.memory_space<vmem>> -> memref<128xi32, #tpu.memory_space<vmem>>
    %dma_wait3A_353 = arith.constant 0 : i32
    %dma_wait3A_354 = arith.constant 0 : i32
    %dma_wait3A_355 = tpu.memref_slice %arg3[%dma_wait3A_353, %dma_wait3A_354] : memref<100000x128xf32, #tpu.memory_space<hbm>> -> memref<100000x128xf32, #tpu.memory_space<hbm>>
    %dma_wait3A_356 = tpu.memref_slice %arg7[%dma_wait3A_345] : memref<2x!tpu.dma_semaphore, #tpu.memory_space<semaphore_mem>> -> memref<1x!tpu.dma_semaphore, #tpu.memory_space<semaphore_mem>>
    %dma_wait3A_357 = tpu.memref_squeeze %dma_wait3A_356 : memref<1x!tpu.dma_semaphore, #tpu.memory_space<semaphore_mem>> -> memref<!tpu.dma_semaphore, #tpu.memory_space<semaphore_mem>>
    tpu.wait_indirect_dma semaphore(%dma_wait3A_357 : memref<!tpu.dma_semaphore, #tpu.memory_space<semaphore_mem>>) src(%dma_wait3A_355 : memref<100000x128xf32, #tpu.memory_space<hbm>>) dst(%dma_wait3A_349 : memref<128x128xf32, #tpu.memory_space<vmem>>)
    %scan3A_358 = arith.constant 0 : i32
    %scan3A_359 = arith.constant 0 : i32
    %scan3A_360 = arith.constant 256 : i32
    %scan3A_361 = arith.addi %scan3A_359, %scan3A_360 : i32
    %scan3A_362 = arith.constant 4 : i32
    %scan3A_363 = scf.for %scan3A_419 = %scan3A_359 to %scan3A_361 step %scan3A_362 iter_args(%scan3A_420 = %scan3A_358) -> (i32)  : i32 {
      %get3A = arith.constant 1 : i32
      %get3A_421 = arith.index_cast %get3A : i32 to index
      %get3A_422 = arith.index_cast %scan3A_419 : i32 to index
      %get3A_423 = arith.constant 0 : index
      %get3A_424 = tpu.vector_load %arg6[%get3A_421, %get3A_422, %get3A_423] {strides = array<i32>} : memref<2x256x128xf32, #tpu.memory_space<vmem>>, vector<1x1x16xf32>,
      %get3A_425 = vector.shape_cast %get3A_424 : vector<1x1x16xf32> to vector<16xf32>
      %mul3A_426 = arith.constant 11.3137083 : f32
      %mul3A_427 = vector.broadcast %mul3A_426 : f32 to vector<16xf32>
      %mul3A_428 = arith.mulf %get3A_425, %mul3A_427 : vector<16xf32>
      %swap3A = arith.constant 1 : i32
      %swap3A_429 = arith.index_cast %swap3A : i32 to index
      %swap3A_430 = arith.index_cast %scan3A_419 : i32 to index
      %swap3A_431 = arith.constant 0 : index
      %swap3A_432 = tpu.vector_load %arg6[%swap3A_429, %swap3A_430, %swap3A_431] {strides = array<i32>} : memref<2x256x128xf32, #tpu.memory_space<vmem>>, vector<1x1x16xf32>,
      %swap3A_433 = vector.shape_cast %swap3A_432 : vector<1x1x16xf32> to vector<16xf32>
      %swap3A_434 = vector.shape_cast %mul3A_428 : vector<16xf32> to vector<1x1x16xf32>
      tpu.vector_store %arg6[%swap3A_429, %swap3A_430, %swap3A_431], %swap3A_434 {strides = array<i32>} : memref<2x256x128xf32, #tpu.memory_space<vmem>>, vector<1x1x16xf32>,
      %get3A_435 = arith.constant 1 : i32
      %get3A_436 = arith.index_cast %get3A_435 : i32 to index
      %get3A_437 = arith.index_cast %scan3A_419 : i32 to index
      %get3A_438 = arith.constant 16 : index
      %get3A_439 = tpu.vector_load %arg6[%get3A_436, %get3A_437, %get3A_438] {strides = array<i32>} : memref<2x256x128xf32, #tpu.memory_space<vmem>>, vector<1x1x16xf32>,
      %get3A_440 = vector.shape_cast %get3A_439 : vector<1x1x16xf32> to vector<16xf32>
      %mul3A_441 = arith.constant 11.3137083 : f32
      %mul3A_442 = vector.broadcast %mul3A_441 : f32 to vector<16xf32>
      %mul3A_443 = arith.mulf %get3A_440, %mul3A_442 : vector<16xf32>
      %swap3A_444 = arith.constant 1 : i32
      %swap3A_445 = arith.index_cast %swap3A_444 : i32 to index
      %swap3A_446 = arith.index_cast %scan3A_419 : i32 to index
      %swap3A_447 = arith.constant 16 : index
      %swap3A_448 = tpu.vector_load %arg6[%swap3A_445, %swap3A_446, %swap3A_447] {strides = array<i32>} : memref<2x256x128xf32, #tpu.memory_space<vmem>>, vector<1x1x16xf32>,
      %swap3A_449 = vector.shape_cast %swap3A_448 : vector<1x1x16xf32> to vector<16xf32>
      %swap3A_450 = vector.shape_cast %mul3A_443 : vector<16xf32> to vector<1x1x16xf32>
      tpu.vector_store %arg6[%swap3A_445, %swap3A_446, %swap3A_447], %swap3A_450 {strides = array<i32>} : memref<2x256x128xf32, #tpu.memory_space<vmem>>, vector<1x1x16xf32>,
      %get3A_451 = arith.constant 1 : i32
      %get3A_452 = arith.index_cast %get3A_451 : i32 to index
      %get3A_453 = arith.index_cast %scan3A_419 : i32 to index
      %get3A_454 = arith.constant 32 : index
      %get3A_455 = tpu.vector_load %arg6[%get3A_452, %get3A_453, %get3A_454] {strides = array<i32>} : memref<2x256x128xf32, #tpu.memory_space<vmem>>, vector<1x1x16xf32>,
      %get3A_456 = vector.shape_cast %get3A_455 : vector<1x1x16xf32> to vector<16xf32>
      %mul3A_457 = arith.constant 11.3137083 : f32
      %mul3A_458 = vector.broadcast %mul3A_457 : f32 to vector<16xf32>
      %mul3A_459 = arith.mulf %get3A_456, %mul3A_458 : vector<16xf32>
      %swap3A_460 = arith.constant 1 : i32
      %swap3A_461 = arith.index_cast %swap3A_460 : i32 to index
      %swap3A_462 = arith.index_cast %scan3A_419 : i32 to index
      %swap3A_463 = arith.constant 32 : index
      %swap3A_464 = tpu.vector_load %arg6[%swap3A_461, %swap3A_462, %swap3A_463] {strides = array<i32>} : memref<2x256x128xf32, #tpu.memory_space<vmem>>, vector<1x1x16xf32>,
      %swap3A_465 = vector.shape_cast %swap3A_464 : vector<1x1x16xf32> to vector<16xf32>
      %swap3A_466 = vector.shape_cast %mul3A_459 : vector<16xf32> to vector<1x1x16xf32>
      tpu.vector_store %arg6[%swap3A_461, %swap3A_462, %swap3A_463], %swap3A_466 {strides = array<i32>} : memref<2x256x128xf32, #tpu.memory_space<vmem>>, vector<1x1x16xf32>,
      %get3A_467 = arith.constant 1 : i32
      %get3A_468 = arith.index_cast %get3A_467 : i32 to index
      %get3A_469 = arith.index_cast %scan3A_419 : i32 to index
      %get3A_470 = arith.constant 48 : index
      %get3A_471 = tpu.vector_load %arg6[%get3A_468, %get3A_469, %get3A_470] {strides = array<i32>} : memref<2x256x128xf32, #tpu.memory_space<vmem>>, vector<1x1x16xf32>,
      %get3A_472 = vector.shape_cast %get3A_471 : vector<1x1x16xf32> to vector<16xf32>
      %mul3A_473 = arith.constant 11.3137083 : f32
      %mul3A_474 = vector.broadcast %mul3A_473 : f32 to vector<16xf32>
      %mul3A_475 = arith.mulf %get3A_472, %mul3A_474 : vector<16xf32>
      %swap3A_476 = arith.constant 1 : i32
      %swap3A_477 = arith.index_cast %swap3A_476 : i32 to index
      %swap3A_478 = arith.index_cast %scan3A_419 : i32 to index
      %swap3A_479 = arith.constant 48 : index
      %swap3A_480 = tpu.vector_load %arg6[%swap3A_477, %swap3A_478, %swap3A_479] {strides = array<i32>} : memref<2x256x128xf32, #tpu.memory_space<vmem>>, vector<1x1x16xf32>,
      %swap3A_481 = vector.shape_cast %swap3A_480 : vector<1x1x16xf32> to vector<16xf32>
      %swap3A_482 = vector.shape_cast %mul3A_475 : vector<16xf32> to vector<1x1x16xf32>
      tpu.vector_store %arg6[%swap3A_477, %swap3A_478, %swap3A_479], %swap3A_482 {strides = array<i32>} : memref<2x256x128xf32, #tpu.memory_space<vmem>>, vector<1x1x16xf32>,
      %get3A_483 = arith.constant 1 : i32
      %get3A_484 = arith.index_cast %get3A_483 : i32 to index
      %get3A_485 = arith.index_cast %scan3A_419 : i32 to index
      %get3A_486 = arith.constant 64 : index
      %get3A_487 = tpu.vector_load %arg6[%get3A_484, %get3A_485, %get3A_486] {strides = array<i32>} : memref<2x256x128xf32, #tpu.memory_space<vmem>>, vector<1x1x16xf32>,
      %get3A_488 = vector.shape_cast %get3A_487 : vector<1x1x16xf32> to vector<16xf32>
      %mul3A_489 = arith.constant 11.3137083 : f32
      %mul3A_490 = vector.broadcast %mul3A_489 : f32 to vector<16xf32>
      %mul3A_491 = arith.mulf %get3A_488, %mul3A_490 : vector<16xf32>
      %swap3A_492 = arith.constant 1 : i32
      %swap3A_493 = arith.index_cast %swap3A_492 : i32 to index
      %swap3A_494 = arith.index_cast %scan3A_419 : i32 to index
      %swap3A_495 = arith.constant 64 : index
      %swap3A_496 = tpu.vector_load %arg6[%swap3A_493, %swap3A_494, %swap3A_495] {strides = array<i32>} : memref<2x256x128xf32, #tpu.memory_space<vmem>>, vector<1x1x16xf32>,
      %swap3A_497 = vector.shape_cast %swap3A_496 : vector<1x1x16xf32> to vector<16xf32>
      %swap3A_498 = vector.shape_cast %mul3A_491 : vector<16xf32> to vector<1x1x16xf32>
      tpu.vector_store %arg6[%swap3A_493, %swap3A_494, %swap3A_495], %swap3A_498 {strides = array<i32>} : memref<2x256x128xf32, #tpu.memory_space<vmem>>, vector<1x1x16xf32>,
      %get3A_499 = arith.constant 1 : i32
      %get3A_500 = arith.index_cast %get3A_499 : i32 to index
      %get3A_501 = arith.index_cast %scan3A_419 : i32 to index
      %get3A_502 = arith.constant 80 : index
      %get3A_503 = tpu.vector_load %arg6[%get3A_500, %get3A_501, %get3A_502] {strides = array<i32>} : memref<2x256x128xf32, #tpu.memory_space<vmem>>, vector<1x1x16xf32>,
      %get3A_504 = vector.shape_cast %get3A_503 : vector<1x1x16xf32> to vector<16xf32>
      %mul3A_505 = arith.constant 11.3137083 : f32
      %mul3A_506 = vector.broadcast %mul3A_505 : f32 to vector<16xf32>
      %mul3A_507 = arith.mulf %get3A_504, %mul3A_506 : vector<16xf32>
      %swap3A_508 = arith.constant 1 : i32
      %swap3A_509 = arith.index_cast %swap3A_508 : i32 to index
      %swap3A_510 = arith.index_cast %scan3A_419 : i32 to index
      %swap3A_511 = arith.constant 80 : index
      %swap3A_512 = tpu.vector_load %arg6[%swap3A_509, %swap3A_510, %swap3A_511] {strides = array<i32>} : memref<2x256x128xf32, #tpu.memory_space<vmem>>, vector<1x1x16xf32>,
      %swap3A_513 = vector.shape_cast %swap3A_512 : vector<1x1x16xf32> to vector<16xf32>
      %swap3A_514 = vector.shape_cast %mul3A_507 : vector<16xf32> to vector<1x1x16xf32>
      tpu.vector_store %arg6[%swap3A_509, %swap3A_510, %swap3A_511], %swap3A_514 {strides = array<i32>} : memref<2x256x128xf32, #tpu.memory_space<vmem>>, vector<1x1x16xf32>,
      %get3A_515 = arith.constant 1 : i32
      %get3A_516 = arith.index_cast %get3A_515 : i32 to index
      %get3A_517 = arith.index_cast %scan3A_419 : i32 to index
      %get3A_518 = arith.constant 96 : index
      %get3A_519 = tpu.vector_load %arg6[%get3A_516, %get3A_517, %get3A_518] {strides = array<i32>} : memref<2x256x128xf32, #tpu.memory_space<vmem>>, vector<1x1x16xf32>,
      %get3A_520 = vector.shape_cast %get3A_519 : vector<1x1x16xf32> to vector<16xf32>
      %mul3A_521 = arith.constant 11.3137083 : f32
      %mul3A_522 = vector.broadcast %mul3A_521 : f32 to vector<16xf32>
      %mul3A_523 = arith.mulf %get3A_520, %mul3A_522 : vector<16xf32>
      %swap3A_524 = arith.constant 1 : i32
      %swap3A_525 = arith.index_cast %swap3A_524 : i32 to index
      %swap3A_526 = arith.index_cast %scan3A_419 : i32 to index
      %swap3A_527 = arith.constant 96 : index
      %swap3A_528 = tpu.vector_load %arg6[%swap3A_525, %swap3A_526, %swap3A_527] {strides = array<i32>} : memref<2x256x128xf32, #tpu.memory_space<vmem>>, vector<1x1x16xf32>,
      %swap3A_529 = vector.shape_cast %swap3A_528 : vector<1x1x16xf32> to vector<16xf32>
      %swap3A_530 = vector.shape_cast %mul3A_523 : vector<16xf32> to vector<1x1x16xf32>
      tpu.vector_store %arg6[%swap3A_525, %swap3A_526, %swap3A_527], %swap3A_530 {strides = array<i32>} : memref<2x256x128xf32, #tpu.memory_space<vmem>>, vector<1x1x16xf32>,
      %get3A_531 = arith.constant 1 : i32
      %get3A_532 = arith.index_cast %get3A_531 : i32 to index
      %get3A_533 = arith.index_cast %scan3A_419 : i32 to index
      %get3A_534 = arith.constant 112 : index
      %get3A_535 = tpu.vector_load %arg6[%get3A_532, %get3A_533, %get3A_534] {strides = array<i32>} : memref<2x256x128xf32, #tpu.memory_space<vmem>>, vector<1x1x16xf32>,
      %get3A_536 = vector.shape_cast %get3A_535 : vector<1x1x16xf32> to vector<16xf32>
      %mul3A_537 = arith.constant 11.3137083 : f32
      %mul3A_538 = vector.broadcast %mul3A_537 : f32 to vector<16xf32>
      %mul3A_539 = arith.mulf %get3A_536, %mul3A_538 : vector<16xf32>
      %swap3A_540 = arith.constant 1 : i32
      %swap3A_541 = arith.index_cast %swap3A_540 : i32 to index
      %swap3A_542 = arith.index_cast %scan3A_419 : i32 to index
      %swap3A_543 = arith.constant 112 : index
      %swap3A_544 = tpu.vector_load %arg6[%swap3A_541, %swap3A_542, %swap3A_543] {strides = array<i32>} : memref<2x256x128xf32, #tpu.memory_space<vmem>>, vector<1x1x16xf32>,
      %swap3A_545 = vector.shape_cast %swap3A_544 : vector<1x1x16xf32> to vector<16xf32>
      %swap3A_546 = vector.shape_cast %mul3A_539 : vector<16xf32> to vector<1x1x16xf32>
      tpu.vector_store %arg6[%swap3A_541, %swap3A_542, %swap3A_543], %swap3A_546 {strides = array<i32>} : memref<2x256x128xf32, #tpu.memory_space<vmem>>, vector<1x1x16xf32>,
      %scan3A_547 = arith.constant 0 : i32
      %scan3A_548 = arith.constant 1 : i32
      %scan3A_549 = arith.addi %scan3A_419, %scan3A_548 : i32
      %get3A_550 = arith.constant 1 : i32
      %get3A_551 = arith.index_cast %get3A_550 : i32 to index
      %get3A_552 = arith.index_cast %scan3A_549 : i32 to index
      %get3A_553 = arith.constant 0 : index
      %get3A_554 = tpu.vector_load %arg6[%get3A_551, %get3A_552, %get3A_553] {strides = array<i32>} : memref<2x256x128xf32, #tpu.memory_space<vmem>>, vector<1x1x16xf32>,
      %get3A_555 = vector.shape_cast %get3A_554 : vector<1x1x16xf32> to vector<16xf32>
      %mul3A_556 = arith.constant 11.3137083 : f32
      %mul3A_557 = vector.broadcast %mul3A_556 : f32 to vector<16xf32>
      %mul3A_558 = arith.mulf %get3A_555, %mul3A_557 : vector<16xf32>
      %swap3A_559 = arith.constant 1 : i32
      %swap3A_560 = arith.index_cast %swap3A_559 : i32 to index
      %swap3A_561 = arith.index_cast %scan3A_549 : i32 to index
      %swap3A_562 = arith.constant 0 : index
      %swap3A_563 = tpu.vector_load %arg6[%swap3A_560, %swap3A_561, %swap3A_562] {strides = array<i32>} : memref<2x256x128xf32, #tpu.memory_space<vmem>>, vector<1x1x16xf32>,
      %swap3A_564 = vector.shape_cast %swap3A_563 : vector<1x1x16xf32> to vector<16xf32>
      %swap3A_565 = vector.shape_cast %mul3A_558 : vector<16xf32> to vector<1x1x16xf32>
      tpu.vector_store %arg6[%swap3A_560, %swap3A_561, %swap3A_562], %swap3A_565 {strides = array<i32>} : memref<2x256x128xf32, #tpu.memory_space<vmem>>, vector<1x1x16xf32>,
      %get3A_566 = arith.constant 1 : i32
      %get3A_567 = arith.index_cast %get3A_566 : i32 to index
      %get3A_568 = arith.index_cast %scan3A_549 : i32 to index
      %get3A_569 = arith.constant 16 : index
      %get3A_570 = tpu.vector_load %arg6[%get3A_567, %get3A_568, %get3A_569] {strides = array<i32>} : memref<2x256x128xf32, #tpu.memory_space<vmem>>, vector<1x1x16xf32>,
      %get3A_571 = vector.shape_cast %get3A_570 : vector<1x1x16xf32> to vector<16xf32>
      %mul3A_572 = arith.constant 11.3137083 : f32
      %mul3A_573 = vector.broadcast %mul3A_572 : f32 to vector<16xf32>
      %mul3A_574 = arith.mulf %get3A_571, %mul3A_573 : vector<16xf32>
      %swap3A_575 = arith.constant 1 : i32
      %swap3A_576 = arith.index_cast %swap3A_575 : i32 to index
      %swap3A_577 = arith.index_cast %scan3A_549 : i32 to index
      %swap3A_578 = arith.constant 16 : index
      %swap3A_579 = tpu.vector_load %arg6[%swap3A_576, %swap3A_577, %swap3A_578] {strides = array<i32>} : memref<2x256x128xf32, #tpu.memory_space<vmem>>, vector<1x1x16xf32>,
      %swap3A_580 = vector.shape_cast %swap3A_579 : vector<1x1x16xf32> to vector<16xf32>
      %swap3A_581 = vector.shape_cast %mul3A_574 : vector<16xf32> to vector<1x1x16xf32>
      tpu.vector_store %arg6[%swap3A_576, %swap3A_577, %swap3A_578], %swap3A_581 {strides = array<i32>} : memref<2x256x128xf32, #tpu.memory_space<vmem>>, vector<1x1x16xf32>,
      %get3A_582 = arith.constant 1 : i32
      %get3A_583 = arith.index_cast %get3A_582 : i32 to index
      %get3A_584 = arith.index_cast %scan3A_549 : i32 to index
      %get3A_585 = arith.constant 32 : index
      %get3A_586 = tpu.vector_load %arg6[%get3A_583, %get3A_584, %get3A_585] {strides = array<i32>} : memref<2x256x128xf32, #tpu.memory_space<vmem>>, vector<1x1x16xf32>,
      %get3A_587 = vector.shape_cast %get3A_586 : vector<1x1x16xf32> to vector<16xf32>
      %mul3A_588 = arith.constant 11.3137083 : f32
      %mul3A_589 = vector.broadcast %mul3A_588 : f32 to vector<16xf32>
      %mul3A_590 = arith.mulf %get3A_587, %mul3A_589 : vector<16xf32>
      %swap3A_591 = arith.constant 1 : i32
      %swap3A_592 = arith.index_cast %swap3A_591 : i32 to index
      %swap3A_593 = arith.index_cast %scan3A_549 : i32 to index
      %swap3A_594 = arith.constant 32 : index
      %swap3A_595 = tpu.vector_load %arg6[%swap3A_592, %swap3A_593, %swap3A_594] {strides = array<i32>} : memref<2x256x128xf32, #tpu.memory_space<vmem>>, vector<1x1x16xf32>,
      %swap3A_596 = vector.shape_cast %swap3A_595 : vector<1x1x16xf32> to vector<16xf32>
      %swap3A_597 = vector.shape_cast %mul3A_590 : vector<16xf32> to vector<1x1x16xf32>
      tpu.vector_store %arg6[%swap3A_592, %swap3A_593, %swap3A_594], %swap3A_597 {strides = array<i32>} : memref<2x256x128xf32, #tpu.memory_space<vmem>>, vector<1x1x16xf32>,
      %get3A_598 = arith.constant 1 : i32
      %get3A_599 = arith.index_cast %get3A_598 : i32 to index
      %get3A_600 = arith.index_cast %scan3A_549 : i32 to index
      %get3A_601 = arith.constant 48 : index
      %get3A_602 = tpu.vector_load %arg6[%get3A_599, %get3A_600, %get3A_601] {strides = array<i32>} : memref<2x256x128xf32, #tpu.memory_space<vmem>>, vector<1x1x16xf32>,
      %get3A_603 = vector.shape_cast %get3A_602 : vector<1x1x16xf32> to vector<16xf32>
      %mul3A_604 = arith.constant 11.3137083 : f32
      %mul3A_605 = vector.broadcast %mul3A_604 : f32 to vector<16xf32>
      %mul3A_606 = arith.mulf %get3A_603, %mul3A_605 : vector<16xf32>
      %swap3A_607 = arith.constant 1 : i32
      %swap3A_608 = arith.index_cast %swap3A_607 : i32 to index
      %swap3A_609 = arith.index_cast %scan3A_549 : i32 to index
      %swap3A_610 = arith.constant 48 : index
      %swap3A_611 = tpu.vector_load %arg6[%swap3A_608, %swap3A_609, %swap3A_610] {strides = array<i32>} : memref<2x256x128xf32, #tpu.memory_space<vmem>>, vector<1x1x16xf32>,
      %swap3A_612 = vector.shape_cast %swap3A_611 : vector<1x1x16xf32> to vector<16xf32>
      %swap3A_613 = vector.shape_cast %mul3A_606 : vector<16xf32> to vector<1x1x16xf32>
      tpu.vector_store %arg6[%swap3A_608, %swap3A_609, %swap3A_610], %swap3A_613 {strides = array<i32>} : memref<2x256x128xf32, #tpu.memory_space<vmem>>, vector<1x1x16xf32>,
      %get3A_614 = arith.constant 1 : i32
      %get3A_615 = arith.index_cast %get3A_614 : i32 to index
      %get3A_616 = arith.index_cast %scan3A_549 : i32 to index
      %get3A_617 = arith.constant 64 : index
      %get3A_618 = tpu.vector_load %arg6[%get3A_615, %get3A_616, %get3A_617] {strides = array<i32>} : memref<2x256x128xf32, #tpu.memory_space<vmem>>, vector<1x1x16xf32>,
      %get3A_619 = vector.shape_cast %get3A_618 : vector<1x1x16xf32> to vector<16xf32>
      %mul3A_620 = arith.constant 11.3137083 : f32
      %mul3A_621 = vector.broadcast %mul3A_620 : f32 to vector<16xf32>
      %mul3A_622 = arith.mulf %get3A_619, %mul3A_621 : vector<16xf32>
      %swap3A_623 = arith.constant 1 : i32
      %swap3A_624 = arith.index_cast %swap3A_623 : i32 to index
      %swap3A_625 = arith.index_cast %scan3A_549 : i32 to index
      %swap3A_626 = arith.constant 64 : index
      %swap3A_627 = tpu.vector_load %arg6[%swap3A_624, %swap3A_625, %swap3A_626] {strides = array<i32>} : memref<2x256x128xf32, #tpu.memory_space<vmem>>, vector<1x1x16xf32>,
      %swap3A_628 = vector.shape_cast %swap3A_627 : vector<1x1x16xf32> to vector<16xf32>
      %swap3A_629 = vector.shape_cast %mul3A_622 : vector<16xf32> to vector<1x1x16xf32>
      tpu.vector_store %arg6[%swap3A_624, %swap3A_625, %swap3A_626], %swap3A_629 {strides = array<i32>} : memref<2x256x128xf32, #tpu.memory_space<vmem>>, vector<1x1x16xf32>,
      %get3A_630 = arith.constant 1 : i32
      %get3A_631 = arith.index_cast %get3A_630 : i32 to index
      %get3A_632 = arith.index_cast %scan3A_549 : i32 to index
      %get3A_633 = arith.constant 80 : index
      %get3A_634 = tpu.vector_load %arg6[%get3A_631, %get3A_632, %get3A_633] {strides = array<i32>} : memref<2x256x128xf32, #tpu.memory_space<vmem>>, vector<1x1x16xf32>,
      %get3A_635 = vector.shape_cast %get3A_634 : vector<1x1x16xf32> to vector<16xf32>
      %mul3A_636 = arith.constant 11.3137083 : f32
      %mul3A_637 = vector.broadcast %mul3A_636 : f32 to vector<16xf32>
      %mul3A_638 = arith.mulf %get3A_635, %mul3A_637 : vector<16xf32>
      %swap3A_639 = arith.constant 1 : i32
      %swap3A_640 = arith.index_cast %swap3A_639 : i32 to index
      %swap3A_641 = arith.index_cast %scan3A_549 : i32 to index
      %swap3A_642 = arith.constant 80 : index
      %swap3A_643 = tpu.vector_load %arg6[%swap3A_640, %swap3A_641, %swap3A_642] {strides = array<i32>} : memref<2x256x128xf32, #tpu.memory_space<vmem>>, vector<1x1x16xf32>,
      %swap3A_644 = vector.shape_cast %swap3A_643 : vector<1x1x16xf32> to vector<16xf32>
      %swap3A_645 = vector.shape_cast %mul3A_638 : vector<16xf32> to vector<1x1x16xf32>
      tpu.vector_store %arg6[%swap3A_640, %swap3A_641, %swap3A_642], %swap3A_645 {strides = array<i32>} : memref<2x256x128xf32, #tpu.memory_space<vmem>>, vector<1x1x16xf32>,
      %get3A_646 = arith.constant 1 : i32
      %get3A_647 = arith.index_cast %get3A_646 : i32 to index
      %get3A_648 = arith.index_cast %scan3A_549 : i32 to index
      %get3A_649 = arith.constant 96 : index
      %get3A_650 = tpu.vector_load %arg6[%get3A_647, %get3A_648, %get3A_649] {strides = array<i32>} : memref<2x256x128xf32, #tpu.memory_space<vmem>>, vector<1x1x16xf32>,
      %get3A_651 = vector.shape_cast %get3A_650 : vector<1x1x16xf32> to vector<16xf32>
      %mul3A_652 = arith.constant 11.3137083 : f32
      %mul3A_653 = vector.broadcast %mul3A_652 : f32 to vector<16xf32>
      %mul3A_654 = arith.mulf %get3A_651, %mul3A_653 : vector<16xf32>
      %swap3A_655 = arith.constant 1 : i32
      %swap3A_656 = arith.index_cast %swap3A_655 : i32 to index
      %swap3A_657 = arith.index_cast %scan3A_549 : i32 to index
      %swap3A_658 = arith.constant 96 : index
      %swap3A_659 = tpu.vector_load %arg6[%swap3A_656, %swap3A_657, %swap3A_658] {strides = array<i32>} : memref<2x256x128xf32, #tpu.memory_space<vmem>>, vector<1x1x16xf32>,
      %swap3A_660 = vector.shape_cast %swap3A_659 : vector<1x1x16xf32> to vector<16xf32>
      %swap3A_661 = vector.shape_cast %mul3A_654 : vector<16xf32> to vector<1x1x16xf32>
      tpu.vector_store %arg6[%swap3A_656, %swap3A_657, %swap3A_658], %swap3A_661 {strides = array<i32>} : memref<2x256x128xf32, #tpu.memory_space<vmem>>, vector<1x1x16xf32>,
      %get3A_662 = arith.constant 1 : i32
      %get3A_663 = arith.index_cast %get3A_662 : i32 to index
      %get3A_664 = arith.index_cast %scan3A_549 : i32 to index
      %get3A_665 = arith.constant 112 : index
      %get3A_666 = tpu.vector_load %arg6[%get3A_663, %get3A_664, %get3A_665] {strides = array<i32>} : memref<2x256x128xf32, #tpu.memory_space<vmem>>, vector<1x1x16xf32>,
      %get3A_667 = vector.shape_cast %get3A_666 : vector<1x1x16xf32> to vector<16xf32>
      %mul3A_668 = arith.constant 11.3137083 : f32
      %mul3A_669 = vector.broadcast %mul3A_668 : f32 to vector<16xf32>
      %mul3A_670 = arith.mulf %get3A_667, %mul3A_669 : vector<16xf32>
      %swap3A_671 = arith.constant 1 : i32
      %swap3A_672 = arith.index_cast %swap3A_671 : i32 to index
      %swap3A_673 = arith.index_cast %scan3A_549 : i32 to index
      %swap3A_674 = arith.constant 112 : index
      %swap3A_675 = tpu.vector_load %arg6[%swap3A_672, %swap3A_673, %swap3A_674] {strides = array<i32>} : memref<2x256x128xf32, #tpu.memory_space<vmem>>, vector<1x1x16xf32>,
      %swap3A_676 = vector.shape_cast %swap3A_675 : vector<1x1x16xf32> to vector<16xf32>
      %swap3A_677 = vector.shape_cast %mul3A_670 : vector<16xf32> to vector<1x1x16xf32>
      tpu.vector_store %arg6[%swap3A_672, %swap3A_673, %swap3A_674], %swap3A_677 {strides = array<i32>} : memref<2x256x128xf32, #tpu.memory_space<vmem>>, vector<1x1x16xf32>,
      %scan3A_678 = arith.constant 0 : i32
      %scan3A_679 = arith.constant 2 : i32
      %scan3A_680 = arith.addi %scan3A_419, %scan3A_679 : i32
      %get3A_681 = arith.constant 1 : i32
      %get3A_682 = arith.index_cast %get3A_681 : i32 to index
      %get3A_683 = arith.index_cast %scan3A_680 : i32 to index
      %get3A_684 = arith.constant 0 : index
      %get3A_685 = tpu.vector_load %arg6[%get3A_682, %get3A_683, %get3A_684] {strides = array<i32>} : memref<2x256x128xf32, #tpu.memory_space<vmem>>, vector<1x1x16xf32>,
      %get3A_686 = vector.shape_cast %get3A_685 : vector<1x1x16xf32> to vector<16xf32>
      %mul3A_687 = arith.constant 11.3137083 : f32
      %mul3A_688 = vector.broadcast %mul3A_687 : f32 to vector<16xf32>
      %mul3A_689 = arith.mulf %get3A_686, %mul3A_688 : vector<16xf32>
      %swap3A_690 = arith.constant 1 : i32
      %swap3A_691 = arith.index_cast %swap3A_690 : i32 to index
      %swap3A_692 = arith.index_cast %scan3A_680 : i32 to index
      %swap3A_693 = arith.constant 0 : index
      %swap3A_694 = tpu.vector_load %arg6[%swap3A_691, %swap3A_692, %swap3A_693] {strides = array<i32>} : memref<2x256x128xf32, #tpu.memory_space<vmem>>, vector<1x1x16xf32>,
      %swap3A_695 = vector.shape_cast %swap3A_694 : vector<1x1x16xf32> to vector<16xf32>
      %swap3A_696 = vector.shape_cast %mul3A_689 : vector<16xf32> to vector<1x1x16xf32>
      tpu.vector_store %arg6[%swap3A_691, %swap3A_692, %swap3A_693], %swap3A_696 {strides = array<i32>} : memref<2x256x128xf32, #tpu.memory_space<vmem>>, vector<1x1x16xf32>,
      %get3A_697 = arith.constant 1 : i32
      %get3A_698 = arith.index_cast %get3A_697 : i32 to index
      %get3A_699 = arith.index_cast %scan3A_680 : i32 to index
      %get3A_700 = arith.constant 16 : index
      %get3A_701 = tpu.vector_load %arg6[%get3A_698, %get3A_699, %get3A_700] {strides = array<i32>} : memref<2x256x128xf32, #tpu.memory_space<vmem>>, vector<1x1x16xf32>,
      %get3A_702 = vector.shape_cast %get3A_701 : vector<1x1x16xf32> to vector<16xf32>
      %mul3A_703 = arith.constant 11.3137083 : f32
      %mul3A_704 = vector.broadcast %mul3A_703 : f32 to vector<16xf32>
      %mul3A_705 = arith.mulf %get3A_702, %mul3A_704 : vector<16xf32>
      %swap3A_706 = arith.constant 1 : i32
      %swap3A_707 = arith.index_cast %swap3A_706 : i32 to index
      %swap3A_708 = arith.index_cast %scan3A_680 : i32 to index
      %swap3A_709 = arith.constant 16 : index
      %swap3A_710 = tpu.vector_load %arg6[%swap3A_707, %swap3A_708, %swap3A_709] {strides = array<i32>} : memref<2x256x128xf32, #tpu.memory_space<vmem>>, vector<1x1x16xf32>,
      %swap3A_711 = vector.shape_cast %swap3A_710 : vector<1x1x16xf32> to vector<16xf32>
      %swap3A_712 = vector.shape_cast %mul3A_705 : vector<16xf32> to vector<1x1x16xf32>
      tpu.vector_store %arg6[%swap3A_707, %swap3A_708, %swap3A_709], %swap3A_712 {strides = array<i32>} : memref<2x256x128xf32, #tpu.memory_space<vmem>>, vector<1x1x16xf32>,
      %get3A_713 = arith.constant 1 : i32
      %get3A_714 = arith.index_cast %get3A_713 : i32 to index
      %get3A_715 = arith.index_cast %scan3A_680 : i32 to index
      %get3A_716 = arith.constant 32 : index
      %get3A_717 = tpu.vector_load %arg6[%get3A_714, %get3A_715, %get3A_716] {strides = array<i32>} : memref<2x256x128xf32, #tpu.memory_space<vmem>>, vector<1x1x16xf32>,
      %get3A_718 = vector.shape_cast %get3A_717 : vector<1x1x16xf32> to vector<16xf32>
      %mul3A_719 = arith.constant 11.3137083 : f32
      %mul3A_720 = vector.broadcast %mul3A_719 : f32 to vector<16xf32>
      %mul3A_721 = arith.mulf %get3A_718, %mul3A_720 : vector<16xf32>
      %swap3A_722 = arith.constant 1 : i32
      %swap3A_723 = arith.index_cast %swap3A_722 : i32 to index
      %swap3A_724 = arith.index_cast %scan3A_680 : i32 to index
      %swap3A_725 = arith.constant 32 : index
      %swap3A_726 = tpu.vector_load %arg6[%swap3A_723, %swap3A_724, %swap3A_725] {strides = array<i32>} : memref<2x256x128xf32, #tpu.memory_space<vmem>>, vector<1x1x16xf32>,
      %swap3A_727 = vector.shape_cast %swap3A_726 : vector<1x1x16xf32> to vector<16xf32>
      %swap3A_728 = vector.shape_cast %mul3A_721 : vector<16xf32> to vector<1x1x16xf32>
      tpu.vector_store %arg6[%swap3A_723, %swap3A_724, %swap3A_725], %swap3A_728 {strides = array<i32>} : memref<2x256x128xf32, #tpu.memory_space<vmem>>, vector<1x1x16xf32>,
      %get3A_729 = arith.constant 1 : i32
      %get3A_730 = arith.index_cast %get3A_729 : i32 to index
      %get3A_731 = arith.index_cast %scan3A_680 : i32 to index
      %get3A_732 = arith.constant 48 : index
      %get3A_733 = tpu.vector_load %arg6[%get3A_730, %get3A_731, %get3A_732] {strides = array<i32>} : memref<2x256x128xf32, #tpu.memory_space<vmem>>, vector<1x1x16xf32>,
      %get3A_734 = vector.shape_cast %get3A_733 : vector<1x1x16xf32> to vector<16xf32>
      %mul3A_735 = arith.constant 11.3137083 : f32
      %mul3A_736 = vector.broadcast %mul3A_735 : f32 to vector<16xf32>
      %mul3A_737 = arith.mulf %get3A_734, %mul3A_736 : vector<16xf32>
      %swap3A_738 = arith.constant 1 : i32
      %swap3A_739 = arith.index_cast %swap3A_738 : i32 to index
      %swap3A_740 = arith.index_cast %scan3A_680 : i32 to index
      %swap3A_741 = arith.constant 48 : index
      %swap3A_742 = tpu.vector_load %arg6[%swap3A_739, %swap3A_740, %swap3A_741] {strides = array<i32>} : memref<2x256x128xf32, #tpu.memory_space<vmem>>, vector<1x1x16xf32>,
      %swap3A_743 = vector.shape_cast %swap3A_742 : vector<1x1x16xf32> to vector<16xf32>
      %swap3A_744 = vector.shape_cast %mul3A_737 : vector<16xf32> to vector<1x1x16xf32>
      tpu.vector_store %arg6[%swap3A_739, %swap3A_740, %swap3A_741], %swap3A_744 {strides = array<i32>} : memref<2x256x128xf32, #tpu.memory_space<vmem>>, vector<1x1x16xf32>,
      %get3A_745 = arith.constant 1 : i32
      %get3A_746 = arith.index_cast %get3A_745 : i32 to index
      %get3A_747 = arith.index_cast %scan3A_680 : i32 to index
      %get3A_748 = arith.constant 64 : index
      %get3A_749 = tpu.vector_load %arg6[%get3A_746, %get3A_747, %get3A_748] {strides = array<i32>} : memref<2x256x128xf32, #tpu.memory_space<vmem>>, vector<1x1x16xf32>,
      %get3A_750 = vector.shape_cast %get3A_749 : vector<1x1x16xf32> to vector<16xf32>
      %mul3A_751 = arith.constant 11.3137083 : f32
      %mul3A_752 = vector.broadcast %mul3A_751 : f32 to vector<16xf32>
      %mul3A_753 = arith.mulf %get3A_750, %mul3A_752 : vector<16xf32>
      %swap3A_754 = arith.constant 1 : i32
      %swap3A_755 = arith.index_cast %swap3A_754 : i32 to index
      %swap3A_756 = arith.index_cast %scan3A_680 : i32 to index
      %swap3A_757 = arith.constant 64 : index
      %swap3A_758 = tpu.vector_load %arg6[%swap3A_755, %swap3A_756, %swap3A_757] {strides = array<i32>} : memref<2x256x128xf32, #tpu.memory_space<vmem>>, vector<1x1x16xf32>,
      %swap3A_759 = vector.shape_cast %swap3A_758 : vector<1x1x16xf32> to vector<16xf32>
      %swap3A_760 = vector.shape_cast %mul3A_753 : vector<16xf32> to vector<1x1x16xf32>
      tpu.vector_store %arg6[%swap3A_755, %swap3A_756, %swap3A_757], %swap3A_760 {strides = array<i32>} : memref<2x256x128xf32, #tpu.memory_space<vmem>>, vector<1x1x16xf32>,
      %get3A_761 = arith.constant 1 : i32
      %get3A_762 = arith.index_cast %get3A_761 : i32 to index
      %get3A_763 = arith.index_cast %scan3A_680 : i32 to index
      %get3A_764 = arith.constant 80 : index
      %get3A_765 = tpu.vector_load %arg6[%get3A_762, %get3A_763, %get3A_764] {strides = array<i32>} : memref<2x256x128xf32, #tpu.memory_space<vmem>>, vector<1x1x16xf32>,
      %get3A_766 = vector.shape_cast %get3A_765 : vector<1x1x16xf32> to vector<16xf32>
      %mul3A_767 = arith.constant 11.3137083 : f32
      %mul3A_768 = vector.broadcast %mul3A_767 : f32 to vector<16xf32>
      %mul3A_769 = arith.mulf %get3A_766, %mul3A_768 : vector<16xf32>
      %swap3A_770 = arith.constant 1 : i32
      %swap3A_771 = arith.index_cast %swap3A_770 : i32 to index
      %swap3A_772 = arith.index_cast %scan3A_680 : i32 to index
      %swap3A_773 = arith.constant 80 : index
      %swap3A_774 = tpu.vector_load %arg6[%swap3A_771, %swap3A_772, %swap3A_773] {strides = array<i32>} : memref<2x256x128xf32, #tpu.memory_space<vmem>>, vector<1x1x16xf32>,
      %swap3A_775 = vector.shape_cast %swap3A_774 : vector<1x1x16xf32> to vector<16xf32>
      %swap3A_776 = vector.shape_cast %mul3A_769 : vector<16xf32> to vector<1x1x16xf32>
      tpu.vector_store %arg6[%swap3A_771, %swap3A_772, %swap3A_773], %swap3A_776 {strides = array<i32>} : memref<2x256x128xf32, #tpu.memory_space<vmem>>, vector<1x1x16xf32>,
      %get3A_777 = arith.constant 1 : i32
      %get3A_778 = arith.index_cast %get3A_777 : i32 to index
      %get3A_779 = arith.index_cast %scan3A_680 : i32 to index
      %get3A_780 = arith.constant 96 : index
      %get3A_781 = tpu.vector_load %arg6[%get3A_778, %get3A_779, %get3A_780] {strides = array<i32>} : memref<2x256x128xf32, #tpu.memory_space<vmem>>, vector<1x1x16xf32>,
      %get3A_782 = vector.shape_cast %get3A_781 : vector<1x1x16xf32> to vector<16xf32>
      %mul3A_783 = arith.constant 11.3137083 : f32
      %mul3A_784 = vector.broadcast %mul3A_783 : f32 to vector<16xf32>
      %mul3A_785 = arith.mulf %get3A_782, %mul3A_784 : vector<16xf32>
      %swap3A_786 = arith.constant 1 : i32
      %swap3A_787 = arith.index_cast %swap3A_786 : i32 to index
      %swap3A_788 = arith.index_cast %scan3A_680 : i32 to index
      %swap3A_789 = arith.constant 96 : index
      %swap3A_790 = tpu.vector_load %arg6[%swap3A_787, %swap3A_788, %swap3A_789] {strides = array<i32>} : memref<2x256x128xf32, #tpu.memory_space<vmem>>, vector<1x1x16xf32>,
      %swap3A_791 = vector.shape_cast %swap3A_790 : vector<1x1x16xf32> to vector<16xf32>
      %swap3A_792 = vector.shape_cast %mul3A_785 : vector<16xf32> to vector<1x1x16xf32>
      tpu.vector_store %arg6[%swap3A_787, %swap3A_788, %swap3A_789], %swap3A_792 {strides = array<i32>} : memref<2x256x128xf32, #tpu.memory_space<vmem>>, vector<1x1x16xf32>,
      %get3A_793 = arith.constant 1 : i32
      %get3A_794 = arith.index_cast %get3A_793 : i32 to index
      %get3A_795 = arith.index_cast %scan3A_680 : i32 to index
      %get3A_796 = arith.constant 112 : index
      %get3A_797 = tpu.vector_load %arg6[%get3A_794, %get3A_795, %get3A_796] {strides = array<i32>} : memref<2x256x128xf32, #tpu.memory_space<vmem>>, vector<1x1x16xf32>,
      %get3A_798 = vector.shape_cast %get3A_797 : vector<1x1x16xf32> to vector<16xf32>
      %mul3A_799 = arith.constant 11.3137083 : f32
      %mul3A_800 = vector.broadcast %mul3A_799 : f32 to vector<16xf32>
      %mul3A_801 = arith.mulf %get3A_798, %mul3A_800 : vector<16xf32>
      %swap3A_802 = arith.constant 1 : i32
      %swap3A_803 = arith.index_cast %swap3A_802 : i32 to index
      %swap3A_804 = arith.index_cast %scan3A_680 : i32 to index
      %swap3A_805 = arith.constant 112 : index
      %swap3A_806 = tpu.vector_load %arg6[%swap3A_803, %swap3A_804, %swap3A_805] {strides = array<i32>} : memref<2x256x128xf32, #tpu.memory_space<vmem>>, vector<1x1x16xf32>,
      %swap3A_807 = vector.shape_cast %swap3A_806 : vector<1x1x16xf32> to vector<16xf32>
      %swap3A_808 = vector.shape_cast %mul3A_801 : vector<16xf32> to vector<1x1x16xf32>
      tpu.vector_store %arg6[%swap3A_803, %swap3A_804, %swap3A_805], %swap3A_808 {strides = array<i32>} : memref<2x256x128xf32, #tpu.memory_space<vmem>>, vector<1x1x16xf32>,
      %scan3A_809 = arith.constant 0 : i32
      %scan3A_810 = arith.constant 3 : i32
      %scan3A_811 = arith.addi %scan3A_419, %scan3A_810 : i32
      %get3A_812 = arith.constant 1 : i32
      %get3A_813 = arith.index_cast %get3A_812 : i32 to index
      %get3A_814 = arith.index_cast %scan3A_811 : i32 to index
      %get3A_815 = arith.constant 0 : index
      %get3A_816 = tpu.vector_load %arg6[%get3A_813, %get3A_814, %get3A_815] {strides = array<i32>} : memref<2x256x128xf32, #tpu.memory_space<vmem>>, vector<1x1x16xf32>,
      %get3A_817 = vector.shape_cast %get3A_816 : vector<1x1x16xf32> to vector<16xf32>
      %mul3A_818 = arith.constant 11.3137083 : f32
      %mul3A_819 = vector.broadcast %mul3A_818 : f32 to vector<16xf32>
      %mul3A_820 = arith.mulf %get3A_817, %mul3A_819 : vector<16xf32>
      %swap3A_821 = arith.constant 1 : i32
      %swap3A_822 = arith.index_cast %swap3A_821 : i32 to index
      %swap3A_823 = arith.index_cast %scan3A_811 : i32 to index
      %swap3A_824 = arith.constant 0 : index
      %swap3A_825 = tpu.vector_load %arg6[%swap3A_822, %swap3A_823, %swap3A_824] {strides = array<i32>} : memref<2x256x128xf32, #tpu.memory_space<vmem>>, vector<1x1x16xf32>,
      %swap3A_826 = vector.shape_cast %swap3A_825 : vector<1x1x16xf32> to vector<16xf32>
      %swap3A_827 = vector.shape_cast %mul3A_820 : vector<16xf32> to vector<1x1x16xf32>
      tpu.vector_store %arg6[%swap3A_822, %swap3A_823, %swap3A_824], %swap3A_827 {strides = array<i32>} : memref<2x256x128xf32, #tpu.memory_space<vmem>>, vector<1x1x16xf32>,
      %get3A_828 = arith.constant 1 : i32
      %get3A_829 = arith.index_cast %get3A_828 : i32 to index
      %get3A_830 = arith.index_cast %scan3A_811 : i32 to index
      %get3A_831 = arith.constant 16 : index
      %get3A_832 = tpu.vector_load %arg6[%get3A_829, %get3A_830, %get3A_831] {strides = array<i32>} : memref<2x256x128xf32, #tpu.memory_space<vmem>>, vector<1x1x16xf32>,
      %get3A_833 = vector.shape_cast %get3A_832 : vector<1x1x16xf32> to vector<16xf32>
      %mul3A_834 = arith.constant 11.3137083 : f32
      %mul3A_835 = vector.broadcast %mul3A_834 : f32 to vector<16xf32>
      %mul3A_836 = arith.mulf %get3A_833, %mul3A_835 : vector<16xf32>
      %swap3A_837 = arith.constant 1 : i32
      %swap3A_838 = arith.index_cast %swap3A_837 : i32 to index
      %swap3A_839 = arith.index_cast %scan3A_811 : i32 to index
      %swap3A_840 = arith.constant 16 : index
      %swap3A_841 = tpu.vector_load %arg6[%swap3A_838, %swap3A_839, %swap3A_840] {strides = array<i32>} : memref<2x256x128xf32, #tpu.memory_space<vmem>>, vector<1x1x16xf32>,
      %swap3A_842 = vector.shape_cast %swap3A_841 : vector<1x1x16xf32> to vector<16xf32>
      %swap3A_843 = vector.shape_cast %mul3A_836 : vector<16xf32> to vector<1x1x16xf32>
      tpu.vector_store %arg6[%swap3A_838, %swap3A_839, %swap3A_840], %swap3A_843 {strides = array<i32>} : memref<2x256x128xf32, #tpu.memory_space<vmem>>, vector<1x1x16xf32>,
      %get3A_844 = arith.constant 1 : i32
      %get3A_845 = arith.index_cast %get3A_844 : i32 to index
      %get3A_846 = arith.index_cast %scan3A_811 : i32 to index
      %get3A_847 = arith.constant 32 : index
      %get3A_848 = tpu.vector_load %arg6[%get3A_845, %get3A_846, %get3A_847] {strides = array<i32>} : memref<2x256x128xf32, #tpu.memory_space<vmem>>, vector<1x1x16xf32>,
      %get3A_849 = vector.shape_cast %get3A_848 : vector<1x1x16xf32> to vector<16xf32>
      %mul3A_850 = arith.constant 11.3137083 : f32
      %mul3A_851 = vector.broadcast %mul3A_850 : f32 to vector<16xf32>
      %mul3A_852 = arith.mulf %get3A_849, %mul3A_851 : vector<16xf32>
      %swap3A_853 = arith.constant 1 : i32
      %swap3A_854 = arith.index_cast %swap3A_853 : i32 to index
      %swap3A_855 = arith.index_cast %scan3A_811 : i32 to index
      %swap3A_856 = arith.constant 32 : index
      %swap3A_857 = tpu.vector_load %arg6[%swap3A_854, %swap3A_855, %swap3A_856] {strides = array<i32>} : memref<2x256x128xf32, #tpu.memory_space<vmem>>, vector<1x1x16xf32>,
      %swap3A_858 = vector.shape_cast %swap3A_857 : vector<1x1x16xf32> to vector<16xf32>
      %swap3A_859 = vector.shape_cast %mul3A_852 : vector<16xf32> to vector<1x1x16xf32>
      tpu.vector_store %arg6[%swap3A_854, %swap3A_855, %swap3A_856], %swap3A_859 {strides = array<i32>} : memref<2x256x128xf32, #tpu.memory_space<vmem>>, vector<1x1x16xf32>,
      %get3A_860 = arith.constant 1 : i32
      %get3A_861 = arith.index_cast %get3A_860 : i32 to index
      %get3A_862 = arith.index_cast %scan3A_811 : i32 to index
      %get3A_863 = arith.constant 48 : index
      %get3A_864 = tpu.vector_load %arg6[%get3A_861, %get3A_862, %get3A_863] {strides = array<i32>} : memref<2x256x128xf32, #tpu.memory_space<vmem>>, vector<1x1x16xf32>,
      %get3A_865 = vector.shape_cast %get3A_864 : vector<1x1x16xf32> to vector<16xf32>
      %mul3A_866 = arith.constant 11.3137083 : f32
      %mul3A_867 = vector.broadcast %mul3A_866 : f32 to vector<16xf32>
      %mul3A_868 = arith.mulf %get3A_865, %mul3A_867 : vector<16xf32>
      %swap3A_869 = arith.constant 1 : i32
      %swap3A_870 = arith.index_cast %swap3A_869 : i32 to index
      %swap3A_871 = arith.index_cast %scan3A_811 : i32 to index
      %swap3A_872 = arith.constant 48 : index
      %swap3A_873 = tpu.vector_load %arg6[%swap3A_870, %swap3A_871, %swap3A_872] {strides = array<i32>} : memref<2x256x128xf32, #tpu.memory_space<vmem>>, vector<1x1x16xf32>,
      %swap3A_874 = vector.shape_cast %swap3A_873 : vector<1x1x16xf32> to vector<16xf32>
      %swap3A_875 = vector.shape_cast %mul3A_868 : vector<16xf32> to vector<1x1x16xf32>
      tpu.vector_store %arg6[%swap3A_870, %swap3A_871, %swap3A_872], %swap3A_875 {strides = array<i32>} : memref<2x256x128xf32, #tpu.memory_space<vmem>>, vector<1x1x16xf32>,
      %get3A_876 = arith.constant 1 : i32
      %get3A_877 = arith.index_cast %get3A_876 : i32 to index
      %get3A_878 = arith.index_cast %scan3A_811 : i32 to index
      %get3A_879 = arith.constant 64 : index
      %get3A_880 = tpu.vector_load %arg6[%get3A_877, %get3A_878, %get3A_879] {strides = array<i32>} : memref<2x256x128xf32, #tpu.memory_space<vmem>>, vector<1x1x16xf32>,
      %get3A_881 = vector.shape_cast %get3A_880 : vector<1x1x16xf32> to vector<16xf32>
      %mul3A_882 = arith.constant 11.3137083 : f32
      %mul3A_883 = vector.broadcast %mul3A_882 : f32 to vector<16xf32>
      %mul3A_884 = arith.mulf %get3A_881, %mul3A_883 : vector<16xf32>
      %swap3A_885 = arith.constant 1 : i32
      %swap3A_886 = arith.index_cast %swap3A_885 : i32 to index
      %swap3A_887 = arith.index_cast %scan3A_811 : i32 to index
      %swap3A_888 = arith.constant 64 : index
      %swap3A_889 = tpu.vector_load %arg6[%swap3A_886, %swap3A_887, %swap3A_888] {strides = array<i32>} : memref<2x256x128xf32, #tpu.memory_space<vmem>>, vector<1x1x16xf32>,
      %swap3A_890 = vector.shape_cast %swap3A_889 : vector<1x1x16xf32> to vector<16xf32>
      %swap3A_891 = vector.shape_cast %mul3A_884 : vector<16xf32> to vector<1x1x16xf32>
      tpu.vector_store %arg6[%swap3A_886, %swap3A_887, %swap3A_888], %swap3A_891 {strides = array<i32>} : memref<2x256x128xf32, #tpu.memory_space<vmem>>, vector<1x1x16xf32>,
      %get3A_892 = arith.constant 1 : i32
      %get3A_893 = arith.index_cast %get3A_892 : i32 to index
      %get3A_894 = arith.index_cast %scan3A_811 : i32 to index
      %get3A_895 = arith.constant 80 : index
      %get3A_896 = tpu.vector_load %arg6[%get3A_893, %get3A_894, %get3A_895] {strides = array<i32>} : memref<2x256x128xf32, #tpu.memory_space<vmem>>, vector<1x1x16xf32>,
      %get3A_897 = vector.shape_cast %get3A_896 : vector<1x1x16xf32> to vector<16xf32>
      %mul3A_898 = arith.constant 11.3137083 : f32
      %mul3A_899 = vector.broadcast %mul3A_898 : f32 to vector<16xf32>
      %mul3A_900 = arith.mulf %get3A_897, %mul3A_899 : vector<16xf32>
      %swap3A_901 = arith.constant 1 : i32
      %swap3A_902 = arith.index_cast %swap3A_901 : i32 to index
      %swap3A_903 = arith.index_cast %scan3A_811 : i32 to index
      %swap3A_904 = arith.constant 80 : index
      %swap3A_905 = tpu.vector_load %arg6[%swap3A_902, %swap3A_903, %swap3A_904] {strides = array<i32>} : memref<2x256x128xf32, #tpu.memory_space<vmem>>, vector<1x1x16xf32>,
      %swap3A_906 = vector.shape_cast %swap3A_905 : vector<1x1x16xf32> to vector<16xf32>
      %swap3A_907 = vector.shape_cast %mul3A_900 : vector<16xf32> to vector<1x1x16xf32>
      tpu.vector_store %arg6[%swap3A_902, %swap3A_903, %swap3A_904], %swap3A_907 {strides = array<i32>} : memref<2x256x128xf32, #tpu.memory_space<vmem>>, vector<1x1x16xf32>,
      %get3A_908 = arith.constant 1 : i32
      %get3A_909 = arith.index_cast %get3A_908 : i32 to index
      %get3A_910 = arith.index_cast %scan3A_811 : i32 to index
      %get3A_911 = arith.constant 96 : index
      %get3A_912 = tpu.vector_load %arg6[%get3A_909, %get3A_910, %get3A_911] {strides = array<i32>} : memref<2x256x128xf32, #tpu.memory_space<vmem>>, vector<1x1x16xf32>,
      %get3A_913 = vector.shape_cast %get3A_912 : vector<1x1x16xf32> to vector<16xf32>
      %mul3A_914 = arith.constant 11.3137083 : f32
      %mul3A_915 = vector.broadcast %mul3A_914 : f32 to vector<16xf32>
      %mul3A_916 = arith.mulf %get3A_913, %mul3A_915 : vector<16xf32>
      %swap3A_917 = arith.constant 1 : i32
      %swap3A_918 = arith.index_cast %swap3A_917 : i32 to index
      %swap3A_919 = arith.index_cast %scan3A_811 : i32 to index
      %swap3A_920 = arith.constant 96 : index
      %swap3A_921 = tpu.vector_load %arg6[%swap3A_918, %swap3A_919, %swap3A_920] {strides = array<i32>} : memref<2x256x128xf32, #tpu.memory_space<vmem>>, vector<1x1x16xf32>,
      %swap3A_922 = vector.shape_cast %swap3A_921 : vector<1x1x16xf32> to vector<16xf32>
      %swap3A_923 = vector.shape_cast %mul3A_916 : vector<16xf32> to vector<1x1x16xf32>
      tpu.vector_store %arg6[%swap3A_918, %swap3A_919, %swap3A_920], %swap3A_923 {strides = array<i32>} : memref<2x256x128xf32, #tpu.memory_space<vmem>>, vector<1x1x16xf32>,
      %get3A_924 = arith.constant 1 : i32
      %get3A_925 = arith.index_cast %get3A_924 : i32 to index
      %get3A_926 = arith.index_cast %scan3A_811 : i32 to index
      %get3A_927 = arith.constant 112 : index
      %get3A_928 = tpu.vector_load %arg6[%get3A_925, %get3A_926, %get3A_927] {strides = array<i32>} : memref<2x256x128xf32, #tpu.memory_space<vmem>>, vector<1x1x16xf32>,
      %get3A_929 = vector.shape_cast %get3A_928 : vector<1x1x16xf32> to vector<16xf32>
      %mul3A_930 = arith.constant 11.3137083 : f32
      %mul3A_931 = vector.broadcast %mul3A_930 : f32 to vector<16xf32>
      %mul3A_932 = arith.mulf %get3A_929, %mul3A_931 : vector<16xf32>
      %swap3A_933 = arith.constant 1 : i32
      %swap3A_934 = arith.index_cast %swap3A_933 : i32 to index
      %swap3A_935 = arith.index_cast %scan3A_811 : i32 to index
      %swap3A_936 = arith.constant 112 : index
      %swap3A_937 = tpu.vector_load %arg6[%swap3A_934, %swap3A_935, %swap3A_936] {strides = array<i32>} : memref<2x256x128xf32, #tpu.memory_space<vmem>>, vector<1x1x16xf32>,
      %swap3A_938 = vector.shape_cast %swap3A_937 : vector<1x1x16xf32> to vector<16xf32>
      %swap3A_939 = vector.shape_cast %mul3A_932 : vector<16xf32> to vector<1x1x16xf32>
      tpu.vector_store %arg6[%swap3A_934, %swap3A_935, %swap3A_936], %swap3A_939 {strides = array<i32>} : memref<2x256x128xf32, #tpu.memory_space<vmem>>, vector<1x1x16xf32>,
      %scan3A_940 = arith.constant 0 : i32
      scf.yield %scan3A_940 : i32
    }
    %scan3A_364 = arith.constant 256 : i32
    %add3A_365 = arith.constant 25344 : i32
    %add3A_366 = arith.addi %mul3A_2, %add3A_365 : i32
    %dma_start3A_367 = arith.constant 1 : i32
    %dma_start3A_368 = arith.constant 1 : i32
    %dma_start3A_369 = arith.constant 0 : i32
    %dma_start3A_370 = arith.constant 0 : i32
    %dma_start3A_371 = tpu.memref_slice %arg6[%dma_start3A_367, %dma_start3A_369, %dma_start3A_370] : memref<2x256x128xf32, #tpu.memory_space<vmem>> -> memref<1x256x128xf32, #tpu.memory_space<vmem>>
    %dma_start3A_372 = tpu.memref_squeeze %dma_start3A_371 : memref<1x256x128xf32, #tpu.memory_space<vmem>> -> memref<256x128xf32, #tpu.memory_space<vmem>>
    %dma_start3A_373 = arith.constant 0 : i32
    %dma_start3A_374 = tpu.memref_slice %arg4[%add3A_366, %dma_start3A_373] : memref<819200x128xf32, #tpu.memory_space<hbm>> -> memref<256x128xf32, #tpu.memory_space<hbm>>
    %dma_start3A_375 = tpu.memref_slice %arg8[%dma_start3A_368] : memref<2x!tpu.dma_semaphore, #tpu.memory_space<semaphore_mem>> -> memref<1x!tpu.dma_semaphore, #tpu.memory_space<semaphore_mem>>
    %dma_start3A_376 = tpu.memref_squeeze %dma_start3A_375 : memref<1x!tpu.dma_semaphore, #tpu.memory_space<semaphore_mem>> -> memref<!tpu.dma_semaphore, #tpu.memory_space<semaphore_mem>>
    %dma_start3A_377 = arith.constant 0 : i32
    %dma_start3A_378 = tpu.memref_slice %arg4[%add3A_366, %dma_start3A_377] : memref<819200x128xf32, #tpu.memory_space<hbm>> -> memref<256x128xf32, #tpu.memory_space<hbm>>
    %dma_start3A_379 = arith.constant 0 : i32
    %dma_start3A_380 = arith.constant 0 : i32
    %dma_start3A_381 = tpu.memref_slice %arg6[%dma_start3A_367, %dma_start3A_379, %dma_start3A_380] : memref<2x256x128xf32, #tpu.memory_space<vmem>> -> memref<1x256x128xf32, #tpu.memory_space<vmem>>
    %dma_start3A_382 = tpu.memref_squeeze %dma_start3A_381 : memref<1x256x128xf32, #tpu.memory_space<vmem>> -> memref<256x128xf32, #tpu.memory_space<vmem>>
    tpu.enqueue_dma source(%dma_start3A_382 : memref<256x128xf32, #tpu.memory_space<vmem>>) target(%dma_start3A_378 : memref<256x128xf32, #tpu.memory_space<hbm>>) target_semaphore(%dma_start3A_376 : memref<!tpu.dma_semaphore, #tpu.memory_space<semaphore_mem>>)
    %add3A_383 = arith.constant 25088 : i32
    %add3A_384 = arith.addi %mul3A_2, %add3A_383 : i32
    %dma_wait3A_385 = arith.constant 0 : i32
    %dma_wait3A_386 = arith.constant 0 : i32
    %dma_wait3A_387 = arith.constant 0 : i32
    %dma_wait3A_388 = arith.constant 0 : i32
    %dma_wait3A_389 = tpu.memref_slice %arg6[%dma_wait3A_385, %dma_wait3A_387, %dma_wait3A_388] : memref<2x256x128xf32, #tpu.memory_space<vmem>> -> memref<1x256x128xf32, #tpu.memory_space<vmem>>
    %dma_wait3A_390 = tpu.memref_squeeze %dma_wait3A_389 : memref<1x256x128xf32, #tpu.memory_space<vmem>> -> memref<256x128xf32, #tpu.memory_space<vmem>>
    %dma_wait3A_391 = arith.constant 0 : i32
    %dma_wait3A_392 = tpu.memref_slice %arg4[%add3A_384, %dma_wait3A_391] : memref<819200x128xf32, #tpu.memory_space<hbm>> -> memref<256x128xf32, #tpu.memory_space<hbm>>
    %dma_wait3A_393 = tpu.memref_slice %arg8[%dma_wait3A_386] : memref<2x!tpu.dma_semaphore, #tpu.memory_space<semaphore_mem>> -> memref<1x!tpu.dma_semaphore, #tpu.memory_space<semaphore_mem>>
    %dma_wait3A_394 = tpu.memref_squeeze %dma_wait3A_393 : memref<1x!tpu.dma_semaphore, #tpu.memory_space<semaphore_mem>> -> memref<!tpu.dma_semaphore, #tpu.memory_space<semaphore_mem>>
    %dma_wait3A_395 = arith.constant 0 : i32
    %dma_wait3A_396 = tpu.memref_slice %arg4[%add3A_384, %dma_wait3A_395] : memref<819200x128xf32, #tpu.memory_space<hbm>> -> memref<256x128xf32, #tpu.memory_space<hbm>>
    %dma_wait3A_397 = arith.constant 0 : i32
    %dma_wait3A_398 = arith.constant 0 : i32
    %dma_wait3A_399 = tpu.memref_slice %arg6[%dma_wait3A_385, %dma_wait3A_397, %dma_wait3A_398] : memref<2x256x128xf32, #tpu.memory_space<vmem>> -> memref<1x256x128xf32, #tpu.memory_space<vmem>>
    %dma_wait3A_400 = tpu.memref_squeeze %dma_wait3A_399 : memref<1x256x128xf32, #tpu.memory_space<vmem>> -> memref<256x128xf32, #tpu.memory_space<vmem>>
    tpu.wait_dma2 semaphore(%dma_wait3A_394 : memref<!tpu.dma_semaphore, #tpu.memory_space<semaphore_mem>>) src(%dma_wait3A_400 : memref<256x128xf32, #tpu.memory_space<vmem>>) dst(%dma_wait3A_396 : memref<256x128xf32, #tpu.memory_space<hbm>>)
    %add3A_401 = arith.constant 25344 : i32
    %add3A_402 = arith.addi %mul3A_2, %add3A_401 : i32
    %dma_wait3A_403 = arith.constant 1 : i32
    %dma_wait3A_404 = arith.constant 1 : i32
    %dma_wait3A_405 = arith.constant 0 : i32
    %dma_wait3A_406 = arith.constant 0 : i32
    %dma_wait3A_407 = tpu.memref_slice %arg6[%dma_wait3A_403, %dma_wait3A_405, %dma_wait3A_406] : memref<2x256x128xf32, #tpu.memory_space<vmem>> -> memref<1x256x128xf32, #tpu.memory_space<vmem>>
    %dma_wait3A_408 = tpu.memref_squeeze %dma_wait3A_407 : memref<1x256x128xf32, #tpu.memory_space<vmem>> -> memref<256x128xf32, #tpu.memory_space<vmem>>
    %dma_wait3A_409 = arith.constant 0 : i32
    %dma_wait3A_410 = tpu.memref_slice %arg4[%add3A_402, %dma_wait3A_409] : memref<819200x128xf32, #tpu.memory_space<hbm>> -> memref<256x128xf32, #tpu.memory_space<hbm>>
    %dma_wait3A_411 = tpu.memref_slice %arg8[%dma_wait3A_404] : memref<2x!tpu.dma_semaphore, #tpu.memory_space<semaphore_mem>> -> memref<1x!tpu.dma_semaphore, #tpu.memory_space<semaphore_mem>>
    %dma_wait3A_412 = tpu.memref_squeeze %dma_wait3A_411 : memref<1x!tpu.dma_semaphore, #tpu.memory_space<semaphore_mem>> -> memref<!tpu.dma_semaphore, #tpu.memory_space<semaphore_mem>>
    %dma_wait3A_413 = arith.constant 0 : i32
    %dma_wait3A_414 = tpu.memref_slice %arg4[%add3A_402, %dma_wait3A_413] : memref<819200x128xf32, #tpu.memory_space<hbm>> -> memref<256x128xf32, #tpu.memory_space<hbm>>
    %dma_wait3A_415 = arith.constant 0 : i32
    %dma_wait3A_416 = arith.constant 0 : i32
    %dma_wait3A_417 = tpu.memref_slice %arg6[%dma_wait3A_403, %dma_wait3A_415, %dma_wait3A_416] : memref<2x256x128xf32, #tpu.memory_space<vmem>> -> memref<1x256x128xf32, #tpu.memory_space<vmem>>
    %dma_wait3A_418 = tpu.memref_squeeze %dma_wait3A_417 : memref<1x256x128xf32, #tpu.memory_space<vmem>> -> memref<256x128xf32, #tpu.memory_space<vmem>>
    tpu.wait_dma2 semaphore(%dma_wait3A_412 : memref<!tpu.dma_semaphore, #tpu.memory_space<semaphore_mem>>) src(%dma_wait3A_418 : memref<256x128xf32, #tpu.memory_space<vmem>>) dst(%dma_wait3A_414 : memref<256x128xf32, #tpu.memory_space<hbm>>)
    return
  }
}

</mosaic_0001>

<sc_bundles>
// kernel: kernel.3.cloned.1.call-start
scs
__scs_entry_jumppad:
0x0: {  	(pc) =	sbr.rel $0x88, $3  }
0x1: {  	(tag) =	ssettag $0x0;
	lr =	simm.s32 $0x1  }
0x2: {  	[smem:$0x3F9F] =	sst lr;
	_ =	strace $0xD0000000  }
0x3: {  	_ = 	snop  }
0x4: {  	_ = 	snop  }
0x5: {  	_ = 	snop  }
0x6: {  	_ = 	snop  }
0x7: {  	_ = 	snop  }
__scs_overlays_trampoline_lowered:
0x8: {  	[smem:$0x3FAE] =	sst s0  }
0x9: {  	[smem:$0x3FAF] =	sst s1  }
0xa: {  	[smem:$0x3FB0] =	sst s2  }
0xb: {  	[smem:$0x3FB1] =	sst s3  }
0xc: {  	[smem:$0x3FB2] =	sst s4  }
0xd: {  	[smem:$0x3FB3] =	sst s5  }
0xe: {  	[smem:$0x3FB4] =	sst s6  }
0xf: {  	[smem:$0x3FB5] =	sst s7  }
0x10: {  	[smem:$0x3FB6] =	sst s8  }
0x11: {  	[smem:$0x3FB7] =	sst s9;
	s0 =	simm.s32 @!p0 $0x0  }
0x12: {  	s1 =	sld [smem:$0x3F9D];
	s0 =	simm.s32 @p0 $0x1  }
0x13: {  	[smem:$0x3FB8] =	sst s0;
	s0 =	simm.s32 @!p1 $0x0  }
0x14: {  	s2 =	sld [smem:$0x3F9C];
	s0 =	simm.s32 @p1 $0x1  }
0x15: {  	[smem:$0x3FB9] =	sst s0;
	s0 =	simm.s32 @!p2 $0x0  }
0x16: {  	s3 =	sld [smem:$0x3FDB];
	s0 =	simm.s32 @p2 $0x1  }
0x17: {  	s4 =	simm.s32 $0x1BF5;
	[smem:$0x3FBB] =	sst s0  }
0x18: {  	s0 =	sld [smem:$0x3F9E];
	_ =	swait.ge [sflag:s4], $0x0  }
0x19: {  	s7 =	sld [smem:$0x3F9F]  }
0x1a: {  	s8 =	sadd.s32 $0xFFFFE003, lr  }
0x1b: {  	s9 =	sadd.s32 $0xFFFFFEF7, lr;
	s5 =	simm.s32 $0xFFFFFFFF;
	p2 =	slt.u32 s8, $0xFFFFF086  }
0x1c: {  	p1 =	slt.u32 s9, $0xF7A;
	s5 =	simm.s32 @!p2 $0x0  }
0x1d: {  	s5 =	simm.s32 @p1 $0x1;
	p0 =	seq.s32 s7, s2  }
0x1e: {  	s7 =	smul.u32 @!p0 $0xF7A, s2;
	p2 =	seq.s32 @!p0 s5, $0x0  }
0x1f: {  	s9 =	smul.u32 $0xF7A, s1;
	s8 =	simm.s32 @!p0 $0x1BF5;
	p2 =	por !p2, p0  }
0x20: {  	[sflag:s8] =	ssyncset.s32 @!p0 $0xFFFFF086;
	s6 =	sadd.s32 @!p0 s3, s7;
	s7 =	simm.s32 @!p0 $0x108  }
0x21: {  	s3 =	sadd.s32 s3, s9;
	s6 =	sadd.s32 @!p0 $0x88, s6;
	s7 =	simm.s32 @p2 $0x1082  }
0x22: {  	[simem:s7], [sflag:s8] =	dma.local @!p0 [hbm:s6], $0xF7A  }
0x23: {  	s9 =	sor.u32 $0xD0000000, s2;
	s6 =	simm.s32 $0x108;
	_ =	swait.ge @!p0 [sflag:s8], $0x0  }
0x24: {  	s3 =	sadd.s32 $0x88, s3;
	s6 =	simm.s32 @!p1 $0x1082;
	[sflag:s4] =	ssyncset.s32 $0xFFFFF086  }
0x25: {  	[simem:s6], [sflag:s4] =	dma.local [hbm:s3], $0xF7A  }
0x26: {  	[smem:$0x3F9F] =	sst s1;
	(tag) =	ssettag s2;
	_ =	strace s9  }
0x27: {  	s1 =	sld [smem:$0x3FAF]  }
0x28: {  	s2 =	sld [smem:$0x3FB0]  }
0x29: {  	s4 =	sld [smem:$0x3FB2]  }
0x2a: {  	p0 =	seq.s32 s5, $0x0;
	s5 =	sld [smem:$0x3FB3]  }
0x2b: {  	s6 =	sld [smem:$0x3FB4]  }
0x2c: {  	s7 =	sld [smem:$0x3FB5]  }
0x2d: {  	s3 =	simm.s32 $0x108;
	s8 =	sld [smem:$0x3FB6]  }
0x2e: {  	s3 =	simm.s32 @!p0 $0x1082;
	s9 =	sld [smem:$0x3FB7]  }
0x2f: {  	lr =	sadd.s32 s0, s3;
	s0 =	sld [smem:$0x3FAE]  }
0x30: {  	s3 =	sld [smem:$0x3FB1]  }
0x31: {  	[smem:$0x3FBA] =	sst s10  }
0x32: {  	s10 =	sld [smem:$0x3FB8];
	_ =	sdelay $0x3  }
0x33: {  	p0 =	seq.s32 s10, $0x1;
	s10 =	sld [smem:$0x3FBA];
	_ =	sdelay $0x3  }
0x34: {  	[smem:$0x3FBA] =	sst s10  }
0x35: {  	s10 =	sld [smem:$0x3FB9];
	_ =	sdelay $0x3  }
0x36: {  	p1 =	seq.s32 s10, $0x1;
	s10 =	sld [smem:$0x3FBA];
	_ =	sdelay $0x3  }
0x37: {  	[smem:$0x3FBA] =	sst s10  }
0x38: {  	s10 =	sld [smem:$0x3FBB]  }
0x39: {  	_ = 	snop;
	(pc) =	sbr.ind lr, $3  }
0x3a: {  	_ = 	snop  }
0x3b: {  	_ = 	snop  }
0x3c: {  	p2 =	seq.s32 s10, $0x1;
	s10 =	sld [smem:$0x3FBA]  }
0x3d: {  	_ =	shalt  }
0x3e: {  	_ =	shalt  }
0x3f: {  	_ =	shalt  }
0x40: {  	_ =	shalt  }
0x41: {  	_ =	shalt  }
0x42: {  	_ =	shalt  }
0x43: {  	_ =	shalt  }
0x44: {  	_ =	shalt  }
0x45: {  	_ =	shalt  }
0x46: {  	_ =	shalt  }
0x47: {  	_ =	shalt  }
0x48: {  	_ =	shalt  }
0x49: {  	_ =	shalt  }
0x4a: {  	_ =	shalt  }
0x4b: {  	_ =	shalt  }
0x4c: {  	_ =	shalt  }
0x4d: {  	_ =	shalt  }
0x4e: {  	_ =	shalt  }
0x4f: {  	_ =	shalt  }
0x50: {  	_ =	shalt  }
0x51: {  	_ =	shalt  }
0x52: {  	_ =	shalt  }
0x53: {  	_ =	shalt  }
0x54: {  	_ =	shalt  }
0x55: {  	_ =	shalt  }
0x56: {  	_ =	shalt  }
0x57: {  	_ =	shalt  }
0x58: {  	_ =	shalt  }
0x59: {  	_ =	shalt  }
0x5a: {  	_ =	shalt  }
0x5b: {  	_ =	shalt  }
0x5c: {  	_ =	shalt  }
0x5d: {  	_ =	shalt  }
0x5e: {  	_ =	shalt  }
0x5f: {  	_ =	shalt  }
0x60: {  	_ =	shalt  }
0x61: {  	_ =	shalt  }
0x62: {  	_ =	shalt  }
0x63: {  	_ =	shalt  }
0x64: {  	_ =	shalt  }
0x65: {  	_ =	shalt  }
0x66: {  	_ =	shalt  }
0x67: {  	_ =	shalt  }
0x68: {  	_ =	shalt  }
0x69: {  	_ =	shalt  }
0x6a: {  	_ =	shalt  }
0x6b: {  	_ =	shalt  }
0x6c: {  	_ =	shalt  }
0x6d: {  	_ =	shalt  }
0x6e: {  	_ =	shalt  }
0x6f: {  	_ =	shalt  }
0x70: {  	_ =	shalt  }
0x71: {  	_ =	shalt  }
0x72: {  	_ =	shalt  }
0x73: {  	_ =	shalt  }
0x74: {  	_ =	shalt  }
0x75: {  	_ =	shalt  }
0x76: {  	_ =	shalt  }
0x77: {  	_ =	shalt  }
0x78: {  	_ =	shalt  }
0x79: {  	_ =	shalt  }
0x7a: {  	_ =	shalt  }
0x7b: {  	_ =	shalt  }
0x7c: {  	_ =	shalt  }
0x7d: {  	_ =	shalt  }
0x7e: {  	_ =	shalt  }
0x7f: {  	_ =	shalt  }
0x80: {  	_ =	shalt  }
0x81: {  	_ =	shalt  }
0x82: {  	_ =	shalt  }
0x83: {  	_ =	shalt  }
0x84: {  	_ =	shalt  }
0x85: {  	_ =	shalt  }
0x86: {  	_ =	shalt  }
0x87: {  	_ =	shalt  }
.Lfunc_end0:
.L_simem_size_0:
called_computation_lowered:
.L_overlay_start_0:
0x88: {  	s2 =	sld [smem:$0x3FD9]  }
0x89: {  	s3 =	sld [smem:$0x3FFE];
	_ =	sdelay $0x1  }
0x8a: {  	s1 =	srdreg.scid  }
0x8b: {  	s0 =	sand.u32 $0x1, s1  }
0x8c: {  	s17 =	sshll.u32 s0, $0xA;
	s2 =	sadd.s32 s3, s2  }
0x8d: {  	s2 =	sadd.s32 s2, s17  }
0x8e: {  	[smem:$0x3FC6] =	sst s2  }
0x8f: {  	_ = 	snop  }
0x90: {  	s2 =	sld [smem:$0x3FC8]  }
0x91: {  	s18 =	sld [smem:$0x3FD0];
	(tm) =	ssettm $0x1  }
0x92: {  	s4 =	sld [smem:$0x3FFB];
	_ =	sdelay $0x3  }
0x93: {  	_ =	strace s4  }
0x94: {  	s4 =	sld [smem:$0x3FFC];
	_ =	sdelay $0x3  }
0x95: {  	_ =	strace s4  }
0x96: {  	s4 =	sld [smem:$0x3FFD];
	_ =	sdelay $0x3  }
0x97: {  	_ =	strace s4  }
0x98: {  	_ =	strace $0x8FFFFFFF  }
0x99: {  	s19 =	sld [smem:$0x3FDB];
	_ =	sdelay $0x1  }
0x9a: {  	s5 =	simm.s32 $_scs_section_size  }
0x9b: {  	s6 =	simm.s32 $_size__tile_overlayer_lowered;
	s7 =	simm.s32 $_tile_overlayer_lowered  }
0x9c: {  	s22 =	simm.s32 $0x1BFF;
	s21 =	sshll.u32 s7, $0x1;
	s4 =	sadd.s32 s5, s19  }
0x9d: {  	s8 =	simm.s32 $0x0;
	s20 =	sshll.u32 s6, $0x1;
	s6 =	sadd.s32 s21, s4  }
0x9e: {  	[timem:s8], [sflag:s22] =	dma.local [hbm:s6], s20  }
0x9f: {  	_ =	swait.ge [sflag:s22], s20  }
0xa0: {  	s5 =	ssub.s32 $0x0, s20;
	[sflag:s22] =	ssyncset.done $0x0  }
0xa1: {  	[sflag:s22] =	ssyncadd.s32 s5;
	_ =	sdelay $0x1  }
0xa2: {  	s23 =	simm.s32 $0x1B8B  }
0xa3: {  	_ =	swait.ge [sflag:s23], $0x1  }
0xa4: {  	[sflag:s23] =	ssyncset.done $0x0  }
0xa5: {  	s25 =	simm.s32 $0x1B8E;
	s24 =	sld [smem:$0x3FFE];
	[sflag:s23] =	ssyncadd.s32 $0xFFFFFFFF  }
0xa6: {  	s26 =	simm.s32 $execute0_lowered;
	[smem:$0x3FD2] =	sst s25  }
0xa7: {  	s6 =	sshll.u32 s26, $0x1;
	_ =	strace $0x80000046;
	[dreg:$0x1] =	wrdreg $0xFFFFFFFF  }
0xa8: {  	s28 =	simm.s32 $_size_execute0_lowered;
	s4 =	sadd.s32 s4, s6;
	[dreg:$0x0] =	wrdreg $0x0  }
0xa9: {  	s6 =	sshll.u32 s28, $0x1;
	[dreg:$0x2] =	wrdreg s4  }
0xaa: {  	[dreg:$0x3] =	wrdreg s6  }
0xab: {  	[dreg:$0x4] =	wrdreg $0xC0  }
0xac: {  	_ =	task [dreg:s8], $0x5FFFF  }
0xad: {  	[dreg:$0x1] =	wrdreg $0xFFFFFFFF  }
0xae: {  	[dreg:$0x0] =	wrdreg $0x60  }
0xaf: {  	[dreg:$0x2] =	wrdreg s24  }
0xb0: {  	[dreg:$0x3] =	wrdreg s2  }
0xb1: {  	[dreg:$0x4] =	wrdreg s18  }
0xb2: {  	[dreg:$0x5] =	wrdreg $0x9  }
0xb3: {  	_ =	task.clear_ibuf [dreg:s8], $0x6FFFF;
	_ =	strace $0x90000046  }
0xb4: {  	s29 =	simm.s32 $0x9;
	_ =	strace $0x80000048  }
0xb5: {  	_ =	swait.ge [sflag:s29], $0x1  }
0xb6: {  	[sflag:s29] =	ssyncadd.s32 $0xFFFFFFFF  }
0xb7: {  	_ =	strace $0x90000048  }
0xb8: {  	_ =	sfence  }
0xb9: {  	s30 =	sld [smem:$0x0];
	_ =	sdelay $0x2  }
0xba: {  	s31 =	sshll.u32 s1, $0xD;
	s1 =	sshrl.u32 s1, $0x2  }
0xbb: {  	s3 =	sand.u32 $0x4000, s31;
	s1 =	sadd.s32 s1, s30  }
0xbc: {  	s0 =	sor.u32 s3, s0;
	s1 =	sshll.u32 s1, $0x11  }
0xbd: {  	s0 =	sor.u32 s1, s0  }
0xbe: {  	s0 =	sadd.s32 $0x8F2B, s0  }
0xbf: {  	[sflag:s0] =	ssyncadd.remote.s32 $0x1  }
0xc0: {  	_ =	sfence.sel $0xFFFF  }
0xc1: {  	[dreg:$0x0] =	wrdreg $0xFFFFFFFF;
	(pc) =	sbr.abs _section_cstart, $3  }
0xc2: {  	[dreg:$0x1] =	wrdreg $0xFFFFFFFF  }
0xc3: {  	_ =	task.clear_ibuf [dreg:s8], $0x2FFFF;
	_ =	strace $0x9FFFFFFF  }
0xc4: {  	(tm) =	ssettm $0x7FFFFFFF  }
0xc5: {  	_ =	shalt  }
tec
execute0_lowered:
.L_overlay_start_1:
0x0: {  	(tag) =	ssettag $0x1  }
0x1: {  	s0 =	rddreg [dreg:$0x0]  }
0x2: {  	s1 =	srdreg.scid;
	s3 =	stileid.u32  }
0x3: {  	s2 =	rddreg [dreg:$0x1];
	s12 =	simm.s32 $0x5;
	s13 =	simm.s32 $0x80  }
0x4: {  	s14 =	simm.s32 $0x6400;
	s15 =	simm.s32 $0xA400;
	s16 =	simm.s32 $0x1  }
0x5: {  	s18 =	simm.s32 $0xE400;
	s19 =	simm.s32 $0x180;
	s20 =	simm.s32 $0x12400  }
0x6: {  	s21 =	simm.s32 $0x2;
	s22 =	simm.s32 $0x3;
	s23 =	simm.s32 $0x200  }
0x7: {  	s24 =	simm.s32 $0x280;
	s1 =	sand.u32 $0x1, s1;
	s4 =	sshll.u32 s3, $0x1  }
0x8: {  	s25 =	simm.s32 $0x4;
	s26 =	simm.s32 $0x6300;
	s6 =	sor.u32 s1, s4  }
0x9: {  	s28 =	simm.s32 $0x6380;
	s29 =	simm.s32 $0x0;
	s7 =	smul.u32 $0xC80, s6  }
0xa: {  	s4 =	simm.s32 $0x0;
	s1 =	ssub.s32 $0x2, s1;
	s5 =	smul.u32 $0x320000, s6  }
0xb: {  	[smem:$0x7FF] =	sst s4;
	s8 =	sshrl.u32 s1, $0x1;
	s9 =	smul.u32 $0x64000, s6  }
0xc: {  	s3 =	rddreg [dreg:$0x2];
	_ =	strace $0x80000047;
	s1 =	ssub.s32 s1, s8  }
0xd: {  	s0 =	sadd.s32 s7, s0;
	s30 =	sshrl.u32 s5, $0x3;
	s7 =	sadd.s32 s3, s9  }
0xe: {  	s11 =	smax.u32 s1, $0x1;
	s6 =	sadd.s32 $0x400, s0;
	s31 =	sadd.s32 s3, s30  }
0xf: {  	s8 =	sadd.s32 $0x1000, s7;
	s9 =	sadd.s32 $0x62000, s31;
	s10 =	sadd.s32 $0x63000, s31  }
.LBB2_1:
0x10: {  	[tilespmem:s4], [sflag:$0x5] =	stream.linear.gather [hbm4b:s6+s4], $0x6400, $0x38;
	[tilespmem:$0x16400] =	vst v63  }
0x11: {  	_ =	swait.ge [sflag:s12], $0x6400  }
0x12: {  	[sflag:s12] =	ssyncset.done $0x0  }
0x13: {  	[sflag:s12] =	ssyncadd.s32 $0xFFFF9C00  }
0x14: {  	[tilespmem:s14], [sflag:$0x1] =	stream.indirect.gather [hbm4b:s2+s13], $0x80, s4, s13, $0xb8;
	[tilespmem:$0x16400] =	vst v63  }
0x15: {  	_ = 	snop  }
0x16: {  	[tilespmem:s15], [sflag:$0x1] =	stream.indirect.gather [hbm4b:s2+s13], $0x80, s13, s13, $0xb8;
	[tilespmem:$0x16400] =	vst v63  }
0x17: {  	_ =	swait.ge [sflag:s16], $0x4000  }
0x18: {  	[sflag:s16] =	ssyncset.done $0x0  }
0x19: {  	[sflag:s16] =	ssyncadd.s32 $0xFFFFC000  }
0x1a: {  	_ =	swait.ge [sflag:s16], $0x4000  }
0x1b: {  	[sflag:s16] =	ssyncset.done $0x0  }
0x1c: {  	s0 =	simm.s32 $0x100;
	[sflag:s16] =	ssyncadd.s32 $0xFFFFC000  }
0x1d: {  	[tilespmem:s18], [sflag:$0x2] =	stream.indirect.gather [hbm4b:s2+s13], $0x80, s0, s13, $0xb8;
	[tilespmem:$0x16400] =	vst v63  }
0x1e: {  	s1 =	simm.s32 $0x6500  }
0x1f: {  	[tilespmem:s20], [sflag:$0x2] =	stream.indirect.gather [hbm4b:s2+s13], $0x80, s19, s13, $0xb8;
	[tilespmem:$0x16400] =	vst v63  }
0x20: {  	v0 =	vld [tilespmem:s1+$0xFFFFFF00]  }
0x21: {  	v1 =	vld [tilespmem:s1+$0xFFFFFF10]  }
0x22: {  	v2 =	vld [tilespmem:s1+$0xFFFFFF20]  }
0x23: {  	v3 =	vld [tilespmem:s1+$0xFFFFFF30]  }
0x24: {  	v4 =	vld [tilespmem:s1+$0xFFFFFF40]  }
0x25: {  	v5 =	vld [tilespmem:s1+$0xFFFFFF50];
	v0 =	vmul.f32 $1.131370830e+01, v0  }
0x26: {  	v6 =	vld [tilespmem:s1+$0xFFFFFF60];
	v1 =	vmul.f32 $1.131370830e+01, v1  }
0x27: {  	[tilespmem:s1+$0xFFFFFF00] =	vst v0;
	v0 =	vmul.f32 $1.131370830e+01, v2;
	v2 =	vld [tilespmem:s1+$0xFFFFFF70]  }
0x28: {  	[tilespmem:s1+$0xFFFFFF10] =	vst v1;
	v1 =	vmul.f32 $1.131370830e+01, v3;
	v3 =	vld [tilespmem:s1+$0xFFFFFF80]  }
0x29: {  	[tilespmem:s1+$0xFFFFFF20] =	vst v0;
	v0 =	vmul.f32 $1.131370830e+01, v4;
	v4 =	vld [tilespmem:s1+$0xFFFFFF90]  }
0x2a: {  	[tilespmem:s1+$0xFFFFFF30] =	vst v1;
	v1 =	vmul.f32 $1.131370830e+01, v5;
	v5 =	vld [tilespmem:s1+$0xFFFFFFA0]  }
0x2b: {  	[tilespmem:s1+$0xFFFFFF40] =	vst v0;
	v0 =	vmul.f32 $1.131370830e+01, v6;
	v6 =	vld [tilespmem:s1+$0xFFFFFFB0]  }
0x2c: {  	[tilespmem:s1+$0xFFFFFF50] =	vst v1;
	v1 =	vmul.f32 $1.131370830e+01, v2;
	v2 =	vld [tilespmem:s1+$0xFFFFFFC0]  }
0x2d: {  	[tilespmem:s1+$0xFFFFFF60] =	vst v0;
	v0 =	vmul.f32 $1.131370830e+01, v3;
	v3 =	vld [tilespmem:s1+$0xFFFFFFD0]  }
0x2e: {  	[tilespmem:s1+$0xFFFFFF70] =	vst v1;
	v1 =	vmul.f32 $1.131370830e+01, v4;
	v4 =	vld [tilespmem:s1+$0xFFFFFFE0]  }
0x2f: {  	[tilespmem:s1+$0xFFFFFF80] =	vst v0;
	v0 =	vmul.f32 $1.131370830e+01, v5;
	v5 =	vld [tilespmem:s1+$0x0]  }
0x30: {  	[tilespmem:s1+$0xFFFFFF90] =	vst v1;
	v1 =	vmul.f32 $1.131370830e+01, v6;
	v6 =	vld [tilespmem:s1+$0x10]  }
0x31: {  	[tilespmem:s1+$0xFFFFFFA0] =	vst v0;
	v0 =	vmul.f32 $1.131370830e+01, v2;
	v2 =	vld [tilespmem:s1+$0x20]  }
0x32: {  	[tilespmem:s1+$0xFFFFFFB0] =	vst v1;
	v1 =	vmul.f32 $1.131370830e+01, v3;
	v3 =	vld [tilespmem:s1+$0x30]  }
0x33: {  	[tilespmem:s1+$0xFFFFFFC0] =	vst v0;
	v0 =	vmul.f32 $1.131370830e+01, v4;
	v4 =	vld [tilespmem:s1+$0x40]  }
0x34: {  	[tilespmem:s1+$0xFFFFFFD0] =	vst v1;
	v1 =	vmul.f32 $1.131370830e+01, v5;
	v5 =	vld [tilespmem:s1+$0x50]  }
0x35: {  	[tilespmem:s1+$0xFFFFFFE0] =	vst v0;
	v0 =	vmul.f32 $1.131370830e+01, v6;
	v6 =	vld [tilespmem:s1+$0x60]  }
0x36: {  	[tilespmem:s1+$0x0] =	vst v1;
	v1 =	vmul.f32 $1.131370830e+01, v2;
	v2 =	vld [tilespmem:s1+$0x70]  }
0x37: {  	[tilespmem:s1+$0x10] =	vst v0;
	v0 =	vmul.f32 $1.131370830e+01, v3;
	v3 =	vld [tilespmem:s1+$0x80]  }
0x38: {  	[tilespmem:s1+$0x20] =	vst v1;
	v1 =	vmul.f32 $1.131370830e+01, v4;
	v4 =	vld [tilespmem:s1+$0x90]  }
0x39: {  	[tilespmem:s1+$0x30] =	vst v0;
	v0 =	vmul.f32 $1.131370830e+01, v5;
	v5 =	vld [tilespmem:s1+$0xA0]  }
0x3a: {  	[tilespmem:s1+$0x40] =	vst v1;
	v1 =	vmul.f32 $1.131370830e+01, v6;
	v6 =	vld [tilespmem:s1+$0xB0]  }
0x3b: {  	[tilespmem:s1+$0x50] =	vst v0;
	v2 =	vmul.f32 $1.131370830e+01, v2;
	v0 =	vld [tilespmem:s1+$0xC0]  }
0x3c: {  	[tilespmem:s1+$0x60] =	vst v1;
	v3 =	vmul.f32 $1.131370830e+01, v3;
	v1 =	vld [tilespmem:s1+$0xD0]  }
0x3d: {  	[tilespmem:s1+$0x70] =	vst v2;
	v7 =	vmul.f32 $1.131370830e+01, v4;
	v2 =	vld [tilespmem:s1+$0xE0]  }
0x3e: {  	[tilespmem:s1+$0x80] =	vst v3;
	v3 =	vld [tilespmem:s1+$0xF0];
	v5 =	vmul.f32 $1.131370830e+01, v5  }
0x3f: {  	s30 =	simm.s32 $0x6700;
	s0 =	simm.s32 $0x0;
	v4 =	vld [tilespmem:s1+$0xFFFFFFF0];
	[tilespmem:s1+$0x90] =	vst v7;
	v6 =	vmul.f32 $1.131370830e+01, v6  }
.LBB2_2:
0x40: {  	v7 =	vld [tilespmem:s30+$0xFFFFFF00];
	[tilespmem:s1+$0xA0] =	vst v5;
	v0 =	vmul.f32 $1.131370830e+01, v0  }
0x41: {  	v5 =	vld [tilespmem:s30+$0xFFFFFF10];
	[tilespmem:s1+$0xB0] =	vst v6;
	v1 =	vmul.f32 $1.131370830e+01, v1  }
0x42: {  	v6 =	vld [tilespmem:s30+$0xFFFFFF20];
	[tilespmem:s1+$0xC0] =	vst v0;
	v0 =	vmul.f32 $1.131370830e+01, v2  }
0x43: {  	v2 =	vld [tilespmem:s30+$0xFFFFFF30];
	[tilespmem:s1+$0xD0] =	vst v1;
	v1 =	vmul.f32 $1.131370830e+01, v3  }
0x44: {  	v3 =	vld [tilespmem:s30+$0xFFFFFF40];
	v4 =	vmul.f32 $1.131370830e+01, v4;
	[tilespmem:s1+$0xE0] =	vst v0  }
0x45: {  	v0 =	vmul.f32 $1.131370830e+01, v7;
	v7 =	vld [tilespmem:s30+$0xFFFFFF50];
	[tilespmem:s1+$0xF0] =	vst v1  }
0x46: {  	v1 =	vmul.f32 $1.131370830e+01, v5;
	v5 =	vld [tilespmem:s30+$0xFFFFFF60];
	[tilespmem:s1+$0xFFFFFFF0] =	vst v4;
	s1 =	smov.u32 s30  }
0x47: {  	[tilespmem:s30+$0xFFFFFF00] =	vst v0;
	v0 =	vmul.f32 $1.131370830e+01, v6;
	v4 =	vld [tilespmem:s30+$0xFFFFFF70]  }
0x48: {  	[tilespmem:s30+$0xFFFFFF10] =	vst v1;
	v1 =	vmul.f32 $1.131370830e+01, v2;
	v2 =	vld [tilespmem:s30+$0xFFFFFF80]  }
0x49: {  	[tilespmem:s30+$0xFFFFFF20] =	vst v0;
	v0 =	vmul.f32 $1.131370830e+01, v3;
	v3 =	vld [tilespmem:s30+$0xFFFFFF90]  }
0x4a: {  	[tilespmem:s30+$0xFFFFFF30] =	vst v1;
	v1 =	vmul.f32 $1.131370830e+01, v7;
	v6 =	vld [tilespmem:s30+$0xFFFFFFA0]  }
0x4b: {  	[tilespmem:s30+$0xFFFFFF40] =	vst v0;
	v0 =	vmul.f32 $1.131370830e+01, v5;
	v5 =	vld [tilespmem:s30+$0xFFFFFFB0]  }
0x4c: {  	[tilespmem:s30+$0xFFFFFF50] =	vst v1;
	v1 =	vmul.f32 $1.131370830e+01, v4;
	v4 =	vld [tilespmem:s30+$0xFFFFFFC0]  }
0x4d: {  	[tilespmem:s30+$0xFFFFFF60] =	vst v0;
	v0 =	vmul.f32 $1.131370830e+01, v2;
	v2 =	vld [tilespmem:s30+$0xFFFFFFD0]  }
0x4e: {  	[tilespmem:s30+$0xFFFFFF70] =	vst v1;
	v1 =	vmul.f32 $1.131370830e+01, v3;
	v3 =	vld [tilespmem:s30+$0xFFFFFFE0]  }
0x4f: {  	[tilespmem:s30+$0xFFFFFF80] =	vst v0;
	v0 =	vmul.f32 $1.131370830e+01, v6;
	v6 =	vld [tilespmem:s30+$0x0]  }
0x50: {  	[tilespmem:s30+$0xFFFFFF90] =	vst v1;
	v1 =	vmul.f32 $1.131370830e+01, v5;
	v5 =	vld [tilespmem:s30+$0x10]  }
0x51: {  	[tilespmem:s30+$0xFFFFFFA0] =	vst v0;
	v0 =	vmul.f32 $1.131370830e+01, v4;
	v4 =	vld [tilespmem:s30+$0x20]  }
0x52: {  	[tilespmem:s30+$0xFFFFFFB0] =	vst v1;
	v1 =	vmul.f32 $1.131370830e+01, v2;
	v2 =	vld [tilespmem:s30+$0x30]  }
0x53: {  	[tilespmem:s30+$0xFFFFFFC0] =	vst v0;
	v0 =	vmul.f32 $1.131370830e+01, v3;
	v3 =	vld [tilespmem:s30+$0x40]  }
0x54: {  	[tilespmem:s30+$0xFFFFFFD0] =	vst v1;
	v1 =	vmul.f32 $1.131370830e+01, v6;
	v6 =	vld [tilespmem:s30+$0x50]  }
0x55: {  	[tilespmem:s30+$0xFFFFFFE0] =	vst v0;
	v0 =	vmul.f32 $1.131370830e+01, v5;
	v5 =	vld [tilespmem:s30+$0x60]  }
0x56: {  	[tilespmem:s30+$0x0] =	vst v1;
	v1 =	vmul.f32 $1.131370830e+01, v4;
	v4 =	vld [tilespmem:s30+$0x70]  }
0x57: {  	[tilespmem:s30+$0x10] =	vst v0;
	v0 =	vmul.f32 $1.131370830e+01, v2;
	v2 =	vld [tilespmem:s30+$0x80]  }
0x58: {  	[tilespmem:s30+$0x20] =	vst v1;
	v1 =	vmul.f32 $1.131370830e+01, v3;
	v3 =	vld [tilespmem:s30+$0x90]  }
0x59: {  	s0 =	sadd.s32 $0x4, s0;
	[tilespmem:s30+$0x30] =	vst v0;
	v0 =	vmul.f32 $1.131370830e+01, v6;
	v6 =	vld [tilespmem:s30+$0xA0]  }
0x5a: {  	p0 =	slt.u32 s0, $0xFC;
	[tilespmem:s30+$0x40] =	vst v1;
	v1 =	vmul.f32 $1.131370830e+01, v5;
	v7 =	vld [tilespmem:s30+$0xB0]  }
.Ltmp0:
0x5b: {  	[tilespmem:s30+$0x50] =	vst v0;
	v4 =	vmul.f32 $1.131370830e+01, v4;
	v0 =	vld [tilespmem:s30+$0xC0];
	(pc) =	sbr.rel @p0 .LBB2_2-.Ltmp0, $4  }
0x5c: {  	[tilespmem:s30+$0x60] =	vst v1;
	v5 =	vmul.f32 $1.131370830e+01, v2;
	v1 =	vld [tilespmem:s30+$0xD0]  }
0x5d: {  	[tilespmem:s30+$0x70] =	vst v4;
	v8 =	vmul.f32 $1.131370830e+01, v3;
	v2 =	vld [tilespmem:s30+$0xE0]  }
0x5e: {  	[tilespmem:s30+$0x80] =	vst v5;
	v5 =	vmul.f32 $1.131370830e+01, v6;
	v3 =	vld [tilespmem:s30+$0xF0]  }
0x5f: {  	s30 =	sadd.s32 $0x200, s30;
	v4 =	vld [tilespmem:s1+$0xFFFFFFF0];
	[tilespmem:s1+$0x90] =	vst v8;
	v6 =	vmul.f32 $1.131370830e+01, v7  }
0x60: {  	[tilespmem:s1+$0xA0] =	vst v5;
	v0 =	vmul.f32 $1.131370830e+01, v0  }
0x61: {  	[tilespmem:s1+$0xB0] =	vst v6;
	v1 =	vmul.f32 $1.131370830e+01, v1  }
0x62: {  	[tilespmem:s1+$0xC0] =	vst v0;
	v0 =	vmul.f32 $1.131370830e+01, v2  }
0x63: {  	[tilespmem:s1+$0xD0] =	vst v1;
	v1 =	vmul.f32 $1.131370830e+01, v3  }
0x64: {  	v2 =	vmul.f32 $1.131370830e+01, v4;
	[tilespmem:s1+$0xE0] =	vst v0  }
0x65: {  	[tilespmem:s1+$0xF0] =	vst v1  }
0x66: {  	[tilespmem:s1+$0xFFFFFFF0] =	vst v2  }
0x67: {  	[hbm4b:s7+s4] =	stream.linear.scatter [tilespmem:s14], [sflag:$0x3], $0x8000, $0x38;
	[tilespmem:$0x16400] =	vst v63  }
0x68: {  	_ =	swait.ge [sflag:s21], $0x4000  }
0x69: {  	[sflag:s21] =	ssyncset.done $0x0  }
0x6a: {  	[sflag:s21] =	ssyncadd.s32 $0xFFFFC000  }
0x6b: {  	_ =	swait.ge [sflag:s21], $0x4000  }
0x6c: {  	[sflag:s21] =	ssyncset.done $0x0  }
0x6d: {  	[sflag:s21] =	ssyncadd.s32 $0xFFFFC000  }
0x6e: {  	_ =	swait.ge [sflag:s22], $0x8000  }
0x6f: {  	[sflag:s22] =	ssyncset.done $0x0  }
0x70: {  	[sflag:s22] =	ssyncadd.s32 $0xFFFF8000  }
0x71: {  	[tilespmem:s14], [sflag:$0x1] =	stream.indirect.gather [hbm4b:s2+s13], $0x80, s23, s13, $0xb8;
	[tilespmem:$0x16400] =	vst v63  }
0x72: {  	s1 =	simm.s32 $0xE400  }
0x73: {  	[tilespmem:s15], [sflag:$0x1] =	stream.indirect.gather [hbm4b:s2+s13], $0x80, s24, s13, $0xb8;
	[tilespmem:$0x16400] =	vst v63  }
0x74: {  	v0 =	vld [tilespmem:s1+$0x1A0]  }
0x75: {  	v1 =	vld [tilespmem:s1+$0xA0]  }
0x76: {  	v2 =	vld [tilespmem:s1+$0x90]  }
0x77: {  	v3 =	vld [tilespmem:s1+$0x80]  }
0x78: {  	v4 =	vld [tilespmem:s1+$0xB0]  }
0x79: {  	v5 =	vld [tilespmem:s1+$0x70]  }
0x7a: {  	v6 =	vld [tilespmem:s1+$0xC0]  }
0x7b: {  	v12 =	vld [tilespmem:s1+$0x60]  }
0x7c: {  	v7 =	vld [tilespmem:s1+$0xD0]  }
0x7d: {  	v8 =	vld [tilespmem:s1+$0xE0]  }
0x7e: {  	v9 =	vld [tilespmem:s1+$0x1D0]  }
0x7f: {  	v10 =	vld [tilespmem:s1+$0x1E0]  }
0x80: {  	v11 =	vld [tilespmem:s1+$0x0]  }
0x81: {  	v13 =	vld [tilespmem:s1+$0xF0]  }
0x82: {  	v14 =	vld [tilespmem:s1+$0x100];
	v0 =	vmul.f32 $1.131370830e+01, v0  }
0x83: {  	v15 =	vld [tilespmem:s1+$0x110];
	v9 =	vmul.f32 $1.131370830e+01, v9  }
0x84: {  	v16 =	vld [tilespmem:s1+$0x120];
	v17 =	vmul.f32 $1.131370830e+01, v8;
	[tilespmem:s1+$0x1A0] =	vst v0  }
0x85: {  	v18 =	vld [tilespmem:s1+$0x30];
	v6 =	vmul.f32 $1.131370830e+01, v6;
	[tilespmem:s1+$0x1D0] =	vst v9  }
0x86: {  	v21 =	vld [tilespmem:s1+$0x1B0];
	v0 =	vmul.f32 $1.131370830e+01, v10;
	[tilespmem:s1+$0xE0] =	vst v17  }
0x87: {  	v10 =	vmul.f32 $1.131370830e+01, v11;
	v11 =	vld [tilespmem:s1+$0x130];
	[tilespmem:s1+$0xC0] =	vst v6  }
0x88: {  	v9 =	vmul.f32 $1.131370830e+01, v13;
	v13 =	vld [tilespmem:s1+$0x140];
	[tilespmem:s1+$0x1E0] =	vst v0  }
0x89: {  	[tilespmem:s1+$0x0] =	vst v10;
	v0 =	vmul.f32 $1.131370830e+01, v14;
	v10 =	vld [tilespmem:s1+$0x150]  }
0x8a: {  	[tilespmem:s1+$0xF0] =	vst v9;
	v9 =	vmul.f32 $1.131370830e+01, v15;
	v14 =	vld [tilespmem:s1+$0x1F0]  }
0x8b: {  	v19 =	vld [tilespmem:s1+$0x20];
	v8 =	vmul.f32 $1.131370830e+01, v1;
	[tilespmem:s1+$0x100] =	vst v0;
	v0 =	vmul.f32 $1.131370830e+01, v16  }
0x8c: {  	v20 =	vld [tilespmem:s1+$0x10];
	v1 =	vmul.f32 $1.131370830e+01, v18;
	[tilespmem:s1+$0x110] =	vst v9;
	v9 =	vmul.f32 $1.131370830e+01, v11  }
0x8d: {  	v6 =	vmul.f32 $1.131370830e+01, v21;
	v15 =	vld [tilespmem:s1+$0x50];
	[tilespmem:s1+$0x120] =	vst v0;
	v0 =	vmul.f32 $1.131370830e+01, v13  }
0x8e: {  	v16 =	vld [tilespmem:s1+$0x40];
	v13 =	vmul.f32 $1.131370830e+01, v7;
	[tilespmem:s1+$0x130] =	vst v9;
	v7 =	vmul.f32 $1.131370830e+01, v10  }
0x8f: {  	v11 =	vld [tilespmem:s1+$0x190];
	v9 =	vmul.f32 $1.131370830e+01, v2;
	[tilespmem:s1+$0x140] =	vst v0;
	v0 =	vmul.f32 $1.131370830e+01, v14  }
0x90: {  	[tilespmem:s1+$0x150] =	vst v7;
	v7 =	vmul.f32 $1.131370830e+01, v5;
	v5 =	vmul.f32 $1.131370830e+01, v12;
	v12 =	vld [tilespmem:s1+$0x1C0]  }
0x91: {  	v10 =	vmul.f32 $1.131370830e+01, v3;
	v14 =	vmul.f32 $1.131370830e+01, v4;
	[tilespmem:s1+$0xD0] =	vst v13;
	v13 =	vld [tilespmem:s1+$0x180]  }
0x92: {  	v2 =	vmul.f32 $1.131370830e+01, v15;
	v3 =	vmul.f32 $1.131370830e+01, v19;
	v15 =	vld [tilespmem:s1+$0x170];
	[tilespmem:s1+$0x1F0] =	vst v0  }
0x93: {  	s30 =	simm.s32 $0x0;
	s0 =	simm.s32 $0xE600;
	v4 =	vmul.f32 $1.131370830e+01, v20;
	v0 =	vmul.f32 $1.131370830e+01, v16;
	[tilespmem:s1+$0xB0] =	vst v14;
	v14 =	vld [tilespmem:s1+$0x160]  }
.LBB2_4:
0x94: {  	v16 =	vld [tilespmem:s0+$0x1A0];
	s30 =	sadd.s32 $0x4, s30;
	[tilespmem:s1+$0xA0] =	vst v8;
	v8 =	vmul.f32 $1.131370830e+01, v11  }
0x95: {  	v11 =	vld [tilespmem:s0+$0xA0];
	p0 =	slt.u32 s30, $0xFC;
	[tilespmem:s1+$0x90] =	vst v9;
	v9 =	vmul.f32 $1.131370830e+01, v12  }
0x96: {  	v12 =	vld [tilespmem:s0+$0x90];
	[tilespmem:s1+$0x80] =	vst v10;
	v10 =	vmul.f32 $1.131370830e+01, v13  }
0x97: {  	v13 =	vld [tilespmem:s0+$0x80];
	v15 =	vmul.f32 $1.131370830e+01, v15;
	[tilespmem:s1+$0x1C0] =	vst v9  }
0x98: {  	v9 =	vld [tilespmem:s0+$0xB0];
	[tilespmem:s1+$0x70] =	vst v7;
	v7 =	vmul.f32 $1.131370830e+01, v14  }
0x99: {  	v14 =	vld [tilespmem:s0+$0x70];
	v16 =	vmul.f32 $1.131370830e+01, v16;
	[tilespmem:s1+$0x180] =	vst v10  }
0x9a: {  	v10 =	vld [tilespmem:s0+$0xC0];
	[tilespmem:s1+$0x60] =	vst v5  }
0x9b: {  	v5 =	vld [tilespmem:s0+$0x60];
	[tilespmem:s1+$0x170] =	vst v15  }
0x9c: {  	v15 =	vld [tilespmem:s0+$0xD0];
	[tilespmem:s1+$0x50] =	vst v2  }
0x9d: {  	v2 =	vld [tilespmem:s0+$0xE0];
	[tilespmem:s1+$0x160] =	vst v7  }
0x9e: {  	v7 =	vld [tilespmem:s0+$0x1D0];
	[tilespmem:s1+$0x40] =	vst v0  }
0x9f: {  	v0 =	vld [tilespmem:s0+$0x1E0];
	[tilespmem:s1+$0x30] =	vst v1  }
0xa0: {  	v1 =	vld [tilespmem:s0+$0x0];
	[tilespmem:s1+$0x20] =	vst v3  }
0xa1: {  	v3 =	vld [tilespmem:s0+$0xF0];
	[tilespmem:s1+$0x190] =	vst v8  }
0xa2: {  	v8 =	vld [tilespmem:s0+$0x100];
	[tilespmem:s1+$0x10] =	vst v4  }
0xa3: {  	v4 =	vld [tilespmem:s0+$0x110];
	v7 =	vmul.f32 $1.131370830e+01, v7;
	[tilespmem:s1+$0x1B0] =	vst v6;
	s1 =	smov.u32 s0  }
0xa4: {  	v6 =	vld [tilespmem:s0+$0x120];
	[tilespmem:s0+$0x1A0] =	vst v16;
	v0 =	vmul.f32 $1.131370830e+01, v0  }
0xa5: {  	v16 =	vmul.f32 $1.131370830e+01, v2;
	v1 =	vmul.f32 $1.131370830e+01, v1;
	v2 =	vld [tilespmem:s0+$0x130];
	[tilespmem:s0+$0x1D0] =	vst v7  }
0xa6: {  	v15 =	vmul.f32 $1.131370830e+01, v15;
	v3 =	vmul.f32 $1.131370830e+01, v3;
	v7 =	vld [tilespmem:s0+$0x140];
	[tilespmem:s0+$0x1E0] =	vst v0  }
0xa7: {  	v17 =	vmul.f32 $1.131370830e+01, v10;
	[tilespmem:s0+$0x0] =	vst v1;
	v0 =	vmul.f32 $1.131370830e+01, v8;
	v1 =	vld [tilespmem:s0+$0x150]  }
0xa8: {  	v18 =	vmul.f32 $1.131370830e+01, v9;
	[tilespmem:s0+$0xF0] =	vst v3;
	v3 =	vmul.f32 $1.131370830e+01, v4;
	v4 =	vld [tilespmem:s0+$0x1F0]  }
0xa9: {  	v8 =	vmul.f32 $1.131370830e+01, v11;
	v19 =	vld [tilespmem:s0+$0x50];
	[tilespmem:s0+$0x100] =	vst v0;
	v0 =	vmul.f32 $1.131370830e+01, v6  }
0xaa: {  	v9 =	vmul.f32 $1.131370830e+01, v12;
	v6 =	vld [tilespmem:s0+$0x40];
	[tilespmem:s0+$0x110] =	vst v3;
	v2 =	vmul.f32 $1.131370830e+01, v2  }
0xab: {  	v10 =	vmul.f32 $1.131370830e+01, v13;
	v3 =	vld [tilespmem:s0+$0x30];
	[tilespmem:s0+$0x120] =	vst v0;
	v0 =	vmul.f32 $1.131370830e+01, v7  }
0xac: {  	v7 =	vmul.f32 $1.131370830e+01, v14;
	v13 =	vld [tilespmem:s0+$0x20];
	[tilespmem:s0+$0x130] =	vst v2;
	v1 =	vmul.f32 $1.131370830e+01, v1  }
0xad: {  	v5 =	vmul.f32 $1.131370830e+01, v5;
	v14 =	vld [tilespmem:s0+$0x10];
	[tilespmem:s0+$0x140] =	vst v0;
	v4 =	vmul.f32 $1.131370830e+01, v4  }
0xae: {  	v2 =	vmul.f32 $1.131370830e+01, v19;
	[tilespmem:s0+$0x150] =	vst v1;
	v19 =	vld [tilespmem:s0+$0x1B0]  }
.Ltmp1:
0xaf: {  	v0 =	vmul.f32 $1.131370830e+01, v6;
	v11 =	vld [tilespmem:s0+$0x190];
	[tilespmem:s0+$0x1F0] =	vst v4;
	(pc) =	sbr.rel @p0 .LBB2_4-.Ltmp1, $4  }
0xb0: {  	v1 =	vmul.f32 $1.131370830e+01, v3;
	[tilespmem:s0+$0xE0] =	vst v16;
	v12 =	vld [tilespmem:s0+$0x1C0]  }
0xb1: {  	v3 =	vmul.f32 $1.131370830e+01, v13;
	[tilespmem:s0+$0xD0] =	vst v15;
	v13 =	vld [tilespmem:s0+$0x180]  }
0xb2: {  	v4 =	vmul.f32 $1.131370830e+01, v14;
	[tilespmem:s0+$0xC0] =	vst v17;
	v15 =	vld [tilespmem:s0+$0x170]  }
0xb3: {  	s0 =	sadd.s32 $0x200, s0;
	[tilespmem:s1+$0xB0] =	vst v18;
	v14 =	vld [tilespmem:s1+$0x160];
	v6 =	vmul.f32 $1.131370830e+01, v19  }
0xb4: {  	[tilespmem:s1+$0xA0] =	vst v8  }
0xb5: {  	[tilespmem:s1+$0x90] =	vst v9  }
0xb6: {  	[tilespmem:s1+$0x80] =	vst v10  }
0xb7: {  	[tilespmem:s1+$0x70] =	vst v7  }
0xb8: {  	[tilespmem:s1+$0x60] =	vst v5  }
0xb9: {  	[tilespmem:s1+$0x50] =	vst v2  }
0xba: {  	[tilespmem:s1+$0x40] =	vst v0  }
0xbb: {  	[tilespmem:s1+$0x30] =	vst v1  }
0xbc: {  	[tilespmem:s1+$0x20] =	vst v3  }
0xbd: {  	v63 =	vmul.f32 $1.131370830e+01, v11;
	[tilespmem:s1+$0x10] =	vst v4  }
0xbe: {  	v59 =	vmul.f32 $1.131370830e+01, v12;
	[tilespmem:s1+$0x1B0] =	vst v6  }
0xbf: {  	v60 =	vmul.f32 $1.131370830e+01, v13;
	[tilespmem:s1+$0x190] =	vst v63  }
0xc0: {  	[tilespmem:s1+$0x1C0] =	vst v59;
	v61 =	vmul.f32 $1.131370830e+01, v15  }
0xc1: {  	[tilespmem:s1+$0x180] =	vst v60;
	v62 =	vmul.f32 $1.131370830e+01, v14  }
0xc2: {  	[tilespmem:s1+$0x170] =	vst v61  }
0xc3: {  	s30 =	simm.s32 $0x1;
	[tilespmem:s1+$0x160] =	vst v62  }
0xc4: {  	[hbm4b:s8+s4] =	stream.linear.scatter [tilespmem:s18], [sflag:$0x4], $0x8000, $0x38;
	[tilespmem:$0x16400] =	vst v63  }
.LBB2_6:
0xc5: {  	_ =	swait.ge [sflag:s16], $0x4000  }
0xc6: {  	[sflag:s16] =	ssyncset.done $0x0  }
0xc7: {  	[sflag:s16] =	ssyncadd.s32 $0xFFFFC000  }
0xc8: {  	_ =	swait.ge [sflag:s16], $0x4000  }
0xc9: {  	[sflag:s16] =	ssyncset.done $0x0  }
0xca: {  	[sflag:s16] =	ssyncadd.s32 $0xFFFFC000  }
0xcb: {  	s31 =	sshllo.u32 s30, $0x1;
	_ =	swait.ge [sflag:s25], $0x8000  }
0xcc: {  	s0 =	sshll.u32 s31, $0x8;
	[sflag:s25] =	ssyncset.done $0x0  }
0xcd: {  	s0 =	sand.u32 $0x3FFFFF00, s0;
	[sflag:s25] =	ssyncadd.s32 $0xFFFF8000  }
0xce: {  	[tilespmem:s18], [sflag:$0x2] =	stream.indirect.gather [hbm4b:s2+s13], $0x80, s0, s13, $0xb8;
	[tilespmem:$0x16400] =	vst v63  }
0xcf: {  	s1 =	simm.s32 $0x6500;
	s0 =	sor.u32 $0x80, s0  }
0xd0: {  	[tilespmem:s20], [sflag:$0x2] =	stream.indirect.gather [hbm4b:s2+s13], $0x80, s0, s13, $0xb8;
	[tilespmem:$0x16400] =	vst v63  }
0xd1: {  	v0 =	vld [tilespmem:s1+$0xFFFFFF00]  }
0xd2: {  	v1 =	vld [tilespmem:s1+$0xFFFFFF10]  }
0xd3: {  	v2 =	vld [tilespmem:s1+$0xFFFFFF20]  }
0xd4: {  	v3 =	vld [tilespmem:s1+$0xFFFFFF30]  }
0xd5: {  	v4 =	vld [tilespmem:s1+$0xFFFFFF40]  }
0xd6: {  	v5 =	vld [tilespmem:s1+$0xFFFFFF50];
	v0 =	vmul.f32 $1.131370830e+01, v0  }
0xd7: {  	v6 =	vld [tilespmem:s1+$0xFFFFFF60];
	v1 =	vmul.f32 $1.131370830e+01, v1  }
0xd8: {  	[tilespmem:s1+$0xFFFFFF00] =	vst v0;
	v0 =	vmul.f32 $1.131370830e+01, v2;
	v2 =	vld [tilespmem:s1+$0xFFFFFF70]  }
0xd9: {  	[tilespmem:s1+$0xFFFFFF10] =	vst v1;
	v1 =	vmul.f32 $1.131370830e+01, v3;
	v3 =	vld [tilespmem:s1+$0xFFFFFF80]  }
0xda: {  	[tilespmem:s1+$0xFFFFFF20] =	vst v0;
	v0 =	vmul.f32 $1.131370830e+01, v4;
	v4 =	vld [tilespmem:s1+$0xFFFFFF90]  }
0xdb: {  	[tilespmem:s1+$0xFFFFFF30] =	vst v1;
	v1 =	vmul.f32 $1.131370830e+01, v5;
	v5 =	vld [tilespmem:s1+$0xFFFFFFA0]  }
0xdc: {  	[tilespmem:s1+$0xFFFFFF40] =	vst v0;
	v0 =	vmul.f32 $1.131370830e+01, v6;
	v6 =	vld [tilespmem:s1+$0xFFFFFFB0]  }
0xdd: {  	[tilespmem:s1+$0xFFFFFF50] =	vst v1;
	v1 =	vmul.f32 $1.131370830e+01, v2;
	v2 =	vld [tilespmem:s1+$0xFFFFFFC0]  }
0xde: {  	[tilespmem:s1+$0xFFFFFF60] =	vst v0;
	v0 =	vmul.f32 $1.131370830e+01, v3;
	v3 =	vld [tilespmem:s1+$0xFFFFFFD0]  }
0xdf: {  	[tilespmem:s1+$0xFFFFFF70] =	vst v1;
	v1 =	vmul.f32 $1.131370830e+01, v4;
	v4 =	vld [tilespmem:s1+$0xFFFFFFE0]  }
0xe0: {  	[tilespmem:s1+$0xFFFFFF80] =	vst v0;
	v0 =	vmul.f32 $1.131370830e+01, v5;
	v5 =	vld [tilespmem:s1+$0x0]  }
0xe1: {  	[tilespmem:s1+$0xFFFFFF90] =	vst v1;
	v1 =	vmul.f32 $1.131370830e+01, v6;
	v6 =	vld [tilespmem:s1+$0x10]  }
0xe2: {  	[tilespmem:s1+$0xFFFFFFA0] =	vst v0;
	v0 =	vmul.f32 $1.131370830e+01, v2;
	v2 =	vld [tilespmem:s1+$0x20]  }
0xe3: {  	[tilespmem:s1+$0xFFFFFFB0] =	vst v1;
	v1 =	vmul.f32 $1.131370830e+01, v3;
	v3 =	vld [tilespmem:s1+$0x30]  }
0xe4: {  	[tilespmem:s1+$0xFFFFFFC0] =	vst v0;
	v0 =	vmul.f32 $1.131370830e+01, v4;
	v4 =	vld [tilespmem:s1+$0x40]  }
0xe5: {  	[tilespmem:s1+$0xFFFFFFD0] =	vst v1;
	v1 =	vmul.f32 $1.131370830e+01, v5;
	v5 =	vld [tilespmem:s1+$0x50]  }
0xe6: {  	[tilespmem:s1+$0xFFFFFFE0] =	vst v0;
	v0 =	vmul.f32 $1.131370830e+01, v6;
	v6 =	vld [tilespmem:s1+$0x60]  }
0xe7: {  	[tilespmem:s1+$0x0] =	vst v1;
	v1 =	vmul.f32 $1.131370830e+01, v2;
	v2 =	vld [tilespmem:s1+$0x70]  }
0xe8: {  	[tilespmem:s1+$0x10] =	vst v0;
	v0 =	vmul.f32 $1.131370830e+01, v3;
	v3 =	vld [tilespmem:s1+$0x80]  }
0xe9: {  	[tilespmem:s1+$0x20] =	vst v1;
	v1 =	vmul.f32 $1.131370830e+01, v4;
	v4 =	vld [tilespmem:s1+$0x90]  }
0xea: {  	[tilespmem:s1+$0x30] =	vst v0;
	v0 =	vmul.f32 $1.131370830e+01, v5;
	v5 =	vld [tilespmem:s1+$0xA0]  }
0xeb: {  	[tilespmem:s1+$0x40] =	vst v1;
	v1 =	vmul.f32 $1.131370830e+01, v6;
	v6 =	vld [tilespmem:s1+$0xB0]  }
0xec: {  	[tilespmem:s1+$0x50] =	vst v0;
	v2 =	vmul.f32 $1.131370830e+01, v2;
	v0 =	vld [tilespmem:s1+$0xC0]  }
0xed: {  	[tilespmem:s1+$0x60] =	vst v1;
	v3 =	vmul.f32 $1.131370830e+01, v3;
	v1 =	vld [tilespmem:s1+$0xD0]  }
0xee: {  	[tilespmem:s1+$0x70] =	vst v2;
	v7 =	vmul.f32 $1.131370830e+01, v4;
	v2 =	vld [tilespmem:s1+$0xE0]  }
0xef: {  	[tilespmem:s1+$0x80] =	vst v3;
	v3 =	vld [tilespmem:s1+$0xF0];
	v5 =	vmul.f32 $1.131370830e+01, v5  }
0xf0: {  	s17 =	simm.s32 $0x6700;
	s0 =	simm.s32 $0x0;
	v4 =	vld [tilespmem:s1+$0xFFFFFFF0];
	[tilespmem:s1+$0x90] =	vst v7;
	v6 =	vmul.f32 $1.131370830e+01, v6  }
.LBB2_7:
0xf1: {  	v7 =	vld [tilespmem:s17+$0xFFFFFF00];
	[tilespmem:s1+$0xA0] =	vst v5;
	v0 =	vmul.f32 $1.131370830e+01, v0  }
0xf2: {  	v5 =	vld [tilespmem:s17+$0xFFFFFF10];
	[tilespmem:s1+$0xB0] =	vst v6;
	v1 =	vmul.f32 $1.131370830e+01, v1  }
0xf3: {  	v6 =	vld [tilespmem:s17+$0xFFFFFF20];
	[tilespmem:s1+$0xC0] =	vst v0;
	v0 =	vmul.f32 $1.131370830e+01, v2  }
0xf4: {  	v2 =	vld [tilespmem:s17+$0xFFFFFF30];
	[tilespmem:s1+$0xD0] =	vst v1;
	v1 =	vmul.f32 $1.131370830e+01, v3  }
0xf5: {  	v3 =	vld [tilespmem:s17+$0xFFFFFF40];
	v4 =	vmul.f32 $1.131370830e+01, v4;
	[tilespmem:s1+$0xE0] =	vst v0  }
0xf6: {  	v0 =	vmul.f32 $1.131370830e+01, v7;
	v7 =	vld [tilespmem:s17+$0xFFFFFF50];
	[tilespmem:s1+$0xF0] =	vst v1  }
0xf7: {  	v1 =	vmul.f32 $1.131370830e+01, v5;
	v5 =	vld [tilespmem:s17+$0xFFFFFF60];
	[tilespmem:s1+$0xFFFFFFF0] =	vst v4;
	s1 =	smov.u32 s17  }
0xf8: {  	[tilespmem:s17+$0xFFFFFF00] =	vst v0;
	v0 =	vmul.f32 $1.131370830e+01, v6;
	v4 =	vld [tilespmem:s17+$0xFFFFFF70]  }
0xf9: {  	[tilespmem:s17+$0xFFFFFF10] =	vst v1;
	v1 =	vmul.f32 $1.131370830e+01, v2;
	v2 =	vld [tilespmem:s17+$0xFFFFFF80]  }
0xfa: {  	[tilespmem:s17+$0xFFFFFF20] =	vst v0;
	v0 =	vmul.f32 $1.131370830e+01, v3;
	v3 =	vld [tilespmem:s17+$0xFFFFFF90]  }
0xfb: {  	[tilespmem:s17+$0xFFFFFF30] =	vst v1;
	v1 =	vmul.f32 $1.131370830e+01, v7;
	v6 =	vld [tilespmem:s17+$0xFFFFFFA0]  }
0xfc: {  	[tilespmem:s17+$0xFFFFFF40] =	vst v0;
	v0 =	vmul.f32 $1.131370830e+01, v5;
	v5 =	vld [tilespmem:s17+$0xFFFFFFB0]  }
0xfd: {  	[tilespmem:s17+$0xFFFFFF50] =	vst v1;
	v1 =	vmul.f32 $1.131370830e+01, v4;
	v4 =	vld [tilespmem:s17+$0xFFFFFFC0]  }
0xfe: {  	[tilespmem:s17+$0xFFFFFF60] =	vst v0;
	v0 =	vmul.f32 $1.131370830e+01, v2;
	v2 =	vld [tilespmem:s17+$0xFFFFFFD0]  }
0xff: {  	[tilespmem:s17+$0xFFFFFF70] =	vst v1;
	v1 =	vmul.f32 $1.131370830e+01, v3;
	v3 =	vld [tilespmem:s17+$0xFFFFFFE0]  }
0x100: {  	[tilespmem:s17+$0xFFFFFF80] =	vst v0;
	v0 =	vmul.f32 $1.131370830e+01, v6;
	v6 =	vld [tilespmem:s17+$0x0]  }
0x101: {  	[tilespmem:s17+$0xFFFFFF90] =	vst v1;
	v1 =	vmul.f32 $1.131370830e+01, v5;
	v5 =	vld [tilespmem:s17+$0x10]  }
0x102: {  	[tilespmem:s17+$0xFFFFFFA0] =	vst v0;
	v0 =	vmul.f32 $1.131370830e+01, v4;
	v4 =	vld [tilespmem:s17+$0x20]  }
0x103: {  	[tilespmem:s17+$0xFFFFFFB0] =	vst v1;
	v1 =	vmul.f32 $1.131370830e+01, v2;
	v2 =	vld [tilespmem:s17+$0x30]  }
0x104: {  	[tilespmem:s17+$0xFFFFFFC0] =	vst v0;
	v0 =	vmul.f32 $1.131370830e+01, v3;
	v3 =	vld [tilespmem:s17+$0x40]  }
0x105: {  	[tilespmem:s17+$0xFFFFFFD0] =	vst v1;
	v1 =	vmul.f32 $1.131370830e+01, v6;
	v6 =	vld [tilespmem:s17+$0x50]  }
0x106: {  	[tilespmem:s17+$0xFFFFFFE0] =	vst v0;
	v0 =	vmul.f32 $1.131370830e+01, v5;
	v5 =	vld [tilespmem:s17+$0x60]  }
0x107: {  	[tilespmem:s17+$0x0] =	vst v1;
	v1 =	vmul.f32 $1.131370830e+01, v4;
	v4 =	vld [tilespmem:s17+$0x70]  }
0x108: {  	[tilespmem:s17+$0x10] =	vst v0;
	v0 =	vmul.f32 $1.131370830e+01, v2;
	v2 =	vld [tilespmem:s17+$0x80]  }
0x109: {  	[tilespmem:s17+$0x20] =	vst v1;
	v1 =	vmul.f32 $1.131370830e+01, v3;
	v3 =	vld [tilespmem:s17+$0x90]  }
0x10a: {  	s0 =	sadd.s32 $0x4, s0;
	[tilespmem:s17+$0x30] =	vst v0;
	v0 =	vmul.f32 $1.131370830e+01, v6;
	v6 =	vld [tilespmem:s17+$0xA0]  }
0x10b: {  	p0 =	slt.u32 s0, $0xFC;
	[tilespmem:s17+$0x40] =	vst v1;
	v1 =	vmul.f32 $1.131370830e+01, v5;
	v7 =	vld [tilespmem:s17+$0xB0]  }
.Ltmp2:
0x10c: {  	[tilespmem:s17+$0x50] =	vst v0;
	v4 =	vmul.f32 $1.131370830e+01, v4;
	v0 =	vld [tilespmem:s17+$0xC0];
	(pc) =	sbr.rel @p0 .LBB2_7-.Ltmp2, $4  }
0x10d: {  	[tilespmem:s17+$0x60] =	vst v1;
	v5 =	vmul.f32 $1.131370830e+01, v2;
	v1 =	vld [tilespmem:s17+$0xD0]  }
0x10e: {  	[tilespmem:s17+$0x70] =	vst v4;
	v8 =	vmul.f32 $1.131370830e+01, v3;
	v2 =	vld [tilespmem:s17+$0xE0]  }
0x10f: {  	[tilespmem:s17+$0x80] =	vst v5;
	v5 =	vmul.f32 $1.131370830e+01, v6;
	v3 =	vld [tilespmem:s17+$0xF0]  }
0x110: {  	s17 =	sadd.s32 $0x200, s17;
	v4 =	vld [tilespmem:s1+$0xFFFFFFF0];
	[tilespmem:s1+$0x90] =	vst v8;
	v6 =	vmul.f32 $1.131370830e+01, v7  }
0x111: {  	[tilespmem:s1+$0xA0] =	vst v5;
	v0 =	vmul.f32 $1.131370830e+01, v0  }
0x112: {  	[tilespmem:s1+$0xB0] =	vst v6;
	v1 =	vmul.f32 $1.131370830e+01, v1  }
0x113: {  	[tilespmem:s1+$0xC0] =	vst v0;
	v0 =	vmul.f32 $1.131370830e+01, v2  }
0x114: {  	s0 =	sshll.u32 s30, $0x10;
	[tilespmem:s1+$0xD0] =	vst v1;
	v1 =	vmul.f32 $1.131370830e+01, v3  }
0x115: {  	s0 =	sadd.s32 s5, s0;
	v2 =	vmul.f32 $1.131370830e+01, v4;
	[tilespmem:s1+$0xE0] =	vst v0  }
0x116: {  	s0 =	sshrl.u32 s0, $0x3;
	[tilespmem:s1+$0xF0] =	vst v1  }
0x117: {  	s0 =	sadd.s32 s3, s0;
	[tilespmem:s1+$0xFFFFFFF0] =	vst v2  }
0x118: {  	[hbm4b:s0+s4] =	stream.linear.scatter [tilespmem:s14], [sflag:$0x3], $0x8000, $0x38;
	[tilespmem:$0x16400] =	vst v63  }
0x119: {  	_ =	swait.ge [sflag:s21], $0x4000  }
0x11a: {  	[sflag:s21] =	ssyncset.done $0x0  }
0x11b: {  	[sflag:s21] =	ssyncadd.s32 $0xFFFFC000  }
0x11c: {  	_ =	swait.ge [sflag:s21], $0x4000  }
0x11d: {  	[sflag:s21] =	ssyncset.done $0x0  }
0x11e: {  	[sflag:s21] =	ssyncadd.s32 $0xFFFFC000  }
0x11f: {  	s1 =	sshll.u32 s30, $0x9;
	_ =	swait.ge [sflag:s22], $0x8000  }
0x120: {  	s0 =	sand.u32 $0x3FFFFE00, s1;
	[sflag:s22] =	ssyncset.done $0x0  }
0x121: {  	s17 =	sadd.s32 $0x200, s0;
	[sflag:s22] =	ssyncadd.s32 $0xFFFF8000  }
0x122: {  	[tilespmem:s14], [sflag:$0x1] =	stream.indirect.gather [hbm4b:s2+s13], $0x80, s17, s13, $0xb8;
	[tilespmem:$0x16400] =	vst v63  }
0x123: {  	s1 =	simm.s32 $0xE400;
	s0 =	sadd.s32 $0x280, s0  }
0x124: {  	[tilespmem:s15], [sflag:$0x1] =	stream.indirect.gather [hbm4b:s2+s13], $0x80, s0, s13, $0xb8;
	[tilespmem:$0x16400] =	vst v63  }
0x125: {  	v0 =	vld [tilespmem:s1+$0x1A0]  }
0x126: {  	v1 =	vld [tilespmem:s1+$0xA0]  }
0x127: {  	v2 =	vld [tilespmem:s1+$0x90]  }
0x128: {  	v3 =	vld [tilespmem:s1+$0x80]  }
0x129: {  	v4 =	vld [tilespmem:s1+$0xB0]  }
0x12a: {  	v5 =	vld [tilespmem:s1+$0x70]  }
0x12b: {  	v6 =	vld [tilespmem:s1+$0xC0]  }
0x12c: {  	v12 =	vld [tilespmem:s1+$0x60]  }
0x12d: {  	v7 =	vld [tilespmem:s1+$0xD0]  }
0x12e: {  	v8 =	vld [tilespmem:s1+$0xE0]  }
0x12f: {  	v9 =	vld [tilespmem:s1+$0x1D0]  }
0x130: {  	v10 =	vld [tilespmem:s1+$0x1E0]  }
0x131: {  	v11 =	vld [tilespmem:s1+$0x0]  }
0x132: {  	v13 =	vld [tilespmem:s1+$0xF0]  }
0x133: {  	v14 =	vld [tilespmem:s1+$0x100];
	v0 =	vmul.f32 $1.131370830e+01, v0  }
0x134: {  	v15 =	vld [tilespmem:s1+$0x110];
	v9 =	vmul.f32 $1.131370830e+01, v9  }
0x135: {  	v16 =	vld [tilespmem:s1+$0x120];
	v17 =	vmul.f32 $1.131370830e+01, v8;
	[tilespmem:s1+$0x1A0] =	vst v0  }
0x136: {  	v18 =	vld [tilespmem:s1+$0x30];
	v20 =	vmul.f32 $1.131370830e+01, v6;
	[tilespmem:s1+$0x1D0] =	vst v9  }
0x137: {  	v21 =	vld [tilespmem:s1+$0x10];
	v0 =	vmul.f32 $1.131370830e+01, v10;
	[tilespmem:s1+$0xE0] =	vst v17  }
0x138: {  	v10 =	vmul.f32 $1.131370830e+01, v11;
	v11 =	vld [tilespmem:s1+$0x130];
	[tilespmem:s1+$0xC0] =	vst v20  }
0x139: {  	v9 =	vmul.f32 $1.131370830e+01, v13;
	v13 =	vld [tilespmem:s1+$0x140];
	[tilespmem:s1+$0x1E0] =	vst v0  }
0x13a: {  	[tilespmem:s1+$0x0] =	vst v10;
	v0 =	vmul.f32 $1.131370830e+01, v14;
	v10 =	vld [tilespmem:s1+$0x150]  }
0x13b: {  	[tilespmem:s1+$0xF0] =	vst v9;
	v9 =	vmul.f32 $1.131370830e+01, v15;
	v14 =	vld [tilespmem:s1+$0x1F0]  }
0x13c: {  	v8 =	vmul.f32 $1.131370830e+01, v1;
	v15 =	vld [tilespmem:s1+$0x50];
	[tilespmem:s1+$0x100] =	vst v0;
	v0 =	vmul.f32 $1.131370830e+01, v16  }
0x13d: {  	v19 =	vld [tilespmem:s1+$0x20];
	v6 =	vmul.f32 $1.131370830e+01, v12;
	[tilespmem:s1+$0x110] =	vst v9;
	v9 =	vmul.f32 $1.131370830e+01, v11  }
0x13e: {  	v22 =	vld [tilespmem:s1+$0x1B0];
	v1 =	vmul.f32 $1.131370830e+01, v21;
	[tilespmem:s1+$0x120] =	vst v0;
	v0 =	vmul.f32 $1.131370830e+01, v13  }
0x13f: {  	v16 =	vld [tilespmem:s1+$0x40];
	v13 =	vmul.f32 $1.131370830e+01, v7;
	[tilespmem:s1+$0x130] =	vst v9;
	v7 =	vmul.f32 $1.131370830e+01, v10  }
0x140: {  	v11 =	vld [tilespmem:s1+$0x190];
	v9 =	vmul.f32 $1.131370830e+01, v2;
	v10 =	vmul.f32 $1.131370830e+01, v3;
	[tilespmem:s1+$0x140] =	vst v0  }
0x141: {  	v12 =	vld [tilespmem:s1+$0x1C0];
	v3 =	vmul.f32 $1.131370830e+01, v15;
	v0 =	vmul.f32 $1.131370830e+01, v14;
	[tilespmem:s1+$0xD0] =	vst v13  }
0x142: {  	v2 =	vmul.f32 $1.131370830e+01, v18;
	v14 =	vmul.f32 $1.131370830e+01, v4;
	v13 =	vld [tilespmem:s1+$0x180];
	[tilespmem:s1+$0x150] =	vst v7  }
0x143: {  	v15 =	vld [tilespmem:s1+$0x170];
	v4 =	vmul.f32 $1.131370830e+01, v19;
	v7 =	vmul.f32 $1.131370830e+01, v5;
	[tilespmem:s1+$0x1F0] =	vst v0  }
0x144: {  	s17 =	simm.s32 $0xE600;
	s0 =	simm.s32 $0x0;
	v5 =	vmul.f32 $1.131370830e+01, v22;
	v0 =	vmul.f32 $1.131370830e+01, v16;
	[tilespmem:s1+$0xB0] =	vst v14;
	v14 =	vld [tilespmem:s1+$0x160]  }
.LBB2_9:
0x145: {  	v16 =	vld [tilespmem:s17+$0x1A0];
	s0 =	sadd.s32 $0x4, s0;
	[tilespmem:s1+$0xA0] =	vst v8;
	v8 =	vmul.f32 $1.131370830e+01, v11  }
0x146: {  	v11 =	vld [tilespmem:s17+$0xA0];
	p0 =	slt.u32 s0, $0xFC;
	[tilespmem:s1+$0x90] =	vst v9;
	v9 =	vmul.f32 $1.131370830e+01, v12  }
0x147: {  	v12 =	vld [tilespmem:s17+$0x90];
	[tilespmem:s1+$0x80] =	vst v10;
	v10 =	vmul.f32 $1.131370830e+01, v13  }
0x148: {  	v13 =	vld [tilespmem:s17+$0x80];
	v15 =	vmul.f32 $1.131370830e+01, v15;
	[tilespmem:s1+$0x1C0] =	vst v9  }
0x149: {  	v9 =	vld [tilespmem:s17+$0xB0];
	[tilespmem:s1+$0x70] =	vst v7;
	v7 =	vmul.f32 $1.131370830e+01, v14  }
0x14a: {  	v14 =	vld [tilespmem:s17+$0x70];
	v16 =	vmul.f32 $1.131370830e+01, v16;
	[tilespmem:s1+$0x180] =	vst v10  }
0x14b: {  	v10 =	vld [tilespmem:s17+$0xC0];
	[tilespmem:s1+$0x60] =	vst v6  }
0x14c: {  	v6 =	vld [tilespmem:s17+$0x60];
	[tilespmem:s1+$0x170] =	vst v15  }
0x14d: {  	v15 =	vld [tilespmem:s17+$0xD0];
	[tilespmem:s1+$0x50] =	vst v3  }
0x14e: {  	v3 =	vld [tilespmem:s17+$0xE0];
	[tilespmem:s1+$0x160] =	vst v7  }
0x14f: {  	v7 =	vld [tilespmem:s17+$0x1D0];
	[tilespmem:s1+$0x40] =	vst v0  }
0x150: {  	v0 =	vld [tilespmem:s17+$0x1E0];
	[tilespmem:s1+$0x30] =	vst v2  }
0x151: {  	v2 =	vld [tilespmem:s17+$0x0];
	[tilespmem:s1+$0x20] =	vst v4  }
0x152: {  	v4 =	vld [tilespmem:s17+$0xF0];
	[tilespmem:s1+$0x190] =	vst v8  }
0x153: {  	v8 =	vld [tilespmem:s17+$0x100];
	[tilespmem:s1+$0x10] =	vst v1  }
0x154: {  	v1 =	vld [tilespmem:s17+$0x110];
	v7 =	vmul.f32 $1.131370830e+01, v7;
	[tilespmem:s1+$0x1B0] =	vst v5;
	s1 =	smov.u32 s17  }
0x155: {  	v5 =	vld [tilespmem:s17+$0x120];
	[tilespmem:s17+$0x1A0] =	vst v16;
	v0 =	vmul.f32 $1.131370830e+01, v0  }
0x156: {  	v16 =	vmul.f32 $1.131370830e+01, v3;
	v2 =	vmul.f32 $1.131370830e+01, v2;
	v3 =	vld [tilespmem:s17+$0x130];
	[tilespmem:s17+$0x1D0] =	vst v7  }
0x157: {  	v15 =	vmul.f32 $1.131370830e+01, v15;
	v4 =	vmul.f32 $1.131370830e+01, v4;
	v7 =	vld [tilespmem:s17+$0x140];
	[tilespmem:s17+$0x1E0] =	vst v0  }
0x158: {  	v17 =	vmul.f32 $1.131370830e+01, v10;
	[tilespmem:s17+$0x0] =	vst v2;
	v0 =	vmul.f32 $1.131370830e+01, v8;
	v2 =	vld [tilespmem:s17+$0x150]  }
0x159: {  	v18 =	vmul.f32 $1.131370830e+01, v9;
	[tilespmem:s17+$0xF0] =	vst v4;
	v1 =	vmul.f32 $1.131370830e+01, v1;
	v4 =	vld [tilespmem:s17+$0x1F0]  }
0x15a: {  	v8 =	vmul.f32 $1.131370830e+01, v11;
	v19 =	vld [tilespmem:s17+$0x50];
	[tilespmem:s17+$0x100] =	vst v0;
	v0 =	vmul.f32 $1.131370830e+01, v5  }
0x15b: {  	v9 =	vmul.f32 $1.131370830e+01, v12;
	v5 =	vld [tilespmem:s17+$0x40];
	[tilespmem:s17+$0x110] =	vst v1;
	v1 =	vmul.f32 $1.131370830e+01, v3  }
0x15c: {  	v10 =	vmul.f32 $1.131370830e+01, v13;
	v12 =	vld [tilespmem:s17+$0x30];
	[tilespmem:s17+$0x120] =	vst v0;
	v0 =	vmul.f32 $1.131370830e+01, v7  }
0x15d: {  	v7 =	vmul.f32 $1.131370830e+01, v14;
	v13 =	vld [tilespmem:s17+$0x20];
	[tilespmem:s17+$0x130] =	vst v1;
	v1 =	vmul.f32 $1.131370830e+01, v2  }
0x15e: {  	v6 =	vmul.f32 $1.131370830e+01, v6;
	v14 =	vld [tilespmem:s17+$0x10];
	[tilespmem:s17+$0x140] =	vst v0;
	v2 =	vmul.f32 $1.131370830e+01, v4  }
0x15f: {  	v3 =	vmul.f32 $1.131370830e+01, v19;
	[tilespmem:s17+$0x150] =	vst v1;
	v19 =	vld [tilespmem:s17+$0x1B0]  }
.Ltmp3:
0x160: {  	v0 =	vmul.f32 $1.131370830e+01, v5;
	v11 =	vld [tilespmem:s17+$0x190];
	[tilespmem:s17+$0x1F0] =	vst v2;
	(pc) =	sbr.rel @p0 .LBB2_9-.Ltmp3, $4  }
0x161: {  	v2 =	vmul.f32 $1.131370830e+01, v12;
	[tilespmem:s17+$0xE0] =	vst v16;
	v12 =	vld [tilespmem:s17+$0x1C0]  }
0x162: {  	v4 =	vmul.f32 $1.131370830e+01, v13;
	[tilespmem:s17+$0xD0] =	vst v15;
	v13 =	vld [tilespmem:s17+$0x180]  }
0x163: {  	v1 =	vmul.f32 $1.131370830e+01, v14;
	[tilespmem:s17+$0xC0] =	vst v17;
	v15 =	vld [tilespmem:s17+$0x170]  }
0x164: {  	s17 =	sadd.s32 $0x200, s17;
	[tilespmem:s1+$0xB0] =	vst v18;
	v14 =	vld [tilespmem:s1+$0x160];
	v5 =	vmul.f32 $1.131370830e+01, v19  }
0x165: {  	[tilespmem:s1+$0xA0] =	vst v8  }
0x166: {  	[tilespmem:s1+$0x90] =	vst v9  }
0x167: {  	[tilespmem:s1+$0x80] =	vst v10  }
0x168: {  	[tilespmem:s1+$0x70] =	vst v7  }
0x169: {  	[tilespmem:s1+$0x60] =	vst v6  }
0x16a: {  	[tilespmem:s1+$0x50] =	vst v3  }
0x16b: {  	[tilespmem:s1+$0x40] =	vst v0  }
0x16c: {  	[tilespmem:s1+$0x30] =	vst v2  }
0x16d: {  	[tilespmem:s1+$0x20] =	vst v4  }
0x16e: {  	v63 =	vmul.f32 $1.131370830e+01, v11;
	[tilespmem:s1+$0x10] =	vst v1  }
0x16f: {  	s30 =	sadd.s32 $0x1, s30;
	v59 =	vmul.f32 $1.131370830e+01, v12;
	[tilespmem:s1+$0x1B0] =	vst v5  }
0x170: {  	p0 =	sne.s32 s30, $0x31;
	v60 =	vmul.f32 $1.131370830e+01, v13;
	[tilespmem:s1+$0x190] =	vst v63  }
.Ltmp4:
0x171: {  	s0 =	sshll.u32 s31, $0xF;
	[tilespmem:s1+$0x1C0] =	vst v59;
	v61 =	vmul.f32 $1.131370830e+01, v15;
	(pc) =	sbr.rel @p0 .LBB2_6-.Ltmp4, $4  }
0x172: {  	s0 =	sadd.s32 s5, s0;
	[tilespmem:s1+$0x180] =	vst v60;
	v62 =	vmul.f32 $1.131370830e+01, v14  }
0x173: {  	s0 =	sshrl.u32 s0, $0x3;
	[tilespmem:s1+$0x170] =	vst v61  }
0x174: {  	s0 =	sadd.s32 s3, s0;
	[tilespmem:s1+$0x160] =	vst v62  }
0x175: {  	[hbm4b:s0+s4] =	stream.linear.scatter [tilespmem:s18], [sflag:$0x4], $0x8000, $0x38;
	[tilespmem:$0x16400] =	vst v63  }
0x176: {  	_ =	swait.ge [sflag:s16], $0x4000  }
0x177: {  	[sflag:s16] =	ssyncset.done $0x0  }
0x178: {  	[sflag:s16] =	ssyncadd.s32 $0xFFFFC000  }
0x179: {  	_ =	swait.ge [sflag:s16], $0x4000  }
0x17a: {  	[sflag:s16] =	ssyncset.done $0x0  }
0x17b: {  	[sflag:s16] =	ssyncadd.s32 $0xFFFFC000  }
0x17c: {  	_ =	swait.ge [sflag:s25], $0x8000  }
0x17d: {  	[sflag:s25] =	ssyncset.done $0x0  }
0x17e: {  	[sflag:s25] =	ssyncadd.s32 $0xFFFF8000  }
0x17f: {  	[tilespmem:s18], [sflag:$0x2] =	stream.indirect.gather [hbm4b:s2+s13], $0x80, s26, s13, $0xb8;
	[tilespmem:$0x16400] =	vst v63  }
0x180: {  	s1 =	simm.s32 $0x6500  }
0x181: {  	[tilespmem:s20], [sflag:$0x2] =	stream.indirect.gather [hbm4b:s2+s13], $0x80, s28, s13, $0xb8;
	[tilespmem:$0x16400] =	vst v63  }
0x182: {  	v0 =	vld [tilespmem:s1+$0xFFFFFF00]  }
0x183: {  	v1 =	vld [tilespmem:s1+$0xFFFFFF10]  }
0x184: {  	v2 =	vld [tilespmem:s1+$0xFFFFFF20]  }
0x185: {  	v3 =	vld [tilespmem:s1+$0xFFFFFF30]  }
0x186: {  	v4 =	vld [tilespmem:s1+$0xFFFFFF40]  }
0x187: {  	v5 =	vld [tilespmem:s1+$0xFFFFFF50];
	v0 =	vmul.f32 $1.131370830e+01, v0  }
0x188: {  	v6 =	vld [tilespmem:s1+$0xFFFFFF60];
	v1 =	vmul.f32 $1.131370830e+01, v1  }
0x189: {  	[tilespmem:s1+$0xFFFFFF00] =	vst v0;
	v0 =	vmul.f32 $1.131370830e+01, v2;
	v2 =	vld [tilespmem:s1+$0xFFFFFF70]  }
0x18a: {  	[tilespmem:s1+$0xFFFFFF10] =	vst v1;
	v1 =	vmul.f32 $1.131370830e+01, v3;
	v3 =	vld [tilespmem:s1+$0xFFFFFF80]  }
0x18b: {  	[tilespmem:s1+$0xFFFFFF20] =	vst v0;
	v0 =	vmul.f32 $1.131370830e+01, v4;
	v4 =	vld [tilespmem:s1+$0xFFFFFF90]  }
0x18c: {  	[tilespmem:s1+$0xFFFFFF30] =	vst v1;
	v1 =	vmul.f32 $1.131370830e+01, v5;
	v5 =	vld [tilespmem:s1+$0xFFFFFFA0]  }
0x18d: {  	[tilespmem:s1+$0xFFFFFF40] =	vst v0;
	v0 =	vmul.f32 $1.131370830e+01, v6;
	v6 =	vld [tilespmem:s1+$0xFFFFFFB0]  }
0x18e: {  	[tilespmem:s1+$0xFFFFFF50] =	vst v1;
	v1 =	vmul.f32 $1.131370830e+01, v2;
	v2 =	vld [tilespmem:s1+$0xFFFFFFC0]  }
0x18f: {  	[tilespmem:s1+$0xFFFFFF60] =	vst v0;
	v0 =	vmul.f32 $1.131370830e+01, v3;
	v3 =	vld [tilespmem:s1+$0xFFFFFFD0]  }
0x190: {  	[tilespmem:s1+$0xFFFFFF70] =	vst v1;
	v1 =	vmul.f32 $1.131370830e+01, v4;
	v4 =	vld [tilespmem:s1+$0xFFFFFFE0]  }
0x191: {  	[tilespmem:s1+$0xFFFFFF80] =	vst v0;
	v0 =	vmul.f32 $1.131370830e+01, v5;
	v5 =	vld [tilespmem:s1+$0x0]  }
0x192: {  	[tilespmem:s1+$0xFFFFFF90] =	vst v1;
	v1 =	vmul.f32 $1.131370830e+01, v6;
	v6 =	vld [tilespmem:s1+$0x10]  }
0x193: {  	[tilespmem:s1+$0xFFFFFFA0] =	vst v0;
	v0 =	vmul.f32 $1.131370830e+01, v2;
	v2 =	vld [tilespmem:s1+$0x20]  }
0x194: {  	[tilespmem:s1+$0xFFFFFFB0] =	vst v1;
	v1 =	vmul.f32 $1.131370830e+01, v3;
	v3 =	vld [tilespmem:s1+$0x30]  }
0x195: {  	[tilespmem:s1+$0xFFFFFFC0] =	vst v0;
	v0 =	vmul.f32 $1.131370830e+01, v4;
	v4 =	vld [tilespmem:s1+$0x40]  }
0x196: {  	[tilespmem:s1+$0xFFFFFFD0] =	vst v1;
	v1 =	vmul.f32 $1.131370830e+01, v5;
	v5 =	vld [tilespmem:s1+$0x50]  }
0x197: {  	[tilespmem:s1+$0xFFFFFFE0] =	vst v0;
	v0 =	vmul.f32 $1.131370830e+01, v6;
	v6 =	vld [tilespmem:s1+$0x60]  }
0x198: {  	[tilespmem:s1+$0x0] =	vst v1;
	v1 =	vmul.f32 $1.131370830e+01, v2;
	v2 =	vld [tilespmem:s1+$0x70]  }
0x199: {  	[tilespmem:s1+$0x10] =	vst v0;
	v0 =	vmul.f32 $1.131370830e+01, v3;
	v3 =	vld [tilespmem:s1+$0x80]  }
0x19a: {  	[tilespmem:s1+$0x20] =	vst v1;
	v1 =	vmul.f32 $1.131370830e+01, v4;
	v4 =	vld [tilespmem:s1+$0x90]  }
0x19b: {  	[tilespmem:s1+$0x30] =	vst v0;
	v0 =	vmul.f32 $1.131370830e+01, v5;
	v5 =	vld [tilespmem:s1+$0xA0]  }
0x19c: {  	[tilespmem:s1+$0x40] =	vst v1;
	v1 =	vmul.f32 $1.131370830e+01, v6;
	v6 =	vld [tilespmem:s1+$0xB0]  }
0x19d: {  	[tilespmem:s1+$0x50] =	vst v0;
	v2 =	vmul.f32 $1.131370830e+01, v2;
	v0 =	vld [tilespmem:s1+$0xC0]  }
0x19e: {  	[tilespmem:s1+$0x60] =	vst v1;
	v3 =	vmul.f32 $1.131370830e+01, v3;
	v1 =	vld [tilespmem:s1+$0xD0]  }
0x19f: {  	[tilespmem:s1+$0x70] =	vst v2;
	v7 =	vmul.f32 $1.131370830e+01, v4;
	v2 =	vld [tilespmem:s1+$0xE0]  }
0x1a0: {  	[tilespmem:s1+$0x80] =	vst v3;
	v3 =	vld [tilespmem:s1+$0xF0];
	v5 =	vmul.f32 $1.131370830e+01, v5  }
0x1a1: {  	s0 =	simm.s32 $0x0;
	s17 =	simm.s32 $0x6700;
	v4 =	vld [tilespmem:s1+$0xFFFFFFF0];
	[tilespmem:s1+$0x90] =	vst v7;
	v6 =	vmul.f32 $1.131370830e+01, v6  }
.LBB2_12:
0x1a2: {  	v7 =	vld [tilespmem:s17+$0xFFFFFF00];
	[tilespmem:s1+$0xA0] =	vst v5;
	v0 =	vmul.f32 $1.131370830e+01, v0  }
0x1a3: {  	v5 =	vld [tilespmem:s17+$0xFFFFFF10];
	[tilespmem:s1+$0xB0] =	vst v6;
	v1 =	vmul.f32 $1.131370830e+01, v1  }
0x1a4: {  	v6 =	vld [tilespmem:s17+$0xFFFFFF20];
	[tilespmem:s1+$0xC0] =	vst v0;
	v0 =	vmul.f32 $1.131370830e+01, v2  }
0x1a5: {  	v2 =	vld [tilespmem:s17+$0xFFFFFF30];
	[tilespmem:s1+$0xD0] =	vst v1;
	v1 =	vmul.f32 $1.131370830e+01, v3  }
0x1a6: {  	v3 =	vld [tilespmem:s17+$0xFFFFFF40];
	v4 =	vmul.f32 $1.131370830e+01, v4;
	[tilespmem:s1+$0xE0] =	vst v0  }
0x1a7: {  	v0 =	vmul.f32 $1.131370830e+01, v7;
	v7 =	vld [tilespmem:s17+$0xFFFFFF50];
	[tilespmem:s1+$0xF0] =	vst v1  }
0x1a8: {  	v1 =	vmul.f32 $1.131370830e+01, v5;
	v5 =	vld [tilespmem:s17+$0xFFFFFF60];
	[tilespmem:s1+$0xFFFFFFF0] =	vst v4;
	s1 =	smov.u32 s17  }
0x1a9: {  	[tilespmem:s17+$0xFFFFFF00] =	vst v0;
	v0 =	vmul.f32 $1.131370830e+01, v6;
	v4 =	vld [tilespmem:s17+$0xFFFFFF70]  }
0x1aa: {  	[tilespmem:s17+$0xFFFFFF10] =	vst v1;
	v1 =	vmul.f32 $1.131370830e+01, v2;
	v2 =	vld [tilespmem:s17+$0xFFFFFF80]  }
0x1ab: {  	[tilespmem:s17+$0xFFFFFF20] =	vst v0;
	v0 =	vmul.f32 $1.131370830e+01, v3;
	v3 =	vld [tilespmem:s17+$0xFFFFFF90]  }
0x1ac: {  	[tilespmem:s17+$0xFFFFFF30] =	vst v1;
	v1 =	vmul.f32 $1.131370830e+01, v7;
	v6 =	vld [tilespmem:s17+$0xFFFFFFA0]  }
0x1ad: {  	[tilespmem:s17+$0xFFFFFF40] =	vst v0;
	v0 =	vmul.f32 $1.131370830e+01, v5;
	v5 =	vld [tilespmem:s17+$0xFFFFFFB0]  }
0x1ae: {  	[tilespmem:s17+$0xFFFFFF50] =	vst v1;
	v1 =	vmul.f32 $1.131370830e+01, v4;
	v4 =	vld [tilespmem:s17+$0xFFFFFFC0]  }
0x1af: {  	[tilespmem:s17+$0xFFFFFF60] =	vst v0;
	v0 =	vmul.f32 $1.131370830e+01, v2;
	v2 =	vld [tilespmem:s17+$0xFFFFFFD0]  }
0x1b0: {  	[tilespmem:s17+$0xFFFFFF70] =	vst v1;
	v1 =	vmul.f32 $1.131370830e+01, v3;
	v3 =	vld [tilespmem:s17+$0xFFFFFFE0]  }
0x1b1: {  	[tilespmem:s17+$0xFFFFFF80] =	vst v0;
	v0 =	vmul.f32 $1.131370830e+01, v6;
	v6 =	vld [tilespmem:s17+$0x0]  }
0x1b2: {  	[tilespmem:s17+$0xFFFFFF90] =	vst v1;
	v1 =	vmul.f32 $1.131370830e+01, v5;
	v5 =	vld [tilespmem:s17+$0x10]  }
0x1b3: {  	[tilespmem:s17+$0xFFFFFFA0] =	vst v0;
	v0 =	vmul.f32 $1.131370830e+01, v4;
	v4 =	vld [tilespmem:s17+$0x20]  }
0x1b4: {  	[tilespmem:s17+$0xFFFFFFB0] =	vst v1;
	v1 =	vmul.f32 $1.131370830e+01, v2;
	v2 =	vld [tilespmem:s17+$0x30]  }
0x1b5: {  	[tilespmem:s17+$0xFFFFFFC0] =	vst v0;
	v0 =	vmul.f32 $1.131370830e+01, v3;
	v3 =	vld [tilespmem:s17+$0x40]  }
0x1b6: {  	[tilespmem:s17+$0xFFFFFFD0] =	vst v1;
	v1 =	vmul.f32 $1.131370830e+01, v6;
	v6 =	vld [tilespmem:s17+$0x50]  }
0x1b7: {  	[tilespmem:s17+$0xFFFFFFE0] =	vst v0;
	v0 =	vmul.f32 $1.131370830e+01, v5;
	v5 =	vld [tilespmem:s17+$0x60]  }
0x1b8: {  	[tilespmem:s17+$0x0] =	vst v1;
	v1 =	vmul.f32 $1.131370830e+01, v4;
	v4 =	vld [tilespmem:s17+$0x70]  }
0x1b9: {  	[tilespmem:s17+$0x10] =	vst v0;
	v0 =	vmul.f32 $1.131370830e+01, v2;
	v2 =	vld [tilespmem:s17+$0x80]  }
0x1ba: {  	[tilespmem:s17+$0x20] =	vst v1;
	v1 =	vmul.f32 $1.131370830e+01, v3;
	v3 =	vld [tilespmem:s17+$0x90]  }
0x1bb: {  	s0 =	sadd.s32 $0x4, s0;
	[tilespmem:s17+$0x30] =	vst v0;
	v0 =	vmul.f32 $1.131370830e+01, v6;
	v6 =	vld [tilespmem:s17+$0xA0]  }
0x1bc: {  	p0 =	slt.u32 s0, $0xFC;
	[tilespmem:s17+$0x40] =	vst v1;
	v1 =	vmul.f32 $1.131370830e+01, v5;
	v7 =	vld [tilespmem:s17+$0xB0]  }
.Ltmp5:
0x1bd: {  	[tilespmem:s17+$0x50] =	vst v0;
	v4 =	vmul.f32 $1.131370830e+01, v4;
	v0 =	vld [tilespmem:s17+$0xC0];
	(pc) =	sbr.rel @p0 .LBB2_12-.Ltmp5, $4  }
0x1be: {  	[tilespmem:s17+$0x60] =	vst v1;
	v5 =	vmul.f32 $1.131370830e+01, v2;
	v1 =	vld [tilespmem:s17+$0xD0]  }
0x1bf: {  	[tilespmem:s17+$0x70] =	vst v4;
	v8 =	vmul.f32 $1.131370830e+01, v3;
	v2 =	vld [tilespmem:s17+$0xE0]  }
0x1c0: {  	[tilespmem:s17+$0x80] =	vst v5;
	v5 =	vmul.f32 $1.131370830e+01, v6;
	v3 =	vld [tilespmem:s17+$0xF0]  }
0x1c1: {  	s17 =	sadd.s32 $0x200, s17;
	v4 =	vld [tilespmem:s1+$0xFFFFFFF0];
	[tilespmem:s1+$0x90] =	vst v8;
	v6 =	vmul.f32 $1.131370830e+01, v7  }
0x1c2: {  	[tilespmem:s1+$0xA0] =	vst v5;
	v0 =	vmul.f32 $1.131370830e+01, v0  }
0x1c3: {  	[tilespmem:s1+$0xB0] =	vst v6;
	v1 =	vmul.f32 $1.131370830e+01, v1  }
0x1c4: {  	[tilespmem:s1+$0xC0] =	vst v0;
	v0 =	vmul.f32 $1.131370830e+01, v2  }
0x1c5: {  	[tilespmem:s1+$0xD0] =	vst v1;
	v1 =	vmul.f32 $1.131370830e+01, v3  }
0x1c6: {  	v2 =	vmul.f32 $1.131370830e+01, v4;
	[tilespmem:s1+$0xE0] =	vst v0  }
0x1c7: {  	[tilespmem:s1+$0xF0] =	vst v1  }
0x1c8: {  	[tilespmem:s1+$0xFFFFFFF0] =	vst v2  }
0x1c9: {  	[hbm4b:s9+s4] =	stream.linear.scatter [tilespmem:s14], [sflag:$0x3], $0x8000, $0x38;
	[tilespmem:$0x16400] =	vst v63  }
0x1ca: {  	_ =	swait.ge [sflag:s21], $0x4000  }
0x1cb: {  	[sflag:s21] =	ssyncset.done $0x0  }
0x1cc: {  	[sflag:s21] =	ssyncadd.s32 $0xFFFFC000  }
0x1cd: {  	_ =	swait.ge [sflag:s21], $0x4000  }
0x1ce: {  	[sflag:s21] =	ssyncset.done $0x0  }
0x1cf: {  	s1 =	simm.s32 $0xE400;
	[sflag:s21] =	ssyncadd.s32 $0xFFFFC000  }
0x1d0: {  	v0 =	vld [tilespmem:s1+$0x1A0]  }
0x1d1: {  	v1 =	vld [tilespmem:s1+$0xA0]  }
0x1d2: {  	v2 =	vld [tilespmem:s1+$0x90]  }
0x1d3: {  	v3 =	vld [tilespmem:s1+$0x80]  }
0x1d4: {  	v4 =	vld [tilespmem:s1+$0xB0]  }
0x1d5: {  	v5 =	vld [tilespmem:s1+$0x70]  }
0x1d6: {  	v6 =	vld [tilespmem:s1+$0xC0]  }
0x1d7: {  	v12 =	vld [tilespmem:s1+$0x60]  }
0x1d8: {  	v7 =	vld [tilespmem:s1+$0xD0]  }
0x1d9: {  	v8 =	vld [tilespmem:s1+$0xE0]  }
0x1da: {  	v9 =	vld [tilespmem:s1+$0x1D0]  }
0x1db: {  	v10 =	vld [tilespmem:s1+$0x1E0]  }
0x1dc: {  	v11 =	vld [tilespmem:s1+$0x0]  }
0x1dd: {  	v13 =	vld [tilespmem:s1+$0xF0]  }
0x1de: {  	v14 =	vld [tilespmem:s1+$0x100];
	v0 =	vmul.f32 $1.131370830e+01, v0  }
0x1df: {  	v15 =	vld [tilespmem:s1+$0x110];
	v9 =	vmul.f32 $1.131370830e+01, v9  }
0x1e0: {  	v16 =	vld [tilespmem:s1+$0x120];
	v17 =	vmul.f32 $1.131370830e+01, v8;
	[tilespmem:s1+$0x1A0] =	vst v0  }
0x1e1: {  	v18 =	vld [tilespmem:s1+$0x30];
	v6 =	vmul.f32 $1.131370830e+01, v6;
	[tilespmem:s1+$0x1D0] =	vst v9  }
0x1e2: {  	v21 =	vld [tilespmem:s1+$0x1B0];
	v0 =	vmul.f32 $1.131370830e+01, v10;
	[tilespmem:s1+$0xE0] =	vst v17  }
0x1e3: {  	v10 =	vmul.f32 $1.131370830e+01, v11;
	v11 =	vld [tilespmem:s1+$0x130];
	[tilespmem:s1+$0xC0] =	vst v6  }
0x1e4: {  	v9 =	vmul.f32 $1.131370830e+01, v13;
	v13 =	vld [tilespmem:s1+$0x140];
	[tilespmem:s1+$0x1E0] =	vst v0  }
0x1e5: {  	[tilespmem:s1+$0x0] =	vst v10;
	v0 =	vmul.f32 $1.131370830e+01, v14;
	v10 =	vld [tilespmem:s1+$0x150]  }
0x1e6: {  	[tilespmem:s1+$0xF0] =	vst v9;
	v9 =	vmul.f32 $1.131370830e+01, v15;
	v14 =	vld [tilespmem:s1+$0x1F0]  }
0x1e7: {  	v19 =	vld [tilespmem:s1+$0x20];
	v8 =	vmul.f32 $1.131370830e+01, v1;
	[tilespmem:s1+$0x100] =	vst v0;
	v0 =	vmul.f32 $1.131370830e+01, v16  }
0x1e8: {  	v20 =	vld [tilespmem:s1+$0x10];
	v1 =	vmul.f32 $1.131370830e+01, v18;
	[tilespmem:s1+$0x110] =	vst v9;
	v9 =	vmul.f32 $1.131370830e+01, v11  }
0x1e9: {  	v6 =	vmul.f32 $1.131370830e+01, v21;
	v15 =	vld [tilespmem:s1+$0x50];
	[tilespmem:s1+$0x120] =	vst v0;
	v0 =	vmul.f32 $1.131370830e+01, v13  }
0x1ea: {  	v16 =	vld [tilespmem:s1+$0x40];
	v13 =	vmul.f32 $1.131370830e+01, v7;
	[tilespmem:s1+$0x130] =	vst v9;
	v7 =	vmul.f32 $1.131370830e+01, v10  }
0x1eb: {  	v11 =	vld [tilespmem:s1+$0x190];
	v9 =	vmul.f32 $1.131370830e+01, v2;
	[tilespmem:s1+$0x140] =	vst v0;
	v0 =	vmul.f32 $1.131370830e+01, v14  }
0x1ec: {  	[tilespmem:s1+$0x150] =	vst v7;
	v7 =	vmul.f32 $1.131370830e+01, v5;
	v5 =	vmul.f32 $1.131370830e+01, v12;
	v12 =	vld [tilespmem:s1+$0x1C0]  }
0x1ed: {  	v10 =	vmul.f32 $1.131370830e+01, v3;
	v14 =	vmul.f32 $1.131370830e+01, v4;
	[tilespmem:s1+$0xD0] =	vst v13;
	v13 =	vld [tilespmem:s1+$0x180]  }
0x1ee: {  	v2 =	vmul.f32 $1.131370830e+01, v15;
	v3 =	vmul.f32 $1.131370830e+01, v19;
	v15 =	vld [tilespmem:s1+$0x170];
	[tilespmem:s1+$0x1F0] =	vst v0  }
0x1ef: {  	s0 =	simm.s32 $0x0;
	s17 =	simm.s32 $0xE600;
	v4 =	vmul.f32 $1.131370830e+01, v20;
	v0 =	vmul.f32 $1.131370830e+01, v16;
	[tilespmem:s1+$0xB0] =	vst v14;
	v14 =	vld [tilespmem:s1+$0x160]  }
.LBB2_14:
0x1f0: {  	v16 =	vld [tilespmem:s17+$0x1A0];
	s0 =	sadd.s32 $0x4, s0;
	[tilespmem:s1+$0xA0] =	vst v8;
	v8 =	vmul.f32 $1.131370830e+01, v11  }
0x1f1: {  	v11 =	vld [tilespmem:s17+$0xA0];
	p0 =	slt.u32 s0, $0xFC;
	[tilespmem:s1+$0x90] =	vst v9;
	v9 =	vmul.f32 $1.131370830e+01, v12  }
0x1f2: {  	v12 =	vld [tilespmem:s17+$0x90];
	[tilespmem:s1+$0x80] =	vst v10;
	v10 =	vmul.f32 $1.131370830e+01, v13  }
0x1f3: {  	v13 =	vld [tilespmem:s17+$0x80];
	v15 =	vmul.f32 $1.131370830e+01, v15;
	[tilespmem:s1+$0x1C0] =	vst v9  }
0x1f4: {  	v9 =	vld [tilespmem:s17+$0xB0];
	[tilespmem:s1+$0x70] =	vst v7;
	v7 =	vmul.f32 $1.131370830e+01, v14  }
0x1f5: {  	v14 =	vld [tilespmem:s17+$0x70];
	v16 =	vmul.f32 $1.131370830e+01, v16;
	[tilespmem:s1+$0x180] =	vst v10  }
0x1f6: {  	v10 =	vld [tilespmem:s17+$0xC0];
	[tilespmem:s1+$0x60] =	vst v5  }
0x1f7: {  	v5 =	vld [tilespmem:s17+$0x60];
	[tilespmem:s1+$0x170] =	vst v15  }
0x1f8: {  	v15 =	vld [tilespmem:s17+$0xD0];
	[tilespmem:s1+$0x50] =	vst v2  }
0x1f9: {  	v2 =	vld [tilespmem:s17+$0xE0];
	[tilespmem:s1+$0x160] =	vst v7  }
0x1fa: {  	v7 =	vld [tilespmem:s17+$0x1D0];
	[tilespmem:s1+$0x40] =	vst v0  }
0x1fb: {  	v0 =	vld [tilespmem:s17+$0x1E0];
	[tilespmem:s1+$0x30] =	vst v1  }
0x1fc: {  	v1 =	vld [tilespmem:s17+$0x0];
	[tilespmem:s1+$0x20] =	vst v3  }
0x1fd: {  	v3 =	vld [tilespmem:s17+$0xF0];
	[tilespmem:s1+$0x190] =	vst v8  }
0x1fe: {  	v8 =	vld [tilespmem:s17+$0x100];
	[tilespmem:s1+$0x10] =	vst v4  }
0x1ff: {  	v4 =	vld [tilespmem:s17+$0x110];
	v7 =	vmul.f32 $1.131370830e+01, v7;
	[tilespmem:s1+$0x1B0] =	vst v6;
	s1 =	smov.u32 s17  }
0x200: {  	v6 =	vld [tilespmem:s17+$0x120];
	[tilespmem:s17+$0x1A0] =	vst v16;
	v0 =	vmul.f32 $1.131370830e+01, v0  }
0x201: {  	v16 =	vmul.f32 $1.131370830e+01, v2;
	v1 =	vmul.f32 $1.131370830e+01, v1;
	v2 =	vld [tilespmem:s17+$0x130];
	[tilespmem:s17+$0x1D0] =	vst v7  }
0x202: {  	v15 =	vmul.f32 $1.131370830e+01, v15;
	v3 =	vmul.f32 $1.131370830e+01, v3;
	v7 =	vld [tilespmem:s17+$0x140];
	[tilespmem:s17+$0x1E0] =	vst v0  }
0x203: {  	v17 =	vmul.f32 $1.131370830e+01, v10;
	[tilespmem:s17+$0x0] =	vst v1;
	v0 =	vmul.f32 $1.131370830e+01, v8;
	v1 =	vld [tilespmem:s17+$0x150]  }
0x204: {  	v18 =	vmul.f32 $1.131370830e+01, v9;
	[tilespmem:s17+$0xF0] =	vst v3;
	v3 =	vmul.f32 $1.131370830e+01, v4;
	v4 =	vld [tilespmem:s17+$0x1F0]  }
0x205: {  	v8 =	vmul.f32 $1.131370830e+01, v11;
	v19 =	vld [tilespmem:s17+$0x50];
	[tilespmem:s17+$0x100] =	vst v0;
	v0 =	vmul.f32 $1.131370830e+01, v6  }
0x206: {  	v9 =	vmul.f32 $1.131370830e+01, v12;
	v6 =	vld [tilespmem:s17+$0x40];
	[tilespmem:s17+$0x110] =	vst v3;
	v2 =	vmul.f32 $1.131370830e+01, v2  }
0x207: {  	v10 =	vmul.f32 $1.131370830e+01, v13;
	v3 =	vld [tilespmem:s17+$0x30];
	[tilespmem:s17+$0x120] =	vst v0;
	v0 =	vmul.f32 $1.131370830e+01, v7  }
0x208: {  	v7 =	vmul.f32 $1.131370830e+01, v14;
	v13 =	vld [tilespmem:s17+$0x20];
	[tilespmem:s17+$0x130] =	vst v2;
	v1 =	vmul.f32 $1.131370830e+01, v1  }
0x209: {  	v5 =	vmul.f32 $1.131370830e+01, v5;
	v14 =	vld [tilespmem:s17+$0x10];
	[tilespmem:s17+$0x140] =	vst v0;
	v4 =	vmul.f32 $1.131370830e+01, v4  }
0x20a: {  	v2 =	vmul.f32 $1.131370830e+01, v19;
	[tilespmem:s17+$0x150] =	vst v1;
	v19 =	vld [tilespmem:s17+$0x1B0]  }
.Ltmp6:
0x20b: {  	v0 =	vmul.f32 $1.131370830e+01, v6;
	v11 =	vld [tilespmem:s17+$0x190];
	[tilespmem:s17+$0x1F0] =	vst v4;
	(pc) =	sbr.rel @p0 .LBB2_14-.Ltmp6, $4  }
0x20c: {  	v1 =	vmul.f32 $1.131370830e+01, v3;
	[tilespmem:s17+$0xE0] =	vst v16;
	v12 =	vld [tilespmem:s17+$0x1C0]  }
0x20d: {  	v3 =	vmul.f32 $1.131370830e+01, v13;
	[tilespmem:s17+$0xD0] =	vst v15;
	v13 =	vld [tilespmem:s17+$0x180]  }
0x20e: {  	v4 =	vmul.f32 $1.131370830e+01, v14;
	[tilespmem:s17+$0xC0] =	vst v17;
	v15 =	vld [tilespmem:s17+$0x170]  }
0x20f: {  	s17 =	sadd.s32 $0x200, s17;
	[tilespmem:s1+$0xB0] =	vst v18;
	v14 =	vld [tilespmem:s1+$0x160];
	v6 =	vmul.f32 $1.131370830e+01, v19  }
0x210: {  	[tilespmem:s1+$0xA0] =	vst v8  }
0x211: {  	[tilespmem:s1+$0x90] =	vst v9  }
0x212: {  	[tilespmem:s1+$0x80] =	vst v10  }
0x213: {  	[tilespmem:s1+$0x70] =	vst v7  }
0x214: {  	[tilespmem:s1+$0x60] =	vst v5  }
0x215: {  	[tilespmem:s1+$0x50] =	vst v2  }
0x216: {  	[tilespmem:s1+$0x40] =	vst v0  }
0x217: {  	[tilespmem:s1+$0x30] =	vst v1  }
0x218: {  	[tilespmem:s1+$0x20] =	vst v3  }
0x219: {  	v63 =	vmul.f32 $1.131370830e+01, v11;
	[tilespmem:s1+$0x10] =	vst v4  }
0x21a: {  	v59 =	vmul.f32 $1.131370830e+01, v12;
	[tilespmem:s1+$0x1B0] =	vst v6  }
0x21b: {  	v60 =	vmul.f32 $1.131370830e+01, v13;
	[tilespmem:s1+$0x190] =	vst v63  }
0x21c: {  	[tilespmem:s1+$0x1C0] =	vst v59;
	v61 =	vmul.f32 $1.131370830e+01, v15  }
0x21d: {  	[tilespmem:s1+$0x180] =	vst v60;
	v62 =	vmul.f32 $1.131370830e+01, v14  }
0x21e: {  	[tilespmem:s1+$0x170] =	vst v61  }
0x21f: {  	s29 =	sadd.s32 $0x1, s29;
	[tilespmem:s1+$0x160] =	vst v62  }
0x220: {  	[hbm4b:s10+s4] =	stream.linear.scatter [tilespmem:s18], [sflag:$0x4], $0x8000, $0x38;
	[tilespmem:$0x16400] =	vst v63  }
0x221: {  	p0 =	sne.s32 s29, s11;
	_ =	swait.ge [sflag:s22], $0x8000  }
.Ltmp7:
0x222: {  	[sflag:s22] =	ssyncset.done $0x0;
	(pc) =	sbr.rel @p0 .LBB2_1-.Ltmp7, $4  }
0x223: {  	[sflag:s22] =	ssyncadd.s32 $0xFFFF8000  }
0x224: {  	_ =	swait.ge [sflag:s25], $0x8000  }
0x225: {  	[sflag:s25] =	ssyncset.done $0x0  }
0x226: {  	[sflag:s25] =	ssyncadd.s32 $0xFFFF8000  }
0x227: {  	_ =	sfence.sel $0x180000  }
0x228: {  	[bflag:$0x0] =	sbarrier.arrive $0xFFFF  }
0x229: {  	_ =	strace $0x90000047  }
0x22a: {  	s0 =	stileid.u32;
	[bflag:$0x2] =	sbarrier.arrive $0xFFFF  }
0x22b: {  	p0 =	sne.s32 s0, $0x0;
	s0 =	rddreg [dreg:$0x3]  }
0x22c: {  	s0 =	sadd.s32 @!p0 $0x100000, s0  }
0x22d: {  	[sflag:s0] =	ssyncadd.tile.s32 @!p0 $0x1;
	_ =	shalt  }
.Lfunc_end2:
_tile_overlayer_lowered:
.L_overlay_start_2:
0x22e: {  	(tag) =	ssettag $0x2  }
0x22f: {  	s0 =	rddreg [dreg:$0x0];
	s2 =	stileid.u32  }
0x230: {  	s1 =	rddreg [dreg:$0x1];
	p0 =	sne.s32 s2, $0x0  }
0x231: {  	s3 =	rddreg [dreg:$0x2];
	[bflag:$0x3] =	sbarrier.arrive $0xFFFF;
	s2 =	simm.s32 @!p0 $0x1C05  }
0x232: {  	[timem:s3], [sflag:s2] =	dma.local @!p0 [hbm:s0], s1  }
0x233: {  	s0 =	simm.s32 @!p0 $0x5  }
0x234: {  	_ =	swait.ge @!p0 [sflag:s0], s1  }
0x235: {  	s1 =	ssub.s32 @!p0 $0x0, s1;
	[sflag:s0] =	ssyncset.done @!p0 $0x0  }
0x236: {  	[sflag:s0] =	ssyncadd.s32 @!p0 s1  }
0x237: {  	[bflag:$0x3] =	sbarrier.arrive $0xFFFF  }
0x238: {  	_ =	shalt  }

</sc_bundles>
